<compile_context>
chip_gen: v7x
topology: tpu7x:2x2x1
jax: 0.10.2.dev20260603
libtpu: 0.0.44.dev20260713+nightly
codegen_flags: <defaults>
</compile_context>

<pallas_src>
import functools

import jax
import jax.numpy as jnp
from jax import lax
from jax.experimental import pallas as pl
from jax.experimental.pallas import tpu as pltpu
from jax.experimental.pallas import tpu_sc as plsc

NC = 2
NS = 16
NW = NC * NS
GN = 16
RB = 4


def _sc_gather_sum(atoms2, edges_t, chunk, phase):
  d = atoms2.shape[-1]
  k = edges_t.shape[0]
  npw = chunk // NW
  ng = npw // GN
  assert ng % RB == 0 and npw % 128 == 0
  gl = GN * k

  mesh = plsc.VectorSubcoreMesh(
      core_axis_name="c", subcore_axis_name="s", num_cores=NC, num_subcores=NS)

  @functools.partial(
      pl.kernel,
      out_type=jax.ShapeDtypeStruct((chunk, d), jnp.float32),
      mesh=mesh,
      scratch_types=[
          pltpu.VMEM((k, npw), jnp.int32),
          pltpu.VMEM((ng * gl,), jnp.int32),
          pltpu.VMEM((RB, gl, d), jnp.float32),
          pltpu.VMEM((RB, GN, d), jnp.float32),
          pltpu.SemaphoreType.DMA((RB,)),
          pltpu.SemaphoreType.DMA((RB,)),
      ],
  )
  def sc_kernel(atoms_hbm, edges_hbm, out_hbm,
                edges_v, idx_v, rows_v, out_v, gsem, osem):
    c = lax.axis_index("c")
    s = lax.axis_index("s")
    wid = s * NC + c
    nbase = wid * npw
    gbase = phase * chunk + nbase

    with jax.named_scope("stage_edges"):
      pltpu.sync_copy(edges_hbm.at[:, pl.ds(gbase, npw)], edges_v)

    with jax.named_scope("assemble_idx"):
      def asm(g, carry):
        self16 = (jnp.full((16,), gbase + g * GN, jnp.int32)
                  + lax.iota(jnp.int32, 16))
        for kk in range(k):
          ev = edges_v[kk, pl.ds(g * GN, GN)]
          idx_v[pl.ds(g * gl + kk * GN, GN)] = jnp.where(ev < 0, self16, ev)
        return carry
      lax.fori_loop(0, ng, asm, 0, unroll=2)

    def start_gather(g, slot):
      pltpu.async_copy(atoms_hbm.at[idx_v.at[pl.ds(g * gl, gl)]],
                       rows_v.at[slot], gsem.at[slot])

    def start_store(g, slot):
      pltpu.async_copy(out_v.at[slot],
                       out_hbm.at[pl.ds(nbase + g * GN, GN)], osem.at[slot])

    def wait_gather(slot):
      pltpu.make_async_copy(atoms_hbm.at[idx_v.at[pl.ds(0, gl)]],
                            rows_v.at[slot], gsem.at[slot]).wait()

    def wait_store(slot):
      pltpu.make_async_copy(out_v.at[slot], out_hbm.at[pl.ds(nbase, GN)],
                            osem.at[slot]).wait()

    with jax.named_scope("prime_ring"):
      for r in range(RB):
        start_gather(r, r)

    def compute_group(g, slot):
      def node_body(i, carry):
        row = lambda kk, cc: rows_v[slot, kk * GN + i, pl.ds(cc * 16, 16)]
        for cc in range(d // 16):
          acc = row(0, cc) + row(1, cc)
          acc2 = row(2, cc) + row(3, cc)
          acc3 = row(4, cc) + row(5, cc)
          out_v[slot, i, pl.ds(cc * 16, 16)] = acc + (acc2 + acc3)
        return carry
      lax.fori_loop(0, GN, node_body, 0, unroll=2)

    def outer(o, carry):
      gg = o * RB
      for r in range(RB):
        g = gg + r
        wait_gather(r)

        @pl.when(o > 0)
        def _():
          wait_store(r)

        compute_group(g, r)
        start_store(g, r)

        @pl.when(g + RB < ng)
        def _():
          start_gather(g + RB, r)

      return carry

    with jax.named_scope("mainloop"):
      lax.fori_loop(0, ng // RB, outer, 0)
    with jax.named_scope("drain"):
      for r in range(RB):
        wait_store(r)

  return sc_kernel(atoms2, edges_t)


def _tc_degree_linear(outbuf, sc_sum, atoms2, deg_b, wfull, n_out, tile,
                      chunk, phase):
  d = sc_sum.shape[-1]

  def body(x_ref, a_ref, dg_ref, w_ref, o_ref):
    dg = dg_ref[...]
    coeff = dg.astype(jnp.float32) - 5.0
    x = (x_ref[...] + coeff * a_ref[...]).astype(jnp.bfloat16)
    dgb = jnp.broadcast_to(dg, (tile, d))
    parts = [jnp.where(dgb == float(k), x, jnp.bfloat16(0.0))
             for k in range(6)]
    lane = lax.broadcasted_iota(jnp.int32, (tile, d), 1).astype(jnp.bfloat16)
    parts.append((dgb == lane).astype(jnp.bfloat16))
    xcat = jnp.concatenate(parts, axis=1)
    acc = lax.dot_general(xcat, w_ref[...], (((1,), (0,)), ((), ())),
                          preferred_element_type=jnp.float32)
    o_ref[...] = jnp.maximum(acc, 0.0)

  poff = phase * (chunk // tile)
  nrows = min(chunk, n_out - phase * chunk)
  grid = (nrows + tile - 1) // tile
  in_specs = [
      pl.BlockSpec((tile, d), lambda i: (i, 0)),
      pl.BlockSpec((tile, d), lambda i: (poff + i, 0)),
      pl.BlockSpec((tile, 1), lambda i: (poff + i, 0)),
      pl.BlockSpec((7 * d, d), lambda i: (0, 0)),
  ]
  args = [sc_sum, atoms2, deg_b, wfull]
  aliases = {}
  fn = body
  if outbuf is not None:
    in_specs.insert(0, pl.BlockSpec(memory_space=pltpu.ANY))
    args.insert(0, outbuf)
    aliases = {0: 0}
    fn = lambda _, *refs: body(*refs)
  return pl.pallas_call(
      fn,
      grid=(grid,),
      in_specs=in_specs,
      out_specs=pl.BlockSpec((tile, d), lambda i: (poff + i, 0)),
      out_shape=jax.ShapeDtypeStruct((n_out, d), jnp.float32),
      input_output_aliases=aliases,
  )(*args)


def kernel(atoms, edges, W, b):
  bsz, n, d = atoms.shape
  k = edges.shape[-1]

  align = NW * GN * 8
  n_pad = ((n + align - 1) // align) * align
  tile = 1024
  assert bsz == 1

  atoms2 = atoms[0]
  e = edges[0]
  pad_cols = jnp.broadcast_to(
      (jnp.arange(n, n_pad, dtype=jnp.int32) % n)[None, :], (k, n_pad - n))
  edges_t = jnp.concatenate([e.T, pad_cols], axis=1)

  deg = (e != -1).sum(-1).astype(jnp.bfloat16)
  deg_b = jnp.pad(deg, (0, n_pad - n))[:, None]
  wfull = jnp.concatenate(
      [W.reshape(k * d, d), jnp.pad(b, ((0, d - b.shape[0]), (0, 0)))],
      axis=0).astype(jnp.bfloat16)

  phases = 1
  chunk = n_pad // phases
  assert chunk % tile == 0
  out = None
  for p in range(phases):
    sc_p = _sc_gather_sum(atoms2, edges_t, chunk, p)
    out = _tc_degree_linear(out, sc_p, atoms2, deg_b, wfull, n, tile,
                            chunk, p)
  return out[None]

# --- scband reference (transcript-rebuilt; emitter-appended) ---
"""Pipeline reference for scband-graph-conv-p-2018634629393 (READ-ONLY COPY).

The authoritative reference and input builder live on the scoring server;
editing this copy changes nothing except your own understanding.
"""

import jax, jax.numpy as jnp
import numpy as np

B = 1
N = 100000
D = 128
CONV_WIDTH = 128
MAX_DEGREE = 6


def setup_inputs(seed: int = 0) -> dict:
    key = jax.random.key(seed)
    k1, k2, k3, k4 = jax.random.split(key, 4)
    atoms = jax.random.normal(k1, (B, N, D), dtype=jnp.float32)
    # raw neighbor indices in [0, N)
    edges = jax.random.randint(k2, (B, N, MAX_DEGREE), 0, N, dtype=jnp.int32)
    # per-node degree in [0, MAX_DEGREE); pad remaining slots with -1 so the
    # (atom_degrees == degree) masks in forward actually fire for degree 0..5
    deg = jax.random.randint(k3, (B, N, 1), 0, MAX_DEGREE, dtype=jnp.int32)
    pos = jnp.arange(MAX_DEGREE, dtype=jnp.int32)[None, None, :]
    edges = jnp.where(pos < deg, edges, -1)
    # parameters: MAX_DEGREE independent Linear(input_dim -> conv_width) layers
    W = (jax.random.normal(k4, (MAX_DEGREE, D, CONV_WIDTH), dtype=jnp.float32) * 0.05)
    bvec = jnp.zeros((MAX_DEGREE, CONV_WIDTH), dtype=jnp.float32)
    return {"atoms": atoms, "edges": edges, "W": W, "b": bvec}


def lookup_neighbors(atoms, edges, maskvalue=0.0, include_self=False):
    # atoms: [B, N, D]; edges: [B, N, K] with -1 padding
    b, n, k = edges.shape
    d = atoms.shape[-1]
    masked_edges = jnp.where(edges == -1, 0, edges)
    flat_idx = masked_edges.reshape(b, n * k, 1)
    gathered = jnp.take_along_axis(atoms, flat_idx, axis=1).reshape(b, n, k, d)
    gathered = jnp.where((edges == -1)[..., None], maskvalue, gathered)
    if include_self:
        gathered = jnp.concatenate([gathered, atoms[:, :, None, :]], axis=2)
    return gathered


def reference(atoms, edges, W, b):
    atom_degrees = (edges != -1).sum(-1, keepdims=True)  # [B, N, 1]
    neighbor_atom_features = lookup_neighbors(atoms, edges, include_self=True)
    summed_features = neighbor_atom_features.sum(-2)  # [B, N, D]
    new_features = None
    for degree in range(MAX_DEGREE):
        atom_masks_this_degree = (atom_degrees == degree).astype(jnp.float32)
        new_unmasked_features = jax.nn.relu(summed_features @ W[degree] + b[degree])
        new_masked_features = new_unmasked_features * atom_masks_this_degree
        new_features = new_masked_features if degree == 0 else new_features + new_masked_features
    return new_features


if False:  # reference __main__ guard neutralized (emitter)
    out = reference(**setup_inputs())
    print(out.shape, out.dtype)

if __name__ == "__main__":
    import jax
    _d = setup_inputs()
    print(jax.jit(kernel)(*tuple(_d.values())))

</pallas_src>

<mosaic_0001>
#map = affine_map<(d0, d1) -> (0, 0)>
module attributes {stable_mosaic.version = 14 : i64} {
  func.func @sc_kernel(%arg0: i32, %arg1: i32, %arg2: memref<100000x128xf32, #tpu.memory_space<hbm>>, %arg3: memref<6x102400xi32, #tpu.memory_space<hbm>>, %arg4: memref<102400x128xf32, #tpu.memory_space<hbm>>, %arg5: memref<6x3200xi32, #tpu.memory_space<vmem>>, %arg6: memref<19200xi32, #tpu.memory_space<vmem>>, %arg7: memref<4x96x128xf32, #tpu.memory_space<vmem>>, %arg8: memref<4x16x128xf32, #tpu.memory_space<vmem>>, %arg9: memref<4x!tpu.dma_semaphore, #tpu.memory_space<semaphore_mem>>, %arg10: memref<4x!tpu.dma_semaphore, #tpu.memory_space<semaphore_mem>>) attributes {dimension_semantics = [#tpu.dimension_semantics<core_parallel>, #tpu.dimension_semantics<subcore_parallel>], iteration_bounds = array<i64: 2, 16>, scalar_prefetch = 0 : i64, scratch_operands = 6 : i64, tpu.core_type = #tpu.core_type<sc_vector_subcore>, window_params = [{transform_indices = #map}, {transform_indices = #map}, {transform_indices = #map}]} {
    %mul3A = arith.constant 2 : i32
    %mul3A_0 = arith.muli %arg1, %mul3A : i32
    %add3A = arith.addi %mul3A_0, %arg0 : i32
    %mul3A_1 = arith.constant 3200 : i32
    %mul3A_2 = arith.muli %add3A, %mul3A_1 : i32
    %add3A_3 = arith.constant 0 : i32
    %add3A_4 = arith.addi %add3A_3, %mul3A_2 : i32
    "tpu.trace_start"() <{level = 10 : i32, message = "stage_edges"}> : () -> ()
    "tpu.region"() ({
      %run_scoped3A = tpu.sem_alloc : memref<!tpu.dma_semaphore, #tpu.memory_space<semaphore_mem>>
      %dma_start3A_130 = arith.constant 0 : i32
      %dma_start3A_131 = tpu.memref_slice %arg3[%dma_start3A_130, %add3A_4] : memref<6x102400xi32, #tpu.memory_space<hbm>> -> memref<6x3200xi32, #tpu.memory_space<hbm>>
      %dma_start3A_132 = arith.constant 0 : i32
      %dma_start3A_133 = tpu.memref_slice %arg3[%dma_start3A_132, %add3A_4] : memref<6x102400xi32, #tpu.memory_space<hbm>> -> memref<6x3200xi32, #tpu.memory_space<hbm>>
      tpu.enqueue_dma source(%dma_start3A_133 : memref<6x3200xi32, #tpu.memory_space<hbm>>) target(%arg5 : memref<6x3200xi32, #tpu.memory_space<vmem>>) target_semaphore(%run_scoped3A : memref<!tpu.dma_semaphore, #tpu.memory_space<semaphore_mem>>)
      %dma_wait3A_134 = arith.constant 0 : i32
      %dma_wait3A_135 = tpu.memref_slice %arg3[%dma_wait3A_134, %add3A_4] : memref<6x102400xi32, #tpu.memory_space<hbm>> -> memref<6x3200xi32, #tpu.memory_space<hbm>>
      %dma_wait3A_136 = arith.constant 0 : i32
      %dma_wait3A_137 = tpu.memref_slice %arg3[%dma_wait3A_136, %add3A_4] : memref<6x102400xi32, #tpu.memory_space<hbm>> -> memref<6x3200xi32, #tpu.memory_space<hbm>>
      tpu.wait_dma2 semaphore(%run_scoped3A : memref<!tpu.dma_semaphore, #tpu.memory_space<semaphore_mem>>) src(%dma_wait3A_137 : memref<6x3200xi32, #tpu.memory_space<hbm>>) dst(%arg5 : memref<6x3200xi32, #tpu.memory_space<vmem>>)
      tpu.yield
    }) : () -> ()
    "tpu.trace_stop"() : () -> ()
    "tpu.trace_start"() <{level = 10 : i32, message = "assemble_idx"}> : () -> ()
    %scan3A = arith.constant 0 : i32
    %scan3A_5 = arith.constant 0 : i32
    %scan3A_6 = arith.constant 200 : i32
    %scan3A_7 = arith.addi %scan3A_5, %scan3A_6 : i32
    %scan3A_8 = arith.constant 2 : i32
    scf.for %scan3A_130 = %scan3A_5 to %scan3A_7 step %scan3A_8  : i32 {
      %mul3A_131 = arith.constant 16 : i32
      %mul3A_132 = arith.muli %scan3A_130, %mul3A_131 : i32
      %add3A_133 = arith.addi %add3A_4, %mul3A_132 : i32
      %broadcast_in_dim3A = vector.broadcast %add3A_133 : i32 to vector<16xi32>
      %iota3A = tpu.iota {dimensions = array<i32: 0>} : vector<16xi32>
      %add3A_134 = arith.addi %broadcast_in_dim3A, %iota3A : vector<16xi32>
      %mul3A_135 = arith.constant 16 : i32
      %mul3A_136 = arith.muli %scan3A_130, %mul3A_135 : i32
      %get3A = arith.constant 0 : i32
      %get3A_137 = arith.index_cast %get3A : i32 to index
      %get3A_138 = arith.index_cast %mul3A_136 : i32 to index
      %get3A_139 = tpu.vector_load %arg5[%get3A_137, %get3A_138] {strides = array<i32>} : memref<6x3200xi32, #tpu.memory_space<vmem>>, vector<1x16xi32>,
      %get3A_140 = vector.shape_cast %get3A_139 : vector<1x16xi32> to vector<16xi32>
      %lt3A = arith.constant 0 : i32
      %lt3A_141 = vector.broadcast %lt3A : i32 to vector<16xi32>
      %lt3A_142 = arith.cmpi slt, %get3A_140, %lt3A_141 : vector<16xi32>
      %select_n3A = arith.select %lt3A_142, %add3A_134, %get3A_140 : vector<16xi1>, vector<16xi32>
      %mul3A_143 = arith.constant 96 : i32
      %mul3A_144 = arith.muli %scan3A_130, %mul3A_143 : i32
      %add3A_145 = arith.constant 0 : i32
      %add3A_146 = arith.addi %mul3A_144, %add3A_145 : i32
      %swap3A = arith.index_cast %add3A_146 : i32 to index
      %swap3A_147 = tpu.vector_load %arg6[%swap3A] {strides = array<i32>} : memref<19200xi32, #tpu.memory_space<vmem>>, vector<16xi32>,
      %swap3A_148 = vector.shape_cast %swap3A_147 : vector<16xi32> to vector<16xi32>
      %swap3A_149 = vector.shape_cast %select_n3A : vector<16xi32> to vector<16xi32>
      tpu.vector_store %arg6[%swap3A], %swap3A_149 {strides = array<i32>} : memref<19200xi32, #tpu.memory_space<vmem>>, vector<16xi32>,
      %mul3A_150 = arith.constant 16 : i32
      %mul3A_151 = arith.muli %scan3A_130, %mul3A_150 : i32
      %get3A_152 = arith.constant 1 : i32
      %get3A_153 = arith.index_cast %get3A_152 : i32 to index
      %get3A_154 = arith.index_cast %mul3A_151 : i32 to index
      %get3A_155 = tpu.vector_load %arg5[%get3A_153, %get3A_154] {strides = array<i32>} : memref<6x3200xi32, #tpu.memory_space<vmem>>, vector<1x16xi32>,
      %get3A_156 = vector.shape_cast %get3A_155 : vector<1x16xi32> to vector<16xi32>
      %lt3A_157 = arith.constant 0 : i32
      %lt3A_158 = vector.broadcast %lt3A_157 : i32 to vector<16xi32>
      %lt3A_159 = arith.cmpi slt, %get3A_156, %lt3A_158 : vector<16xi32>
      %select_n3A_160 = arith.select %lt3A_159, %add3A_134, %get3A_156 : vector<16xi1>, vector<16xi32>
      %mul3A_161 = arith.constant 96 : i32
      %mul3A_162 = arith.muli %scan3A_130, %mul3A_161 : i32
      %add3A_163 = arith.constant 16 : i32
      %add3A_164 = arith.addi %mul3A_162, %add3A_163 : i32
      %swap3A_165 = arith.index_cast %add3A_164 : i32 to index
      %swap3A_166 = tpu.vector_load %arg6[%swap3A_165] {strides = array<i32>} : memref<19200xi32, #tpu.memory_space<vmem>>, vector<16xi32>,
      %swap3A_167 = vector.shape_cast %swap3A_166 : vector<16xi32> to vector<16xi32>
      %swap3A_168 = vector.shape_cast %select_n3A_160 : vector<16xi32> to vector<16xi32>
      tpu.vector_store %arg6[%swap3A_165], %swap3A_168 {strides = array<i32>} : memref<19200xi32, #tpu.memory_space<vmem>>, vector<16xi32>,
      %mul3A_169 = arith.constant 16 : i32
      %mul3A_170 = arith.muli %scan3A_130, %mul3A_169 : i32
      %get3A_171 = arith.constant 2 : i32
      %get3A_172 = arith.index_cast %get3A_171 : i32 to index
      %get3A_173 = arith.index_cast %mul3A_170 : i32 to index
      %get3A_174 = tpu.vector_load %arg5[%get3A_172, %get3A_173] {strides = array<i32>} : memref<6x3200xi32, #tpu.memory_space<vmem>>, vector<1x16xi32>,
      %get3A_175 = vector.shape_cast %get3A_174 : vector<1x16xi32> to vector<16xi32>
      %lt3A_176 = arith.constant 0 : i32
      %lt3A_177 = vector.broadcast %lt3A_176 : i32 to vector<16xi32>
      %lt3A_178 = arith.cmpi slt, %get3A_175, %lt3A_177 : vector<16xi32>
      %select_n3A_179 = arith.select %lt3A_178, %add3A_134, %get3A_175 : vector<16xi1>, vector<16xi32>
      %mul3A_180 = arith.constant 96 : i32
      %mul3A_181 = arith.muli %scan3A_130, %mul3A_180 : i32
      %add3A_182 = arith.constant 32 : i32
      %add3A_183 = arith.addi %mul3A_181, %add3A_182 : i32
      %swap3A_184 = arith.index_cast %add3A_183 : i32 to index
      %swap3A_185 = tpu.vector_load %arg6[%swap3A_184] {strides = array<i32>} : memref<19200xi32, #tpu.memory_space<vmem>>, vector<16xi32>,
      %swap3A_186 = vector.shape_cast %swap3A_185 : vector<16xi32> to vector<16xi32>
      %swap3A_187 = vector.shape_cast %select_n3A_179 : vector<16xi32> to vector<16xi32>
      tpu.vector_store %arg6[%swap3A_184], %swap3A_187 {strides = array<i32>} : memref<19200xi32, #tpu.memory_space<vmem>>, vector<16xi32>,
      %mul3A_188 = arith.constant 16 : i32
      %mul3A_189 = arith.muli %scan3A_130, %mul3A_188 : i32
      %get3A_190 = arith.constant 3 : i32
      %get3A_191 = arith.index_cast %get3A_190 : i32 to index
      %get3A_192 = arith.index_cast %mul3A_189 : i32 to index
      %get3A_193 = tpu.vector_load %arg5[%get3A_191, %get3A_192] {strides = array<i32>} : memref<6x3200xi32, #tpu.memory_space<vmem>>, vector<1x16xi32>,
      %get3A_194 = vector.shape_cast %get3A_193 : vector<1x16xi32> to vector<16xi32>
      %lt3A_195 = arith.constant 0 : i32
      %lt3A_196 = vector.broadcast %lt3A_195 : i32 to vector<16xi32>
      %lt3A_197 = arith.cmpi slt, %get3A_194, %lt3A_196 : vector<16xi32>
      %select_n3A_198 = arith.select %lt3A_197, %add3A_134, %get3A_194 : vector<16xi1>, vector<16xi32>
      %mul3A_199 = arith.constant 96 : i32
      %mul3A_200 = arith.muli %scan3A_130, %mul3A_199 : i32
      %add3A_201 = arith.constant 48 : i32
      %add3A_202 = arith.addi %mul3A_200, %add3A_201 : i32
      %swap3A_203 = arith.index_cast %add3A_202 : i32 to index
      %swap3A_204 = tpu.vector_load %arg6[%swap3A_203] {strides = array<i32>} : memref<19200xi32, #tpu.memory_space<vmem>>, vector<16xi32>,
      %swap3A_205 = vector.shape_cast %swap3A_204 : vector<16xi32> to vector<16xi32>
      %swap3A_206 = vector.shape_cast %select_n3A_198 : vector<16xi32> to vector<16xi32>
      tpu.vector_store %arg6[%swap3A_203], %swap3A_206 {strides = array<i32>} : memref<19200xi32, #tpu.memory_space<vmem>>, vector<16xi32>,
      %mul3A_207 = arith.constant 16 : i32
      %mul3A_208 = arith.muli %scan3A_130, %mul3A_207 : i32
      %get3A_209 = arith.constant 4 : i32
      %get3A_210 = arith.index_cast %get3A_209 : i32 to index
      %get3A_211 = arith.index_cast %mul3A_208 : i32 to index
      %get3A_212 = tpu.vector_load %arg5[%get3A_210, %get3A_211] {strides = array<i32>} : memref<6x3200xi32, #tpu.memory_space<vmem>>, vector<1x16xi32>,
      %get3A_213 = vector.shape_cast %get3A_212 : vector<1x16xi32> to vector<16xi32>
      %lt3A_214 = arith.constant 0 : i32
      %lt3A_215 = vector.broadcast %lt3A_214 : i32 to vector<16xi32>
      %lt3A_216 = arith.cmpi slt, %get3A_213, %lt3A_215 : vector<16xi32>
      %select_n3A_217 = arith.select %lt3A_216, %add3A_134, %get3A_213 : vector<16xi1>, vector<16xi32>
      %mul3A_218 = arith.constant 96 : i32
      %mul3A_219 = arith.muli %scan3A_130, %mul3A_218 : i32
      %add3A_220 = arith.constant 64 : i32
      %add3A_221 = arith.addi %mul3A_219, %add3A_220 : i32
      %swap3A_222 = arith.index_cast %add3A_221 : i32 to index
      %swap3A_223 = tpu.vector_load %arg6[%swap3A_222] {strides = array<i32>} : memref<19200xi32, #tpu.memory_space<vmem>>, vector<16xi32>,
      %swap3A_224 = vector.shape_cast %swap3A_223 : vector<16xi32> to vector<16xi32>
      %swap3A_225 = vector.shape_cast %select_n3A_217 : vector<16xi32> to vector<16xi32>
      tpu.vector_store %arg6[%swap3A_222], %swap3A_225 {strides = array<i32>} : memref<19200xi32, #tpu.memory_space<vmem>>, vector<16xi32>,
      %mul3A_226 = arith.constant 16 : i32
      %mul3A_227 = arith.muli %scan3A_130, %mul3A_226 : i32
      %get3A_228 = arith.constant 5 : i32
      %get3A_229 = arith.index_cast %get3A_228 : i32 to index
      %get3A_230 = arith.index_cast %mul3A_227 : i32 to index
      %get3A_231 = tpu.vector_load %arg5[%get3A_229, %get3A_230] {strides = array<i32>} : memref<6x3200xi32, #tpu.memory_space<vmem>>, vector<1x16xi32>,
      %get3A_232 = vector.shape_cast %get3A_231 : vector<1x16xi32> to vector<16xi32>
      %lt3A_233 = arith.constant 0 : i32
      %lt3A_234 = vector.broadcast %lt3A_233 : i32 to vector<16xi32>
      %lt3A_235 = arith.cmpi slt, %get3A_232, %lt3A_234 : vector<16xi32>
      %select_n3A_236 = arith.select %lt3A_235, %add3A_134, %get3A_232 : vector<16xi1>, vector<16xi32>
      %mul3A_237 = arith.constant 96 : i32
      %mul3A_238 = arith.muli %scan3A_130, %mul3A_237 : i32
      %add3A_239 = arith.constant 80 : i32
      %add3A_240 = arith.addi %mul3A_238, %add3A_239 : i32
      %swap3A_241 = arith.index_cast %add3A_240 : i32 to index
      %swap3A_242 = tpu.vector_load %arg6[%swap3A_241] {strides = array<i32>} : memref<19200xi32, #tpu.memory_space<vmem>>, vector<16xi32>,
      %swap3A_243 = vector.shape_cast %swap3A_242 : vector<16xi32> to vector<16xi32>
      %swap3A_244 = vector.shape_cast %select_n3A_236 : vector<16xi32> to vector<16xi32>
      tpu.vector_store %arg6[%swap3A_241], %swap3A_244 {strides = array<i32>} : memref<19200xi32, #tpu.memory_space<vmem>>, vector<16xi32>,
      %scan3A_245 = arith.constant 1 : i32
      %scan3A_246 = arith.addi %scan3A_130, %scan3A_245 : i32
      %mul3A_247 = arith.constant 16 : i32
      %mul3A_248 = arith.muli %scan3A_246, %mul3A_247 : i32
      %add3A_249 = arith.addi %add3A_4, %mul3A_248 : i32
      %broadcast_in_dim3A_250 = vector.broadcast %add3A_249 : i32 to vector<16xi32>
      %iota3A_251 = tpu.iota {dimensions = array<i32: 0>} : vector<16xi32>
      %add3A_252 = arith.addi %broadcast_in_dim3A_250, %iota3A_251 : vector<16xi32>
      %mul3A_253 = arith.constant 16 : i32
      %mul3A_254 = arith.muli %scan3A_246, %mul3A_253 : i32
      %get3A_255 = arith.constant 0 : i32
      %get3A_256 = arith.index_cast %get3A_255 : i32 to index
      %get3A_257 = arith.index_cast %mul3A_254 : i32 to index
      %get3A_258 = tpu.vector_load %arg5[%get3A_256, %get3A_257] {strides = array<i32>} : memref<6x3200xi32, #tpu.memory_space<vmem>>, vector<1x16xi32>,
      %get3A_259 = vector.shape_cast %get3A_258 : vector<1x16xi32> to vector<16xi32>
      %lt3A_260 = arith.constant 0 : i32
      %lt3A_261 = vector.broadcast %lt3A_260 : i32 to vector<16xi32>
      %lt3A_262 = arith.cmpi slt, %get3A_259, %lt3A_261 : vector<16xi32>
      %select_n3A_263 = arith.select %lt3A_262, %add3A_252, %get3A_259 : vector<16xi1>, vector<16xi32>
      %mul3A_264 = arith.constant 96 : i32
      %mul3A_265 = arith.muli %scan3A_246, %mul3A_264 : i32
      %add3A_266 = arith.constant 0 : i32
      %add3A_267 = arith.addi %mul3A_265, %add3A_266 : i32
      %swap3A_268 = arith.index_cast %add3A_267 : i32 to index
      %swap3A_269 = tpu.vector_load %arg6[%swap3A_268] {strides = array<i32>} : memref<19200xi32, #tpu.memory_space<vmem>>, vector<16xi32>,
      %swap3A_270 = vector.shape_cast %swap3A_269 : vector<16xi32> to vector<16xi32>
      %swap3A_271 = vector.shape_cast %select_n3A_263 : vector<16xi32> to vector<16xi32>
      tpu.vector_store %arg6[%swap3A_268], %swap3A_271 {strides = array<i32>} : memref<19200xi32, #tpu.memory_space<vmem>>, vector<16xi32>,
      %mul3A_272 = arith.constant 16 : i32
      %mul3A_273 = arith.muli %scan3A_246, %mul3A_272 : i32
      %get3A_274 = arith.constant 1 : i32
      %get3A_275 = arith.index_cast %get3A_274 : i32 to index
      %get3A_276 = arith.index_cast %mul3A_273 : i32 to index
      %get3A_277 = tpu.vector_load %arg5[%get3A_275, %get3A_276] {strides = array<i32>} : memref<6x3200xi32, #tpu.memory_space<vmem>>, vector<1x16xi32>,
      %get3A_278 = vector.shape_cast %get3A_277 : vector<1x16xi32> to vector<16xi32>
      %lt3A_279 = arith.constant 0 : i32
      %lt3A_280 = vector.broadcast %lt3A_279 : i32 to vector<16xi32>
      %lt3A_281 = arith.cmpi slt, %get3A_278, %lt3A_280 : vector<16xi32>
      %select_n3A_282 = arith.select %lt3A_281, %add3A_252, %get3A_278 : vector<16xi1>, vector<16xi32>
      %mul3A_283 = arith.constant 96 : i32
      %mul3A_284 = arith.muli %scan3A_246, %mul3A_283 : i32
      %add3A_285 = arith.constant 16 : i32
      %add3A_286 = arith.addi %mul3A_284, %add3A_285 : i32
      %swap3A_287 = arith.index_cast %add3A_286 : i32 to index
      %swap3A_288 = tpu.vector_load %arg6[%swap3A_287] {strides = array<i32>} : memref<19200xi32, #tpu.memory_space<vmem>>, vector<16xi32>,
      %swap3A_289 = vector.shape_cast %swap3A_288 : vector<16xi32> to vector<16xi32>
      %swap3A_290 = vector.shape_cast %select_n3A_282 : vector<16xi32> to vector<16xi32>
      tpu.vector_store %arg6[%swap3A_287], %swap3A_290 {strides = array<i32>} : memref<19200xi32, #tpu.memory_space<vmem>>, vector<16xi32>,
      %mul3A_291 = arith.constant 16 : i32
      %mul3A_292 = arith.muli %scan3A_246, %mul3A_291 : i32
      %get3A_293 = arith.constant 2 : i32
      %get3A_294 = arith.index_cast %get3A_293 : i32 to index
      %get3A_295 = arith.index_cast %mul3A_292 : i32 to index
      %get3A_296 = tpu.vector_load %arg5[%get3A_294, %get3A_295] {strides = array<i32>} : memref<6x3200xi32, #tpu.memory_space<vmem>>, vector<1x16xi32>,
      %get3A_297 = vector.shape_cast %get3A_296 : vector<1x16xi32> to vector<16xi32>
      %lt3A_298 = arith.constant 0 : i32
      %lt3A_299 = vector.broadcast %lt3A_298 : i32 to vector<16xi32>
      %lt3A_300 = arith.cmpi slt, %get3A_297, %lt3A_299 : vector<16xi32>
      %select_n3A_301 = arith.select %lt3A_300, %add3A_252, %get3A_297 : vector<16xi1>, vector<16xi32>
      %mul3A_302 = arith.constant 96 : i32
      %mul3A_303 = arith.muli %scan3A_246, %mul3A_302 : i32
      %add3A_304 = arith.constant 32 : i32
      %add3A_305 = arith.addi %mul3A_303, %add3A_304 : i32
      %swap3A_306 = arith.index_cast %add3A_305 : i32 to index
      %swap3A_307 = tpu.vector_load %arg6[%swap3A_306] {strides = array<i32>} : memref<19200xi32, #tpu.memory_space<vmem>>, vector<16xi32>,
      %swap3A_308 = vector.shape_cast %swap3A_307 : vector<16xi32> to vector<16xi32>
      %swap3A_309 = vector.shape_cast %select_n3A_301 : vector<16xi32> to vector<16xi32>
      tpu.vector_store %arg6[%swap3A_306], %swap3A_309 {strides = array<i32>} : memref<19200xi32, #tpu.memory_space<vmem>>, vector<16xi32>,
      %mul3A_310 = arith.constant 16 : i32
      %mul3A_311 = arith.muli %scan3A_246, %mul3A_310 : i32
      %get3A_312 = arith.constant 3 : i32
      %get3A_313 = arith.index_cast %get3A_312 : i32 to index
      %get3A_314 = arith.index_cast %mul3A_311 : i32 to index
      %get3A_315 = tpu.vector_load %arg5[%get3A_313, %get3A_314] {strides = array<i32>} : memref<6x3200xi32, #tpu.memory_space<vmem>>, vector<1x16xi32>,
      %get3A_316 = vector.shape_cast %get3A_315 : vector<1x16xi32> to vector<16xi32>
      %lt3A_317 = arith.constant 0 : i32
      %lt3A_318 = vector.broadcast %lt3A_317 : i32 to vector<16xi32>
      %lt3A_319 = arith.cmpi slt, %get3A_316, %lt3A_318 : vector<16xi32>
      %select_n3A_320 = arith.select %lt3A_319, %add3A_252, %get3A_316 : vector<16xi1>, vector<16xi32>
      %mul3A_321 = arith.constant 96 : i32
      %mul3A_322 = arith.muli %scan3A_246, %mul3A_321 : i32
      %add3A_323 = arith.constant 48 : i32
      %add3A_324 = arith.addi %mul3A_322, %add3A_323 : i32
      %swap3A_325 = arith.index_cast %add3A_324 : i32 to index
      %swap3A_326 = tpu.vector_load %arg6[%swap3A_325] {strides = array<i32>} : memref<19200xi32, #tpu.memory_space<vmem>>, vector<16xi32>,
      %swap3A_327 = vector.shape_cast %swap3A_326 : vector<16xi32> to vector<16xi32>
      %swap3A_328 = vector.shape_cast %select_n3A_320 : vector<16xi32> to vector<16xi32>
      tpu.vector_store %arg6[%swap3A_325], %swap3A_328 {strides = array<i32>} : memref<19200xi32, #tpu.memory_space<vmem>>, vector<16xi32>,
      %mul3A_329 = arith.constant 16 : i32
      %mul3A_330 = arith.muli %scan3A_246, %mul3A_329 : i32
      %get3A_331 = arith.constant 4 : i32
      %get3A_332 = arith.index_cast %get3A_331 : i32 to index
      %get3A_333 = arith.index_cast %mul3A_330 : i32 to index
      %get3A_334 = tpu.vector_load %arg5[%get3A_332, %get3A_333] {strides = array<i32>} : memref<6x3200xi32, #tpu.memory_space<vmem>>, vector<1x16xi32>,
      %get3A_335 = vector.shape_cast %get3A_334 : vector<1x16xi32> to vector<16xi32>
      %lt3A_336 = arith.constant 0 : i32
      %lt3A_337 = vector.broadcast %lt3A_336 : i32 to vector<16xi32>
      %lt3A_338 = arith.cmpi slt, %get3A_335, %lt3A_337 : vector<16xi32>
      %select_n3A_339 = arith.select %lt3A_338, %add3A_252, %get3A_335 : vector<16xi1>, vector<16xi32>
      %mul3A_340 = arith.constant 96 : i32
      %mul3A_341 = arith.muli %scan3A_246, %mul3A_340 : i32
      %add3A_342 = arith.constant 64 : i32
      %add3A_343 = arith.addi %mul3A_341, %add3A_342 : i32
      %swap3A_344 = arith.index_cast %add3A_343 : i32 to index
      %swap3A_345 = tpu.vector_load %arg6[%swap3A_344] {strides = array<i32>} : memref<19200xi32, #tpu.memory_space<vmem>>, vector<16xi32>,
      %swap3A_346 = vector.shape_cast %swap3A_345 : vector<16xi32> to vector<16xi32>
      %swap3A_347 = vector.shape_cast %select_n3A_339 : vector<16xi32> to vector<16xi32>
      tpu.vector_store %arg6[%swap3A_344], %swap3A_347 {strides = array<i32>} : memref<19200xi32, #tpu.memory_space<vmem>>, vector<16xi32>,
      %mul3A_348 = arith.constant 16 : i32
      %mul3A_349 = arith.muli %scan3A_246, %mul3A_348 : i32
      %get3A_350 = arith.constant 5 : i32
      %get3A_351 = arith.index_cast %get3A_350 : i32 to index
      %get3A_352 = arith.index_cast %mul3A_349 : i32 to index
      %get3A_353 = tpu.vector_load %arg5[%get3A_351, %get3A_352] {strides = array<i32>} : memref<6x3200xi32, #tpu.memory_space<vmem>>, vector<1x16xi32>,
      %get3A_354 = vector.shape_cast %get3A_353 : vector<1x16xi32> to vector<16xi32>
      %lt3A_355 = arith.constant 0 : i32
      %lt3A_356 = vector.broadcast %lt3A_355 : i32 to vector<16xi32>
      %lt3A_357 = arith.cmpi slt, %get3A_354, %lt3A_356 : vector<16xi32>
      %select_n3A_358 = arith.select %lt3A_357, %add3A_252, %get3A_354 : vector<16xi1>, vector<16xi32>
      %mul3A_359 = arith.constant 96 : i32
      %mul3A_360 = arith.muli %scan3A_246, %mul3A_359 : i32
      %add3A_361 = arith.constant 80 : i32
      %add3A_362 = arith.addi %mul3A_360, %add3A_361 : i32
      %swap3A_363 = arith.index_cast %add3A_362 : i32 to index
      %swap3A_364 = tpu.vector_load %arg6[%swap3A_363] {strides = array<i32>} : memref<19200xi32, #tpu.memory_space<vmem>>, vector<16xi32>,
      %swap3A_365 = vector.shape_cast %swap3A_364 : vector<16xi32> to vector<16xi32>
      %swap3A_366 = vector.shape_cast %select_n3A_358 : vector<16xi32> to vector<16xi32>
      tpu.vector_store %arg6[%swap3A_363], %swap3A_366 {strides = array<i32>} : memref<19200xi32, #tpu.memory_space<vmem>>, vector<16xi32>,
    }
    %scan3A_9 = arith.constant 200 : i32
    %dma_start3A = arith.constant 0 : i32
    %dma_start3A_10 = arith.constant 0 : i32
    "tpu.trace_stop"() : () -> ()
    "tpu.trace_start"() <{level = 10 : i32, message = "prime_ring"}> : () -> ()
    %dma_start3A_11 = arith.constant 0 : i32
    %dma_start3A_12 = arith.constant 0 : i32
    %dma_start3A_13 = tpu.memref_slice %arg7[%dma_start3A, %dma_start3A_11, %dma_start3A_12] : memref<4x96x128xf32, #tpu.memory_space<vmem>> -> memref<1x96x128xf32, #tpu.memory_space<vmem>>
    %dma_start3A_14 = tpu.memref_squeeze %dma_start3A_13 : memref<1x96x128xf32, #tpu.memory_space<vmem>> -> memref<96x128xf32, #tpu.memory_space<vmem>>
    %dma_start3A_15 = arith.constant 0 : i32
    %dma_start3A_16 = tpu.memref_slice %arg6[%dma_start3A_15] : memref<19200xi32, #tpu.memory_space<vmem>> -> memref<96xi32, #tpu.memory_space<vmem>>
    %dma_start3A_17 = arith.constant 0 : i32
    %dma_start3A_18 = arith.constant 0 : i32
    %dma_start3A_19 = tpu.memref_slice %arg2[%dma_start3A_17, %dma_start3A_18] : memref<100000x128xf32, #tpu.memory_space<hbm>> -> memref<100000x128xf32, #tpu.memory_space<hbm>>
    %dma_start3A_20 = tpu.memref_slice %arg9[%dma_start3A_10] : memref<4x!tpu.dma_semaphore, #tpu.memory_space<semaphore_mem>> -> memref<1x!tpu.dma_semaphore, #tpu.memory_space<semaphore_mem>>
    %dma_start3A_21 = tpu.memref_squeeze %dma_start3A_20 : memref<1x!tpu.dma_semaphore, #tpu.memory_space<semaphore_mem>> -> memref<!tpu.dma_semaphore, #tpu.memory_space<semaphore_mem>>
    tpu.enqueue_indirect_dma source(%dma_start3A_19 : memref<100000x128xf32, #tpu.memory_space<hbm>>) target(%dma_start3A_14 : memref<96x128xf32, #tpu.memory_space<vmem>>) offsets(%dma_start3A_16 : memref<96xi32, #tpu.memory_space<vmem>>) semaphore(%dma_start3A_21 : memref<!tpu.dma_semaphore, #tpu.memory_space<semaphore_mem>>)
    %dma_start3A_22 = arith.constant 1 : i32
    %dma_start3A_23 = arith.constant 1 : i32
    %dma_start3A_24 = arith.constant 0 : i32
    %dma_start3A_25 = arith.constant 0 : i32
    %dma_start3A_26 = tpu.memref_slice %arg7[%dma_start3A_22, %dma_start3A_24, %dma_start3A_25] : memref<4x96x128xf32, #tpu.memory_space<vmem>> -> memref<1x96x128xf32, #tpu.memory_space<vmem>>
    %dma_start3A_27 = tpu.memref_squeeze %dma_start3A_26 : memref<1x96x128xf32, #tpu.memory_space<vmem>> -> memref<96x128xf32, #tpu.memory_space<vmem>>
    %dma_start3A_28 = arith.constant 96 : i32
    %dma_start3A_29 = tpu.memref_slice %arg6[%dma_start3A_28] : memref<19200xi32, #tpu.memory_space<vmem>> -> memref<96xi32, #tpu.memory_space<vmem>>
    %dma_start3A_30 = arith.constant 0 : i32
    %dma_start3A_31 = arith.constant 0 : i32
    %dma_start3A_32 = tpu.memref_slice %arg2[%dma_start3A_30, %dma_start3A_31] : memref<100000x128xf32, #tpu.memory_space<hbm>> -> memref<100000x128xf32, #tpu.memory_space<hbm>>
    %dma_start3A_33 = tpu.memref_slice %arg9[%dma_start3A_23] : memref<4x!tpu.dma_semaphore, #tpu.memory_space<semaphore_mem>> -> memref<1x!tpu.dma_semaphore, #tpu.memory_space<semaphore_mem>>
    %dma_start3A_34 = tpu.memref_squeeze %dma_start3A_33 : memref<1x!tpu.dma_semaphore, #tpu.memory_space<semaphore_mem>> -> memref<!tpu.dma_semaphore, #tpu.memory_space<semaphore_mem>>
    tpu.enqueue_indirect_dma source(%dma_start3A_32 : memref<100000x128xf32, #tpu.memory_space<hbm>>) target(%dma_start3A_27 : memref<96x128xf32, #tpu.memory_space<vmem>>) offsets(%dma_start3A_29 : memref<96xi32, #tpu.memory_space<vmem>>) semaphore(%dma_start3A_34 : memref<!tpu.dma_semaphore, #tpu.memory_space<semaphore_mem>>)
    %dma_start3A_35 = arith.constant 2 : i32
    %dma_start3A_36 = arith.constant 2 : i32
    %dma_start3A_37 = arith.constant 0 : i32
    %dma_start3A_38 = arith.constant 0 : i32
    %dma_start3A_39 = tpu.memref_slice %arg7[%dma_start3A_35, %dma_start3A_37, %dma_start3A_38] : memref<4x96x128xf32, #tpu.memory_space<vmem>> -> memref<1x96x128xf32, #tpu.memory_space<vmem>>
    %dma_start3A_40 = tpu.memref_squeeze %dma_start3A_39 : memref<1x96x128xf32, #tpu.memory_space<vmem>> -> memref<96x128xf32, #tpu.memory_space<vmem>>
    %dma_start3A_41 = arith.constant 192 : i32
    %dma_start3A_42 = tpu.memref_slice %arg6[%dma_start3A_41] : memref<19200xi32, #tpu.memory_space<vmem>> -> memref<96xi32, #tpu.memory_space<vmem>>
    %dma_start3A_43 = arith.constant 0 : i32
    %dma_start3A_44 = arith.constant 0 : i32
    %dma_start3A_45 = tpu.memref_slice %arg2[%dma_start3A_43, %dma_start3A_44] : memref<100000x128xf32, #tpu.memory_space<hbm>> -> memref<100000x128xf32, #tpu.memory_space<hbm>>
    %dma_start3A_46 = tpu.memref_slice %arg9[%dma_start3A_36] : memref<4x!tpu.dma_semaphore, #tpu.memory_space<semaphore_mem>> -> memref<1x!tpu.dma_semaphore, #tpu.memory_space<semaphore_mem>>
    %dma_start3A_47 = tpu.memref_squeeze %dma_start3A_46 : memref<1x!tpu.dma_semaphore, #tpu.memory_space<semaphore_mem>> -> memref<!tpu.dma_semaphore, #tpu.memory_space<semaphore_mem>>
    tpu.enqueue_indirect_dma source(%dma_start3A_45 : memref<100000x128xf32, #tpu.memory_space<hbm>>) target(%dma_start3A_40 : memref<96x128xf32, #tpu.memory_space<vmem>>) offsets(%dma_start3A_42 : memref<96xi32, #tpu.memory_space<vmem>>) semaphore(%dma_start3A_47 : memref<!tpu.dma_semaphore, #tpu.memory_space<semaphore_mem>>)
    %dma_start3A_48 = arith.constant 3 : i32
    %dma_start3A_49 = arith.constant 3 : i32
    %dma_start3A_50 = arith.constant 0 : i32
    %dma_start3A_51 = arith.constant 0 : i32
    %dma_start3A_52 = tpu.memref_slice %arg7[%dma_start3A_48, %dma_start3A_50, %dma_start3A_51] : memref<4x96x128xf32, #tpu.memory_space<vmem>> -> memref<1x96x128xf32, #tpu.memory_space<vmem>>
    %dma_start3A_53 = tpu.memref_squeeze %dma_start3A_52 : memref<1x96x128xf32, #tpu.memory_space<vmem>> -> memref<96x128xf32, #tpu.memory_space<vmem>>
    %dma_start3A_54 = arith.constant 288 : i32
    %dma_start3A_55 = tpu.memref_slice %arg6[%dma_start3A_54] : memref<19200xi32, #tpu.memory_space<vmem>> -> memref<96xi32, #tpu.memory_space<vmem>>
    %dma_start3A_56 = arith.constant 0 : i32
    %dma_start3A_57 = arith.constant 0 : i32
    %dma_start3A_58 = tpu.memref_slice %arg2[%dma_start3A_56, %dma_start3A_57] : memref<100000x128xf32, #tpu.memory_space<hbm>> -> memref<100000x128xf32, #tpu.memory_space<hbm>>
    %dma_start3A_59 = tpu.memref_slice %arg9[%dma_start3A_49] : memref<4x!tpu.dma_semaphore, #tpu.memory_space<semaphore_mem>> -> memref<1x!tpu.dma_semaphore, #tpu.memory_space<semaphore_mem>>
    %dma_start3A_60 = tpu.memref_squeeze %dma_start3A_59 : memref<1x!tpu.dma_semaphore, #tpu.memory_space<semaphore_mem>> -> memref<!tpu.dma_semaphore, #tpu.memory_space<semaphore_mem>>
    tpu.enqueue_indirect_dma source(%dma_start3A_58 : memref<100000x128xf32, #tpu.memory_space<hbm>>) target(%dma_start3A_53 : memref<96x128xf32, #tpu.memory_space<vmem>>) offsets(%dma_start3A_55 : memref<96xi32, #tpu.memory_space<vmem>>) semaphore(%dma_start3A_60 : memref<!tpu.dma_semaphore, #tpu.memory_space<semaphore_mem>>)
    "tpu.trace_stop"() : () -> ()
    "tpu.trace_start"() <{level = 10 : i32, message = "mainloop"}> : () -> ()
    %scan3A_61 = arith.constant 0 : i32
    %scan3A_62 = arith.constant 0 : i32
    %scan3A_63 = arith.constant 50 : i32
    %scan3A_64 = arith.addi %scan3A_62, %scan3A_63 : i32
    %scan3A_65 = arith.constant 1 : i32
    scf.for %scan3A_130 = %scan3A_62 to %scan3A_64 step %scan3A_65  : i32 {
      %mul3A_131 = arith.constant 4 : i32
      %mul3A_132 = arith.muli %scan3A_130, %mul3A_131 : i32
      %add3A_133 = arith.constant 0 : i32
      %add3A_134 = arith.addi %mul3A_132, %add3A_133 : i32
      %dma_wait3A_135 = arith.constant 0 : i32
      %dma_wait3A_136 = arith.constant 0 : i32
      %dma_wait3A_137 = arith.constant 0 : i32
      %dma_wait3A_138 = arith.constant 0 : i32
      %dma_wait3A_139 = tpu.memref_slice %arg7[%dma_wait3A_135, %dma_wait3A_137, %dma_wait3A_138] : memref<4x96x128xf32, #tpu.memory_space<vmem>> -> memref<1x96x128xf32, #tpu.memory_space<vmem>>
      %dma_wait3A_140 = tpu.memref_squeeze %dma_wait3A_139 : memref<1x96x128xf32, #tpu.memory_space<vmem>> -> memref<96x128xf32, #tpu.memory_space<vmem>>
      %dma_wait3A_141 = arith.constant 0 : i32
      %dma_wait3A_142 = tpu.memref_slice %arg6[%dma_wait3A_141] : memref<19200xi32, #tpu.memory_space<vmem>> -> memref<96xi32, #tpu.memory_space<vmem>>
      %dma_wait3A_143 = arith.constant 0 : i32
      %dma_wait3A_144 = arith.constant 0 : i32
      %dma_wait3A_145 = tpu.memref_slice %arg2[%dma_wait3A_143, %dma_wait3A_144] : memref<100000x128xf32, #tpu.memory_space<hbm>> -> memref<100000x128xf32, #tpu.memory_space<hbm>>
      %dma_wait3A_146 = tpu.memref_slice %arg9[%dma_wait3A_136] : memref<4x!tpu.dma_semaphore, #tpu.memory_space<semaphore_mem>> -> memref<1x!tpu.dma_semaphore, #tpu.memory_space<semaphore_mem>>
      %dma_wait3A_147 = tpu.memref_squeeze %dma_wait3A_146 : memref<1x!tpu.dma_semaphore, #tpu.memory_space<semaphore_mem>> -> memref<!tpu.dma_semaphore, #tpu.memory_space<semaphore_mem>>
      tpu.wait_indirect_dma semaphore(%dma_wait3A_147 : memref<!tpu.dma_semaphore, #tpu.memory_space<semaphore_mem>>) src(%dma_wait3A_145 : memref<100000x128xf32, #tpu.memory_space<hbm>>) dst(%dma_wait3A_140 : memref<96x128xf32, #tpu.memory_space<vmem>>)
      %gt3A = arith.constant 0 : i32
      %gt3A_148 = arith.cmpi sgt, %scan3A_130, %gt3A : i32
      %convert_element_type3A = arith.extui %gt3A_148 : i1 to i32
      %cond3A = arith.constant 0 : i32
      %cond3A_149 = arith.cmpi ne, %convert_element_type3A, %cond3A : i32
      scf.if %cond3A_149 {
        %dma_wait3A_337 = arith.constant 0 : i32
        %dma_wait3A_338 = arith.constant 0 : i32
        %dma_wait3A_339 = arith.constant 0 : i32
        %dma_wait3A_340 = arith.constant 0 : i32
        %dma_wait3A_341 = tpu.memref_slice %arg8[%dma_wait3A_337, %dma_wait3A_339, %dma_wait3A_340] : memref<4x16x128xf32, #tpu.memory_space<vmem>> -> memref<1x16x128xf32, #tpu.memory_space<vmem>>
        %dma_wait3A_342 = tpu.memref_squeeze %dma_wait3A_341 : memref<1x16x128xf32, #tpu.memory_space<vmem>> -> memref<16x128xf32, #tpu.memory_space<vmem>>
        %dma_wait3A_343 = arith.constant 0 : i32
        %dma_wait3A_344 = tpu.memref_slice %arg4[%mul3A_2, %dma_wait3A_343] : memref<102400x128xf32, #tpu.memory_space<hbm>> -> memref<16x128xf32, #tpu.memory_space<hbm>>
        %dma_wait3A_345 = tpu.memref_slice %arg10[%dma_wait3A_338] : memref<4x!tpu.dma_semaphore, #tpu.memory_space<semaphore_mem>> -> memref<1x!tpu.dma_semaphore, #tpu.memory_space<semaphore_mem>>
        %dma_wait3A_346 = tpu.memref_squeeze %dma_wait3A_345 : memref<1x!tpu.dma_semaphore, #tpu.memory_space<semaphore_mem>> -> memref<!tpu.dma_semaphore, #tpu.memory_space<semaphore_mem>>
        %dma_wait3A_347 = arith.constant 0 : i32
        %dma_wait3A_348 = tpu.memref_slice %arg4[%mul3A_2, %dma_wait3A_347] : memref<102400x128xf32, #tpu.memory_space<hbm>> -> memref<16x128xf32, #tpu.memory_space<hbm>>
        %dma_wait3A_349 = arith.constant 0 : i32
        %dma_wait3A_350 = arith.constant 0 : i32
        %dma_wait3A_351 = tpu.memref_slice %arg8[%dma_wait3A_337, %dma_wait3A_349, %dma_wait3A_350] : memref<4x16x128xf32, #tpu.memory_space<vmem>> -> memref<1x16x128xf32, #tpu.memory_space<vmem>>
        %dma_wait3A_352 = tpu.memref_squeeze %dma_wait3A_351 : memref<1x16x128xf32, #tpu.memory_space<vmem>> -> memref<16x128xf32, #tpu.memory_space<vmem>>
        tpu.wait_dma2 semaphore(%dma_wait3A_346 : memref<!tpu.dma_semaphore, #tpu.memory_space<semaphore_mem>>) src(%dma_wait3A_352 : memref<16x128xf32, #tpu.memory_space<vmem>>) dst(%dma_wait3A_348 : memref<16x128xf32, #tpu.memory_space<hbm>>)
      } else {
      }
      %scan3A_150 = arith.constant 0 : i32
      %scan3A_151 = arith.constant 0 : i32
      %scan3A_152 = arith.constant 16 : i32
      %scan3A_153 = arith.addi %scan3A_151, %scan3A_152 : i32
      %scan3A_154 = arith.constant 2 : i32
      scf.for %scan3A_337 = %scan3A_151 to %scan3A_153 step %scan3A_154  : i32 {
        %add3A_338 = arith.constant 0 : i32
        %add3A_339 = arith.addi %add3A_338, %scan3A_337 : i32
        %get3A = arith.constant 0 : i32
        %get3A_340 = arith.index_cast %get3A : i32 to index
        %get3A_341 = arith.index_cast %add3A_339 : i32 to index
        %get3A_342 = arith.constant 0 : index
        %get3A_343 = tpu.vector_load %arg7[%get3A_340, %get3A_341, %get3A_342] {strides = array<i32>} : memref<4x96x128xf32, #tpu.memory_space<vmem>>, vector<1x1x16xf32>,
        %get3A_344 = vector.shape_cast %get3A_343 : vector<1x1x16xf32> to vector<16xf32>
        %add3A_345 = arith.constant 16 : i32
        %add3A_346 = arith.addi %add3A_345, %scan3A_337 : i32
        %get3A_347 = arith.constant 0 : i32
        %get3A_348 = arith.index_cast %get3A_347 : i32 to index
        %get3A_349 = arith.index_cast %add3A_346 : i32 to index
        %get3A_350 = arith.constant 0 : index
        %get3A_351 = tpu.vector_load %arg7[%get3A_348, %get3A_349, %get3A_350] {strides = array<i32>} : memref<4x96x128xf32, #tpu.memory_space<vmem>>, vector<1x1x16xf32>,
        %get3A_352 = vector.shape_cast %get3A_351 : vector<1x1x16xf32> to vector<16xf32>
        %add3A_353 = arith.addf %get3A_344, %get3A_352 : vector<16xf32>
        %add3A_354 = arith.constant 32 : i32
        %add3A_355 = arith.addi %add3A_354, %scan3A_337 : i32
        %get3A_356 = arith.constant 0 : i32
        %get3A_357 = arith.index_cast %get3A_356 : i32 to index
        %get3A_358 = arith.index_cast %add3A_355 : i32 to index
        %get3A_359 = arith.constant 0 : index
        %get3A_360 = tpu.vector_load %arg7[%get3A_357, %get3A_358, %get3A_359] {strides = array<i32>} : memref<4x96x128xf32, #tpu.memory_space<vmem>>, vector<1x1x16xf32>,
        %get3A_361 = vector.shape_cast %get3A_360 : vector<1x1x16xf32> to vector<16xf32>
        %add3A_362 = arith.constant 48 : i32
        %add3A_363 = arith.addi %add3A_362, %scan3A_337 : i32
        %get3A_364 = arith.constant 0 : i32
        %get3A_365 = arith.index_cast %get3A_364 : i32 to index
        %get3A_366 = arith.index_cast %add3A_363 : i32 to index
        %get3A_367 = arith.constant 0 : index
        %get3A_368 = tpu.vector_load %arg7[%get3A_365, %get3A_366, %get3A_367] {strides = array<i32>} : memref<4x96x128xf32, #tpu.memory_space<vmem>>, vector<1x1x16xf32>,
        %get3A_369 = vector.shape_cast %get3A_368 : vector<1x1x16xf32> to vector<16xf32>
        %add3A_370 = arith.addf %get3A_361, %get3A_369 : vector<16xf32>
        %add3A_371 = arith.constant 64 : i32
        %add3A_372 = arith.addi %add3A_371, %scan3A_337 : i32
        %get3A_373 = arith.constant 0 : i32
        %get3A_374 = arith.index_cast %get3A_373 : i32 to index
        %get3A_375 = arith.index_cast %add3A_372 : i32 to index
        %get3A_376 = arith.constant 0 : index
        %get3A_377 = tpu.vector_load %arg7[%get3A_374, %get3A_375, %get3A_376] {strides = array<i32>} : memref<4x96x128xf32, #tpu.memory_space<vmem>>, vector<1x1x16xf32>,
        %get3A_378 = vector.shape_cast %get3A_377 : vector<1x1x16xf32> to vector<16xf32>
        %add3A_379 = arith.constant 80 : i32
        %add3A_380 = arith.addi %add3A_379, %scan3A_337 : i32
        %get3A_381 = arith.constant 0 : i32
        %get3A_382 = arith.index_cast %get3A_381 : i32 to index
        %get3A_383 = arith.index_cast %add3A_380 : i32 to index
        %get3A_384 = arith.constant 0 : index
        %get3A_385 = tpu.vector_load %arg7[%get3A_382, %get3A_383, %get3A_384] {strides = array<i32>} : memref<4x96x128xf32, #tpu.memory_space<vmem>>, vector<1x1x16xf32>,
        %get3A_386 = vector.shape_cast %get3A_385 : vector<1x1x16xf32> to vector<16xf32>
        %add3A_387 = arith.addf %get3A_378, %get3A_386 : vector<16xf32>
        %add3A_388 = arith.addf %add3A_370, %add3A_387 : vector<16xf32>
        %add3A_389 = arith.addf %add3A_353, %add3A_388 : vector<16xf32>
        %swap3A = arith.constant 0 : i32
        %swap3A_390 = arith.index_cast %swap3A : i32 to index
        %swap3A_391 = arith.index_cast %scan3A_337 : i32 to index
        %swap3A_392 = arith.constant 0 : index
        %swap3A_393 = tpu.vector_load %arg8[%swap3A_390, %swap3A_391, %swap3A_392] {strides = array<i32>} : memref<4x16x128xf32, #tpu.memory_space<vmem>>, vector<1x1x16xf32>,
        %swap3A_394 = vector.shape_cast %swap3A_393 : vector<1x1x16xf32> to vector<16xf32>
        %swap3A_395 = vector.shape_cast %add3A_389 : vector<16xf32> to vector<1x1x16xf32>
        tpu.vector_store %arg8[%swap3A_390, %swap3A_391, %swap3A_392], %swap3A_395 {strides = array<i32>} : memref<4x16x128xf32, #tpu.memory_space<vmem>>, vector<1x1x16xf32>,
        %add3A_396 = arith.constant 0 : i32
        %add3A_397 = arith.addi %add3A_396, %scan3A_337 : i32
        %get3A_398 = arith.constant 0 : i32
        %get3A_399 = arith.index_cast %get3A_398 : i32 to index
        %get3A_400 = arith.index_cast %add3A_397 : i32 to index
        %get3A_401 = arith.constant 16 : index
        %get3A_402 = tpu.vector_load %arg7[%get3A_399, %get3A_400, %get3A_401] {strides = array<i32>} : memref<4x96x128xf32, #tpu.memory_space<vmem>>, vector<1x1x16xf32>,
        %get3A_403 = vector.shape_cast %get3A_402 : vector<1x1x16xf32> to vector<16xf32>
        %add3A_404 = arith.constant 16 : i32
        %add3A_405 = arith.addi %add3A_404, %scan3A_337 : i32
        %get3A_406 = arith.constant 0 : i32
        %get3A_407 = arith.index_cast %get3A_406 : i32 to index
        %get3A_408 = arith.index_cast %add3A_405 : i32 to index
        %get3A_409 = arith.constant 16 : index
        %get3A_410 = tpu.vector_load %arg7[%get3A_407, %get3A_408, %get3A_409] {strides = array<i32>} : memref<4x96x128xf32, #tpu.memory_space<vmem>>, vector<1x1x16xf32>,
        %get3A_411 = vector.shape_cast %get3A_410 : vector<1x1x16xf32> to vector<16xf32>
        %add3A_412 = arith.addf %get3A_403, %get3A_411 : vector<16xf32>
        %add3A_413 = arith.constant 32 : i32
        %add3A_414 = arith.addi %add3A_413, %scan3A_337 : i32
        %get3A_415 = arith.constant 0 : i32
        %get3A_416 = arith.index_cast %get3A_415 : i32 to index
        %get3A_417 = arith.index_cast %add3A_414 : i32 to index
        %get3A_418 = arith.constant 16 : index
        %get3A_419 = tpu.vector_load %arg7[%get3A_416, %get3A_417, %get3A_418] {strides = array<i32>} : memref<4x96x128xf32, #tpu.memory_space<vmem>>, vector<1x1x16xf32>,
        %get3A_420 = vector.shape_cast %get3A_419 : vector<1x1x16xf32> to vector<16xf32>
        %add3A_421 = arith.constant 48 : i32
        %add3A_422 = arith.addi %add3A_421, %scan3A_337 : i32
        %get3A_423 = arith.constant 0 : i32
        %get3A_424 = arith.index_cast %get3A_423 : i32 to index
        %get3A_425 = arith.index_cast %add3A_422 : i32 to index
        %get3A_426 = arith.constant 16 : index
        %get3A_427 = tpu.vector_load %arg7[%get3A_424, %get3A_425, %get3A_426] {strides = array<i32>} : memref<4x96x128xf32, #tpu.memory_space<vmem>>, vector<1x1x16xf32>,
        %get3A_428 = vector.shape_cast %get3A_427 : vector<1x1x16xf32> to vector<16xf32>
        %add3A_429 = arith.addf %get3A_420, %get3A_428 : vector<16xf32>
        %add3A_430 = arith.constant 64 : i32
        %add3A_431 = arith.addi %add3A_430, %scan3A_337 : i32
        %get3A_432 = arith.constant 0 : i32
        %get3A_433 = arith.index_cast %get3A_432 : i32 to index
        %get3A_434 = arith.index_cast %add3A_431 : i32 to index
        %get3A_435 = arith.constant 16 : index
        %get3A_436 = tpu.vector_load %arg7[%get3A_433, %get3A_434, %get3A_435] {strides = array<i32>} : memref<4x96x128xf32, #tpu.memory_space<vmem>>, vector<1x1x16xf32>,
        %get3A_437 = vector.shape_cast %get3A_436 : vector<1x1x16xf32> to vector<16xf32>
        %add3A_438 = arith.constant 80 : i32
        %add3A_439 = arith.addi %add3A_438, %scan3A_337 : i32
        %get3A_440 = arith.constant 0 : i32
        %get3A_441 = arith.index_cast %get3A_440 : i32 to index
        %get3A_442 = arith.index_cast %add3A_439 : i32 to index
        %get3A_443 = arith.constant 16 : index
        %get3A_444 = tpu.vector_load %arg7[%get3A_441, %get3A_442, %get3A_443] {strides = array<i32>} : memref<4x96x128xf32, #tpu.memory_space<vmem>>, vector<1x1x16xf32>,
        %get3A_445 = vector.shape_cast %get3A_444 : vector<1x1x16xf32> to vector<16xf32>
        %add3A_446 = arith.addf %get3A_437, %get3A_445 : vector<16xf32>
        %add3A_447 = arith.addf %add3A_429, %add3A_446 : vector<16xf32>
        %add3A_448 = arith.addf %add3A_412, %add3A_447 : vector<16xf32>
        %swap3A_449 = arith.constant 0 : i32
        %swap3A_450 = arith.index_cast %swap3A_449 : i32 to index
        %swap3A_451 = arith.index_cast %scan3A_337 : i32 to index
        %swap3A_452 = arith.constant 16 : index
        %swap3A_453 = tpu.vector_load %arg8[%swap3A_450, %swap3A_451, %swap3A_452] {strides = array<i32>} : memref<4x16x128xf32, #tpu.memory_space<vmem>>, vector<1x1x16xf32>,
        %swap3A_454 = vector.shape_cast %swap3A_453 : vector<1x1x16xf32> to vector<16xf32>
        %swap3A_455 = vector.shape_cast %add3A_448 : vector<16xf32> to vector<1x1x16xf32>
        tpu.vector_store %arg8[%swap3A_450, %swap3A_451, %swap3A_452], %swap3A_455 {strides = array<i32>} : memref<4x16x128xf32, #tpu.memory_space<vmem>>, vector<1x1x16xf32>,
        %add3A_456 = arith.constant 0 : i32
        %add3A_457 = arith.addi %add3A_456, %scan3A_337 : i32
        %get3A_458 = arith.constant 0 : i32
        %get3A_459 = arith.index_cast %get3A_458 : i32 to index
        %get3A_460 = arith.index_cast %add3A_457 : i32 to index
        %get3A_461 = arith.constant 32 : index
        %get3A_462 = tpu.vector_load %arg7[%get3A_459, %get3A_460, %get3A_461] {strides = array<i32>} : memref<4x96x128xf32, #tpu.memory_space<vmem>>, vector<1x1x16xf32>,
        %get3A_463 = vector.shape_cast %get3A_462 : vector<1x1x16xf32> to vector<16xf32>
        %add3A_464 = arith.constant 16 : i32
        %add3A_465 = arith.addi %add3A_464, %scan3A_337 : i32
        %get3A_466 = arith.constant 0 : i32
        %get3A_467 = arith.index_cast %get3A_466 : i32 to index
        %get3A_468 = arith.index_cast %add3A_465 : i32 to index
        %get3A_469 = arith.constant 32 : index
        %get3A_470 = tpu.vector_load %arg7[%get3A_467, %get3A_468, %get3A_469] {strides = array<i32>} : memref<4x96x128xf32, #tpu.memory_space<vmem>>, vector<1x1x16xf32>,
        %get3A_471 = vector.shape_cast %get3A_470 : vector<1x1x16xf32> to vector<16xf32>
        %add3A_472 = arith.addf %get3A_463, %get3A_471 : vector<16xf32>
        %add3A_473 = arith.constant 32 : i32
        %add3A_474 = arith.addi %add3A_473, %scan3A_337 : i32
        %get3A_475 = arith.constant 0 : i32
        %get3A_476 = arith.index_cast %get3A_475 : i32 to index
        %get3A_477 = arith.index_cast %add3A_474 : i32 to index
        %get3A_478 = arith.constant 32 : index
        %get3A_479 = tpu.vector_load %arg7[%get3A_476, %get3A_477, %get3A_478] {strides = array<i32>} : memref<4x96x128xf32, #tpu.memory_space<vmem>>, vector<1x1x16xf32>,
        %get3A_480 = vector.shape_cast %get3A_479 : vector<1x1x16xf32> to vector<16xf32>
        %add3A_481 = arith.constant 48 : i32
        %add3A_482 = arith.addi %add3A_481, %scan3A_337 : i32
        %get3A_483 = arith.constant 0 : i32
        %get3A_484 = arith.index_cast %get3A_483 : i32 to index
        %get3A_485 = arith.index_cast %add3A_482 : i32 to index
        %get3A_486 = arith.constant 32 : index
        %get3A_487 = tpu.vector_load %arg7[%get3A_484, %get3A_485, %get3A_486] {strides = array<i32>} : memref<4x96x128xf32, #tpu.memory_space<vmem>>, vector<1x1x16xf32>,
        %get3A_488 = vector.shape_cast %get3A_487 : vector<1x1x16xf32> to vector<16xf32>
        %add3A_489 = arith.addf %get3A_480, %get3A_488 : vector<16xf32>
        %add3A_490 = arith.constant 64 : i32
        %add3A_491 = arith.addi %add3A_490, %scan3A_337 : i32
        %get3A_492 = arith.constant 0 : i32
        %get3A_493 = arith.index_cast %get3A_492 : i32 to index
        %get3A_494 = arith.index_cast %add3A_491 : i32 to index
        %get3A_495 = arith.constant 32 : index
        %get3A_496 = tpu.vector_load %arg7[%get3A_493, %get3A_494, %get3A_495] {strides = array<i32>} : memref<4x96x128xf32, #tpu.memory_space<vmem>>, vector<1x1x16xf32>,
        %get3A_497 = vector.shape_cast %get3A_496 : vector<1x1x16xf32> to vector<16xf32>
        %add3A_498 = arith.constant 80 : i32
        %add3A_499 = arith.addi %add3A_498, %scan3A_337 : i32
        %get3A_500 = arith.constant 0 : i32
        %get3A_501 = arith.index_cast %get3A_500 : i32 to index
        %get3A_502 = arith.index_cast %add3A_499 : i32 to index
        %get3A_503 = arith.constant 32 : index
        %get3A_504 = tpu.vector_load %arg7[%get3A_501, %get3A_502, %get3A_503] {strides = array<i32>} : memref<4x96x128xf32, #tpu.memory_space<vmem>>, vector<1x1x16xf32>,
        %get3A_505 = vector.shape_cast %get3A_504 : vector<1x1x16xf32> to vector<16xf32>
        %add3A_506 = arith.addf %get3A_497, %get3A_505 : vector<16xf32>
        %add3A_507 = arith.addf %add3A_489, %add3A_506 : vector<16xf32>
        %add3A_508 = arith.addf %add3A_472, %add3A_507 : vector<16xf32>
        %swap3A_509 = arith.constant 0 : i32
        %swap3A_510 = arith.index_cast %swap3A_509 : i32 to index
        %swap3A_511 = arith.index_cast %scan3A_337 : i32 to index
        %swap3A_512 = arith.constant 32 : index
        %swap3A_513 = tpu.vector_load %arg8[%swap3A_510, %swap3A_511, %swap3A_512] {strides = array<i32>} : memref<4x16x128xf32, #tpu.memory_space<vmem>>, vector<1x1x16xf32>,
        %swap3A_514 = vector.shape_cast %swap3A_513 : vector<1x1x16xf32> to vector<16xf32>
        %swap3A_515 = vector.shape_cast %add3A_508 : vector<16xf32> to vector<1x1x16xf32>
        tpu.vector_store %arg8[%swap3A_510, %swap3A_511, %swap3A_512], %swap3A_515 {strides = array<i32>} : memref<4x16x128xf32, #tpu.memory_space<vmem>>, vector<1x1x16xf32>,
        %add3A_516 = arith.constant 0 : i32
        %add3A_517 = arith.addi %add3A_516, %scan3A_337 : i32
        %get3A_518 = arith.constant 0 : i32
        %get3A_519 = arith.index_cast %get3A_518 : i32 to index
        %get3A_520 = arith.index_cast %add3A_517 : i32 to index
        %get3A_521 = arith.constant 48 : index
        %get3A_522 = tpu.vector_load %arg7[%get3A_519, %get3A_520, %get3A_521] {strides = array<i32>} : memref<4x96x128xf32, #tpu.memory_space<vmem>>, vector<1x1x16xf32>,
        %get3A_523 = vector.shape_cast %get3A_522 : vector<1x1x16xf32> to vector<16xf32>
        %add3A_524 = arith.constant 16 : i32
        %add3A_525 = arith.addi %add3A_524, %scan3A_337 : i32
        %get3A_526 = arith.constant 0 : i32
        %get3A_527 = arith.index_cast %get3A_526 : i32 to index
        %get3A_528 = arith.index_cast %add3A_525 : i32 to index
        %get3A_529 = arith.constant 48 : index
        %get3A_530 = tpu.vector_load %arg7[%get3A_527, %get3A_528, %get3A_529] {strides = array<i32>} : memref<4x96x128xf32, #tpu.memory_space<vmem>>, vector<1x1x16xf32>,
        %get3A_531 = vector.shape_cast %get3A_530 : vector<1x1x16xf32> to vector<16xf32>
        %add3A_532 = arith.addf %get3A_523, %get3A_531 : vector<16xf32>
        %add3A_533 = arith.constant 32 : i32
        %add3A_534 = arith.addi %add3A_533, %scan3A_337 : i32
        %get3A_535 = arith.constant 0 : i32
        %get3A_536 = arith.index_cast %get3A_535 : i32 to index
        %get3A_537 = arith.index_cast %add3A_534 : i32 to index
        %get3A_538 = arith.constant 48 : index
        %get3A_539 = tpu.vector_load %arg7[%get3A_536, %get3A_537, %get3A_538] {strides = array<i32>} : memref<4x96x128xf32, #tpu.memory_space<vmem>>, vector<1x1x16xf32>,
        %get3A_540 = vector.shape_cast %get3A_539 : vector<1x1x16xf32> to vector<16xf32>
        %add3A_541 = arith.constant 48 : i32
        %add3A_542 = arith.addi %add3A_541, %scan3A_337 : i32
        %get3A_543 = arith.constant 0 : i32
        %get3A_544 = arith.index_cast %get3A_543 : i32 to index
        %get3A_545 = arith.index_cast %add3A_542 : i32 to index
        %get3A_546 = arith.constant 48 : index
        %get3A_547 = tpu.vector_load %arg7[%get3A_544, %get3A_545, %get3A_546] {strides = array<i32>} : memref<4x96x128xf32, #tpu.memory_space<vmem>>, vector<1x1x16xf32>,
        %get3A_548 = vector.shape_cast %get3A_547 : vector<1x1x16xf32> to vector<16xf32>
        %add3A_549 = arith.addf %get3A_540, %get3A_548 : vector<16xf32>
        %add3A_550 = arith.constant 64 : i32
        %add3A_551 = arith.addi %add3A_550, %scan3A_337 : i32
        %get3A_552 = arith.constant 0 : i32
        %get3A_553 = arith.index_cast %get3A_552 : i32 to index
        %get3A_554 = arith.index_cast %add3A_551 : i32 to index
        %get3A_555 = arith.constant 48 : index
        %get3A_556 = tpu.vector_load %arg7[%get3A_553, %get3A_554, %get3A_555] {strides = array<i32>} : memref<4x96x128xf32, #tpu.memory_space<vmem>>, vector<1x1x16xf32>,
        %get3A_557 = vector.shape_cast %get3A_556 : vector<1x1x16xf32> to vector<16xf32>
        %add3A_558 = arith.constant 80 : i32
        %add3A_559 = arith.addi %add3A_558, %scan3A_337 : i32
        %get3A_560 = arith.constant 0 : i32
        %get3A_561 = arith.index_cast %get3A_560 : i32 to index
        %get3A_562 = arith.index_cast %add3A_559 : i32 to index
        %get3A_563 = arith.constant 48 : index
        %get3A_564 = tpu.vector_load %arg7[%get3A_561, %get3A_562, %get3A_563] {strides = array<i32>} : memref<4x96x128xf32, #tpu.memory_space<vmem>>, vector<1x1x16xf32>,
        %get3A_565 = vector.shape_cast %get3A_564 : vector<1x1x16xf32> to vector<16xf32>
        %add3A_566 = arith.addf %get3A_557, %get3A_565 : vector<16xf32>
        %add3A_567 = arith.addf %add3A_549, %add3A_566 : vector<16xf32>
        %add3A_568 = arith.addf %add3A_532, %add3A_567 : vector<16xf32>
        %swap3A_569 = arith.constant 0 : i32
        %swap3A_570 = arith.index_cast %swap3A_569 : i32 to index
        %swap3A_571 = arith.index_cast %scan3A_337 : i32 to index
        %swap3A_572 = arith.constant 48 : index
        %swap3A_573 = tpu.vector_load %arg8[%swap3A_570, %swap3A_571, %swap3A_572] {strides = array<i32>} : memref<4x16x128xf32, #tpu.memory_space<vmem>>, vector<1x1x16xf32>,
        %swap3A_574 = vector.shape_cast %swap3A_573 : vector<1x1x16xf32> to vector<16xf32>
        %swap3A_575 = vector.shape_cast %add3A_568 : vector<16xf32> to vector<1x1x16xf32>
        tpu.vector_store %arg8[%swap3A_570, %swap3A_571, %swap3A_572], %swap3A_575 {strides = array<i32>} : memref<4x16x128xf32, #tpu.memory_space<vmem>>, vector<1x1x16xf32>,
        %add3A_576 = arith.constant 0 : i32
        %add3A_577 = arith.addi %add3A_576, %scan3A_337 : i32
        %get3A_578 = arith.constant 0 : i32
        %get3A_579 = arith.index_cast %get3A_578 : i32 to index
        %get3A_580 = arith.index_cast %add3A_577 : i32 to index
        %get3A_581 = arith.constant 64 : index
        %get3A_582 = tpu.vector_load %arg7[%get3A_579, %get3A_580, %get3A_581] {strides = array<i32>} : memref<4x96x128xf32, #tpu.memory_space<vmem>>, vector<1x1x16xf32>,
        %get3A_583 = vector.shape_cast %get3A_582 : vector<1x1x16xf32> to vector<16xf32>
        %add3A_584 = arith.constant 16 : i32
        %add3A_585 = arith.addi %add3A_584, %scan3A_337 : i32
        %get3A_586 = arith.constant 0 : i32
        %get3A_587 = arith.index_cast %get3A_586 : i32 to index
        %get3A_588 = arith.index_cast %add3A_585 : i32 to index
        %get3A_589 = arith.constant 64 : index
        %get3A_590 = tpu.vector_load %arg7[%get3A_587, %get3A_588, %get3A_589] {strides = array<i32>} : memref<4x96x128xf32, #tpu.memory_space<vmem>>, vector<1x1x16xf32>,
        %get3A_591 = vector.shape_cast %get3A_590 : vector<1x1x16xf32> to vector<16xf32>
        %add3A_592 = arith.addf %get3A_583, %get3A_591 : vector<16xf32>
        %add3A_593 = arith.constant 32 : i32
        %add3A_594 = arith.addi %add3A_593, %scan3A_337 : i32
        %get3A_595 = arith.constant 0 : i32
        %get3A_596 = arith.index_cast %get3A_595 : i32 to index
        %get3A_597 = arith.index_cast %add3A_594 : i32 to index
        %get3A_598 = arith.constant 64 : index
        %get3A_599 = tpu.vector_load %arg7[%get3A_596, %get3A_597, %get3A_598] {strides = array<i32>} : memref<4x96x128xf32, #tpu.memory_space<vmem>>, vector<1x1x16xf32>,
        %get3A_600 = vector.shape_cast %get3A_599 : vector<1x1x16xf32> to vector<16xf32>
        %add3A_601 = arith.constant 48 : i32
        %add3A_602 = arith.addi %add3A_601, %scan3A_337 : i32
        %get3A_603 = arith.constant 0 : i32
        %get3A_604 = arith.index_cast %get3A_603 : i32 to index
        %get3A_605 = arith.index_cast %add3A_602 : i32 to index
        %get3A_606 = arith.constant 64 : index
        %get3A_607 = tpu.vector_load %arg7[%get3A_604, %get3A_605, %get3A_606] {strides = array<i32>} : memref<4x96x128xf32, #tpu.memory_space<vmem>>, vector<1x1x16xf32>,
        %get3A_608 = vector.shape_cast %get3A_607 : vector<1x1x16xf32> to vector<16xf32>
        %add3A_609 = arith.addf %get3A_600, %get3A_608 : vector<16xf32>
        %add3A_610 = arith.constant 64 : i32
        %add3A_611 = arith.addi %add3A_610, %scan3A_337 : i32
        %get3A_612 = arith.constant 0 : i32
        %get3A_613 = arith.index_cast %get3A_612 : i32 to index
        %get3A_614 = arith.index_cast %add3A_611 : i32 to index
        %get3A_615 = arith.constant 64 : index
        %get3A_616 = tpu.vector_load %arg7[%get3A_613, %get3A_614, %get3A_615] {strides = array<i32>} : memref<4x96x128xf32, #tpu.memory_space<vmem>>, vector<1x1x16xf32>,
        %get3A_617 = vector.shape_cast %get3A_616 : vector<1x1x16xf32> to vector<16xf32>
        %add3A_618 = arith.constant 80 : i32
        %add3A_619 = arith.addi %add3A_618, %scan3A_337 : i32
        %get3A_620 = arith.constant 0 : i32
        %get3A_621 = arith.index_cast %get3A_620 : i32 to index
        %get3A_622 = arith.index_cast %add3A_619 : i32 to index
        %get3A_623 = arith.constant 64 : index
        %get3A_624 = tpu.vector_load %arg7[%get3A_621, %get3A_622, %get3A_623] {strides = array<i32>} : memref<4x96x128xf32, #tpu.memory_space<vmem>>, vector<1x1x16xf32>,
        %get3A_625 = vector.shape_cast %get3A_624 : vector<1x1x16xf32> to vector<16xf32>
        %add3A_626 = arith.addf %get3A_617, %get3A_625 : vector<16xf32>
        %add3A_627 = arith.addf %add3A_609, %add3A_626 : vector<16xf32>
        %add3A_628 = arith.addf %add3A_592, %add3A_627 : vector<16xf32>
        %swap3A_629 = arith.constant 0 : i32
        %swap3A_630 = arith.index_cast %swap3A_629 : i32 to index
        %swap3A_631 = arith.index_cast %scan3A_337 : i32 to index
        %swap3A_632 = arith.constant 64 : index
        %swap3A_633 = tpu.vector_load %arg8[%swap3A_630, %swap3A_631, %swap3A_632] {strides = array<i32>} : memref<4x16x128xf32, #tpu.memory_space<vmem>>, vector<1x1x16xf32>,
        %swap3A_634 = vector.shape_cast %swap3A_633 : vector<1x1x16xf32> to vector<16xf32>
        %swap3A_635 = vector.shape_cast %add3A_628 : vector<16xf32> to vector<1x1x16xf32>
        tpu.vector_store %arg8[%swap3A_630, %swap3A_631, %swap3A_632], %swap3A_635 {strides = array<i32>} : memref<4x16x128xf32, #tpu.memory_space<vmem>>, vector<1x1x16xf32>,
        %add3A_636 = arith.constant 0 : i32
        %add3A_637 = arith.addi %add3A_636, %scan3A_337 : i32
        %get3A_638 = arith.constant 0 : i32
        %get3A_639 = arith.index_cast %get3A_638 : i32 to index
        %get3A_640 = arith.index_cast %add3A_637 : i32 to index
        %get3A_641 = arith.constant 80 : index
        %get3A_642 = tpu.vector_load %arg7[%get3A_639, %get3A_640, %get3A_641] {strides = array<i32>} : memref<4x96x128xf32, #tpu.memory_space<vmem>>, vector<1x1x16xf32>,
        %get3A_643 = vector.shape_cast %get3A_642 : vector<1x1x16xf32> to vector<16xf32>
        %add3A_644 = arith.constant 16 : i32
        %add3A_645 = arith.addi %add3A_644, %scan3A_337 : i32
        %get3A_646 = arith.constant 0 : i32
        %get3A_647 = arith.index_cast %get3A_646 : i32 to index
        %get3A_648 = arith.index_cast %add3A_645 : i32 to index
        %get3A_649 = arith.constant 80 : index
        %get3A_650 = tpu.vector_load %arg7[%get3A_647, %get3A_648, %get3A_649] {strides = array<i32>} : memref<4x96x128xf32, #tpu.memory_space<vmem>>, vector<1x1x16xf32>,
        %get3A_651 = vector.shape_cast %get3A_650 : vector<1x1x16xf32> to vector<16xf32>
        %add3A_652 = arith.addf %get3A_643, %get3A_651 : vector<16xf32>
        %add3A_653 = arith.constant 32 : i32
        %add3A_654 = arith.addi %add3A_653, %scan3A_337 : i32
        %get3A_655 = arith.constant 0 : i32
        %get3A_656 = arith.index_cast %get3A_655 : i32 to index
        %get3A_657 = arith.index_cast %add3A_654 : i32 to index
        %get3A_658 = arith.constant 80 : index
        %get3A_659 = tpu.vector_load %arg7[%get3A_656, %get3A_657, %get3A_658] {strides = array<i32>} : memref<4x96x128xf32, #tpu.memory_space<vmem>>, vector<1x1x16xf32>,
        %get3A_660 = vector.shape_cast %get3A_659 : vector<1x1x16xf32> to vector<16xf32>
        %add3A_661 = arith.constant 48 : i32
        %add3A_662 = arith.addi %add3A_661, %scan3A_337 : i32
        %get3A_663 = arith.constant 0 : i32
        %get3A_664 = arith.index_cast %get3A_663 : i32 to index
        %get3A_665 = arith.index_cast %add3A_662 : i32 to index
        %get3A_666 = arith.constant 80 : index
        %get3A_667 = tpu.vector_load %arg7[%get3A_664, %get3A_665, %get3A_666] {strides = array<i32>} : memref<4x96x128xf32, #tpu.memory_space<vmem>>, vector<1x1x16xf32>,
        %get3A_668 = vector.shape_cast %get3A_667 : vector<1x1x16xf32> to vector<16xf32>
        %add3A_669 = arith.addf %get3A_660, %get3A_668 : vector<16xf32>
        %add3A_670 = arith.constant 64 : i32
        %add3A_671 = arith.addi %add3A_670, %scan3A_337 : i32
        %get3A_672 = arith.constant 0 : i32
        %get3A_673 = arith.index_cast %get3A_672 : i32 to index
        %get3A_674 = arith.index_cast %add3A_671 : i32 to index
        %get3A_675 = arith.constant 80 : index
        %get3A_676 = tpu.vector_load %arg7[%get3A_673, %get3A_674, %get3A_675] {strides = array<i32>} : memref<4x96x128xf32, #tpu.memory_space<vmem>>, vector<1x1x16xf32>,
        %get3A_677 = vector.shape_cast %get3A_676 : vector<1x1x16xf32> to vector<16xf32>
        %add3A_678 = arith.constant 80 : i32
        %add3A_679 = arith.addi %add3A_678, %scan3A_337 : i32
        %get3A_680 = arith.constant 0 : i32
        %get3A_681 = arith.index_cast %get3A_680 : i32 to index
        %get3A_682 = arith.index_cast %add3A_679 : i32 to index
        %get3A_683 = arith.constant 80 : index
        %get3A_684 = tpu.vector_load %arg7[%get3A_681, %get3A_682, %get3A_683] {strides = array<i32>} : memref<4x96x128xf32, #tpu.memory_space<vmem>>, vector<1x1x16xf32>,
        %get3A_685 = vector.shape_cast %get3A_684 : vector<1x1x16xf32> to vector<16xf32>
        %add3A_686 = arith.addf %get3A_677, %get3A_685 : vector<16xf32>
        %add3A_687 = arith.addf %add3A_669, %add3A_686 : vector<16xf32>
        %add3A_688 = arith.addf %add3A_652, %add3A_687 : vector<16xf32>
        %swap3A_689 = arith.constant 0 : i32
        %swap3A_690 = arith.index_cast %swap3A_689 : i32 to index
        %swap3A_691 = arith.index_cast %scan3A_337 : i32 to index
        %swap3A_692 = arith.constant 80 : index
        %swap3A_693 = tpu.vector_load %arg8[%swap3A_690, %swap3A_691, %swap3A_692] {strides = array<i32>} : memref<4x16x128xf32, #tpu.memory_space<vmem>>, vector<1x1x16xf32>,
        %swap3A_694 = vector.shape_cast %swap3A_693 : vector<1x1x16xf32> to vector<16xf32>
        %swap3A_695 = vector.shape_cast %add3A_688 : vector<16xf32> to vector<1x1x16xf32>
        tpu.vector_store %arg8[%swap3A_690, %swap3A_691, %swap3A_692], %swap3A_695 {strides = array<i32>} : memref<4x16x128xf32, #tpu.memory_space<vmem>>, vector<1x1x16xf32>,
        %add3A_696 = arith.constant 0 : i32
        %add3A_697 = arith.addi %add3A_696, %scan3A_337 : i32
        %get3A_698 = arith.constant 0 : i32
        %get3A_699 = arith.index_cast %get3A_698 : i32 to index
        %get3A_700 = arith.index_cast %add3A_697 : i32 to index
        %get3A_701 = arith.constant 96 : index
        %get3A_702 = tpu.vector_load %arg7[%get3A_699, %get3A_700, %get3A_701] {strides = array<i32>} : memref<4x96x128xf32, #tpu.memory_space<vmem>>, vector<1x1x16xf32>,
        %get3A_703 = vector.shape_cast %get3A_702 : vector<1x1x16xf32> to vector<16xf32>
        %add3A_704 = arith.constant 16 : i32
        %add3A_705 = arith.addi %add3A_704, %scan3A_337 : i32
        %get3A_706 = arith.constant 0 : i32
        %get3A_707 = arith.index_cast %get3A_706 : i32 to index
        %get3A_708 = arith.index_cast %add3A_705 : i32 to index
        %get3A_709 = arith.constant 96 : index
        %get3A_710 = tpu.vector_load %arg7[%get3A_707, %get3A_708, %get3A_709] {strides = array<i32>} : memref<4x96x128xf32, #tpu.memory_space<vmem>>, vector<1x1x16xf32>,
        %get3A_711 = vector.shape_cast %get3A_710 : vector<1x1x16xf32> to vector<16xf32>
        %add3A_712 = arith.addf %get3A_703, %get3A_711 : vector<16xf32>
        %add3A_713 = arith.constant 32 : i32
        %add3A_714 = arith.addi %add3A_713, %scan3A_337 : i32
        %get3A_715 = arith.constant 0 : i32
        %get3A_716 = arith.index_cast %get3A_715 : i32 to index
        %get3A_717 = arith.index_cast %add3A_714 : i32 to index
        %get3A_718 = arith.constant 96 : index
        %get3A_719 = tpu.vector_load %arg7[%get3A_716, %get3A_717, %get3A_718] {strides = array<i32>} : memref<4x96x128xf32, #tpu.memory_space<vmem>>, vector<1x1x16xf32>,
        %get3A_720 = vector.shape_cast %get3A_719 : vector<1x1x16xf32> to vector<16xf32>
        %add3A_721 = arith.constant 48 : i32
        %add3A_722 = arith.addi %add3A_721, %scan3A_337 : i32
        %get3A_723 = arith.constant 0 : i32
        %get3A_724 = arith.index_cast %get3A_723 : i32 to index
        %get3A_725 = arith.index_cast %add3A_722 : i32 to index
        %get3A_726 = arith.constant 96 : index
        %get3A_727 = tpu.vector_load %arg7[%get3A_724, %get3A_725, %get3A_726] {strides = array<i32>} : memref<4x96x128xf32, #tpu.memory_space<vmem>>, vector<1x1x16xf32>,
        %get3A_728 = vector.shape_cast %get3A_727 : vector<1x1x16xf32> to vector<16xf32>
        %add3A_729 = arith.addf %get3A_720, %get3A_728 : vector<16xf32>
        %add3A_730 = arith.constant 64 : i32
        %add3A_731 = arith.addi %add3A_730, %scan3A_337 : i32
        %get3A_732 = arith.constant 0 : i32
        %get3A_733 = arith.index_cast %get3A_732 : i32 to index
        %get3A_734 = arith.index_cast %add3A_731 : i32 to index
        %get3A_735 = arith.constant 96 : index
        %get3A_736 = tpu.vector_load %arg7[%get3A_733, %get3A_734, %get3A_735] {strides = array<i32>} : memref<4x96x128xf32, #tpu.memory_space<vmem>>, vector<1x1x16xf32>,
        %get3A_737 = vector.shape_cast %get3A_736 : vector<1x1x16xf32> to vector<16xf32>
        %add3A_738 = arith.constant 80 : i32
        %add3A_739 = arith.addi %add3A_738, %scan3A_337 : i32
        %get3A_740 = arith.constant 0 : i32
        %get3A_741 = arith.index_cast %get3A_740 : i32 to index
        %get3A_742 = arith.index_cast %add3A_739 : i32 to index
        %get3A_743 = arith.constant 96 : index
        %get3A_744 = tpu.vector_load %arg7[%get3A_741, %get3A_742, %get3A_743] {strides = array<i32>} : memref<4x96x128xf32, #tpu.memory_space<vmem>>, vector<1x1x16xf32>,
        %get3A_745 = vector.shape_cast %get3A_744 : vector<1x1x16xf32> to vector<16xf32>
        %add3A_746 = arith.addf %get3A_737, %get3A_745 : vector<16xf32>
        %add3A_747 = arith.addf %add3A_729, %add3A_746 : vector<16xf32>
        %add3A_748 = arith.addf %add3A_712, %add3A_747 : vector<16xf32>
        %swap3A_749 = arith.constant 0 : i32
        %swap3A_750 = arith.index_cast %swap3A_749 : i32 to index
        %swap3A_751 = arith.index_cast %scan3A_337 : i32 to index
        %swap3A_752 = arith.constant 96 : index
        %swap3A_753 = tpu.vector_load %arg8[%swap3A_750, %swap3A_751, %swap3A_752] {strides = array<i32>} : memref<4x16x128xf32, #tpu.memory_space<vmem>>, vector<1x1x16xf32>,
        %swap3A_754 = vector.shape_cast %swap3A_753 : vector<1x1x16xf32> to vector<16xf32>
        %swap3A_755 = vector.shape_cast %add3A_748 : vector<16xf32> to vector<1x1x16xf32>
        tpu.vector_store %arg8[%swap3A_750, %swap3A_751, %swap3A_752], %swap3A_755 {strides = array<i32>} : memref<4x16x128xf32, #tpu.memory_space<vmem>>, vector<1x1x16xf32>,
        %add3A_756 = arith.constant 0 : i32
        %add3A_757 = arith.addi %add3A_756, %scan3A_337 : i32
        %get3A_758 = arith.constant 0 : i32
        %get3A_759 = arith.index_cast %get3A_758 : i32 to index
        %get3A_760 = arith.index_cast %add3A_757 : i32 to index
        %get3A_761 = arith.constant 112 : index
        %get3A_762 = tpu.vector_load %arg7[%get3A_759, %get3A_760, %get3A_761] {strides = array<i32>} : memref<4x96x128xf32, #tpu.memory_space<vmem>>, vector<1x1x16xf32>,
        %get3A_763 = vector.shape_cast %get3A_762 : vector<1x1x16xf32> to vector<16xf32>
        %add3A_764 = arith.constant 16 : i32
        %add3A_765 = arith.addi %add3A_764, %scan3A_337 : i32
        %get3A_766 = arith.constant 0 : i32
        %get3A_767 = arith.index_cast %get3A_766 : i32 to index
        %get3A_768 = arith.index_cast %add3A_765 : i32 to index
        %get3A_769 = arith.constant 112 : index
        %get3A_770 = tpu.vector_load %arg7[%get3A_767, %get3A_768, %get3A_769] {strides = array<i32>} : memref<4x96x128xf32, #tpu.memory_space<vmem>>, vector<1x1x16xf32>,
        %get3A_771 = vector.shape_cast %get3A_770 : vector<1x1x16xf32> to vector<16xf32>
        %add3A_772 = arith.addf %get3A_763, %get3A_771 : vector<16xf32>
        %add3A_773 = arith.constant 32 : i32
        %add3A_774 = arith.addi %add3A_773, %scan3A_337 : i32
        %get3A_775 = arith.constant 0 : i32
        %get3A_776 = arith.index_cast %get3A_775 : i32 to index
        %get3A_777 = arith.index_cast %add3A_774 : i32 to index
        %get3A_778 = arith.constant 112 : index
        %get3A_779 = tpu.vector_load %arg7[%get3A_776, %get3A_777, %get3A_778] {strides = array<i32>} : memref<4x96x128xf32, #tpu.memory_space<vmem>>, vector<1x1x16xf32>,
        %get3A_780 = vector.shape_cast %get3A_779 : vector<1x1x16xf32> to vector<16xf32>
        %add3A_781 = arith.constant 48 : i32
        %add3A_782 = arith.addi %add3A_781, %scan3A_337 : i32
        %get3A_783 = arith.constant 0 : i32
        %get3A_784 = arith.index_cast %get3A_783 : i32 to index
        %get3A_785 = arith.index_cast %add3A_782 : i32 to index
        %get3A_786 = arith.constant 112 : index
        %get3A_787 = tpu.vector_load %arg7[%get3A_784, %get3A_785, %get3A_786] {strides = array<i32>} : memref<4x96x128xf32, #tpu.memory_space<vmem>>, vector<1x1x16xf32>,
        %get3A_788 = vector.shape_cast %get3A_787 : vector<1x1x16xf32> to vector<16xf32>
        %add3A_789 = arith.addf %get3A_780, %get3A_788 : vector<16xf32>
        %add3A_790 = arith.constant 64 : i32
        %add3A_791 = arith.addi %add3A_790, %scan3A_337 : i32
        %get3A_792 = arith.constant 0 : i32
        %get3A_793 = arith.index_cast %get3A_792 : i32 to index
        %get3A_794 = arith.index_cast %add3A_791 : i32 to index
        %get3A_795 = arith.constant 112 : index
        %get3A_796 = tpu.vector_load %arg7[%get3A_793, %get3A_794, %get3A_795] {strides = array<i32>} : memref<4x96x128xf32, #tpu.memory_space<vmem>>, vector<1x1x16xf32>,
        %get3A_797 = vector.shape_cast %get3A_796 : vector<1x1x16xf32> to vector<16xf32>
        %add3A_798 = arith.constant 80 : i32
        %add3A_799 = arith.addi %add3A_798, %scan3A_337 : i32
        %get3A_800 = arith.constant 0 : i32
        %get3A_801 = arith.index_cast %get3A_800 : i32 to index
        %get3A_802 = arith.index_cast %add3A_799 : i32 to index
        %get3A_803 = arith.constant 112 : index
        %get3A_804 = tpu.vector_load %arg7[%get3A_801, %get3A_802, %get3A_803] {strides = array<i32>} : memref<4x96x128xf32, #tpu.memory_space<vmem>>, vector<1x1x16xf32>,
        %get3A_805 = vector.shape_cast %get3A_804 : vector<1x1x16xf32> to vector<16xf32>
        %add3A_806 = arith.addf %get3A_797, %get3A_805 : vector<16xf32>
        %add3A_807 = arith.addf %add3A_789, %add3A_806 : vector<16xf32>
        %add3A_808 = arith.addf %add3A_772, %add3A_807 : vector<16xf32>
        %swap3A_809 = arith.constant 0 : i32
        %swap3A_810 = arith.index_cast %swap3A_809 : i32 to index
        %swap3A_811 = arith.index_cast %scan3A_337 : i32 to index
        %swap3A_812 = arith.constant 112 : index
        %swap3A_813 = tpu.vector_load %arg8[%swap3A_810, %swap3A_811, %swap3A_812] {strides = array<i32>} : memref<4x16x128xf32, #tpu.memory_space<vmem>>, vector<1x1x16xf32>,
        %swap3A_814 = vector.shape_cast %swap3A_813 : vector<1x1x16xf32> to vector<16xf32>
        %swap3A_815 = vector.shape_cast %add3A_808 : vector<16xf32> to vector<1x1x16xf32>
        tpu.vector_store %arg8[%swap3A_810, %swap3A_811, %swap3A_812], %swap3A_815 {strides = array<i32>} : memref<4x16x128xf32, #tpu.memory_space<vmem>>, vector<1x1x16xf32>,
        %scan3A_816 = arith.constant 1 : i32
        %scan3A_817 = arith.addi %scan3A_337, %scan3A_816 : i32
        %add3A_818 = arith.constant 0 : i32
        %add3A_819 = arith.addi %add3A_818, %scan3A_817 : i32
        %get3A_820 = arith.constant 0 : i32
        %get3A_821 = arith.index_cast %get3A_820 : i32 to index
        %get3A_822 = arith.index_cast %add3A_819 : i32 to index
        %get3A_823 = arith.constant 0 : index
        %get3A_824 = tpu.vector_load %arg7[%get3A_821, %get3A_822, %get3A_823] {strides = array<i32>} : memref<4x96x128xf32, #tpu.memory_space<vmem>>, vector<1x1x16xf32>,
        %get3A_825 = vector.shape_cast %get3A_824 : vector<1x1x16xf32> to vector<16xf32>
        %add3A_826 = arith.constant 16 : i32
        %add3A_827 = arith.addi %add3A_826, %scan3A_817 : i32
        %get3A_828 = arith.constant 0 : i32
        %get3A_829 = arith.index_cast %get3A_828 : i32 to index
        %get3A_830 = arith.index_cast %add3A_827 : i32 to index
        %get3A_831 = arith.constant 0 : index
        %get3A_832 = tpu.vector_load %arg7[%get3A_829, %get3A_830, %get3A_831] {strides = array<i32>} : memref<4x96x128xf32, #tpu.memory_space<vmem>>, vector<1x1x16xf32>,
        %get3A_833 = vector.shape_cast %get3A_832 : vector<1x1x16xf32> to vector<16xf32>
        %add3A_834 = arith.addf %get3A_825, %get3A_833 : vector<16xf32>
        %add3A_835 = arith.constant 32 : i32
        %add3A_836 = arith.addi %add3A_835, %scan3A_817 : i32
        %get3A_837 = arith.constant 0 : i32
        %get3A_838 = arith.index_cast %get3A_837 : i32 to index
        %get3A_839 = arith.index_cast %add3A_836 : i32 to index
        %get3A_840 = arith.constant 0 : index
        %get3A_841 = tpu.vector_load %arg7[%get3A_838, %get3A_839, %get3A_840] {strides = array<i32>} : memref<4x96x128xf32, #tpu.memory_space<vmem>>, vector<1x1x16xf32>,
        %get3A_842 = vector.shape_cast %get3A_841 : vector<1x1x16xf32> to vector<16xf32>
        %add3A_843 = arith.constant 48 : i32
        %add3A_844 = arith.addi %add3A_843, %scan3A_817 : i32
        %get3A_845 = arith.constant 0 : i32
        %get3A_846 = arith.index_cast %get3A_845 : i32 to index
        %get3A_847 = arith.index_cast %add3A_844 : i32 to index
        %get3A_848 = arith.constant 0 : index
        %get3A_849 = tpu.vector_load %arg7[%get3A_846, %get3A_847, %get3A_848] {strides = array<i32>} : memref<4x96x128xf32, #tpu.memory_space<vmem>>, vector<1x1x16xf32>,
        %get3A_850 = vector.shape_cast %get3A_849 : vector<1x1x16xf32> to vector<16xf32>
        %add3A_851 = arith.addf %get3A_842, %get3A_850 : vector<16xf32>
        %add3A_852 = arith.constant 64 : i32
        %add3A_853 = arith.addi %add3A_852, %scan3A_817 : i32
        %get3A_854 = arith.constant 0 : i32
        %get3A_855 = arith.index_cast %get3A_854 : i32 to index
        %get3A_856 = arith.index_cast %add3A_853 : i32 to index
        %get3A_857 = arith.constant 0 : index
        %get3A_858 = tpu.vector_load %arg7[%get3A_855, %get3A_856, %get3A_857] {strides = array<i32>} : memref<4x96x128xf32, #tpu.memory_space<vmem>>, vector<1x1x16xf32>,
        %get3A_859 = vector.shape_cast %get3A_858 : vector<1x1x16xf32> to vector<16xf32>
        %add3A_860 = arith.constant 80 : i32
        %add3A_861 = arith.addi %add3A_860, %scan3A_817 : i32
        %get3A_862 = arith.constant 0 : i32
        %get3A_863 = arith.index_cast %get3A_862 : i32 to index
        %get3A_864 = arith.index_cast %add3A_861 : i32 to index
        %get3A_865 = arith.constant 0 : index
        %get3A_866 = tpu.vector_load %arg7[%get3A_863, %get3A_864, %get3A_865] {strides = array<i32>} : memref<4x96x128xf32, #tpu.memory_space<vmem>>, vector<1x1x16xf32>,
        %get3A_867 = vector.shape_cast %get3A_866 : vector<1x1x16xf32> to vector<16xf32>
        %add3A_868 = arith.addf %get3A_859, %get3A_867 : vector<16xf32>
        %add3A_869 = arith.addf %add3A_851, %add3A_868 : vector<16xf32>
        %add3A_870 = arith.addf %add3A_834, %add3A_869 : vector<16xf32>
        %swap3A_871 = arith.constant 0 : i32
        %swap3A_872 = arith.index_cast %swap3A_871 : i32 to index
        %swap3A_873 = arith.index_cast %scan3A_817 : i32 to index
        %swap3A_874 = arith.constant 0 : index
        %swap3A_875 = tpu.vector_load %arg8[%swap3A_872, %swap3A_873, %swap3A_874] {strides = array<i32>} : memref<4x16x128xf32, #tpu.memory_space<vmem>>, vector<1x1x16xf32>,
        %swap3A_876 = vector.shape_cast %swap3A_875 : vector<1x1x16xf32> to vector<16xf32>
        %swap3A_877 = vector.shape_cast %add3A_870 : vector<16xf32> to vector<1x1x16xf32>
        tpu.vector_store %arg8[%swap3A_872, %swap3A_873, %swap3A_874], %swap3A_877 {strides = array<i32>} : memref<4x16x128xf32, #tpu.memory_space<vmem>>, vector<1x1x16xf32>,
        %add3A_878 = arith.constant 0 : i32
        %add3A_879 = arith.addi %add3A_878, %scan3A_817 : i32
        %get3A_880 = arith.constant 0 : i32
        %get3A_881 = arith.index_cast %get3A_880 : i32 to index
        %get3A_882 = arith.index_cast %add3A_879 : i32 to index
        %get3A_883 = arith.constant 16 : index
        %get3A_884 = tpu.vector_load %arg7[%get3A_881, %get3A_882, %get3A_883] {strides = array<i32>} : memref<4x96x128xf32, #tpu.memory_space<vmem>>, vector<1x1x16xf32>,
        %get3A_885 = vector.shape_cast %get3A_884 : vector<1x1x16xf32> to vector<16xf32>
        %add3A_886 = arith.constant 16 : i32
        %add3A_887 = arith.addi %add3A_886, %scan3A_817 : i32
        %get3A_888 = arith.constant 0 : i32
        %get3A_889 = arith.index_cast %get3A_888 : i32 to index
        %get3A_890 = arith.index_cast %add3A_887 : i32 to index
        %get3A_891 = arith.constant 16 : index
        %get3A_892 = tpu.vector_load %arg7[%get3A_889, %get3A_890, %get3A_891] {strides = array<i32>} : memref<4x96x128xf32, #tpu.memory_space<vmem>>, vector<1x1x16xf32>,
        %get3A_893 = vector.shape_cast %get3A_892 : vector<1x1x16xf32> to vector<16xf32>
        %add3A_894 = arith.addf %get3A_885, %get3A_893 : vector<16xf32>
        %add3A_895 = arith.constant 32 : i32
        %add3A_896 = arith.addi %add3A_895, %scan3A_817 : i32
        %get3A_897 = arith.constant 0 : i32
        %get3A_898 = arith.index_cast %get3A_897 : i32 to index
        %get3A_899 = arith.index_cast %add3A_896 : i32 to index
        %get3A_900 = arith.constant 16 : index
        %get3A_901 = tpu.vector_load %arg7[%get3A_898, %get3A_899, %get3A_900] {strides = array<i32>} : memref<4x96x128xf32, #tpu.memory_space<vmem>>, vector<1x1x16xf32>,
        %get3A_902 = vector.shape_cast %get3A_901 : vector<1x1x16xf32> to vector<16xf32>
        %add3A_903 = arith.constant 48 : i32
        %add3A_904 = arith.addi %add3A_903, %scan3A_817 : i32
        %get3A_905 = arith.constant 0 : i32
        %get3A_906 = arith.index_cast %get3A_905 : i32 to index
        %get3A_907 = arith.index_cast %add3A_904 : i32 to index
        %get3A_908 = arith.constant 16 : index
        %get3A_909 = tpu.vector_load %arg7[%get3A_906, %get3A_907, %get3A_908] {strides = array<i32>} : memref<4x96x128xf32, #tpu.memory_space<vmem>>, vector<1x1x16xf32>,
        %get3A_910 = vector.shape_cast %get3A_909 : vector<1x1x16xf32> to vector<16xf32>
        %add3A_911 = arith.addf %get3A_902, %get3A_910 : vector<16xf32>
        %add3A_912 = arith.constant 64 : i32
        %add3A_913 = arith.addi %add3A_912, %scan3A_817 : i32
        %get3A_914 = arith.constant 0 : i32
        %get3A_915 = arith.index_cast %get3A_914 : i32 to index
        %get3A_916 = arith.index_cast %add3A_913 : i32 to index
        %get3A_917 = arith.constant 16 : index
        %get3A_918 = tpu.vector_load %arg7[%get3A_915, %get3A_916, %get3A_917] {strides = array<i32>} : memref<4x96x128xf32, #tpu.memory_space<vmem>>, vector<1x1x16xf32>,
        %get3A_919 = vector.shape_cast %get3A_918 : vector<1x1x16xf32> to vector<16xf32>
        %add3A_920 = arith.constant 80 : i32
        %add3A_921 = arith.addi %add3A_920, %scan3A_817 : i32
        %get3A_922 = arith.constant 0 : i32
        %get3A_923 = arith.index_cast %get3A_922 : i32 to index
        %get3A_924 = arith.index_cast %add3A_921 : i32 to index
        %get3A_925 = arith.constant 16 : index
        %get3A_926 = tpu.vector_load %arg7[%get3A_923, %get3A_924, %get3A_925] {strides = array<i32>} : memref<4x96x128xf32, #tpu.memory_space<vmem>>, vector<1x1x16xf32>,
        %get3A_927 = vector.shape_cast %get3A_926 : vector<1x1x16xf32> to vector<16xf32>
        %add3A_928 = arith.addf %get3A_919, %get3A_927 : vector<16xf32>
        %add3A_929 = arith.addf %add3A_911, %add3A_928 : vector<16xf32>
        %add3A_930 = arith.addf %add3A_894, %add3A_929 : vector<16xf32>
        %swap3A_931 = arith.constant 0 : i32
        %swap3A_932 = arith.index_cast %swap3A_931 : i32 to index
        %swap3A_933 = arith.index_cast %scan3A_817 : i32 to index
        %swap3A_934 = arith.constant 16 : index
        %swap3A_935 = tpu.vector_load %arg8[%swap3A_932, %swap3A_933, %swap3A_934] {strides = array<i32>} : memref<4x16x128xf32, #tpu.memory_space<vmem>>, vector<1x1x16xf32>,
        %swap3A_936 = vector.shape_cast %swap3A_935 : vector<1x1x16xf32> to vector<16xf32>
        %swap3A_937 = vector.shape_cast %add3A_930 : vector<16xf32> to vector<1x1x16xf32>
        tpu.vector_store %arg8[%swap3A_932, %swap3A_933, %swap3A_934], %swap3A_937 {strides = array<i32>} : memref<4x16x128xf32, #tpu.memory_space<vmem>>, vector<1x1x16xf32>,
        %add3A_938 = arith.constant 0 : i32
        %add3A_939 = arith.addi %add3A_938, %scan3A_817 : i32
        %get3A_940 = arith.constant 0 : i32
        %get3A_941 = arith.index_cast %get3A_940 : i32 to index
        %get3A_942 = arith.index_cast %add3A_939 : i32 to index
        %get3A_943 = arith.constant 32 : index
        %get3A_944 = tpu.vector_load %arg7[%get3A_941, %get3A_942, %get3A_943] {strides = array<i32>} : memref<4x96x128xf32, #tpu.memory_space<vmem>>, vector<1x1x16xf32>,
        %get3A_945 = vector.shape_cast %get3A_944 : vector<1x1x16xf32> to vector<16xf32>
        %add3A_946 = arith.constant 16 : i32
        %add3A_947 = arith.addi %add3A_946, %scan3A_817 : i32
        %get3A_948 = arith.constant 0 : i32
        %get3A_949 = arith.index_cast %get3A_948 : i32 to index
        %get3A_950 = arith.index_cast %add3A_947 : i32 to index
        %get3A_951 = arith.constant 32 : index
        %get3A_952 = tpu.vector_load %arg7[%get3A_949, %get3A_950, %get3A_951] {strides = array<i32>} : memref<4x96x128xf32, #tpu.memory_space<vmem>>, vector<1x1x16xf32>,
        %get3A_953 = vector.shape_cast %get3A_952 : vector<1x1x16xf32> to vector<16xf32>
        %add3A_954 = arith.addf %get3A_945, %get3A_953 : vector<16xf32>
        %add3A_955 = arith.constant 32 : i32
        %add3A_956 = arith.addi %add3A_955, %scan3A_817 : i32
        %get3A_957 = arith.constant 0 : i32
        %get3A_958 = arith.index_cast %get3A_957 : i32 to index
        %get3A_959 = arith.index_cast %add3A_956 : i32 to index
        %get3A_960 = arith.constant 32 : index
        %get3A_961 = tpu.vector_load %arg7[%get3A_958, %get3A_959, %get3A_960] {strides = array<i32>} : memref<4x96x128xf32, #tpu.memory_space<vmem>>, vector<1x1x16xf32>,
        %get3A_962 = vector.shape_cast %get3A_961 : vector<1x1x16xf32> to vector<16xf32>
        %add3A_963 = arith.constant 48 : i32
        %add3A_964 = arith.addi %add3A_963, %scan3A_817 : i32
        %get3A_965 = arith.constant 0 : i32
        %get3A_966 = arith.index_cast %get3A_965 : i32 to index
        %get3A_967 = arith.index_cast %add3A_964 : i32 to index
        %get3A_968 = arith.constant 32 : index
        %get3A_969 = tpu.vector_load %arg7[%get3A_966, %get3A_967, %get3A_968] {strides = array<i32>} : memref<4x96x128xf32, #tpu.memory_space<vmem>>, vector<1x1x16xf32>,
        %get3A_970 = vector.shape_cast %get3A_969 : vector<1x1x16xf32> to vector<16xf32>
        %add3A_971 = arith.addf %get3A_962, %get3A_970 : vector<16xf32>
        %add3A_972 = arith.constant 64 : i32
        %add3A_973 = arith.addi %add3A_972, %scan3A_817 : i32
        %get3A_974 = arith.constant 0 : i32
        %get3A_975 = arith.index_cast %get3A_974 : i32 to index
        %get3A_976 = arith.index_cast %add3A_973 : i32 to index
        %get3A_977 = arith.constant 32 : index
        %get3A_978 = tpu.vector_load %arg7[%get3A_975, %get3A_976, %get3A_977] {strides = array<i32>} : memref<4x96x128xf32, #tpu.memory_space<vmem>>, vector<1x1x16xf32>,
        %get3A_979 = vector.shape_cast %get3A_978 : vector<1x1x16xf32> to vector<16xf32>
        %add3A_980 = arith.constant 80 : i32
        %add3A_981 = arith.addi %add3A_980, %scan3A_817 : i32
        %get3A_982 = arith.constant 0 : i32
        %get3A_983 = arith.index_cast %get3A_982 : i32 to index
        %get3A_984 = arith.index_cast %add3A_981 : i32 to index
        %get3A_985 = arith.constant 32 : index
        %get3A_986 = tpu.vector_load %arg7[%get3A_983, %get3A_984, %get3A_985] {strides = array<i32>} : memref<4x96x128xf32, #tpu.memory_space<vmem>>, vector<1x1x16xf32>,
        %get3A_987 = vector.shape_cast %get3A_986 : vector<1x1x16xf32> to vector<16xf32>
        %add3A_988 = arith.addf %get3A_979, %get3A_987 : vector<16xf32>
        %add3A_989 = arith.addf %add3A_971, %add3A_988 : vector<16xf32>
        %add3A_990 = arith.addf %add3A_954, %add3A_989 : vector<16xf32>
        %swap3A_991 = arith.constant 0 : i32
        %swap3A_992 = arith.index_cast %swap3A_991 : i32 to index
        %swap3A_993 = arith.index_cast %scan3A_817 : i32 to index
        %swap3A_994 = arith.constant 32 : index
        %swap3A_995 = tpu.vector_load %arg8[%swap3A_992, %swap3A_993, %swap3A_994] {strides = array<i32>} : memref<4x16x128xf32, #tpu.memory_space<vmem>>, vector<1x1x16xf32>,
        %swap3A_996 = vector.shape_cast %swap3A_995 : vector<1x1x16xf32> to vector<16xf32>
        %swap3A_997 = vector.shape_cast %add3A_990 : vector<16xf32> to vector<1x1x16xf32>
        tpu.vector_store %arg8[%swap3A_992, %swap3A_993, %swap3A_994], %swap3A_997 {strides = array<i32>} : memref<4x16x128xf32, #tpu.memory_space<vmem>>, vector<1x1x16xf32>,
        %add3A_998 = arith.constant 0 : i32
        %add3A_999 = arith.addi %add3A_998, %scan3A_817 : i32
        %get3A_1000 = arith.constant 0 : i32
        %get3A_1001 = arith.index_cast %get3A_1000 : i32 to index
        %get3A_1002 = arith.index_cast %add3A_999 : i32 to index
        %get3A_1003 = arith.constant 48 : index
        %get3A_1004 = tpu.vector_load %arg7[%get3A_1001, %get3A_1002, %get3A_1003] {strides = array<i32>} : memref<4x96x128xf32, #tpu.memory_space<vmem>>, vector<1x1x16xf32>,
        %get3A_1005 = vector.shape_cast %get3A_1004 : vector<1x1x16xf32> to vector<16xf32>
        %add3A_1006 = arith.constant 16 : i32
        %add3A_1007 = arith.addi %add3A_1006, %scan3A_817 : i32
        %get3A_1008 = arith.constant 0 : i32
        %get3A_1009 = arith.index_cast %get3A_1008 : i32 to index
        %get3A_1010 = arith.index_cast %add3A_1007 : i32 to index
        %get3A_1011 = arith.constant 48 : index
        %get3A_1012 = tpu.vector_load %arg7[%get3A_1009, %get3A_1010, %get3A_1011] {strides = array<i32>} : memref<4x96x128xf32, #tpu.memory_space<vmem>>, vector<1x1x16xf32>,
        %get3A_1013 = vector.shape_cast %get3A_1012 : vector<1x1x16xf32> to vector<16xf32>
        %add3A_1014 = arith.addf %get3A_1005, %get3A_1013 : vector<16xf32>
        %add3A_1015 = arith.constant 32 : i32
        %add3A_1016 = arith.addi %add3A_1015, %scan3A_817 : i32
        %get3A_1017 = arith.constant 0 : i32
        %get3A_1018 = arith.index_cast %get3A_1017 : i32 to index
        %get3A_1019 = arith.index_cast %add3A_1016 : i32 to index
        %get3A_1020 = arith.constant 48 : index
        %get3A_1021 = tpu.vector_load %arg7[%get3A_1018, %get3A_1019, %get3A_1020] {strides = array<i32>} : memref<4x96x128xf32, #tpu.memory_space<vmem>>, vector<1x1x16xf32>,
        %get3A_1022 = vector.shape_cast %get3A_1021 : vector<1x1x16xf32> to vector<16xf32>
        %add3A_1023 = arith.constant 48 : i32
        %add3A_1024 = arith.addi %add3A_1023, %scan3A_817 : i32
        %get3A_1025 = arith.constant 0 : i32
        %get3A_1026 = arith.index_cast %get3A_1025 : i32 to index
        %get3A_1027 = arith.index_cast %add3A_1024 : i32 to index
        %get3A_1028 = arith.constant 48 : index
        %get3A_1029 = tpu.vector_load %arg7[%get3A_1026, %get3A_1027, %get3A_1028] {strides = array<i32>} : memref<4x96x128xf32, #tpu.memory_space<vmem>>, vector<1x1x16xf32>,
        %get3A_1030 = vector.shape_cast %get3A_1029 : vector<1x1x16xf32> to vector<16xf32>
        %add3A_1031 = arith.addf %get3A_1022, %get3A_1030 : vector<16xf32>
        %add3A_1032 = arith.constant 64 : i32
        %add3A_1033 = arith.addi %add3A_1032, %scan3A_817 : i32
        %get3A_1034 = arith.constant 0 : i32
        %get3A_1035 = arith.index_cast %get3A_1034 : i32 to index
        %get3A_1036 = arith.index_cast %add3A_1033 : i32 to index
        %get3A_1037 = arith.constant 48 : index
        %get3A_1038 = tpu.vector_load %arg7[%get3A_1035, %get3A_1036, %get3A_1037] {strides = array<i32>} : memref<4x96x128xf32, #tpu.memory_space<vmem>>, vector<1x1x16xf32>,
        %get3A_1039 = vector.shape_cast %get3A_1038 : vector<1x1x16xf32> to vector<16xf32>
        %add3A_1040 = arith.constant 80 : i32
        %add3A_1041 = arith.addi %add3A_1040, %scan3A_817 : i32
        %get3A_1042 = arith.constant 0 : i32
        %get3A_1043 = arith.index_cast %get3A_1042 : i32 to index
        %get3A_1044 = arith.index_cast %add3A_1041 : i32 to index
        %get3A_1045 = arith.constant 48 : index
        %get3A_1046 = tpu.vector_load %arg7[%get3A_1043, %get3A_1044, %get3A_1045] {strides = array<i32>} : memref<4x96x128xf32, #tpu.memory_space<vmem>>, vector<1x1x16xf32>,
        %get3A_1047 = vector.shape_cast %get3A_1046 : vector<1x1x16xf32> to vector<16xf32>
        %add3A_1048 = arith.addf %get3A_1039, %get3A_1047 : vector<16xf32>
        %add3A_1049 = arith.addf %add3A_1031, %add3A_1048 : vector<16xf32>
        %add3A_1050 = arith.addf %add3A_1014, %add3A_1049 : vector<16xf32>
        %swap3A_1051 = arith.constant 0 : i32
        %swap3A_1052 = arith.index_cast %swap3A_1051 : i32 to index
        %swap3A_1053 = arith.index_cast %scan3A_817 : i32 to index
        %swap3A_1054 = arith.constant 48 : index
        %swap3A_1055 = tpu.vector_load %arg8[%swap3A_1052, %swap3A_1053, %swap3A_1054] {strides = array<i32>} : memref<4x16x128xf32, #tpu.memory_space<vmem>>, vector<1x1x16xf32>,
        %swap3A_1056 = vector.shape_cast %swap3A_1055 : vector<1x1x16xf32> to vector<16xf32>
        %swap3A_1057 = vector.shape_cast %add3A_1050 : vector<16xf32> to vector<1x1x16xf32>
        tpu.vector_store %arg8[%swap3A_1052, %swap3A_1053, %swap3A_1054], %swap3A_1057 {strides = array<i32>} : memref<4x16x128xf32, #tpu.memory_space<vmem>>, vector<1x1x16xf32>,
        %add3A_1058 = arith.constant 0 : i32
        %add3A_1059 = arith.addi %add3A_1058, %scan3A_817 : i32
        %get3A_1060 = arith.constant 0 : i32
        %get3A_1061 = arith.index_cast %get3A_1060 : i32 to index
        %get3A_1062 = arith.index_cast %add3A_1059 : i32 to index
        %get3A_1063 = arith.constant 64 : index
        %get3A_1064 = tpu.vector_load %arg7[%get3A_1061, %get3A_1062, %get3A_1063] {strides = array<i32>} : memref<4x96x128xf32, #tpu.memory_space<vmem>>, vector<1x1x16xf32>,
        %get3A_1065 = vector.shape_cast %get3A_1064 : vector<1x1x16xf32> to vector<16xf32>
        %add3A_1066 = arith.constant 16 : i32
        %add3A_1067 = arith.addi %add3A_1066, %scan3A_817 : i32
        %get3A_1068 = arith.constant 0 : i32
        %get3A_1069 = arith.index_cast %get3A_1068 : i32 to index
        %get3A_1070 = arith.index_cast %add3A_1067 : i32 to index
        %get3A_1071 = arith.constant 64 : index
        %get3A_1072 = tpu.vector_load %arg7[%get3A_1069, %get3A_1070, %get3A_1071] {strides = array<i32>} : memref<4x96x128xf32, #tpu.memory_space<vmem>>, vector<1x1x16xf32>,
        %get3A_1073 = vector.shape_cast %get3A_1072 : vector<1x1x16xf32> to vector<16xf32>
        %add3A_1074 = arith.addf %get3A_1065, %get3A_1073 : vector<16xf32>
        %add3A_1075 = arith.constant 32 : i32
        %add3A_1076 = arith.addi %add3A_1075, %scan3A_817 : i32
        %get3A_1077 = arith.constant 0 : i32
        %get3A_1078 = arith.index_cast %get3A_1077 : i32 to index
        %get3A_1079 = arith.index_cast %add3A_1076 : i32 to index
        %get3A_1080 = arith.constant 64 : index
        %get3A_1081 = tpu.vector_load %arg7[%get3A_1078, %get3A_1079, %get3A_1080] {strides = array<i32>} : memref<4x96x128xf32, #tpu.memory_space<vmem>>, vector<1x1x16xf32>,
        %get3A_1082 = vector.shape_cast %get3A_1081 : vector<1x1x16xf32> to vector<16xf32>
        %add3A_1083 = arith.constant 48 : i32
        %add3A_1084 = arith.addi %add3A_1083, %scan3A_817 : i32
        %get3A_1085 = arith.constant 0 : i32
        %get3A_1086 = arith.index_cast %get3A_1085 : i32 to index
        %get3A_1087 = arith.index_cast %add3A_1084 : i32 to index
        %get3A_1088 = arith.constant 64 : index
        %get3A_1089 = tpu.vector_load %arg7[%get3A_1086, %get3A_1087, %get3A_1088] {strides = array<i32>} : memref<4x96x128xf32, #tpu.memory_space<vmem>>, vector<1x1x16xf32>,
        %get3A_1090 = vector.shape_cast %get3A_1089 : vector<1x1x16xf32> to vector<16xf32>
        %add3A_1091 = arith.addf %get3A_1082, %get3A_1090 : vector<16xf32>
        %add3A_1092 = arith.constant 64 : i32
        %add3A_1093 = arith.addi %add3A_1092, %scan3A_817 : i32
        %get3A_1094 = arith.constant 0 : i32
        %get3A_1095 = arith.index_cast %get3A_1094 : i32 to index
        %get3A_1096 = arith.index_cast %add3A_1093 : i32 to index
        %get3A_1097 = arith.constant 64 : index
        %get3A_1098 = tpu.vector_load %arg7[%get3A_1095, %get3A_1096, %get3A_1097] {strides = array<i32>} : memref<4x96x128xf32, #tpu.memory_space<vmem>>, vector<1x1x16xf32>,
        %get3A_1099 = vector.shape_cast %get3A_1098 : vector<1x1x16xf32> to vector<16xf32>
        %add3A_1100 = arith.constant 80 : i32
        %add3A_1101 = arith.addi %add3A_1100, %scan3A_817 : i32
        %get3A_1102 = arith.constant 0 : i32
        %get3A_1103 = arith.index_cast %get3A_1102 : i32 to index
        %get3A_1104 = arith.index_cast %add3A_1101 : i32 to index
        %get3A_1105 = arith.constant 64 : index
        %get3A_1106 = tpu.vector_load %arg7[%get3A_1103, %get3A_1104, %get3A_1105] {strides = array<i32>} : memref<4x96x128xf32, #tpu.memory_space<vmem>>, vector<1x1x16xf32>,
        %get3A_1107 = vector.shape_cast %get3A_1106 : vector<1x1x16xf32> to vector<16xf32>
        %add3A_1108 = arith.addf %get3A_1099, %get3A_1107 : vector<16xf32>
        %add3A_1109 = arith.addf %add3A_1091, %add3A_1108 : vector<16xf32>
        %add3A_1110 = arith.addf %add3A_1074, %add3A_1109 : vector<16xf32>
        %swap3A_1111 = arith.constant 0 : i32
        %swap3A_1112 = arith.index_cast %swap3A_1111 : i32 to index
        %swap3A_1113 = arith.index_cast %scan3A_817 : i32 to index
        %swap3A_1114 = arith.constant 64 : index
        %swap3A_1115 = tpu.vector_load %arg8[%swap3A_1112, %swap3A_1113, %swap3A_1114] {strides = array<i32>} : memref<4x16x128xf32, #tpu.memory_space<vmem>>, vector<1x1x16xf32>,
        %swap3A_1116 = vector.shape_cast %swap3A_1115 : vector<1x1x16xf32> to vector<16xf32>
        %swap3A_1117 = vector.shape_cast %add3A_1110 : vector<16xf32> to vector<1x1x16xf32>
        tpu.vector_store %arg8[%swap3A_1112, %swap3A_1113, %swap3A_1114], %swap3A_1117 {strides = array<i32>} : memref<4x16x128xf32, #tpu.memory_space<vmem>>, vector<1x1x16xf32>,
        %add3A_1118 = arith.constant 0 : i32
        %add3A_1119 = arith.addi %add3A_1118, %scan3A_817 : i32
        %get3A_1120 = arith.constant 0 : i32
        %get3A_1121 = arith.index_cast %get3A_1120 : i32 to index
        %get3A_1122 = arith.index_cast %add3A_1119 : i32 to index
        %get3A_1123 = arith.constant 80 : index
        %get3A_1124 = tpu.vector_load %arg7[%get3A_1121, %get3A_1122, %get3A_1123] {strides = array<i32>} : memref<4x96x128xf32, #tpu.memory_space<vmem>>, vector<1x1x16xf32>,
        %get3A_1125 = vector.shape_cast %get3A_1124 : vector<1x1x16xf32> to vector<16xf32>
        %add3A_1126 = arith.constant 16 : i32
        %add3A_1127 = arith.addi %add3A_1126, %scan3A_817 : i32
        %get3A_1128 = arith.constant 0 : i32
        %get3A_1129 = arith.index_cast %get3A_1128 : i32 to index
        %get3A_1130 = arith.index_cast %add3A_1127 : i32 to index
        %get3A_1131 = arith.constant 80 : index
        %get3A_1132 = tpu.vector_load %arg7[%get3A_1129, %get3A_1130, %get3A_1131] {strides = array<i32>} : memref<4x96x128xf32, #tpu.memory_space<vmem>>, vector<1x1x16xf32>,
        %get3A_1133 = vector.shape_cast %get3A_1132 : vector<1x1x16xf32> to vector<16xf32>
        %add3A_1134 = arith.addf %get3A_1125, %get3A_1133 : vector<16xf32>
        %add3A_1135 = arith.constant 32 : i32
        %add3A_1136 = arith.addi %add3A_1135, %scan3A_817 : i32
        %get3A_1137 = arith.constant 0 : i32
        %get3A_1138 = arith.index_cast %get3A_1137 : i32 to index
        %get3A_1139 = arith.index_cast %add3A_1136 : i32 to index
        %get3A_1140 = arith.constant 80 : index
        %get3A_1141 = tpu.vector_load %arg7[%get3A_1138, %get3A_1139, %get3A_1140] {strides = array<i32>} : memref<4x96x128xf32, #tpu.memory_space<vmem>>, vector<1x1x16xf32>,
        %get3A_1142 = vector.shape_cast %get3A_1141 : vector<1x1x16xf32> to vector<16xf32>
        %add3A_1143 = arith.constant 48 : i32
        %add3A_1144 = arith.addi %add3A_1143, %scan3A_817 : i32
        %get3A_1145 = arith.constant 0 : i32
        %get3A_1146 = arith.index_cast %get3A_1145 : i32 to index
        %get3A_1147 = arith.index_cast %add3A_1144 : i32 to index
        %get3A_1148 = arith.constant 80 : index
        %get3A_1149 = tpu.vector_load %arg7[%get3A_1146, %get3A_1147, %get3A_1148] {strides = array<i32>} : memref<4x96x128xf32, #tpu.memory_space<vmem>>, vector<1x1x16xf32>,
        %get3A_1150 = vector.shape_cast %get3A_1149 : vector<1x1x16xf32> to vector<16xf32>
        %add3A_1151 = arith.addf %get3A_1142, %get3A_1150 : vector<16xf32>
        %add3A_1152 = arith.constant 64 : i32
        %add3A_1153 = arith.addi %add3A_1152, %scan3A_817 : i32
        %get3A_1154 = arith.constant 0 : i32
        %get3A_1155 = arith.index_cast %get3A_1154 : i32 to index
        %get3A_1156 = arith.index_cast %add3A_1153 : i32 to index
        %get3A_1157 = arith.constant 80 : index
        %get3A_1158 = tpu.vector_load %arg7[%get3A_1155, %get3A_1156, %get3A_1157] {strides = array<i32>} : memref<4x96x128xf32, #tpu.memory_space<vmem>>, vector<1x1x16xf32>,
        %get3A_1159 = vector.shape_cast %get3A_1158 : vector<1x1x16xf32> to vector<16xf32>
        %add3A_1160 = arith.constant 80 : i32
        %add3A_1161 = arith.addi %add3A_1160, %scan3A_817 : i32
        %get3A_1162 = arith.constant 0 : i32
        %get3A_1163 = arith.index_cast %get3A_1162 : i32 to index
        %get3A_1164 = arith.index_cast %add3A_1161 : i32 to index
        %get3A_1165 = arith.constant 80 : index
        %get3A_1166 = tpu.vector_load %arg7[%get3A_1163, %get3A_1164, %get3A_1165] {strides = array<i32>} : memref<4x96x128xf32, #tpu.memory_space<vmem>>, vector<1x1x16xf32>,
        %get3A_1167 = vector.shape_cast %get3A_1166 : vector<1x1x16xf32> to vector<16xf32>
        %add3A_1168 = arith.addf %get3A_1159, %get3A_1167 : vector<16xf32>
        %add3A_1169 = arith.addf %add3A_1151, %add3A_1168 : vector<16xf32>
        %add3A_1170 = arith.addf %add3A_1134, %add3A_1169 : vector<16xf32>
        %swap3A_1171 = arith.constant 0 : i32
        %swap3A_1172 = arith.index_cast %swap3A_1171 : i32 to index
        %swap3A_1173 = arith.index_cast %scan3A_817 : i32 to index
        %swap3A_1174 = arith.constant 80 : index
        %swap3A_1175 = tpu.vector_load %arg8[%swap3A_1172, %swap3A_1173, %swap3A_1174] {strides = array<i32>} : memref<4x16x128xf32, #tpu.memory_space<vmem>>, vector<1x1x16xf32>,
        %swap3A_1176 = vector.shape_cast %swap3A_1175 : vector<1x1x16xf32> to vector<16xf32>
        %swap3A_1177 = vector.shape_cast %add3A_1170 : vector<16xf32> to vector<1x1x16xf32>
        tpu.vector_store %arg8[%swap3A_1172, %swap3A_1173, %swap3A_1174], %swap3A_1177 {strides = array<i32>} : memref<4x16x128xf32, #tpu.memory_space<vmem>>, vector<1x1x16xf32>,
        %add3A_1178 = arith.constant 0 : i32
        %add3A_1179 = arith.addi %add3A_1178, %scan3A_817 : i32
        %get3A_1180 = arith.constant 0 : i32
        %get3A_1181 = arith.index_cast %get3A_1180 : i32 to index
        %get3A_1182 = arith.index_cast %add3A_1179 : i32 to index
        %get3A_1183 = arith.constant 96 : index
        %get3A_1184 = tpu.vector_load %arg7[%get3A_1181, %get3A_1182, %get3A_1183] {strides = array<i32>} : memref<4x96x128xf32, #tpu.memory_space<vmem>>, vector<1x1x16xf32>,
        %get3A_1185 = vector.shape_cast %get3A_1184 : vector<1x1x16xf32> to vector<16xf32>
        %add3A_1186 = arith.constant 16 : i32
        %add3A_1187 = arith.addi %add3A_1186, %scan3A_817 : i32
        %get3A_1188 = arith.constant 0 : i32
        %get3A_1189 = arith.index_cast %get3A_1188 : i32 to index
        %get3A_1190 = arith.index_cast %add3A_1187 : i32 to index
        %get3A_1191 = arith.constant 96 : index
        %get3A_1192 = tpu.vector_load %arg7[%get3A_1189, %get3A_1190, %get3A_1191] {strides = array<i32>} : memref<4x96x128xf32, #tpu.memory_space<vmem>>, vector<1x1x16xf32>,
        %get3A_1193 = vector.shape_cast %get3A_1192 : vector<1x1x16xf32> to vector<16xf32>
        %add3A_1194 = arith.addf %get3A_1185, %get3A_1193 : vector<16xf32>
        %add3A_1195 = arith.constant 32 : i32
        %add3A_1196 = arith.addi %add3A_1195, %scan3A_817 : i32
        %get3A_1197 = arith.constant 0 : i32
        %get3A_1198 = arith.index_cast %get3A_1197 : i32 to index
        %get3A_1199 = arith.index_cast %add3A_1196 : i32 to index
        %get3A_1200 = arith.constant 96 : index
        %get3A_1201 = tpu.vector_load %arg7[%get3A_1198, %get3A_1199, %get3A_1200] {strides = array<i32>} : memref<4x96x128xf32, #tpu.memory_space<vmem>>, vector<1x1x16xf32>,
        %get3A_1202 = vector.shape_cast %get3A_1201 : vector<1x1x16xf32> to vector<16xf32>
        %add3A_1203 = arith.constant 48 : i32
        %add3A_1204 = arith.addi %add3A_1203, %scan3A_817 : i32
        %get3A_1205 = arith.constant 0 : i32
        %get3A_1206 = arith.index_cast %get3A_1205 : i32 to index
        %get3A_1207 = arith.index_cast %add3A_1204 : i32 to index
        %get3A_1208 = arith.constant 96 : index
        %get3A_1209 = tpu.vector_load %arg7[%get3A_1206, %get3A_1207, %get3A_1208] {strides = array<i32>} : memref<4x96x128xf32, #tpu.memory_space<vmem>>, vector<1x1x16xf32>,
        %get3A_1210 = vector.shape_cast %get3A_1209 : vector<1x1x16xf32> to vector<16xf32>
        %add3A_1211 = arith.addf %get3A_1202, %get3A_1210 : vector<16xf32>
        %add3A_1212 = arith.constant 64 : i32
        %add3A_1213 = arith.addi %add3A_1212, %scan3A_817 : i32
        %get3A_1214 = arith.constant 0 : i32
        %get3A_1215 = arith.index_cast %get3A_1214 : i32 to index
        %get3A_1216 = arith.index_cast %add3A_1213 : i32 to index
        %get3A_1217 = arith.constant 96 : index
        %get3A_1218 = tpu.vector_load %arg7[%get3A_1215, %get3A_1216, %get3A_1217] {strides = array<i32>} : memref<4x96x128xf32, #tpu.memory_space<vmem>>, vector<1x1x16xf32>,
        %get3A_1219 = vector.shape_cast %get3A_1218 : vector<1x1x16xf32> to vector<16xf32>
        %add3A_1220 = arith.constant 80 : i32
        %add3A_1221 = arith.addi %add3A_1220, %scan3A_817 : i32
        %get3A_1222 = arith.constant 0 : i32
        %get3A_1223 = arith.index_cast %get3A_1222 : i32 to index
        %get3A_1224 = arith.index_cast %add3A_1221 : i32 to index
        %get3A_1225 = arith.constant 96 : index
        %get3A_1226 = tpu.vector_load %arg7[%get3A_1223, %get3A_1224, %get3A_1225] {strides = array<i32>} : memref<4x96x128xf32, #tpu.memory_space<vmem>>, vector<1x1x16xf32>,
        %get3A_1227 = vector.shape_cast %get3A_1226 : vector<1x1x16xf32> to vector<16xf32>
        %add3A_1228 = arith.addf %get3A_1219, %get3A_1227 : vector<16xf32>
        %add3A_1229 = arith.addf %add3A_1211, %add3A_1228 : vector<16xf32>
        %add3A_1230 = arith.addf %add3A_1194, %add3A_1229 : vector<16xf32>
        %swap3A_1231 = arith.constant 0 : i32
        %swap3A_1232 = arith.index_cast %swap3A_1231 : i32 to index
        %swap3A_1233 = arith.index_cast %scan3A_817 : i32 to index
        %swap3A_1234 = arith.constant 96 : index
        %swap3A_1235 = tpu.vector_load %arg8[%swap3A_1232, %swap3A_1233, %swap3A_1234] {strides = array<i32>} : memref<4x16x128xf32, #tpu.memory_space<vmem>>, vector<1x1x16xf32>,
        %swap3A_1236 = vector.shape_cast %swap3A_1235 : vector<1x1x16xf32> to vector<16xf32>
        %swap3A_1237 = vector.shape_cast %add3A_1230 : vector<16xf32> to vector<1x1x16xf32>
        tpu.vector_store %arg8[%swap3A_1232, %swap3A_1233, %swap3A_1234], %swap3A_1237 {strides = array<i32>} : memref<4x16x128xf32, #tpu.memory_space<vmem>>, vector<1x1x16xf32>,
        %add3A_1238 = arith.constant 0 : i32
        %add3A_1239 = arith.addi %add3A_1238, %scan3A_817 : i32
        %get3A_1240 = arith.constant 0 : i32
        %get3A_1241 = arith.index_cast %get3A_1240 : i32 to index
        %get3A_1242 = arith.index_cast %add3A_1239 : i32 to index
        %get3A_1243 = arith.constant 112 : index
        %get3A_1244 = tpu.vector_load %arg7[%get3A_1241, %get3A_1242, %get3A_1243] {strides = array<i32>} : memref<4x96x128xf32, #tpu.memory_space<vmem>>, vector<1x1x16xf32>,
        %get3A_1245 = vector.shape_cast %get3A_1244 : vector<1x1x16xf32> to vector<16xf32>
        %add3A_1246 = arith.constant 16 : i32
        %add3A_1247 = arith.addi %add3A_1246, %scan3A_817 : i32
        %get3A_1248 = arith.constant 0 : i32
        %get3A_1249 = arith.index_cast %get3A_1248 : i32 to index
        %get3A_1250 = arith.index_cast %add3A_1247 : i32 to index
        %get3A_1251 = arith.constant 112 : index
        %get3A_1252 = tpu.vector_load %arg7[%get3A_1249, %get3A_1250, %get3A_1251] {strides = array<i32>} : memref<4x96x128xf32, #tpu.memory_space<vmem>>, vector<1x1x16xf32>,
        %get3A_1253 = vector.shape_cast %get3A_1252 : vector<1x1x16xf32> to vector<16xf32>
        %add3A_1254 = arith.addf %get3A_1245, %get3A_1253 : vector<16xf32>
        %add3A_1255 = arith.constant 32 : i32
        %add3A_1256 = arith.addi %add3A_1255, %scan3A_817 : i32
        %get3A_1257 = arith.constant 0 : i32
        %get3A_1258 = arith.index_cast %get3A_1257 : i32 to index
        %get3A_1259 = arith.index_cast %add3A_1256 : i32 to index
        %get3A_1260 = arith.constant 112 : index
        %get3A_1261 = tpu.vector_load %arg7[%get3A_1258, %get3A_1259, %get3A_1260] {strides = array<i32>} : memref<4x96x128xf32, #tpu.memory_space<vmem>>, vector<1x1x16xf32>,
        %get3A_1262 = vector.shape_cast %get3A_1261 : vector<1x1x16xf32> to vector<16xf32>
        %add3A_1263 = arith.constant 48 : i32
        %add3A_1264 = arith.addi %add3A_1263, %scan3A_817 : i32
        %get3A_1265 = arith.constant 0 : i32
        %get3A_1266 = arith.index_cast %get3A_1265 : i32 to index
        %get3A_1267 = arith.index_cast %add3A_1264 : i32 to index
        %get3A_1268 = arith.constant 112 : index
        %get3A_1269 = tpu.vector_load %arg7[%get3A_1266, %get3A_1267, %get3A_1268] {strides = array<i32>} : memref<4x96x128xf32, #tpu.memory_space<vmem>>, vector<1x1x16xf32>,
        %get3A_1270 = vector.shape_cast %get3A_1269 : vector<1x1x16xf32> to vector<16xf32>
        %add3A_1271 = arith.addf %get3A_1262, %get3A_1270 : vector<16xf32>
        %add3A_1272 = arith.constant 64 : i32
        %add3A_1273 = arith.addi %add3A_1272, %scan3A_817 : i32
        %get3A_1274 = arith.constant 0 : i32
        %get3A_1275 = arith.index_cast %get3A_1274 : i32 to index
        %get3A_1276 = arith.index_cast %add3A_1273 : i32 to index
        %get3A_1277 = arith.constant 112 : index
        %get3A_1278 = tpu.vector_load %arg7[%get3A_1275, %get3A_1276, %get3A_1277] {strides = array<i32>} : memref<4x96x128xf32, #tpu.memory_space<vmem>>, vector<1x1x16xf32>,
        %get3A_1279 = vector.shape_cast %get3A_1278 : vector<1x1x16xf32> to vector<16xf32>
        %add3A_1280 = arith.constant 80 : i32
        %add3A_1281 = arith.addi %add3A_1280, %scan3A_817 : i32
        %get3A_1282 = arith.constant 0 : i32
        %get3A_1283 = arith.index_cast %get3A_1282 : i32 to index
        %get3A_1284 = arith.index_cast %add3A_1281 : i32 to index
        %get3A_1285 = arith.constant 112 : index
        %get3A_1286 = tpu.vector_load %arg7[%get3A_1283, %get3A_1284, %get3A_1285] {strides = array<i32>} : memref<4x96x128xf32, #tpu.memory_space<vmem>>, vector<1x1x16xf32>,
        %get3A_1287 = vector.shape_cast %get3A_1286 : vector<1x1x16xf32> to vector<16xf32>
        %add3A_1288 = arith.addf %get3A_1279, %get3A_1287 : vector<16xf32>
        %add3A_1289 = arith.addf %add3A_1271, %add3A_1288 : vector<16xf32>
        %add3A_1290 = arith.addf %add3A_1254, %add3A_1289 : vector<16xf32>
        %swap3A_1291 = arith.constant 0 : i32
        %swap3A_1292 = arith.index_cast %swap3A_1291 : i32 to index
        %swap3A_1293 = arith.index_cast %scan3A_817 : i32 to index
        %swap3A_1294 = arith.constant 112 : index
        %swap3A_1295 = tpu.vector_load %arg8[%swap3A_1292, %swap3A_1293, %swap3A_1294] {strides = array<i32>} : memref<4x16x128xf32, #tpu.memory_space<vmem>>, vector<1x1x16xf32>,
        %swap3A_1296 = vector.shape_cast %swap3A_1295 : vector<1x1x16xf32> to vector<16xf32>
        %swap3A_1297 = vector.shape_cast %add3A_1290 : vector<16xf32> to vector<1x1x16xf32>
        tpu.vector_store %arg8[%swap3A_1292, %swap3A_1293, %swap3A_1294], %swap3A_1297 {strides = array<i32>} : memref<4x16x128xf32, #tpu.memory_space<vmem>>, vector<1x1x16xf32>,
      }
      %scan3A_155 = arith.constant 16 : i32
      %mul3A_156 = arith.constant 16 : i32
      %mul3A_157 = arith.muli %add3A_134, %mul3A_156 : i32
      %add3A_158 = arith.addi %mul3A_2, %mul3A_157 : i32
      %dma_start3A_159 = arith.constant 0 : i32
      %dma_start3A_160 = arith.constant 0 : i32
      %dma_start3A_161 = arith.constant 0 : i32
      %dma_start3A_162 = arith.constant 0 : i32
      %dma_start3A_163 = tpu.memref_slice %arg8[%dma_start3A_159, %dma_start3A_161, %dma_start3A_162] : memref<4x16x128xf32, #tpu.memory_space<vmem>> -> memref<1x16x128xf32, #tpu.memory_space<vmem>>
      %dma_start3A_164 = tpu.memref_squeeze %dma_start3A_163 : memref<1x16x128xf32, #tpu.memory_space<vmem>> -> memref<16x128xf32, #tpu.memory_space<vmem>>
      %dma_start3A_165 = arith.constant 0 : i32
      %dma_start3A_166 = tpu.memref_slice %arg4[%add3A_158, %dma_start3A_165] : memref<102400x128xf32, #tpu.memory_space<hbm>> -> memref<16x128xf32, #tpu.memory_space<hbm>>
      %dma_start3A_167 = tpu.memref_slice %arg10[%dma_start3A_160] : memref<4x!tpu.dma_semaphore, #tpu.memory_space<semaphore_mem>> -> memref<1x!tpu.dma_semaphore, #tpu.memory_space<semaphore_mem>>
      %dma_start3A_168 = tpu.memref_squeeze %dma_start3A_167 : memref<1x!tpu.dma_semaphore, #tpu.memory_space<semaphore_mem>> -> memref<!tpu.dma_semaphore, #tpu.memory_space<semaphore_mem>>
      %dma_start3A_169 = arith.constant 0 : i32
      %dma_start3A_170 = tpu.memref_slice %arg4[%add3A_158, %dma_start3A_169] : memref<102400x128xf32, #tpu.memory_space<hbm>> -> memref<16x128xf32, #tpu.memory_space<hbm>>
      %dma_start3A_171 = arith.constant 0 : i32
      %dma_start3A_172 = arith.constant 0 : i32
      %dma_start3A_173 = tpu.memref_slice %arg8[%dma_start3A_159, %dma_start3A_171, %dma_start3A_172] : memref<4x16x128xf32, #tpu.memory_space<vmem>> -> memref<1x16x128xf32, #tpu.memory_space<vmem>>
      %dma_start3A_174 = tpu.memref_squeeze %dma_start3A_173 : memref<1x16x128xf32, #tpu.memory_space<vmem>> -> memref<16x128xf32, #tpu.memory_space<vmem>>
      tpu.enqueue_dma source(%dma_start3A_174 : memref<16x128xf32, #tpu.memory_space<vmem>>) target(%dma_start3A_170 : memref<16x128xf32, #tpu.memory_space<hbm>>) target_semaphore(%dma_start3A_168 : memref<!tpu.dma_semaphore, #tpu.memory_space<semaphore_mem>>)
      %add3A_175 = arith.constant 4 : i32
      %add3A_176 = arith.addi %add3A_134, %add3A_175 : i32
      %lt3A = arith.constant 200 : i32
      %lt3A_177 = arith.cmpi slt, %add3A_176, %lt3A : i32
      %convert_element_type3A_178 = arith.extui %lt3A_177 : i1 to i32
      %cond3A_179 = arith.constant 0 : i32
      %cond3A_180 = arith.cmpi ne, %convert_element_type3A_178, %cond3A_179 : i32
      scf.if %cond3A_180 {
        %add3A_337 = arith.constant 4 : i32
        %add3A_338 = arith.addi %add3A_134, %add3A_337 : i32
        %mul3A_339 = arith.constant 96 : i32
        %mul3A_340 = arith.muli %add3A_338, %mul3A_339 : i32
        %dma_start3A_341 = arith.constant 0 : i32
        %dma_start3A_342 = arith.constant 0 : i32
        %dma_start3A_343 = arith.constant 0 : i32
        %dma_start3A_344 = arith.constant 0 : i32
        %dma_start3A_345 = tpu.memref_slice %arg7[%dma_start3A_341, %dma_start3A_343, %dma_start3A_344] : memref<4x96x128xf32, #tpu.memory_space<vmem>> -> memref<1x96x128xf32, #tpu.memory_space<vmem>>
        %dma_start3A_346 = tpu.memref_squeeze %dma_start3A_345 : memref<1x96x128xf32, #tpu.memory_space<vmem>> -> memref<96x128xf32, #tpu.memory_space<vmem>>
        %dma_start3A_347 = tpu.memref_slice %arg6[%mul3A_340] : memref<19200xi32, #tpu.memory_space<vmem>> -> memref<96xi32, #tpu.memory_space<vmem>>
        %dma_start3A_348 = arith.constant 0 : i32
        %dma_start3A_349 = arith.constant 0 : i32
        %dma_start3A_350 = tpu.memref_slice %arg2[%dma_start3A_348, %dma_start3A_349] : memref<100000x128xf32, #tpu.memory_space<hbm>> -> memref<100000x128xf32, #tpu.memory_space<hbm>>
        %dma_start3A_351 = tpu.memref_slice %arg9[%dma_start3A_342] : memref<4x!tpu.dma_semaphore, #tpu.memory_space<semaphore_mem>> -> memref<1x!tpu.dma_semaphore, #tpu.memory_space<semaphore_mem>>
        %dma_start3A_352 = tpu.memref_squeeze %dma_start3A_351 : memref<1x!tpu.dma_semaphore, #tpu.memory_space<semaphore_mem>> -> memref<!tpu.dma_semaphore, #tpu.memory_space<semaphore_mem>>
        tpu.enqueue_indirect_dma source(%dma_start3A_350 : memref<100000x128xf32, #tpu.memory_space<hbm>>) target(%dma_start3A_346 : memref<96x128xf32, #tpu.memory_space<vmem>>) offsets(%dma_start3A_347 : memref<96xi32, #tpu.memory_space<vmem>>) semaphore(%dma_start3A_352 : memref<!tpu.dma_semaphore, #tpu.memory_space<semaphore_mem>>)
      } else {
      }
      %add3A_181 = arith.constant 1 : i32
      %add3A_182 = arith.addi %mul3A_132, %add3A_181 : i32
      %dma_wait3A_183 = arith.constant 1 : i32
      %dma_wait3A_184 = arith.constant 1 : i32
      %dma_wait3A_185 = arith.constant 0 : i32
      %dma_wait3A_186 = arith.constant 0 : i32
      %dma_wait3A_187 = tpu.memref_slice %arg7[%dma_wait3A_183, %dma_wait3A_185, %dma_wait3A_186] : memref<4x96x128xf32, #tpu.memory_space<vmem>> -> memref<1x96x128xf32, #tpu.memory_space<vmem>>
      %dma_wait3A_188 = tpu.memref_squeeze %dma_wait3A_187 : memref<1x96x128xf32, #tpu.memory_space<vmem>> -> memref<96x128xf32, #tpu.memory_space<vmem>>
      %dma_wait3A_189 = arith.constant 0 : i32
      %dma_wait3A_190 = tpu.memref_slice %arg6[%dma_wait3A_189] : memref<19200xi32, #tpu.memory_space<vmem>> -> memref<96xi32, #tpu.memory_space<vmem>>
      %dma_wait3A_191 = arith.constant 0 : i32
      %dma_wait3A_192 = arith.constant 0 : i32
      %dma_wait3A_193 = tpu.memref_slice %arg2[%dma_wait3A_191, %dma_wait3A_192] : memref<100000x128xf32, #tpu.memory_space<hbm>> -> memref<100000x128xf32, #tpu.memory_space<hbm>>
      %dma_wait3A_194 = tpu.memref_slice %arg9[%dma_wait3A_184] : memref<4x!tpu.dma_semaphore, #tpu.memory_space<semaphore_mem>> -> memref<1x!tpu.dma_semaphore, #tpu.memory_space<semaphore_mem>>
      %dma_wait3A_195 = tpu.memref_squeeze %dma_wait3A_194 : memref<1x!tpu.dma_semaphore, #tpu.memory_space<semaphore_mem>> -> memref<!tpu.dma_semaphore, #tpu.memory_space<semaphore_mem>>
      tpu.wait_indirect_dma semaphore(%dma_wait3A_195 : memref<!tpu.dma_semaphore, #tpu.memory_space<semaphore_mem>>) src(%dma_wait3A_193 : memref<100000x128xf32, #tpu.memory_space<hbm>>) dst(%dma_wait3A_188 : memref<96x128xf32, #tpu.memory_space<vmem>>)
      %gt3A_196 = arith.constant 0 : i32
      %gt3A_197 = arith.cmpi sgt, %scan3A_130, %gt3A_196 : i32
      %convert_element_type3A_198 = arith.extui %gt3A_197 : i1 to i32
      %cond3A_199 = arith.constant 0 : i32
      %cond3A_200 = arith.cmpi ne, %convert_element_type3A_198, %cond3A_199 : i32
      scf.if %cond3A_200 {
        %dma_wait3A_337 = arith.constant 1 : i32
        %dma_wait3A_338 = arith.constant 1 : i32
        %dma_wait3A_339 = arith.constant 0 : i32
        %dma_wait3A_340 = arith.constant 0 : i32
        %dma_wait3A_341 = tpu.memref_slice %arg8[%dma_wait3A_337, %dma_wait3A_339, %dma_wait3A_340] : memref<4x16x128xf32, #tpu.memory_space<vmem>> -> memref<1x16x128xf32, #tpu.memory_space<vmem>>
        %dma_wait3A_342 = tpu.memref_squeeze %dma_wait3A_341 : memref<1x16x128xf32, #tpu.memory_space<vmem>> -> memref<16x128xf32, #tpu.memory_space<vmem>>
        %dma_wait3A_343 = arith.constant 0 : i32
        %dma_wait3A_344 = tpu.memref_slice %arg4[%mul3A_2, %dma_wait3A_343] : memref<102400x128xf32, #tpu.memory_space<hbm>> -> memref<16x128xf32, #tpu.memory_space<hbm>>
        %dma_wait3A_345 = tpu.memref_slice %arg10[%dma_wait3A_338] : memref<4x!tpu.dma_semaphore, #tpu.memory_space<semaphore_mem>> -> memref<1x!tpu.dma_semaphore, #tpu.memory_space<semaphore_mem>>
        %dma_wait3A_346 = tpu.memref_squeeze %dma_wait3A_345 : memref<1x!tpu.dma_semaphore, #tpu.memory_space<semaphore_mem>> -> memref<!tpu.dma_semaphore, #tpu.memory_space<semaphore_mem>>
        %dma_wait3A_347 = arith.constant 0 : i32
        %dma_wait3A_348 = tpu.memref_slice %arg4[%mul3A_2, %dma_wait3A_347] : memref<102400x128xf32, #tpu.memory_space<hbm>> -> memref<16x128xf32, #tpu.memory_space<hbm>>
        %dma_wait3A_349 = arith.constant 0 : i32
        %dma_wait3A_350 = arith.constant 0 : i32
        %dma_wait3A_351 = tpu.memref_slice %arg8[%dma_wait3A_337, %dma_wait3A_349, %dma_wait3A_350] : memref<4x16x128xf32, #tpu.memory_space<vmem>> -> memref<1x16x128xf32, #tpu.memory_space<vmem>>
        %dma_wait3A_352 = tpu.memref_squeeze %dma_wait3A_351 : memref<1x16x128xf32, #tpu.memory_space<vmem>> -> memref<16x128xf32, #tpu.memory_space<vmem>>
        tpu.wait_dma2 semaphore(%dma_wait3A_346 : memref<!tpu.dma_semaphore, #tpu.memory_space<semaphore_mem>>) src(%dma_wait3A_352 : memref<16x128xf32, #tpu.memory_space<vmem>>) dst(%dma_wait3A_348 : memref<16x128xf32, #tpu.memory_space<hbm>>)
      } else {
      }
      %scan3A_201 = arith.constant 0 : i32
      %scan3A_202 = arith.constant 0 : i32
      %scan3A_203 = arith.constant 16 : i32
      %scan3A_204 = arith.addi %scan3A_202, %scan3A_203 : i32
      %scan3A_205 = arith.constant 2 : i32
      scf.for %scan3A_337 = %scan3A_202 to %scan3A_204 step %scan3A_205  : i32 {
        %add3A_338 = arith.constant 0 : i32
        %add3A_339 = arith.addi %add3A_338, %scan3A_337 : i32
        %get3A = arith.constant 1 : i32
        %get3A_340 = arith.index_cast %get3A : i32 to index
        %get3A_341 = arith.index_cast %add3A_339 : i32 to index
        %get3A_342 = arith.constant 0 : index
        %get3A_343 = tpu.vector_load %arg7[%get3A_340, %get3A_341, %get3A_342] {strides = array<i32>} : memref<4x96x128xf32, #tpu.memory_space<vmem>>, vector<1x1x16xf32>,
        %get3A_344 = vector.shape_cast %get3A_343 : vector<1x1x16xf32> to vector<16xf32>
        %add3A_345 = arith.constant 16 : i32
        %add3A_346 = arith.addi %add3A_345, %scan3A_337 : i32
        %get3A_347 = arith.constant 1 : i32
        %get3A_348 = arith.index_cast %get3A_347 : i32 to index
        %get3A_349 = arith.index_cast %add3A_346 : i32 to index
        %get3A_350 = arith.constant 0 : index
        %get3A_351 = tpu.vector_load %arg7[%get3A_348, %get3A_349, %get3A_350] {strides = array<i32>} : memref<4x96x128xf32, #tpu.memory_space<vmem>>, vector<1x1x16xf32>,
        %get3A_352 = vector.shape_cast %get3A_351 : vector<1x1x16xf32> to vector<16xf32>
        %add3A_353 = arith.addf %get3A_344, %get3A_352 : vector<16xf32>
        %add3A_354 = arith.constant 32 : i32
        %add3A_355 = arith.addi %add3A_354, %scan3A_337 : i32
        %get3A_356 = arith.constant 1 : i32
        %get3A_357 = arith.index_cast %get3A_356 : i32 to index
        %get3A_358 = arith.index_cast %add3A_355 : i32 to index
        %get3A_359 = arith.constant 0 : index
        %get3A_360 = tpu.vector_load %arg7[%get3A_357, %get3A_358, %get3A_359] {strides = array<i32>} : memref<4x96x128xf32, #tpu.memory_space<vmem>>, vector<1x1x16xf32>,
        %get3A_361 = vector.shape_cast %get3A_360 : vector<1x1x16xf32> to vector<16xf32>
        %add3A_362 = arith.constant 48 : i32
        %add3A_363 = arith.addi %add3A_362, %scan3A_337 : i32
        %get3A_364 = arith.constant 1 : i32
        %get3A_365 = arith.index_cast %get3A_364 : i32 to index
        %get3A_366 = arith.index_cast %add3A_363 : i32 to index
        %get3A_367 = arith.constant 0 : index
        %get3A_368 = tpu.vector_load %arg7[%get3A_365, %get3A_366, %get3A_367] {strides = array<i32>} : memref<4x96x128xf32, #tpu.memory_space<vmem>>, vector<1x1x16xf32>,
        %get3A_369 = vector.shape_cast %get3A_368 : vector<1x1x16xf32> to vector<16xf32>
        %add3A_370 = arith.addf %get3A_361, %get3A_369 : vector<16xf32>
        %add3A_371 = arith.constant 64 : i32
        %add3A_372 = arith.addi %add3A_371, %scan3A_337 : i32
        %get3A_373 = arith.constant 1 : i32
        %get3A_374 = arith.index_cast %get3A_373 : i32 to index
        %get3A_375 = arith.index_cast %add3A_372 : i32 to index
        %get3A_376 = arith.constant 0 : index
        %get3A_377 = tpu.vector_load %arg7[%get3A_374, %get3A_375, %get3A_376] {strides = array<i32>} : memref<4x96x128xf32, #tpu.memory_space<vmem>>, vector<1x1x16xf32>,
        %get3A_378 = vector.shape_cast %get3A_377 : vector<1x1x16xf32> to vector<16xf32>
        %add3A_379 = arith.constant 80 : i32
        %add3A_380 = arith.addi %add3A_379, %scan3A_337 : i32
        %get3A_381 = arith.constant 1 : i32
        %get3A_382 = arith.index_cast %get3A_381 : i32 to index
        %get3A_383 = arith.index_cast %add3A_380 : i32 to index
        %get3A_384 = arith.constant 0 : index
        %get3A_385 = tpu.vector_load %arg7[%get3A_382, %get3A_383, %get3A_384] {strides = array<i32>} : memref<4x96x128xf32, #tpu.memory_space<vmem>>, vector<1x1x16xf32>,
        %get3A_386 = vector.shape_cast %get3A_385 : vector<1x1x16xf32> to vector<16xf32>
        %add3A_387 = arith.addf %get3A_378, %get3A_386 : vector<16xf32>
        %add3A_388 = arith.addf %add3A_370, %add3A_387 : vector<16xf32>
        %add3A_389 = arith.addf %add3A_353, %add3A_388 : vector<16xf32>
        %swap3A = arith.constant 1 : i32
        %swap3A_390 = arith.index_cast %swap3A : i32 to index
        %swap3A_391 = arith.index_cast %scan3A_337 : i32 to index
        %swap3A_392 = arith.constant 0 : index
        %swap3A_393 = tpu.vector_load %arg8[%swap3A_390, %swap3A_391, %swap3A_392] {strides = array<i32>} : memref<4x16x128xf32, #tpu.memory_space<vmem>>, vector<1x1x16xf32>,
        %swap3A_394 = vector.shape_cast %swap3A_393 : vector<1x1x16xf32> to vector<16xf32>
        %swap3A_395 = vector.shape_cast %add3A_389 : vector<16xf32> to vector<1x1x16xf32>
        tpu.vector_store %arg8[%swap3A_390, %swap3A_391, %swap3A_392], %swap3A_395 {strides = array<i32>} : memref<4x16x128xf32, #tpu.memory_space<vmem>>, vector<1x1x16xf32>,
        %add3A_396 = arith.constant 0 : i32
        %add3A_397 = arith.addi %add3A_396, %scan3A_337 : i32
        %get3A_398 = arith.constant 1 : i32
        %get3A_399 = arith.index_cast %get3A_398 : i32 to index
        %get3A_400 = arith.index_cast %add3A_397 : i32 to index
        %get3A_401 = arith.constant 16 : index
        %get3A_402 = tpu.vector_load %arg7[%get3A_399, %get3A_400, %get3A_401] {strides = array<i32>} : memref<4x96x128xf32, #tpu.memory_space<vmem>>, vector<1x1x16xf32>,
        %get3A_403 = vector.shape_cast %get3A_402 : vector<1x1x16xf32> to vector<16xf32>
        %add3A_404 = arith.constant 16 : i32
        %add3A_405 = arith.addi %add3A_404, %scan3A_337 : i32
        %get3A_406 = arith.constant 1 : i32
        %get3A_407 = arith.index_cast %get3A_406 : i32 to index
        %get3A_408 = arith.index_cast %add3A_405 : i32 to index
        %get3A_409 = arith.constant 16 : index
        %get3A_410 = tpu.vector_load %arg7[%get3A_407, %get3A_408, %get3A_409] {strides = array<i32>} : memref<4x96x128xf32, #tpu.memory_space<vmem>>, vector<1x1x16xf32>,
        %get3A_411 = vector.shape_cast %get3A_410 : vector<1x1x16xf32> to vector<16xf32>
        %add3A_412 = arith.addf %get3A_403, %get3A_411 : vector<16xf32>
        %add3A_413 = arith.constant 32 : i32
        %add3A_414 = arith.addi %add3A_413, %scan3A_337 : i32
        %get3A_415 = arith.constant 1 : i32
        %get3A_416 = arith.index_cast %get3A_415 : i32 to index
        %get3A_417 = arith.index_cast %add3A_414 : i32 to index
        %get3A_418 = arith.constant 16 : index
        %get3A_419 = tpu.vector_load %arg7[%get3A_416, %get3A_417, %get3A_418] {strides = array<i32>} : memref<4x96x128xf32, #tpu.memory_space<vmem>>, vector<1x1x16xf32>,
        %get3A_420 = vector.shape_cast %get3A_419 : vector<1x1x16xf32> to vector<16xf32>
        %add3A_421 = arith.constant 48 : i32
        %add3A_422 = arith.addi %add3A_421, %scan3A_337 : i32
        %get3A_423 = arith.constant 1 : i32
        %get3A_424 = arith.index_cast %get3A_423 : i32 to index
        %get3A_425 = arith.index_cast %add3A_422 : i32 to index
        %get3A_426 = arith.constant 16 : index
        %get3A_427 = tpu.vector_load %arg7[%get3A_424, %get3A_425, %get3A_426] {strides = array<i32>} : memref<4x96x128xf32, #tpu.memory_space<vmem>>, vector<1x1x16xf32>,
        %get3A_428 = vector.shape_cast %get3A_427 : vector<1x1x16xf32> to vector<16xf32>
        %add3A_429 = arith.addf %get3A_420, %get3A_428 : vector<16xf32>
        %add3A_430 = arith.constant 64 : i32
        %add3A_431 = arith.addi %add3A_430, %scan3A_337 : i32
        %get3A_432 = arith.constant 1 : i32
        %get3A_433 = arith.index_cast %get3A_432 : i32 to index
        %get3A_434 = arith.index_cast %add3A_431 : i32 to index
        %get3A_435 = arith.constant 16 : index
        %get3A_436 = tpu.vector_load %arg7[%get3A_433, %get3A_434, %get3A_435] {strides = array<i32>} : memref<4x96x128xf32, #tpu.memory_space<vmem>>, vector<1x1x16xf32>,
        %get3A_437 = vector.shape_cast %get3A_436 : vector<1x1x16xf32> to vector<16xf32>
        %add3A_438 = arith.constant 80 : i32
        %add3A_439 = arith.addi %add3A_438, %scan3A_337 : i32
        %get3A_440 = arith.constant 1 : i32
        %get3A_441 = arith.index_cast %get3A_440 : i32 to index
        %get3A_442 = arith.index_cast %add3A_439 : i32 to index
        %get3A_443 = arith.constant 16 : index
        %get3A_444 = tpu.vector_load %arg7[%get3A_441, %get3A_442, %get3A_443] {strides = array<i32>} : memref<4x96x128xf32, #tpu.memory_space<vmem>>, vector<1x1x16xf32>,
        %get3A_445 = vector.shape_cast %get3A_444 : vector<1x1x16xf32> to vector<16xf32>
        %add3A_446 = arith.addf %get3A_437, %get3A_445 : vector<16xf32>
        %add3A_447 = arith.addf %add3A_429, %add3A_446 : vector<16xf32>
        %add3A_448 = arith.addf %add3A_412, %add3A_447 : vector<16xf32>
        %swap3A_449 = arith.constant 1 : i32
        %swap3A_450 = arith.index_cast %swap3A_449 : i32 to index
        %swap3A_451 = arith.index_cast %scan3A_337 : i32 to index
        %swap3A_452 = arith.constant 16 : index
        %swap3A_453 = tpu.vector_load %arg8[%swap3A_450, %swap3A_451, %swap3A_452] {strides = array<i32>} : memref<4x16x128xf32, #tpu.memory_space<vmem>>, vector<1x1x16xf32>,
        %swap3A_454 = vector.shape_cast %swap3A_453 : vector<1x1x16xf32> to vector<16xf32>
        %swap3A_455 = vector.shape_cast %add3A_448 : vector<16xf32> to vector<1x1x16xf32>
        tpu.vector_store %arg8[%swap3A_450, %swap3A_451, %swap3A_452], %swap3A_455 {strides = array<i32>} : memref<4x16x128xf32, #tpu.memory_space<vmem>>, vector<1x1x16xf32>,
        %add3A_456 = arith.constant 0 : i32
        %add3A_457 = arith.addi %add3A_456, %scan3A_337 : i32
        %get3A_458 = arith.constant 1 : i32
        %get3A_459 = arith.index_cast %get3A_458 : i32 to index
        %get3A_460 = arith.index_cast %add3A_457 : i32 to index
        %get3A_461 = arith.constant 32 : index
        %get3A_462 = tpu.vector_load %arg7[%get3A_459, %get3A_460, %get3A_461] {strides = array<i32>} : memref<4x96x128xf32, #tpu.memory_space<vmem>>, vector<1x1x16xf32>,
        %get3A_463 = vector.shape_cast %get3A_462 : vector<1x1x16xf32> to vector<16xf32>
        %add3A_464 = arith.constant 16 : i32
        %add3A_465 = arith.addi %add3A_464, %scan3A_337 : i32
        %get3A_466 = arith.constant 1 : i32
        %get3A_467 = arith.index_cast %get3A_466 : i32 to index
        %get3A_468 = arith.index_cast %add3A_465 : i32 to index
        %get3A_469 = arith.constant 32 : index
        %get3A_470 = tpu.vector_load %arg7[%get3A_467, %get3A_468, %get3A_469] {strides = array<i32>} : memref<4x96x128xf32, #tpu.memory_space<vmem>>, vector<1x1x16xf32>,
        %get3A_471 = vector.shape_cast %get3A_470 : vector<1x1x16xf32> to vector<16xf32>
        %add3A_472 = arith.addf %get3A_463, %get3A_471 : vector<16xf32>
        %add3A_473 = arith.constant 32 : i32
        %add3A_474 = arith.addi %add3A_473, %scan3A_337 : i32
        %get3A_475 = arith.constant 1 : i32
        %get3A_476 = arith.index_cast %get3A_475 : i32 to index
        %get3A_477 = arith.index_cast %add3A_474 : i32 to index
        %get3A_478 = arith.constant 32 : index
        %get3A_479 = tpu.vector_load %arg7[%get3A_476, %get3A_477, %get3A_478] {strides = array<i32>} : memref<4x96x128xf32, #tpu.memory_space<vmem>>, vector<1x1x16xf32>,
        %get3A_480 = vector.shape_cast %get3A_479 : vector<1x1x16xf32> to vector<16xf32>
        %add3A_481 = arith.constant 48 : i32
        %add3A_482 = arith.addi %add3A_481, %scan3A_337 : i32
        %get3A_483 = arith.constant 1 : i32
        %get3A_484 = arith.index_cast %get3A_483 : i32 to index
        %get3A_485 = arith.index_cast %add3A_482 : i32 to index
        %get3A_486 = arith.constant 32 : index
        %get3A_487 = tpu.vector_load %arg7[%get3A_484, %get3A_485, %get3A_486] {strides = array<i32>} : memref<4x96x128xf32, #tpu.memory_space<vmem>>, vector<1x1x16xf32>,
        %get3A_488 = vector.shape_cast %get3A_487 : vector<1x1x16xf32> to vector<16xf32>
        %add3A_489 = arith.addf %get3A_480, %get3A_488 : vector<16xf32>
        %add3A_490 = arith.constant 64 : i32
        %add3A_491 = arith.addi %add3A_490, %scan3A_337 : i32
        %get3A_492 = arith.constant 1 : i32
        %get3A_493 = arith.index_cast %get3A_492 : i32 to index
        %get3A_494 = arith.index_cast %add3A_491 : i32 to index
        %get3A_495 = arith.constant 32 : index
        %get3A_496 = tpu.vector_load %arg7[%get3A_493, %get3A_494, %get3A_495] {strides = array<i32>} : memref<4x96x128xf32, #tpu.memory_space<vmem>>, vector<1x1x16xf32>,
        %get3A_497 = vector.shape_cast %get3A_496 : vector<1x1x16xf32> to vector<16xf32>
        %add3A_498 = arith.constant 80 : i32
        %add3A_499 = arith.addi %add3A_498, %scan3A_337 : i32
        %get3A_500 = arith.constant 1 : i32
        %get3A_501 = arith.index_cast %get3A_500 : i32 to index
        %get3A_502 = arith.index_cast %add3A_499 : i32 to index
        %get3A_503 = arith.constant 32 : index
        %get3A_504 = tpu.vector_load %arg7[%get3A_501, %get3A_502, %get3A_503] {strides = array<i32>} : memref<4x96x128xf32, #tpu.memory_space<vmem>>, vector<1x1x16xf32>,
        %get3A_505 = vector.shape_cast %get3A_504 : vector<1x1x16xf32> to vector<16xf32>
        %add3A_506 = arith.addf %get3A_497, %get3A_505 : vector<16xf32>
        %add3A_507 = arith.addf %add3A_489, %add3A_506 : vector<16xf32>
        %add3A_508 = arith.addf %add3A_472, %add3A_507 : vector<16xf32>
        %swap3A_509 = arith.constant 1 : i32
        %swap3A_510 = arith.index_cast %swap3A_509 : i32 to index
        %swap3A_511 = arith.index_cast %scan3A_337 : i32 to index
        %swap3A_512 = arith.constant 32 : index
        %swap3A_513 = tpu.vector_load %arg8[%swap3A_510, %swap3A_511, %swap3A_512] {strides = array<i32>} : memref<4x16x128xf32, #tpu.memory_space<vmem>>, vector<1x1x16xf32>,
        %swap3A_514 = vector.shape_cast %swap3A_513 : vector<1x1x16xf32> to vector<16xf32>
        %swap3A_515 = vector.shape_cast %add3A_508 : vector<16xf32> to vector<1x1x16xf32>
        tpu.vector_store %arg8[%swap3A_510, %swap3A_511, %swap3A_512], %swap3A_515 {strides = array<i32>} : memref<4x16x128xf32, #tpu.memory_space<vmem>>, vector<1x1x16xf32>,
        %add3A_516 = arith.constant 0 : i32
        %add3A_517 = arith.addi %add3A_516, %scan3A_337 : i32
        %get3A_518 = arith.constant 1 : i32
        %get3A_519 = arith.index_cast %get3A_518 : i32 to index
        %get3A_520 = arith.index_cast %add3A_517 : i32 to index
        %get3A_521 = arith.constant 48 : index
        %get3A_522 = tpu.vector_load %arg7[%get3A_519, %get3A_520, %get3A_521] {strides = array<i32>} : memref<4x96x128xf32, #tpu.memory_space<vmem>>, vector<1x1x16xf32>,
        %get3A_523 = vector.shape_cast %get3A_522 : vector<1x1x16xf32> to vector<16xf32>
        %add3A_524 = arith.constant 16 : i32
        %add3A_525 = arith.addi %add3A_524, %scan3A_337 : i32
        %get3A_526 = arith.constant 1 : i32
        %get3A_527 = arith.index_cast %get3A_526 : i32 to index
        %get3A_528 = arith.index_cast %add3A_525 : i32 to index
        %get3A_529 = arith.constant 48 : index
        %get3A_530 = tpu.vector_load %arg7[%get3A_527, %get3A_528, %get3A_529] {strides = array<i32>} : memref<4x96x128xf32, #tpu.memory_space<vmem>>, vector<1x1x16xf32>,
        %get3A_531 = vector.shape_cast %get3A_530 : vector<1x1x16xf32> to vector<16xf32>
        %add3A_532 = arith.addf %get3A_523, %get3A_531 : vector<16xf32>
        %add3A_533 = arith.constant 32 : i32
        %add3A_534 = arith.addi %add3A_533, %scan3A_337 : i32
        %get3A_535 = arith.constant 1 : i32
        %get3A_536 = arith.index_cast %get3A_535 : i32 to index
        %get3A_537 = arith.index_cast %add3A_534 : i32 to index
        %get3A_538 = arith.constant 48 : index
        %get3A_539 = tpu.vector_load %arg7[%get3A_536, %get3A_537, %get3A_538] {strides = array<i32>} : memref<4x96x128xf32, #tpu.memory_space<vmem>>, vector<1x1x16xf32>,
        %get3A_540 = vector.shape_cast %get3A_539 : vector<1x1x16xf32> to vector<16xf32>
        %add3A_541 = arith.constant 48 : i32
        %add3A_542 = arith.addi %add3A_541, %scan3A_337 : i32
        %get3A_543 = arith.constant 1 : i32
        %get3A_544 = arith.index_cast %get3A_543 : i32 to index
        %get3A_545 = arith.index_cast %add3A_542 : i32 to index
        %get3A_546 = arith.constant 48 : index
        %get3A_547 = tpu.vector_load %arg7[%get3A_544, %get3A_545, %get3A_546] {strides = array<i32>} : memref<4x96x128xf32, #tpu.memory_space<vmem>>, vector<1x1x16xf32>,
        %get3A_548 = vector.shape_cast %get3A_547 : vector<1x1x16xf32> to vector<16xf32>
        %add3A_549 = arith.addf %get3A_540, %get3A_548 : vector<16xf32>
        %add3A_550 = arith.constant 64 : i32
        %add3A_551 = arith.addi %add3A_550, %scan3A_337 : i32
        %get3A_552 = arith.constant 1 : i32
        %get3A_553 = arith.index_cast %get3A_552 : i32 to index
        %get3A_554 = arith.index_cast %add3A_551 : i32 to index
        %get3A_555 = arith.constant 48 : index
        %get3A_556 = tpu.vector_load %arg7[%get3A_553, %get3A_554, %get3A_555] {strides = array<i32>} : memref<4x96x128xf32, #tpu.memory_space<vmem>>, vector<1x1x16xf32>,
        %get3A_557 = vector.shape_cast %get3A_556 : vector<1x1x16xf32> to vector<16xf32>
        %add3A_558 = arith.constant 80 : i32
        %add3A_559 = arith.addi %add3A_558, %scan3A_337 : i32
        %get3A_560 = arith.constant 1 : i32
        %get3A_561 = arith.index_cast %get3A_560 : i32 to index
        %get3A_562 = arith.index_cast %add3A_559 : i32 to index
        %get3A_563 = arith.constant 48 : index
        %get3A_564 = tpu.vector_load %arg7[%get3A_561, %get3A_562, %get3A_563] {strides = array<i32>} : memref<4x96x128xf32, #tpu.memory_space<vmem>>, vector<1x1x16xf32>,
        %get3A_565 = vector.shape_cast %get3A_564 : vector<1x1x16xf32> to vector<16xf32>
        %add3A_566 = arith.addf %get3A_557, %get3A_565 : vector<16xf32>
        %add3A_567 = arith.addf %add3A_549, %add3A_566 : vector<16xf32>
        %add3A_568 = arith.addf %add3A_532, %add3A_567 : vector<16xf32>
        %swap3A_569 = arith.constant 1 : i32
        %swap3A_570 = arith.index_cast %swap3A_569 : i32 to index
        %swap3A_571 = arith.index_cast %scan3A_337 : i32 to index
        %swap3A_572 = arith.constant 48 : index
        %swap3A_573 = tpu.vector_load %arg8[%swap3A_570, %swap3A_571, %swap3A_572] {strides = array<i32>} : memref<4x16x128xf32, #tpu.memory_space<vmem>>, vector<1x1x16xf32>,
        %swap3A_574 = vector.shape_cast %swap3A_573 : vector<1x1x16xf32> to vector<16xf32>
        %swap3A_575 = vector.shape_cast %add3A_568 : vector<16xf32> to vector<1x1x16xf32>
        tpu.vector_store %arg8[%swap3A_570, %swap3A_571, %swap3A_572], %swap3A_575 {strides = array<i32>} : memref<4x16x128xf32, #tpu.memory_space<vmem>>, vector<1x1x16xf32>,
        %add3A_576 = arith.constant 0 : i32
        %add3A_577 = arith.addi %add3A_576, %scan3A_337 : i32
        %get3A_578 = arith.constant 1 : i32
        %get3A_579 = arith.index_cast %get3A_578 : i32 to index
        %get3A_580 = arith.index_cast %add3A_577 : i32 to index
        %get3A_581 = arith.constant 64 : index
        %get3A_582 = tpu.vector_load %arg7[%get3A_579, %get3A_580, %get3A_581] {strides = array<i32>} : memref<4x96x128xf32, #tpu.memory_space<vmem>>, vector<1x1x16xf32>,
        %get3A_583 = vector.shape_cast %get3A_582 : vector<1x1x16xf32> to vector<16xf32>
        %add3A_584 = arith.constant 16 : i32
        %add3A_585 = arith.addi %add3A_584, %scan3A_337 : i32
        %get3A_586 = arith.constant 1 : i32
        %get3A_587 = arith.index_cast %get3A_586 : i32 to index
        %get3A_588 = arith.index_cast %add3A_585 : i32 to index
        %get3A_589 = arith.constant 64 : index
        %get3A_590 = tpu.vector_load %arg7[%get3A_587, %get3A_588, %get3A_589] {strides = array<i32>} : memref<4x96x128xf32, #tpu.memory_space<vmem>>, vector<1x1x16xf32>,
        %get3A_591 = vector.shape_cast %get3A_590 : vector<1x1x16xf32> to vector<16xf32>
        %add3A_592 = arith.addf %get3A_583, %get3A_591 : vector<16xf32>
        %add3A_593 = arith.constant 32 : i32
        %add3A_594 = arith.addi %add3A_593, %scan3A_337 : i32
        %get3A_595 = arith.constant 1 : i32
        %get3A_596 = arith.index_cast %get3A_595 : i32 to index
        %get3A_597 = arith.index_cast %add3A_594 : i32 to index
        %get3A_598 = arith.constant 64 : index
        %get3A_599 = tpu.vector_load %arg7[%get3A_596, %get3A_597, %get3A_598] {strides = array<i32>} : memref<4x96x128xf32, #tpu.memory_space<vmem>>, vector<1x1x16xf32>,
        %get3A_600 = vector.shape_cast %get3A_599 : vector<1x1x16xf32> to vector<16xf32>
        %add3A_601 = arith.constant 48 : i32
        %add3A_602 = arith.addi %add3A_601, %scan3A_337 : i32
        %get3A_603 = arith.constant 1 : i32
        %get3A_604 = arith.index_cast %get3A_603 : i32 to index
        %get3A_605 = arith.index_cast %add3A_602 : i32 to index
        %get3A_606 = arith.constant 64 : index
        %get3A_607 = tpu.vector_load %arg7[%get3A_604, %get3A_605, %get3A_606] {strides = array<i32>} : memref<4x96x128xf32, #tpu.memory_space<vmem>>, vector<1x1x16xf32>,
        %get3A_608 = vector.shape_cast %get3A_607 : vector<1x1x16xf32> to vector<16xf32>
        %add3A_609 = arith.addf %get3A_600, %get3A_608 : vector<16xf32>
        %add3A_610 = arith.constant 64 : i32
        %add3A_611 = arith.addi %add3A_610, %scan3A_337 : i32
        %get3A_612 = arith.constant 1 : i32
        %get3A_613 = arith.index_cast %get3A_612 : i32 to index
        %get3A_614 = arith.index_cast %add3A_611 : i32 to index
        %get3A_615 = arith.constant 64 : index
        %get3A_616 = tpu.vector_load %arg7[%get3A_613, %get3A_614, %get3A_615] {strides = array<i32>} : memref<4x96x128xf32, #tpu.memory_space<vmem>>, vector<1x1x16xf32>,
        %get3A_617 = vector.shape_cast %get3A_616 : vector<1x1x16xf32> to vector<16xf32>
        %add3A_618 = arith.constant 80 : i32
        %add3A_619 = arith.addi %add3A_618, %scan3A_337 : i32
        %get3A_620 = arith.constant 1 : i32
        %get3A_621 = arith.index_cast %get3A_620 : i32 to index
        %get3A_622 = arith.index_cast %add3A_619 : i32 to index
        %get3A_623 = arith.constant 64 : index
        %get3A_624 = tpu.vector_load %arg7[%get3A_621, %get3A_622, %get3A_623] {strides = array<i32>} : memref<4x96x128xf32, #tpu.memory_space<vmem>>, vector<1x1x16xf32>,
        %get3A_625 = vector.shape_cast %get3A_624 : vector<1x1x16xf32> to vector<16xf32>
        %add3A_626 = arith.addf %get3A_617, %get3A_625 : vector<16xf32>
        %add3A_627 = arith.addf %add3A_609, %add3A_626 : vector<16xf32>
        %add3A_628 = arith.addf %add3A_592, %add3A_627 : vector<16xf32>
        %swap3A_629 = arith.constant 1 : i32
        %swap3A_630 = arith.index_cast %swap3A_629 : i32 to index
        %swap3A_631 = arith.index_cast %scan3A_337 : i32 to index
        %swap3A_632 = arith.constant 64 : index
        %swap3A_633 = tpu.vector_load %arg8[%swap3A_630, %swap3A_631, %swap3A_632] {strides = array<i32>} : memref<4x16x128xf32, #tpu.memory_space<vmem>>, vector<1x1x16xf32>,
        %swap3A_634 = vector.shape_cast %swap3A_633 : vector<1x1x16xf32> to vector<16xf32>
        %swap3A_635 = vector.shape_cast %add3A_628 : vector<16xf32> to vector<1x1x16xf32>
        tpu.vector_store %arg8[%swap3A_630, %swap3A_631, %swap3A_632], %swap3A_635 {strides = array<i32>} : memref<4x16x128xf32, #tpu.memory_space<vmem>>, vector<1x1x16xf32>,
        %add3A_636 = arith.constant 0 : i32
        %add3A_637 = arith.addi %add3A_636, %scan3A_337 : i32
        %get3A_638 = arith.constant 1 : i32
        %get3A_639 = arith.index_cast %get3A_638 : i32 to index
        %get3A_640 = arith.index_cast %add3A_637 : i32 to index
        %get3A_641 = arith.constant 80 : index
        %get3A_642 = tpu.vector_load %arg7[%get3A_639, %get3A_640, %get3A_641] {strides = array<i32>} : memref<4x96x128xf32, #tpu.memory_space<vmem>>, vector<1x1x16xf32>,
        %get3A_643 = vector.shape_cast %get3A_642 : vector<1x1x16xf32> to vector<16xf32>
        %add3A_644 = arith.constant 16 : i32
        %add3A_645 = arith.addi %add3A_644, %scan3A_337 : i32
        %get3A_646 = arith.constant 1 : i32
        %get3A_647 = arith.index_cast %get3A_646 : i32 to index
        %get3A_648 = arith.index_cast %add3A_645 : i32 to index
        %get3A_649 = arith.constant 80 : index
        %get3A_650 = tpu.vector_load %arg7[%get3A_647, %get3A_648, %get3A_649] {strides = array<i32>} : memref<4x96x128xf32, #tpu.memory_space<vmem>>, vector<1x1x16xf32>,
        %get3A_651 = vector.shape_cast %get3A_650 : vector<1x1x16xf32> to vector<16xf32>
        %add3A_652 = arith.addf %get3A_643, %get3A_651 : vector<16xf32>
        %add3A_653 = arith.constant 32 : i32
        %add3A_654 = arith.addi %add3A_653, %scan3A_337 : i32
        %get3A_655 = arith.constant 1 : i32
        %get3A_656 = arith.index_cast %get3A_655 : i32 to index
        %get3A_657 = arith.index_cast %add3A_654 : i32 to index
        %get3A_658 = arith.constant 80 : index
        %get3A_659 = tpu.vector_load %arg7[%get3A_656, %get3A_657, %get3A_658] {strides = array<i32>} : memref<4x96x128xf32, #tpu.memory_space<vmem>>, vector<1x1x16xf32>,
        %get3A_660 = vector.shape_cast %get3A_659 : vector<1x1x16xf32> to vector<16xf32>
        %add3A_661 = arith.constant 48 : i32
        %add3A_662 = arith.addi %add3A_661, %scan3A_337 : i32
        %get3A_663 = arith.constant 1 : i32
        %get3A_664 = arith.index_cast %get3A_663 : i32 to index
        %get3A_665 = arith.index_cast %add3A_662 : i32 to index
        %get3A_666 = arith.constant 80 : index
        %get3A_667 = tpu.vector_load %arg7[%get3A_664, %get3A_665, %get3A_666] {strides = array<i32>} : memref<4x96x128xf32, #tpu.memory_space<vmem>>, vector<1x1x16xf32>,
        %get3A_668 = vector.shape_cast %get3A_667 : vector<1x1x16xf32> to vector<16xf32>
        %add3A_669 = arith.addf %get3A_660, %get3A_668 : vector<16xf32>
        %add3A_670 = arith.constant 64 : i32
        %add3A_671 = arith.addi %add3A_670, %scan3A_337 : i32
        %get3A_672 = arith.constant 1 : i32
        %get3A_673 = arith.index_cast %get3A_672 : i32 to index
        %get3A_674 = arith.index_cast %add3A_671 : i32 to index
        %get3A_675 = arith.constant 80 : index
        %get3A_676 = tpu.vector_load %arg7[%get3A_673, %get3A_674, %get3A_675] {strides = array<i32>} : memref<4x96x128xf32, #tpu.memory_space<vmem>>, vector<1x1x16xf32>,
        %get3A_677 = vector.shape_cast %get3A_676 : vector<1x1x16xf32> to vector<16xf32>
        %add3A_678 = arith.constant 80 : i32
        %add3A_679 = arith.addi %add3A_678, %scan3A_337 : i32
        %get3A_680 = arith.constant 1 : i32
        %get3A_681 = arith.index_cast %get3A_680 : i32 to index
        %get3A_682 = arith.index_cast %add3A_679 : i32 to index
        %get3A_683 = arith.constant 80 : index
        %get3A_684 = tpu.vector_load %arg7[%get3A_681, %get3A_682, %get3A_683] {strides = array<i32>} : memref<4x96x128xf32, #tpu.memory_space<vmem>>, vector<1x1x16xf32>,
        %get3A_685 = vector.shape_cast %get3A_684 : vector<1x1x16xf32> to vector<16xf32>
        %add3A_686 = arith.addf %get3A_677, %get3A_685 : vector<16xf32>
        %add3A_687 = arith.addf %add3A_669, %add3A_686 : vector<16xf32>
        %add3A_688 = arith.addf %add3A_652, %add3A_687 : vector<16xf32>
        %swap3A_689 = arith.constant 1 : i32
        %swap3A_690 = arith.index_cast %swap3A_689 : i32 to index
        %swap3A_691 = arith.index_cast %scan3A_337 : i32 to index
        %swap3A_692 = arith.constant 80 : index
        %swap3A_693 = tpu.vector_load %arg8[%swap3A_690, %swap3A_691, %swap3A_692] {strides = array<i32>} : memref<4x16x128xf32, #tpu.memory_space<vmem>>, vector<1x1x16xf32>,
        %swap3A_694 = vector.shape_cast %swap3A_693 : vector<1x1x16xf32> to vector<16xf32>
        %swap3A_695 = vector.shape_cast %add3A_688 : vector<16xf32> to vector<1x1x16xf32>
        tpu.vector_store %arg8[%swap3A_690, %swap3A_691, %swap3A_692], %swap3A_695 {strides = array<i32>} : memref<4x16x128xf32, #tpu.memory_space<vmem>>, vector<1x1x16xf32>,
        %add3A_696 = arith.constant 0 : i32
        %add3A_697 = arith.addi %add3A_696, %scan3A_337 : i32
        %get3A_698 = arith.constant 1 : i32
        %get3A_699 = arith.index_cast %get3A_698 : i32 to index
        %get3A_700 = arith.index_cast %add3A_697 : i32 to index
        %get3A_701 = arith.constant 96 : index
        %get3A_702 = tpu.vector_load %arg7[%get3A_699, %get3A_700, %get3A_701] {strides = array<i32>} : memref<4x96x128xf32, #tpu.memory_space<vmem>>, vector<1x1x16xf32>,
        %get3A_703 = vector.shape_cast %get3A_702 : vector<1x1x16xf32> to vector<16xf32>
        %add3A_704 = arith.constant 16 : i32
        %add3A_705 = arith.addi %add3A_704, %scan3A_337 : i32
        %get3A_706 = arith.constant 1 : i32
        %get3A_707 = arith.index_cast %get3A_706 : i32 to index
        %get3A_708 = arith.index_cast %add3A_705 : i32 to index
        %get3A_709 = arith.constant 96 : index
        %get3A_710 = tpu.vector_load %arg7[%get3A_707, %get3A_708, %get3A_709] {strides = array<i32>} : memref<4x96x128xf32, #tpu.memory_space<vmem>>, vector<1x1x16xf32>,
        %get3A_711 = vector.shape_cast %get3A_710 : vector<1x1x16xf32> to vector<16xf32>
        %add3A_712 = arith.addf %get3A_703, %get3A_711 : vector<16xf32>
        %add3A_713 = arith.constant 32 : i32
        %add3A_714 = arith.addi %add3A_713, %scan3A_337 : i32
        %get3A_715 = arith.constant 1 : i32
        %get3A_716 = arith.index_cast %get3A_715 : i32 to index
        %get3A_717 = arith.index_cast %add3A_714 : i32 to index
        %get3A_718 = arith.constant 96 : index
        %get3A_719 = tpu.vector_load %arg7[%get3A_716, %get3A_717, %get3A_718] {strides = array<i32>} : memref<4x96x128xf32, #tpu.memory_space<vmem>>, vector<1x1x16xf32>,
        %get3A_720 = vector.shape_cast %get3A_719 : vector<1x1x16xf32> to vector<16xf32>
        %add3A_721 = arith.constant 48 : i32
        %add3A_722 = arith.addi %add3A_721, %scan3A_337 : i32
        %get3A_723 = arith.constant 1 : i32
        %get3A_724 = arith.index_cast %get3A_723 : i32 to index
        %get3A_725 = arith.index_cast %add3A_722 : i32 to index
        %get3A_726 = arith.constant 96 : index
        %get3A_727 = tpu.vector_load %arg7[%get3A_724, %get3A_725, %get3A_726] {strides = array<i32>} : memref<4x96x128xf32, #tpu.memory_space<vmem>>, vector<1x1x16xf32>,
        %get3A_728 = vector.shape_cast %get3A_727 : vector<1x1x16xf32> to vector<16xf32>
        %add3A_729 = arith.addf %get3A_720, %get3A_728 : vector<16xf32>
        %add3A_730 = arith.constant 64 : i32
        %add3A_731 = arith.addi %add3A_730, %scan3A_337 : i32
        %get3A_732 = arith.constant 1 : i32
        %get3A_733 = arith.index_cast %get3A_732 : i32 to index
        %get3A_734 = arith.index_cast %add3A_731 : i32 to index
        %get3A_735 = arith.constant 96 : index
        %get3A_736 = tpu.vector_load %arg7[%get3A_733, %get3A_734, %get3A_735] {strides = array<i32>} : memref<4x96x128xf32, #tpu.memory_space<vmem>>, vector<1x1x16xf32>,
        %get3A_737 = vector.shape_cast %get3A_736 : vector<1x1x16xf32> to vector<16xf32>
        %add3A_738 = arith.constant 80 : i32
        %add3A_739 = arith.addi %add3A_738, %scan3A_337 : i32
        %get3A_740 = arith.constant 1 : i32
        %get3A_741 = arith.index_cast %get3A_740 : i32 to index
        %get3A_742 = arith.index_cast %add3A_739 : i32 to index
        %get3A_743 = arith.constant 96 : index
        %get3A_744 = tpu.vector_load %arg7[%get3A_741, %get3A_742, %get3A_743] {strides = array<i32>} : memref<4x96x128xf32, #tpu.memory_space<vmem>>, vector<1x1x16xf32>,
        %get3A_745 = vector.shape_cast %get3A_744 : vector<1x1x16xf32> to vector<16xf32>
        %add3A_746 = arith.addf %get3A_737, %get3A_745 : vector<16xf32>
        %add3A_747 = arith.addf %add3A_729, %add3A_746 : vector<16xf32>
        %add3A_748 = arith.addf %add3A_712, %add3A_747 : vector<16xf32>
        %swap3A_749 = arith.constant 1 : i32
        %swap3A_750 = arith.index_cast %swap3A_749 : i32 to index
        %swap3A_751 = arith.index_cast %scan3A_337 : i32 to index
        %swap3A_752 = arith.constant 96 : index
        %swap3A_753 = tpu.vector_load %arg8[%swap3A_750, %swap3A_751, %swap3A_752] {strides = array<i32>} : memref<4x16x128xf32, #tpu.memory_space<vmem>>, vector<1x1x16xf32>,
        %swap3A_754 = vector.shape_cast %swap3A_753 : vector<1x1x16xf32> to vector<16xf32>
        %swap3A_755 = vector.shape_cast %add3A_748 : vector<16xf32> to vector<1x1x16xf32>
        tpu.vector_store %arg8[%swap3A_750, %swap3A_751, %swap3A_752], %swap3A_755 {strides = array<i32>} : memref<4x16x128xf32, #tpu.memory_space<vmem>>, vector<1x1x16xf32>,
        %add3A_756 = arith.constant 0 : i32
        %add3A_757 = arith.addi %add3A_756, %scan3A_337 : i32
        %get3A_758 = arith.constant 1 : i32
        %get3A_759 = arith.index_cast %get3A_758 : i32 to index
        %get3A_760 = arith.index_cast %add3A_757 : i32 to index
        %get3A_761 = arith.constant 112 : index
        %get3A_762 = tpu.vector_load %arg7[%get3A_759, %get3A_760, %get3A_761] {strides = array<i32>} : memref<4x96x128xf32, #tpu.memory_space<vmem>>, vector<1x1x16xf32>,
        %get3A_763 = vector.shape_cast %get3A_762 : vector<1x1x16xf32> to vector<16xf32>
        %add3A_764 = arith.constant 16 : i32
        %add3A_765 = arith.addi %add3A_764, %scan3A_337 : i32
        %get3A_766 = arith.constant 1 : i32
        %get3A_767 = arith.index_cast %get3A_766 : i32 to index
        %get3A_768 = arith.index_cast %add3A_765 : i32 to index
        %get3A_769 = arith.constant 112 : index
        %get3A_770 = tpu.vector_load %arg7[%get3A_767, %get3A_768, %get3A_769] {strides = array<i32>} : memref<4x96x128xf32, #tpu.memory_space<vmem>>, vector<1x1x16xf32>,
        %get3A_771 = vector.shape_cast %get3A_770 : vector<1x1x16xf32> to vector<16xf32>
        %add3A_772 = arith.addf %get3A_763, %get3A_771 : vector<16xf32>
        %add3A_773 = arith.constant 32 : i32
        %add3A_774 = arith.addi %add3A_773, %scan3A_337 : i32
        %get3A_775 = arith.constant 1 : i32
        %get3A_776 = arith.index_cast %get3A_775 : i32 to index
        %get3A_777 = arith.index_cast %add3A_774 : i32 to index
        %get3A_778 = arith.constant 112 : index
        %get3A_779 = tpu.vector_load %arg7[%get3A_776, %get3A_777, %get3A_778] {strides = array<i32>} : memref<4x96x128xf32, #tpu.memory_space<vmem>>, vector<1x1x16xf32>,
        %get3A_780 = vector.shape_cast %get3A_779 : vector<1x1x16xf32> to vector<16xf32>
        %add3A_781 = arith.constant 48 : i32
        %add3A_782 = arith.addi %add3A_781, %scan3A_337 : i32
        %get3A_783 = arith.constant 1 : i32
        %get3A_784 = arith.index_cast %get3A_783 : i32 to index
        %get3A_785 = arith.index_cast %add3A_782 : i32 to index
        %get3A_786 = arith.constant 112 : index
        %get3A_787 = tpu.vector_load %arg7[%get3A_784, %get3A_785, %get3A_786] {strides = array<i32>} : memref<4x96x128xf32, #tpu.memory_space<vmem>>, vector<1x1x16xf32>,
        %get3A_788 = vector.shape_cast %get3A_787 : vector<1x1x16xf32> to vector<16xf32>
        %add3A_789 = arith.addf %get3A_780, %get3A_788 : vector<16xf32>
        %add3A_790 = arith.constant 64 : i32
        %add3A_791 = arith.addi %add3A_790, %scan3A_337 : i32
        %get3A_792 = arith.constant 1 : i32
        %get3A_793 = arith.index_cast %get3A_792 : i32 to index
        %get3A_794 = arith.index_cast %add3A_791 : i32 to index
        %get3A_795 = arith.constant 112 : index
        %get3A_796 = tpu.vector_load %arg7[%get3A_793, %get3A_794, %get3A_795] {strides = array<i32>} : memref<4x96x128xf32, #tpu.memory_space<vmem>>, vector<1x1x16xf32>,
        %get3A_797 = vector.shape_cast %get3A_796 : vector<1x1x16xf32> to vector<16xf32>
        %add3A_798 = arith.constant 80 : i32
        %add3A_799 = arith.addi %add3A_798, %scan3A_337 : i32
        %get3A_800 = arith.constant 1 : i32
        %get3A_801 = arith.index_cast %get3A_800 : i32 to index
        %get3A_802 = arith.index_cast %add3A_799 : i32 to index
        %get3A_803 = arith.constant 112 : index
        %get3A_804 = tpu.vector_load %arg7[%get3A_801, %get3A_802, %get3A_803] {strides = array<i32>} : memref<4x96x128xf32, #tpu.memory_space<vmem>>, vector<1x1x16xf32>,
        %get3A_805 = vector.shape_cast %get3A_804 : vector<1x1x16xf32> to vector<16xf32>
        %add3A_806 = arith.addf %get3A_797, %get3A_805 : vector<16xf32>
        %add3A_807 = arith.addf %add3A_789, %add3A_806 : vector<16xf32>
        %add3A_808 = arith.addf %add3A_772, %add3A_807 : vector<16xf32>
        %swap3A_809 = arith.constant 1 : i32
        %swap3A_810 = arith.index_cast %swap3A_809 : i32 to index
        %swap3A_811 = arith.index_cast %scan3A_337 : i32 to index
        %swap3A_812 = arith.constant 112 : index
        %swap3A_813 = tpu.vector_load %arg8[%swap3A_810, %swap3A_811, %swap3A_812] {strides = array<i32>} : memref<4x16x128xf32, #tpu.memory_space<vmem>>, vector<1x1x16xf32>,
        %swap3A_814 = vector.shape_cast %swap3A_813 : vector<1x1x16xf32> to vector<16xf32>
        %swap3A_815 = vector.shape_cast %add3A_808 : vector<16xf32> to vector<1x1x16xf32>
        tpu.vector_store %arg8[%swap3A_810, %swap3A_811, %swap3A_812], %swap3A_815 {strides = array<i32>} : memref<4x16x128xf32, #tpu.memory_space<vmem>>, vector<1x1x16xf32>,
        %scan3A_816 = arith.constant 1 : i32
        %scan3A_817 = arith.addi %scan3A_337, %scan3A_816 : i32
        %add3A_818 = arith.constant 0 : i32
        %add3A_819 = arith.addi %add3A_818, %scan3A_817 : i32
        %get3A_820 = arith.constant 1 : i32
        %get3A_821 = arith.index_cast %get3A_820 : i32 to index
        %get3A_822 = arith.index_cast %add3A_819 : i32 to index
        %get3A_823 = arith.constant 0 : index
        %get3A_824 = tpu.vector_load %arg7[%get3A_821, %get3A_822, %get3A_823] {strides = array<i32>} : memref<4x96x128xf32, #tpu.memory_space<vmem>>, vector<1x1x16xf32>,
        %get3A_825 = vector.shape_cast %get3A_824 : vector<1x1x16xf32> to vector<16xf32>
        %add3A_826 = arith.constant 16 : i32
        %add3A_827 = arith.addi %add3A_826, %scan3A_817 : i32
        %get3A_828 = arith.constant 1 : i32
        %get3A_829 = arith.index_cast %get3A_828 : i32 to index
        %get3A_830 = arith.index_cast %add3A_827 : i32 to index
        %get3A_831 = arith.constant 0 : index
        %get3A_832 = tpu.vector_load %arg7[%get3A_829, %get3A_830, %get3A_831] {strides = array<i32>} : memref<4x96x128xf32, #tpu.memory_space<vmem>>, vector<1x1x16xf32>,
        %get3A_833 = vector.shape_cast %get3A_832 : vector<1x1x16xf32> to vector<16xf32>
        %add3A_834 = arith.addf %get3A_825, %get3A_833 : vector<16xf32>
        %add3A_835 = arith.constant 32 : i32
        %add3A_836 = arith.addi %add3A_835, %scan3A_817 : i32
        %get3A_837 = arith.constant 1 : i32
        %get3A_838 = arith.index_cast %get3A_837 : i32 to index
        %get3A_839 = arith.index_cast %add3A_836 : i32 to index
        %get3A_840 = arith.constant 0 : index
        %get3A_841 = tpu.vector_load %arg7[%get3A_838, %get3A_839, %get3A_840] {strides = array<i32>} : memref<4x96x128xf32, #tpu.memory_space<vmem>>, vector<1x1x16xf32>,
        %get3A_842 = vector.shape_cast %get3A_841 : vector<1x1x16xf32> to vector<16xf32>
        %add3A_843 = arith.constant 48 : i32
        %add3A_844 = arith.addi %add3A_843, %scan3A_817 : i32
        %get3A_845 = arith.constant 1 : i32
        %get3A_846 = arith.index_cast %get3A_845 : i32 to index
        %get3A_847 = arith.index_cast %add3A_844 : i32 to index
        %get3A_848 = arith.constant 0 : index
        %get3A_849 = tpu.vector_load %arg7[%get3A_846, %get3A_847, %get3A_848] {strides = array<i32>} : memref<4x96x128xf32, #tpu.memory_space<vmem>>, vector<1x1x16xf32>,
        %get3A_850 = vector.shape_cast %get3A_849 : vector<1x1x16xf32> to vector<16xf32>
        %add3A_851 = arith.addf %get3A_842, %get3A_850 : vector<16xf32>
        %add3A_852 = arith.constant 64 : i32
        %add3A_853 = arith.addi %add3A_852, %scan3A_817 : i32
        %get3A_854 = arith.constant 1 : i32
        %get3A_855 = arith.index_cast %get3A_854 : i32 to index
        %get3A_856 = arith.index_cast %add3A_853 : i32 to index
        %get3A_857 = arith.constant 0 : index
        %get3A_858 = tpu.vector_load %arg7[%get3A_855, %get3A_856, %get3A_857] {strides = array<i32>} : memref<4x96x128xf32, #tpu.memory_space<vmem>>, vector<1x1x16xf32>,
        %get3A_859 = vector.shape_cast %get3A_858 : vector<1x1x16xf32> to vector<16xf32>
        %add3A_860 = arith.constant 80 : i32
        %add3A_861 = arith.addi %add3A_860, %scan3A_817 : i32
        %get3A_862 = arith.constant 1 : i32
        %get3A_863 = arith.index_cast %get3A_862 : i32 to index
        %get3A_864 = arith.index_cast %add3A_861 : i32 to index
        %get3A_865 = arith.constant 0 : index
        %get3A_866 = tpu.vector_load %arg7[%get3A_863, %get3A_864, %get3A_865] {strides = array<i32>} : memref<4x96x128xf32, #tpu.memory_space<vmem>>, vector<1x1x16xf32>,
        %get3A_867 = vector.shape_cast %get3A_866 : vector<1x1x16xf32> to vector<16xf32>
        %add3A_868 = arith.addf %get3A_859, %get3A_867 : vector<16xf32>
        %add3A_869 = arith.addf %add3A_851, %add3A_868 : vector<16xf32>
        %add3A_870 = arith.addf %add3A_834, %add3A_869 : vector<16xf32>
        %swap3A_871 = arith.constant 1 : i32
        %swap3A_872 = arith.index_cast %swap3A_871 : i32 to index
        %swap3A_873 = arith.index_cast %scan3A_817 : i32 to index
        %swap3A_874 = arith.constant 0 : index
        %swap3A_875 = tpu.vector_load %arg8[%swap3A_872, %swap3A_873, %swap3A_874] {strides = array<i32>} : memref<4x16x128xf32, #tpu.memory_space<vmem>>, vector<1x1x16xf32>,
        %swap3A_876 = vector.shape_cast %swap3A_875 : vector<1x1x16xf32> to vector<16xf32>
        %swap3A_877 = vector.shape_cast %add3A_870 : vector<16xf32> to vector<1x1x16xf32>
        tpu.vector_store %arg8[%swap3A_872, %swap3A_873, %swap3A_874], %swap3A_877 {strides = array<i32>} : memref<4x16x128xf32, #tpu.memory_space<vmem>>, vector<1x1x16xf32>,
        %add3A_878 = arith.constant 0 : i32
        %add3A_879 = arith.addi %add3A_878, %scan3A_817 : i32
        %get3A_880 = arith.constant 1 : i32
        %get3A_881 = arith.index_cast %get3A_880 : i32 to index
        %get3A_882 = arith.index_cast %add3A_879 : i32 to index
        %get3A_883 = arith.constant 16 : index
        %get3A_884 = tpu.vector_load %arg7[%get3A_881, %get3A_882, %get3A_883] {strides = array<i32>} : memref<4x96x128xf32, #tpu.memory_space<vmem>>, vector<1x1x16xf32>,
        %get3A_885 = vector.shape_cast %get3A_884 : vector<1x1x16xf32> to vector<16xf32>
        %add3A_886 = arith.constant 16 : i32
        %add3A_887 = arith.addi %add3A_886, %scan3A_817 : i32
        %get3A_888 = arith.constant 1 : i32
        %get3A_889 = arith.index_cast %get3A_888 : i32 to index
        %get3A_890 = arith.index_cast %add3A_887 : i32 to index
        %get3A_891 = arith.constant 16 : index
        %get3A_892 = tpu.vector_load %arg7[%get3A_889, %get3A_890, %get3A_891] {strides = array<i32>} : memref<4x96x128xf32, #tpu.memory_space<vmem>>, vector<1x1x16xf32>,
        %get3A_893 = vector.shape_cast %get3A_892 : vector<1x1x16xf32> to vector<16xf32>
        %add3A_894 = arith.addf %get3A_885, %get3A_893 : vector<16xf32>
        %add3A_895 = arith.constant 32 : i32
        %add3A_896 = arith.addi %add3A_895, %scan3A_817 : i32
        %get3A_897 = arith.constant 1 : i32
        %get3A_898 = arith.index_cast %get3A_897 : i32 to index
        %get3A_899 = arith.index_cast %add3A_896 : i32 to index
        %get3A_900 = arith.constant 16 : index
        %get3A_901 = tpu.vector_load %arg7[%get3A_898, %get3A_899, %get3A_900] {strides = array<i32>} : memref<4x96x128xf32, #tpu.memory_space<vmem>>, vector<1x1x16xf32>,
        %get3A_902 = vector.shape_cast %get3A_901 : vector<1x1x16xf32> to vector<16xf32>
        %add3A_903 = arith.constant 48 : i32
        %add3A_904 = arith.addi %add3A_903, %scan3A_817 : i32
        %get3A_905 = arith.constant 1 : i32
        %get3A_906 = arith.index_cast %get3A_905 : i32 to index
        %get3A_907 = arith.index_cast %add3A_904 : i32 to index
        %get3A_908 = arith.constant 16 : index
        %get3A_909 = tpu.vector_load %arg7[%get3A_906, %get3A_907, %get3A_908] {strides = array<i32>} : memref<4x96x128xf32, #tpu.memory_space<vmem>>, vector<1x1x16xf32>,
        %get3A_910 = vector.shape_cast %get3A_909 : vector<1x1x16xf32> to vector<16xf32>
        %add3A_911 = arith.addf %get3A_902, %get3A_910 : vector<16xf32>
        %add3A_912 = arith.constant 64 : i32
        %add3A_913 = arith.addi %add3A_912, %scan3A_817 : i32
        %get3A_914 = arith.constant 1 : i32
        %get3A_915 = arith.index_cast %get3A_914 : i32 to index
        %get3A_916 = arith.index_cast %add3A_913 : i32 to index
        %get3A_917 = arith.constant 16 : index
        %get3A_918 = tpu.vector_load %arg7[%get3A_915, %get3A_916, %get3A_917] {strides = array<i32>} : memref<4x96x128xf32, #tpu.memory_space<vmem>>, vector<1x1x16xf32>,
        %get3A_919 = vector.shape_cast %get3A_918 : vector<1x1x16xf32> to vector<16xf32>
        %add3A_920 = arith.constant 80 : i32
        %add3A_921 = arith.addi %add3A_920, %scan3A_817 : i32
        %get3A_922 = arith.constant 1 : i32
        %get3A_923 = arith.index_cast %get3A_922 : i32 to index
        %get3A_924 = arith.index_cast %add3A_921 : i32 to index
        %get3A_925 = arith.constant 16 : index
        %get3A_926 = tpu.vector_load %arg7[%get3A_923, %get3A_924, %get3A_925] {strides = array<i32>} : memref<4x96x128xf32, #tpu.memory_space<vmem>>, vector<1x1x16xf32>,
        %get3A_927 = vector.shape_cast %get3A_926 : vector<1x1x16xf32> to vector<16xf32>
        %add3A_928 = arith.addf %get3A_919, %get3A_927 : vector<16xf32>
        %add3A_929 = arith.addf %add3A_911, %add3A_928 : vector<16xf32>
        %add3A_930 = arith.addf %add3A_894, %add3A_929 : vector<16xf32>
        %swap3A_931 = arith.constant 1 : i32
        %swap3A_932 = arith.index_cast %swap3A_931 : i32 to index
        %swap3A_933 = arith.index_cast %scan3A_817 : i32 to index
        %swap3A_934 = arith.constant 16 : index
        %swap3A_935 = tpu.vector_load %arg8[%swap3A_932, %swap3A_933, %swap3A_934] {strides = array<i32>} : memref<4x16x128xf32, #tpu.memory_space<vmem>>, vector<1x1x16xf32>,
        %swap3A_936 = vector.shape_cast %swap3A_935 : vector<1x1x16xf32> to vector<16xf32>
        %swap3A_937 = vector.shape_cast %add3A_930 : vector<16xf32> to vector<1x1x16xf32>
        tpu.vector_store %arg8[%swap3A_932, %swap3A_933, %swap3A_934], %swap3A_937 {strides = array<i32>} : memref<4x16x128xf32, #tpu.memory_space<vmem>>, vector<1x1x16xf32>,
        %add3A_938 = arith.constant 0 : i32
        %add3A_939 = arith.addi %add3A_938, %scan3A_817 : i32
        %get3A_940 = arith.constant 1 : i32
        %get3A_941 = arith.index_cast %get3A_940 : i32 to index
        %get3A_942 = arith.index_cast %add3A_939 : i32 to index
        %get3A_943 = arith.constant 32 : index
        %get3A_944 = tpu.vector_load %arg7[%get3A_941, %get3A_942, %get3A_943] {strides = array<i32>} : memref<4x96x128xf32, #tpu.memory_space<vmem>>, vector<1x1x16xf32>,
        %get3A_945 = vector.shape_cast %get3A_944 : vector<1x1x16xf32> to vector<16xf32>
        %add3A_946 = arith.constant 16 : i32
        %add3A_947 = arith.addi %add3A_946, %scan3A_817 : i32
        %get3A_948 = arith.constant 1 : i32
        %get3A_949 = arith.index_cast %get3A_948 : i32 to index
        %get3A_950 = arith.index_cast %add3A_947 : i32 to index
        %get3A_951 = arith.constant 32 : index
        %get3A_952 = tpu.vector_load %arg7[%get3A_949, %get3A_950, %get3A_951] {strides = array<i32>} : memref<4x96x128xf32, #tpu.memory_space<vmem>>, vector<1x1x16xf32>,
        %get3A_953 = vector.shape_cast %get3A_952 : vector<1x1x16xf32> to vector<16xf32>
        %add3A_954 = arith.addf %get3A_945, %get3A_953 : vector<16xf32>
        %add3A_955 = arith.constant 32 : i32
        %add3A_956 = arith.addi %add3A_955, %scan3A_817 : i32
        %get3A_957 = arith.constant 1 : i32
        %get3A_958 = arith.index_cast %get3A_957 : i32 to index
        %get3A_959 = arith.index_cast %add3A_956 : i32 to index
        %get3A_960 = arith.constant 32 : index
        %get3A_961 = tpu.vector_load %arg7[%get3A_958, %get3A_959, %get3A_960] {strides = array<i32>} : memref<4x96x128xf32, #tpu.memory_space<vmem>>, vector<1x1x16xf32>,
        %get3A_962 = vector.shape_cast %get3A_961 : vector<1x1x16xf32> to vector<16xf32>
        %add3A_963 = arith.constant 48 : i32
        %add3A_964 = arith.addi %add3A_963, %scan3A_817 : i32
        %get3A_965 = arith.constant 1 : i32
        %get3A_966 = arith.index_cast %get3A_965 : i32 to index
        %get3A_967 = arith.index_cast %add3A_964 : i32 to index
        %get3A_968 = arith.constant 32 : index
        %get3A_969 = tpu.vector_load %arg7[%get3A_966, %get3A_967, %get3A_968] {strides = array<i32>} : memref<4x96x128xf32, #tpu.memory_space<vmem>>, vector<1x1x16xf32>,
        %get3A_970 = vector.shape_cast %get3A_969 : vector<1x1x16xf32> to vector<16xf32>
        %add3A_971 = arith.addf %get3A_962, %get3A_970 : vector<16xf32>
        %add3A_972 = arith.constant 64 : i32
        %add3A_973 = arith.addi %add3A_972, %scan3A_817 : i32
        %get3A_974 = arith.constant 1 : i32
        %get3A_975 = arith.index_cast %get3A_974 : i32 to index
        %get3A_976 = arith.index_cast %add3A_973 : i32 to index
        %get3A_977 = arith.constant 32 : index
        %get3A_978 = tpu.vector_load %arg7[%get3A_975, %get3A_976, %get3A_977] {strides = array<i32>} : memref<4x96x128xf32, #tpu.memory_space<vmem>>, vector<1x1x16xf32>,
        %get3A_979 = vector.shape_cast %get3A_978 : vector<1x1x16xf32> to vector<16xf32>
        %add3A_980 = arith.constant 80 : i32
        %add3A_981 = arith.addi %add3A_980, %scan3A_817 : i32
        %get3A_982 = arith.constant 1 : i32
        %get3A_983 = arith.index_cast %get3A_982 : i32 to index
        %get3A_984 = arith.index_cast %add3A_981 : i32 to index
        %get3A_985 = arith.constant 32 : index
        %get3A_986 = tpu.vector_load %arg7[%get3A_983, %get3A_984, %get3A_985] {strides = array<i32>} : memref<4x96x128xf32, #tpu.memory_space<vmem>>, vector<1x1x16xf32>,
        %get3A_987 = vector.shape_cast %get3A_986 : vector<1x1x16xf32> to vector<16xf32>
        %add3A_988 = arith.addf %get3A_979, %get3A_987 : vector<16xf32>
        %add3A_989 = arith.addf %add3A_971, %add3A_988 : vector<16xf32>
        %add3A_990 = arith.addf %add3A_954, %add3A_989 : vector<16xf32>
        %swap3A_991 = arith.constant 1 : i32
        %swap3A_992 = arith.index_cast %swap3A_991 : i32 to index
        %swap3A_993 = arith.index_cast %scan3A_817 : i32 to index
        %swap3A_994 = arith.constant 32 : index
        %swap3A_995 = tpu.vector_load %arg8[%swap3A_992, %swap3A_993, %swap3A_994] {strides = array<i32>} : memref<4x16x128xf32, #tpu.memory_space<vmem>>, vector<1x1x16xf32>,
        %swap3A_996 = vector.shape_cast %swap3A_995 : vector<1x1x16xf32> to vector<16xf32>
        %swap3A_997 = vector.shape_cast %add3A_990 : vector<16xf32> to vector<1x1x16xf32>
        tpu.vector_store %arg8[%swap3A_992, %swap3A_993, %swap3A_994], %swap3A_997 {strides = array<i32>} : memref<4x16x128xf32, #tpu.memory_space<vmem>>, vector<1x1x16xf32>,
        %add3A_998 = arith.constant 0 : i32
        %add3A_999 = arith.addi %add3A_998, %scan3A_817 : i32
        %get3A_1000 = arith.constant 1 : i32
        %get3A_1001 = arith.index_cast %get3A_1000 : i32 to index
        %get3A_1002 = arith.index_cast %add3A_999 : i32 to index
        %get3A_1003 = arith.constant 48 : index
        %get3A_1004 = tpu.vector_load %arg7[%get3A_1001, %get3A_1002, %get3A_1003] {strides = array<i32>} : memref<4x96x128xf32, #tpu.memory_space<vmem>>, vector<1x1x16xf32>,
        %get3A_1005 = vector.shape_cast %get3A_1004 : vector<1x1x16xf32> to vector<16xf32>
        %add3A_1006 = arith.constant 16 : i32
        %add3A_1007 = arith.addi %add3A_1006, %scan3A_817 : i32
        %get3A_1008 = arith.constant 1 : i32
        %get3A_1009 = arith.index_cast %get3A_1008 : i32 to index
        %get3A_1010 = arith.index_cast %add3A_1007 : i32 to index
        %get3A_1011 = arith.constant 48 : index
        %get3A_1012 = tpu.vector_load %arg7[%get3A_1009, %get3A_1010, %get3A_1011] {strides = array<i32>} : memref<4x96x128xf32, #tpu.memory_space<vmem>>, vector<1x1x16xf32>,
        %get3A_1013 = vector.shape_cast %get3A_1012 : vector<1x1x16xf32> to vector<16xf32>
        %add3A_1014 = arith.addf %get3A_1005, %get3A_1013 : vector<16xf32>
        %add3A_1015 = arith.constant 32 : i32
        %add3A_1016 = arith.addi %add3A_1015, %scan3A_817 : i32
        %get3A_1017 = arith.constant 1 : i32
        %get3A_1018 = arith.index_cast %get3A_1017 : i32 to index
        %get3A_1019 = arith.index_cast %add3A_1016 : i32 to index
        %get3A_1020 = arith.constant 48 : index
        %get3A_1021 = tpu.vector_load %arg7[%get3A_1018, %get3A_1019, %get3A_1020] {strides = array<i32>} : memref<4x96x128xf32, #tpu.memory_space<vmem>>, vector<1x1x16xf32>,
        %get3A_1022 = vector.shape_cast %get3A_1021 : vector<1x1x16xf32> to vector<16xf32>
        %add3A_1023 = arith.constant 48 : i32
        %add3A_1024 = arith.addi %add3A_1023, %scan3A_817 : i32
        %get3A_1025 = arith.constant 1 : i32
        %get3A_1026 = arith.index_cast %get3A_1025 : i32 to index
        %get3A_1027 = arith.index_cast %add3A_1024 : i32 to index
        %get3A_1028 = arith.constant 48 : index
        %get3A_1029 = tpu.vector_load %arg7[%get3A_1026, %get3A_1027, %get3A_1028] {strides = array<i32>} : memref<4x96x128xf32, #tpu.memory_space<vmem>>, vector<1x1x16xf32>,
        %get3A_1030 = vector.shape_cast %get3A_1029 : vector<1x1x16xf32> to vector<16xf32>
        %add3A_1031 = arith.addf %get3A_1022, %get3A_1030 : vector<16xf32>
        %add3A_1032 = arith.constant 64 : i32
        %add3A_1033 = arith.addi %add3A_1032, %scan3A_817 : i32
        %get3A_1034 = arith.constant 1 : i32
        %get3A_1035 = arith.index_cast %get3A_1034 : i32 to index
        %get3A_1036 = arith.index_cast %add3A_1033 : i32 to index
        %get3A_1037 = arith.constant 48 : index
        %get3A_1038 = tpu.vector_load %arg7[%get3A_1035, %get3A_1036, %get3A_1037] {strides = array<i32>} : memref<4x96x128xf32, #tpu.memory_space<vmem>>, vector<1x1x16xf32>,
        %get3A_1039 = vector.shape_cast %get3A_1038 : vector<1x1x16xf32> to vector<16xf32>
        %add3A_1040 = arith.constant 80 : i32
        %add3A_1041 = arith.addi %add3A_1040, %scan3A_817 : i32
        %get3A_1042 = arith.constant 1 : i32
        %get3A_1043 = arith.index_cast %get3A_1042 : i32 to index
        %get3A_1044 = arith.index_cast %add3A_1041 : i32 to index
        %get3A_1045 = arith.constant 48 : index
        %get3A_1046 = tpu.vector_load %arg7[%get3A_1043, %get3A_1044, %get3A_1045] {strides = array<i32>} : memref<4x96x128xf32, #tpu.memory_space<vmem>>, vector<1x1x16xf32>,
        %get3A_1047 = vector.shape_cast %get3A_1046 : vector<1x1x16xf32> to vector<16xf32>
        %add3A_1048 = arith.addf %get3A_1039, %get3A_1047 : vector<16xf32>
        %add3A_1049 = arith.addf %add3A_1031, %add3A_1048 : vector<16xf32>
        %add3A_1050 = arith.addf %add3A_1014, %add3A_1049 : vector<16xf32>
        %swap3A_1051 = arith.constant 1 : i32
        %swap3A_1052 = arith.index_cast %swap3A_1051 : i32 to index
        %swap3A_1053 = arith.index_cast %scan3A_817 : i32 to index
        %swap3A_1054 = arith.constant 48 : index
        %swap3A_1055 = tpu.vector_load %arg8[%swap3A_1052, %swap3A_1053, %swap3A_1054] {strides = array<i32>} : memref<4x16x128xf32, #tpu.memory_space<vmem>>, vector<1x1x16xf32>,
        %swap3A_1056 = vector.shape_cast %swap3A_1055 : vector<1x1x16xf32> to vector<16xf32>
        %swap3A_1057 = vector.shape_cast %add3A_1050 : vector<16xf32> to vector<1x1x16xf32>
        tpu.vector_store %arg8[%swap3A_1052, %swap3A_1053, %swap3A_1054], %swap3A_1057 {strides = array<i32>} : memref<4x16x128xf32, #tpu.memory_space<vmem>>, vector<1x1x16xf32>,
        %add3A_1058 = arith.constant 0 : i32
        %add3A_1059 = arith.addi %add3A_1058, %scan3A_817 : i32
        %get3A_1060 = arith.constant 1 : i32
        %get3A_1061 = arith.index_cast %get3A_1060 : i32 to index
        %get3A_1062 = arith.index_cast %add3A_1059 : i32 to index
        %get3A_1063 = arith.constant 64 : index
        %get3A_1064 = tpu.vector_load %arg7[%get3A_1061, %get3A_1062, %get3A_1063] {strides = array<i32>} : memref<4x96x128xf32, #tpu.memory_space<vmem>>, vector<1x1x16xf32>,
        %get3A_1065 = vector.shape_cast %get3A_1064 : vector<1x1x16xf32> to vector<16xf32>
        %add3A_1066 = arith.constant 16 : i32
        %add3A_1067 = arith.addi %add3A_1066, %scan3A_817 : i32
        %get3A_1068 = arith.constant 1 : i32
        %get3A_1069 = arith.index_cast %get3A_1068 : i32 to index
        %get3A_1070 = arith.index_cast %add3A_1067 : i32 to index
        %get3A_1071 = arith.constant 64 : index
        %get3A_1072 = tpu.vector_load %arg7[%get3A_1069, %get3A_1070, %get3A_1071] {strides = array<i32>} : memref<4x96x128xf32, #tpu.memory_space<vmem>>, vector<1x1x16xf32>,
        %get3A_1073 = vector.shape_cast %get3A_1072 : vector<1x1x16xf32> to vector<16xf32>
        %add3A_1074 = arith.addf %get3A_1065, %get3A_1073 : vector<16xf32>
        %add3A_1075 = arith.constant 32 : i32
        %add3A_1076 = arith.addi %add3A_1075, %scan3A_817 : i32
        %get3A_1077 = arith.constant 1 : i32
        %get3A_1078 = arith.index_cast %get3A_1077 : i32 to index
        %get3A_1079 = arith.index_cast %add3A_1076 : i32 to index
        %get3A_1080 = arith.constant 64 : index
        %get3A_1081 = tpu.vector_load %arg7[%get3A_1078, %get3A_1079, %get3A_1080] {strides = array<i32>} : memref<4x96x128xf32, #tpu.memory_space<vmem>>, vector<1x1x16xf32>,
        %get3A_1082 = vector.shape_cast %get3A_1081 : vector<1x1x16xf32> to vector<16xf32>
        %add3A_1083 = arith.constant 48 : i32
        %add3A_1084 = arith.addi %add3A_1083, %scan3A_817 : i32
        %get3A_1085 = arith.constant 1 : i32
        %get3A_1086 = arith.index_cast %get3A_1085 : i32 to index
        %get3A_1087 = arith.index_cast %add3A_1084 : i32 to index
        %get3A_1088 = arith.constant 64 : index
        %get3A_1089 = tpu.vector_load %arg7[%get3A_1086, %get3A_1087, %get3A_1088] {strides = array<i32>} : memref<4x96x128xf32, #tpu.memory_space<vmem>>, vector<1x1x16xf32>,
        %get3A_1090 = vector.shape_cast %get3A_1089 : vector<1x1x16xf32> to vector<16xf32>
        %add3A_1091 = arith.addf %get3A_1082, %get3A_1090 : vector<16xf32>
        %add3A_1092 = arith.constant 64 : i32
        %add3A_1093 = arith.addi %add3A_1092, %scan3A_817 : i32
        %get3A_1094 = arith.constant 1 : i32
        %get3A_1095 = arith.index_cast %get3A_1094 : i32 to index
        %get3A_1096 = arith.index_cast %add3A_1093 : i32 to index
        %get3A_1097 = arith.constant 64 : index
        %get3A_1098 = tpu.vector_load %arg7[%get3A_1095, %get3A_1096, %get3A_1097] {strides = array<i32>} : memref<4x96x128xf32, #tpu.memory_space<vmem>>, vector<1x1x16xf32>,
        %get3A_1099 = vector.shape_cast %get3A_1098 : vector<1x1x16xf32> to vector<16xf32>
        %add3A_1100 = arith.constant 80 : i32
        %add3A_1101 = arith.addi %add3A_1100, %scan3A_817 : i32
        %get3A_1102 = arith.constant 1 : i32
        %get3A_1103 = arith.index_cast %get3A_1102 : i32 to index
        %get3A_1104 = arith.index_cast %add3A_1101 : i32 to index
        %get3A_1105 = arith.constant 64 : index
        %get3A_1106 = tpu.vector_load %arg7[%get3A_1103, %get3A_1104, %get3A_1105] {strides = array<i32>} : memref<4x96x128xf32, #tpu.memory_space<vmem>>, vector<1x1x16xf32>,
        %get3A_1107 = vector.shape_cast %get3A_1106 : vector<1x1x16xf32> to vector<16xf32>
        %add3A_1108 = arith.addf %get3A_1099, %get3A_1107 : vector<16xf32>
        %add3A_1109 = arith.addf %add3A_1091, %add3A_1108 : vector<16xf32>
        %add3A_1110 = arith.addf %add3A_1074, %add3A_1109 : vector<16xf32>
        %swap3A_1111 = arith.constant 1 : i32
        %swap3A_1112 = arith.index_cast %swap3A_1111 : i32 to index
        %swap3A_1113 = arith.index_cast %scan3A_817 : i32 to index
        %swap3A_1114 = arith.constant 64 : index
        %swap3A_1115 = tpu.vector_load %arg8[%swap3A_1112, %swap3A_1113, %swap3A_1114] {strides = array<i32>} : memref<4x16x128xf32, #tpu.memory_space<vmem>>, vector<1x1x16xf32>,
        %swap3A_1116 = vector.shape_cast %swap3A_1115 : vector<1x1x16xf32> to vector<16xf32>
        %swap3A_1117 = vector.shape_cast %add3A_1110 : vector<16xf32> to vector<1x1x16xf32>
        tpu.vector_store %arg8[%swap3A_1112, %swap3A_1113, %swap3A_1114], %swap3A_1117 {strides = array<i32>} : memref<4x16x128xf32, #tpu.memory_space<vmem>>, vector<1x1x16xf32>,
        %add3A_1118 = arith.constant 0 : i32
        %add3A_1119 = arith.addi %add3A_1118, %scan3A_817 : i32
        %get3A_1120 = arith.constant 1 : i32
        %get3A_1121 = arith.index_cast %get3A_1120 : i32 to index
        %get3A_1122 = arith.index_cast %add3A_1119 : i32 to index
        %get3A_1123 = arith.constant 80 : index
        %get3A_1124 = tpu.vector_load %arg7[%get3A_1121, %get3A_1122, %get3A_1123] {strides = array<i32>} : memref<4x96x128xf32, #tpu.memory_space<vmem>>, vector<1x1x16xf32>,
        %get3A_1125 = vector.shape_cast %get3A_1124 : vector<1x1x16xf32> to vector<16xf32>
        %add3A_1126 = arith.constant 16 : i32
        %add3A_1127 = arith.addi %add3A_1126, %scan3A_817 : i32
        %get3A_1128 = arith.constant 1 : i32
        %get3A_1129 = arith.index_cast %get3A_1128 : i32 to index
        %get3A_1130 = arith.index_cast %add3A_1127 : i32 to index
        %get3A_1131 = arith.constant 80 : index
        %get3A_1132 = tpu.vector_load %arg7[%get3A_1129, %get3A_1130, %get3A_1131] {strides = array<i32>} : memref<4x96x128xf32, #tpu.memory_space<vmem>>, vector<1x1x16xf32>,
        %get3A_1133 = vector.shape_cast %get3A_1132 : vector<1x1x16xf32> to vector<16xf32>
        %add3A_1134 = arith.addf %get3A_1125, %get3A_1133 : vector<16xf32>
        %add3A_1135 = arith.constant 32 : i32
        %add3A_1136 = arith.addi %add3A_1135, %scan3A_817 : i32
        %get3A_1137 = arith.constant 1 : i32
        %get3A_1138 = arith.index_cast %get3A_1137 : i32 to index
        %get3A_1139 = arith.index_cast %add3A_1136 : i32 to index
        %get3A_1140 = arith.constant 80 : index
        %get3A_1141 = tpu.vector_load %arg7[%get3A_1138, %get3A_1139, %get3A_1140] {strides = array<i32>} : memref<4x96x128xf32, #tpu.memory_space<vmem>>, vector<1x1x16xf32>,
        %get3A_1142 = vector.shape_cast %get3A_1141 : vector<1x1x16xf32> to vector<16xf32>
        %add3A_1143 = arith.constant 48 : i32
        %add3A_1144 = arith.addi %add3A_1143, %scan3A_817 : i32
        %get3A_1145 = arith.constant 1 : i32
        %get3A_1146 = arith.index_cast %get3A_1145 : i32 to index
        %get3A_1147 = arith.index_cast %add3A_1144 : i32 to index
        %get3A_1148 = arith.constant 80 : index
        %get3A_1149 = tpu.vector_load %arg7[%get3A_1146, %get3A_1147, %get3A_1148] {strides = array<i32>} : memref<4x96x128xf32, #tpu.memory_space<vmem>>, vector<1x1x16xf32>,
        %get3A_1150 = vector.shape_cast %get3A_1149 : vector<1x1x16xf32> to vector<16xf32>
        %add3A_1151 = arith.addf %get3A_1142, %get3A_1150 : vector<16xf32>
        %add3A_1152 = arith.constant 64 : i32
        %add3A_1153 = arith.addi %add3A_1152, %scan3A_817 : i32
        %get3A_1154 = arith.constant 1 : i32
        %get3A_1155 = arith.index_cast %get3A_1154 : i32 to index
        %get3A_1156 = arith.index_cast %add3A_1153 : i32 to index
        %get3A_1157 = arith.constant 80 : index
        %get3A_1158 = tpu.vector_load %arg7[%get3A_1155, %get3A_1156, %get3A_1157] {strides = array<i32>} : memref<4x96x128xf32, #tpu.memory_space<vmem>>, vector<1x1x16xf32>,
        %get3A_1159 = vector.shape_cast %get3A_1158 : vector<1x1x16xf32> to vector<16xf32>
        %add3A_1160 = arith.constant 80 : i32
        %add3A_1161 = arith.addi %add3A_1160, %scan3A_817 : i32
        %get3A_1162 = arith.constant 1 : i32
        %get3A_1163 = arith.index_cast %get3A_1162 : i32 to index
        %get3A_1164 = arith.index_cast %add3A_1161 : i32 to index
        %get3A_1165 = arith.constant 80 : index
        %get3A_1166 = tpu.vector_load %arg7[%get3A_1163, %get3A_1164, %get3A_1165] {strides = array<i32>} : memref<4x96x128xf32, #tpu.memory_space<vmem>>, vector<1x1x16xf32>,
        %get3A_1167 = vector.shape_cast %get3A_1166 : vector<1x1x16xf32> to vector<16xf32>
        %add3A_1168 = arith.addf %get3A_1159, %get3A_1167 : vector<16xf32>
        %add3A_1169 = arith.addf %add3A_1151, %add3A_1168 : vector<16xf32>
        %add3A_1170 = arith.addf %add3A_1134, %add3A_1169 : vector<16xf32>
        %swap3A_1171 = arith.constant 1 : i32
        %swap3A_1172 = arith.index_cast %swap3A_1171 : i32 to index
        %swap3A_1173 = arith.index_cast %scan3A_817 : i32 to index
        %swap3A_1174 = arith.constant 80 : index
        %swap3A_1175 = tpu.vector_load %arg8[%swap3A_1172, %swap3A_1173, %swap3A_1174] {strides = array<i32>} : memref<4x16x128xf32, #tpu.memory_space<vmem>>, vector<1x1x16xf32>,
        %swap3A_1176 = vector.shape_cast %swap3A_1175 : vector<1x1x16xf32> to vector<16xf32>
        %swap3A_1177 = vector.shape_cast %add3A_1170 : vector<16xf32> to vector<1x1x16xf32>
        tpu.vector_store %arg8[%swap3A_1172, %swap3A_1173, %swap3A_1174], %swap3A_1177 {strides = array<i32>} : memref<4x16x128xf32, #tpu.memory_space<vmem>>, vector<1x1x16xf32>,
        %add3A_1178 = arith.constant 0 : i32
        %add3A_1179 = arith.addi %add3A_1178, %scan3A_817 : i32
        %get3A_1180 = arith.constant 1 : i32
        %get3A_1181 = arith.index_cast %get3A_1180 : i32 to index
        %get3A_1182 = arith.index_cast %add3A_1179 : i32 to index
        %get3A_1183 = arith.constant 96 : index
        %get3A_1184 = tpu.vector_load %arg7[%get3A_1181, %get3A_1182, %get3A_1183] {strides = array<i32>} : memref<4x96x128xf32, #tpu.memory_space<vmem>>, vector<1x1x16xf32>,
        %get3A_1185 = vector.shape_cast %get3A_1184 : vector<1x1x16xf32> to vector<16xf32>
        %add3A_1186 = arith.constant 16 : i32
        %add3A_1187 = arith.addi %add3A_1186, %scan3A_817 : i32
        %get3A_1188 = arith.constant 1 : i32
        %get3A_1189 = arith.index_cast %get3A_1188 : i32 to index
        %get3A_1190 = arith.index_cast %add3A_1187 : i32 to index
        %get3A_1191 = arith.constant 96 : index
        %get3A_1192 = tpu.vector_load %arg7[%get3A_1189, %get3A_1190, %get3A_1191] {strides = array<i32>} : memref<4x96x128xf32, #tpu.memory_space<vmem>>, vector<1x1x16xf32>,
        %get3A_1193 = vector.shape_cast %get3A_1192 : vector<1x1x16xf32> to vector<16xf32>
        %add3A_1194 = arith.addf %get3A_1185, %get3A_1193 : vector<16xf32>
        %add3A_1195 = arith.constant 32 : i32
        %add3A_1196 = arith.addi %add3A_1195, %scan3A_817 : i32
        %get3A_1197 = arith.constant 1 : i32
        %get3A_1198 = arith.index_cast %get3A_1197 : i32 to index
        %get3A_1199 = arith.index_cast %add3A_1196 : i32 to index
        %get3A_1200 = arith.constant 96 : index
        %get3A_1201 = tpu.vector_load %arg7[%get3A_1198, %get3A_1199, %get3A_1200] {strides = array<i32>} : memref<4x96x128xf32, #tpu.memory_space<vmem>>, vector<1x1x16xf32>,
        %get3A_1202 = vector.shape_cast %get3A_1201 : vector<1x1x16xf32> to vector<16xf32>
        %add3A_1203 = arith.constant 48 : i32
        %add3A_1204 = arith.addi %add3A_1203, %scan3A_817 : i32
        %get3A_1205 = arith.constant 1 : i32
        %get3A_1206 = arith.index_cast %get3A_1205 : i32 to index
        %get3A_1207 = arith.index_cast %add3A_1204 : i32 to index
        %get3A_1208 = arith.constant 96 : index
        %get3A_1209 = tpu.vector_load %arg7[%get3A_1206, %get3A_1207, %get3A_1208] {strides = array<i32>} : memref<4x96x128xf32, #tpu.memory_space<vmem>>, vector<1x1x16xf32>,
        %get3A_1210 = vector.shape_cast %get3A_1209 : vector<1x1x16xf32> to vector<16xf32>
        %add3A_1211 = arith.addf %get3A_1202, %get3A_1210 : vector<16xf32>
        %add3A_1212 = arith.constant 64 : i32
        %add3A_1213 = arith.addi %add3A_1212, %scan3A_817 : i32
        %get3A_1214 = arith.constant 1 : i32
        %get3A_1215 = arith.index_cast %get3A_1214 : i32 to index
        %get3A_1216 = arith.index_cast %add3A_1213 : i32 to index
        %get3A_1217 = arith.constant 96 : index
        %get3A_1218 = tpu.vector_load %arg7[%get3A_1215, %get3A_1216, %get3A_1217] {strides = array<i32>} : memref<4x96x128xf32, #tpu.memory_space<vmem>>, vector<1x1x16xf32>,
        %get3A_1219 = vector.shape_cast %get3A_1218 : vector<1x1x16xf32> to vector<16xf32>
        %add3A_1220 = arith.constant 80 : i32
        %add3A_1221 = arith.addi %add3A_1220, %scan3A_817 : i32
        %get3A_1222 = arith.constant 1 : i32
        %get3A_1223 = arith.index_cast %get3A_1222 : i32 to index
        %get3A_1224 = arith.index_cast %add3A_1221 : i32 to index
        %get3A_1225 = arith.constant 96 : index
        %get3A_1226 = tpu.vector_load %arg7[%get3A_1223, %get3A_1224, %get3A_1225] {strides = array<i32>} : memref<4x96x128xf32, #tpu.memory_space<vmem>>, vector<1x1x16xf32>,
        %get3A_1227 = vector.shape_cast %get3A_1226 : vector<1x1x16xf32> to vector<16xf32>
        %add3A_1228 = arith.addf %get3A_1219, %get3A_1227 : vector<16xf32>
        %add3A_1229 = arith.addf %add3A_1211, %add3A_1228 : vector<16xf32>
        %add3A_1230 = arith.addf %add3A_1194, %add3A_1229 : vector<16xf32>
        %swap3A_1231 = arith.constant 1 : i32
        %swap3A_1232 = arith.index_cast %swap3A_1231 : i32 to index
        %swap3A_1233 = arith.index_cast %scan3A_817 : i32 to index
        %swap3A_1234 = arith.constant 96 : index
        %swap3A_1235 = tpu.vector_load %arg8[%swap3A_1232, %swap3A_1233, %swap3A_1234] {strides = array<i32>} : memref<4x16x128xf32, #tpu.memory_space<vmem>>, vector<1x1x16xf32>,
        %swap3A_1236 = vector.shape_cast %swap3A_1235 : vector<1x1x16xf32> to vector<16xf32>
        %swap3A_1237 = vector.shape_cast %add3A_1230 : vector<16xf32> to vector<1x1x16xf32>
        tpu.vector_store %arg8[%swap3A_1232, %swap3A_1233, %swap3A_1234], %swap3A_1237 {strides = array<i32>} : memref<4x16x128xf32, #tpu.memory_space<vmem>>, vector<1x1x16xf32>,
        %add3A_1238 = arith.constant 0 : i32
        %add3A_1239 = arith.addi %add3A_1238, %scan3A_817 : i32
        %get3A_1240 = arith.constant 1 : i32
        %get3A_1241 = arith.index_cast %get3A_1240 : i32 to index
        %get3A_1242 = arith.index_cast %add3A_1239 : i32 to index
        %get3A_1243 = arith.constant 112 : index
        %get3A_1244 = tpu.vector_load %arg7[%get3A_1241, %get3A_1242, %get3A_1243] {strides = array<i32>} : memref<4x96x128xf32, #tpu.memory_space<vmem>>, vector<1x1x16xf32>,
        %get3A_1245 = vector.shape_cast %get3A_1244 : vector<1x1x16xf32> to vector<16xf32>
        %add3A_1246 = arith.constant 16 : i32
        %add3A_1247 = arith.addi %add3A_1246, %scan3A_817 : i32
        %get3A_1248 = arith.constant 1 : i32
        %get3A_1249 = arith.index_cast %get3A_1248 : i32 to index
        %get3A_1250 = arith.index_cast %add3A_1247 : i32 to index
        %get3A_1251 = arith.constant 112 : index
        %get3A_1252 = tpu.vector_load %arg7[%get3A_1249, %get3A_1250, %get3A_1251] {strides = array<i32>} : memref<4x96x128xf32, #tpu.memory_space<vmem>>, vector<1x1x16xf32>,
        %get3A_1253 = vector.shape_cast %get3A_1252 : vector<1x1x16xf32> to vector<16xf32>
        %add3A_1254 = arith.addf %get3A_1245, %get3A_1253 : vector<16xf32>
        %add3A_1255 = arith.constant 32 : i32
        %add3A_1256 = arith.addi %add3A_1255, %scan3A_817 : i32
        %get3A_1257 = arith.constant 1 : i32
        %get3A_1258 = arith.index_cast %get3A_1257 : i32 to index
        %get3A_1259 = arith.index_cast %add3A_1256 : i32 to index
        %get3A_1260 = arith.constant 112 : index
        %get3A_1261 = tpu.vector_load %arg7[%get3A_1258, %get3A_1259, %get3A_1260] {strides = array<i32>} : memref<4x96x128xf32, #tpu.memory_space<vmem>>, vector<1x1x16xf32>,
        %get3A_1262 = vector.shape_cast %get3A_1261 : vector<1x1x16xf32> to vector<16xf32>
        %add3A_1263 = arith.constant 48 : i32
        %add3A_1264 = arith.addi %add3A_1263, %scan3A_817 : i32
        %get3A_1265 = arith.constant 1 : i32
        %get3A_1266 = arith.index_cast %get3A_1265 : i32 to index
        %get3A_1267 = arith.index_cast %add3A_1264 : i32 to index
        %get3A_1268 = arith.constant 112 : index
        %get3A_1269 = tpu.vector_load %arg7[%get3A_1266, %get3A_1267, %get3A_1268] {strides = array<i32>} : memref<4x96x128xf32, #tpu.memory_space<vmem>>, vector<1x1x16xf32>,
        %get3A_1270 = vector.shape_cast %get3A_1269 : vector<1x1x16xf32> to vector<16xf32>
        %add3A_1271 = arith.addf %get3A_1262, %get3A_1270 : vector<16xf32>
        %add3A_1272 = arith.constant 64 : i32
        %add3A_1273 = arith.addi %add3A_1272, %scan3A_817 : i32
        %get3A_1274 = arith.constant 1 : i32
        %get3A_1275 = arith.index_cast %get3A_1274 : i32 to index
        %get3A_1276 = arith.index_cast %add3A_1273 : i32 to index
        %get3A_1277 = arith.constant 112 : index
        %get3A_1278 = tpu.vector_load %arg7[%get3A_1275, %get3A_1276, %get3A_1277] {strides = array<i32>} : memref<4x96x128xf32, #tpu.memory_space<vmem>>, vector<1x1x16xf32>,
        %get3A_1279 = vector.shape_cast %get3A_1278 : vector<1x1x16xf32> to vector<16xf32>
        %add3A_1280 = arith.constant 80 : i32
        %add3A_1281 = arith.addi %add3A_1280, %scan3A_817 : i32
        %get3A_1282 = arith.constant 1 : i32
        %get3A_1283 = arith.index_cast %get3A_1282 : i32 to index
        %get3A_1284 = arith.index_cast %add3A_1281 : i32 to index
        %get3A_1285 = arith.constant 112 : index
        %get3A_1286 = tpu.vector_load %arg7[%get3A_1283, %get3A_1284, %get3A_1285] {strides = array<i32>} : memref<4x96x128xf32, #tpu.memory_space<vmem>>, vector<1x1x16xf32>,
        %get3A_1287 = vector.shape_cast %get3A_1286 : vector<1x1x16xf32> to vector<16xf32>
        %add3A_1288 = arith.addf %get3A_1279, %get3A_1287 : vector<16xf32>
        %add3A_1289 = arith.addf %add3A_1271, %add3A_1288 : vector<16xf32>
        %add3A_1290 = arith.addf %add3A_1254, %add3A_1289 : vector<16xf32>
        %swap3A_1291 = arith.constant 1 : i32
        %swap3A_1292 = arith.index_cast %swap3A_1291 : i32 to index
        %swap3A_1293 = arith.index_cast %scan3A_817 : i32 to index
        %swap3A_1294 = arith.constant 112 : index
        %swap3A_1295 = tpu.vector_load %arg8[%swap3A_1292, %swap3A_1293, %swap3A_1294] {strides = array<i32>} : memref<4x16x128xf32, #tpu.memory_space<vmem>>, vector<1x1x16xf32>,
        %swap3A_1296 = vector.shape_cast %swap3A_1295 : vector<1x1x16xf32> to vector<16xf32>
        %swap3A_1297 = vector.shape_cast %add3A_1290 : vector<16xf32> to vector<1x1x16xf32>
        tpu.vector_store %arg8[%swap3A_1292, %swap3A_1293, %swap3A_1294], %swap3A_1297 {strides = array<i32>} : memref<4x16x128xf32, #tpu.memory_space<vmem>>, vector<1x1x16xf32>,
      }
      %scan3A_206 = arith.constant 16 : i32
      %mul3A_207 = arith.constant 16 : i32
      %mul3A_208 = arith.muli %add3A_182, %mul3A_207 : i32
      %add3A_209 = arith.addi %mul3A_2, %mul3A_208 : i32
      %dma_start3A_210 = arith.constant 1 : i32
      %dma_start3A_211 = arith.constant 1 : i32
      %dma_start3A_212 = arith.constant 0 : i32
      %dma_start3A_213 = arith.constant 0 : i32
      %dma_start3A_214 = tpu.memref_slice %arg8[%dma_start3A_210, %dma_start3A_212, %dma_start3A_213] : memref<4x16x128xf32, #tpu.memory_space<vmem>> -> memref<1x16x128xf32, #tpu.memory_space<vmem>>
      %dma_start3A_215 = tpu.memref_squeeze %dma_start3A_214 : memref<1x16x128xf32, #tpu.memory_space<vmem>> -> memref<16x128xf32, #tpu.memory_space<vmem>>
      %dma_start3A_216 = arith.constant 0 : i32
      %dma_start3A_217 = tpu.memref_slice %arg4[%add3A_209, %dma_start3A_216] : memref<102400x128xf32, #tpu.memory_space<hbm>> -> memref<16x128xf32, #tpu.memory_space<hbm>>
      %dma_start3A_218 = tpu.memref_slice %arg10[%dma_start3A_211] : memref<4x!tpu.dma_semaphore, #tpu.memory_space<semaphore_mem>> -> memref<1x!tpu.dma_semaphore, #tpu.memory_space<semaphore_mem>>
      %dma_start3A_219 = tpu.memref_squeeze %dma_start3A_218 : memref<1x!tpu.dma_semaphore, #tpu.memory_space<semaphore_mem>> -> memref<!tpu.dma_semaphore, #tpu.memory_space<semaphore_mem>>
      %dma_start3A_220 = arith.constant 0 : i32
      %dma_start3A_221 = tpu.memref_slice %arg4[%add3A_209, %dma_start3A_220] : memref<102400x128xf32, #tpu.memory_space<hbm>> -> memref<16x128xf32, #tpu.memory_space<hbm>>
      %dma_start3A_222 = arith.constant 0 : i32
      %dma_start3A_223 = arith.constant 0 : i32
      %dma_start3A_224 = tpu.memref_slice %arg8[%dma_start3A_210, %dma_start3A_222, %dma_start3A_223] : memref<4x16x128xf32, #tpu.memory_space<vmem>> -> memref<1x16x128xf32, #tpu.memory_space<vmem>>
      %dma_start3A_225 = tpu.memref_squeeze %dma_start3A_224 : memref<1x16x128xf32, #tpu.memory_space<vmem>> -> memref<16x128xf32, #tpu.memory_space<vmem>>
      tpu.enqueue_dma source(%dma_start3A_225 : memref<16x128xf32, #tpu.memory_space<vmem>>) target(%dma_start3A_221 : memref<16x128xf32, #tpu.memory_space<hbm>>) target_semaphore(%dma_start3A_219 : memref<!tpu.dma_semaphore, #tpu.memory_space<semaphore_mem>>)
      %add3A_226 = arith.constant 4 : i32
      %add3A_227 = arith.addi %add3A_182, %add3A_226 : i32
      %lt3A_228 = arith.constant 200 : i32
      %lt3A_229 = arith.cmpi slt, %add3A_227, %lt3A_228 : i32
      %convert_element_type3A_230 = arith.extui %lt3A_229 : i1 to i32
      %cond3A_231 = arith.constant 0 : i32
      %cond3A_232 = arith.cmpi ne, %convert_element_type3A_230, %cond3A_231 : i32
      scf.if %cond3A_232 {
        %add3A_337 = arith.constant 4 : i32
        %add3A_338 = arith.addi %add3A_182, %add3A_337 : i32
        %mul3A_339 = arith.constant 96 : i32
        %mul3A_340 = arith.muli %add3A_338, %mul3A_339 : i32
        %dma_start3A_341 = arith.constant 1 : i32
        %dma_start3A_342 = arith.constant 1 : i32
        %dma_start3A_343 = arith.constant 0 : i32
        %dma_start3A_344 = arith.constant 0 : i32
        %dma_start3A_345 = tpu.memref_slice %arg7[%dma_start3A_341, %dma_start3A_343, %dma_start3A_344] : memref<4x96x128xf32, #tpu.memory_space<vmem>> -> memref<1x96x128xf32, #tpu.memory_space<vmem>>
        %dma_start3A_346 = tpu.memref_squeeze %dma_start3A_345 : memref<1x96x128xf32, #tpu.memory_space<vmem>> -> memref<96x128xf32, #tpu.memory_space<vmem>>
        %dma_start3A_347 = tpu.memref_slice %arg6[%mul3A_340] : memref<19200xi32, #tpu.memory_space<vmem>> -> memref<96xi32, #tpu.memory_space<vmem>>
        %dma_start3A_348 = arith.constant 0 : i32
        %dma_start3A_349 = arith.constant 0 : i32
        %dma_start3A_350 = tpu.memref_slice %arg2[%dma_start3A_348, %dma_start3A_349] : memref<100000x128xf32, #tpu.memory_space<hbm>> -> memref<100000x128xf32, #tpu.memory_space<hbm>>
        %dma_start3A_351 = tpu.memref_slice %arg9[%dma_start3A_342] : memref<4x!tpu.dma_semaphore, #tpu.memory_space<semaphore_mem>> -> memref<1x!tpu.dma_semaphore, #tpu.memory_space<semaphore_mem>>
        %dma_start3A_352 = tpu.memref_squeeze %dma_start3A_351 : memref<1x!tpu.dma_semaphore, #tpu.memory_space<semaphore_mem>> -> memref<!tpu.dma_semaphore, #tpu.memory_space<semaphore_mem>>
        tpu.enqueue_indirect_dma source(%dma_start3A_350 : memref<100000x128xf32, #tpu.memory_space<hbm>>) target(%dma_start3A_346 : memref<96x128xf32, #tpu.memory_space<vmem>>) offsets(%dma_start3A_347 : memref<96xi32, #tpu.memory_space<vmem>>) semaphore(%dma_start3A_352 : memref<!tpu.dma_semaphore, #tpu.memory_space<semaphore_mem>>)
      } else {
      }
      %add3A_233 = arith.constant 2 : i32
      %add3A_234 = arith.addi %mul3A_132, %add3A_233 : i32
      %dma_wait3A_235 = arith.constant 2 : i32
      %dma_wait3A_236 = arith.constant 2 : i32
      %dma_wait3A_237 = arith.constant 0 : i32
      %dma_wait3A_238 = arith.constant 0 : i32
      %dma_wait3A_239 = tpu.memref_slice %arg7[%dma_wait3A_235, %dma_wait3A_237, %dma_wait3A_238] : memref<4x96x128xf32, #tpu.memory_space<vmem>> -> memref<1x96x128xf32, #tpu.memory_space<vmem>>
      %dma_wait3A_240 = tpu.memref_squeeze %dma_wait3A_239 : memref<1x96x128xf32, #tpu.memory_space<vmem>> -> memref<96x128xf32, #tpu.memory_space<vmem>>
      %dma_wait3A_241 = arith.constant 0 : i32
      %dma_wait3A_242 = tpu.memref_slice %arg6[%dma_wait3A_241] : memref<19200xi32, #tpu.memory_space<vmem>> -> memref<96xi32, #tpu.memory_space<vmem>>
      %dma_wait3A_243 = arith.constant 0 : i32
      %dma_wait3A_244 = arith.constant 0 : i32
      %dma_wait3A_245 = tpu.memref_slice %arg2[%dma_wait3A_243, %dma_wait3A_244] : memref<100000x128xf32, #tpu.memory_space<hbm>> -> memref<100000x128xf32, #tpu.memory_space<hbm>>
      %dma_wait3A_246 = tpu.memref_slice %arg9[%dma_wait3A_236] : memref<4x!tpu.dma_semaphore, #tpu.memory_space<semaphore_mem>> -> memref<1x!tpu.dma_semaphore, #tpu.memory_space<semaphore_mem>>
      %dma_wait3A_247 = tpu.memref_squeeze %dma_wait3A_246 : memref<1x!tpu.dma_semaphore, #tpu.memory_space<semaphore_mem>> -> memref<!tpu.dma_semaphore, #tpu.memory_space<semaphore_mem>>
      tpu.wait_indirect_dma semaphore(%dma_wait3A_247 : memref<!tpu.dma_semaphore, #tpu.memory_space<semaphore_mem>>) src(%dma_wait3A_245 : memref<100000x128xf32, #tpu.memory_space<hbm>>) dst(%dma_wait3A_240 : memref<96x128xf32, #tpu.memory_space<vmem>>)
      %gt3A_248 = arith.constant 0 : i32
      %gt3A_249 = arith.cmpi sgt, %scan3A_130, %gt3A_248 : i32
      %convert_element_type3A_250 = arith.extui %gt3A_249 : i1 to i32
      %cond3A_251 = arith.constant 0 : i32
      %cond3A_252 = arith.cmpi ne, %convert_element_type3A_250, %cond3A_251 : i32
      scf.if %cond3A_252 {
        %dma_wait3A_337 = arith.constant 2 : i32
        %dma_wait3A_338 = arith.constant 2 : i32
        %dma_wait3A_339 = arith.constant 0 : i32
        %dma_wait3A_340 = arith.constant 0 : i32
        %dma_wait3A_341 = tpu.memref_slice %arg8[%dma_wait3A_337, %dma_wait3A_339, %dma_wait3A_340] : memref<4x16x128xf32, #tpu.memory_space<vmem>> -> memref<1x16x128xf32, #tpu.memory_space<vmem>>
        %dma_wait3A_342 = tpu.memref_squeeze %dma_wait3A_341 : memref<1x16x128xf32, #tpu.memory_space<vmem>> -> memref<16x128xf32, #tpu.memory_space<vmem>>
        %dma_wait3A_343 = arith.constant 0 : i32
        %dma_wait3A_344 = tpu.memref_slice %arg4[%mul3A_2, %dma_wait3A_343] : memref<102400x128xf32, #tpu.memory_space<hbm>> -> memref<16x128xf32, #tpu.memory_space<hbm>>
        %dma_wait3A_345 = tpu.memref_slice %arg10[%dma_wait3A_338] : memref<4x!tpu.dma_semaphore, #tpu.memory_space<semaphore_mem>> -> memref<1x!tpu.dma_semaphore, #tpu.memory_space<semaphore_mem>>
        %dma_wait3A_346 = tpu.memref_squeeze %dma_wait3A_345 : memref<1x!tpu.dma_semaphore, #tpu.memory_space<semaphore_mem>> -> memref<!tpu.dma_semaphore, #tpu.memory_space<semaphore_mem>>
        %dma_wait3A_347 = arith.constant 0 : i32
        %dma_wait3A_348 = tpu.memref_slice %arg4[%mul3A_2, %dma_wait3A_347] : memref<102400x128xf32, #tpu.memory_space<hbm>> -> memref<16x128xf32, #tpu.memory_space<hbm>>
        %dma_wait3A_349 = arith.constant 0 : i32
        %dma_wait3A_350 = arith.constant 0 : i32
        %dma_wait3A_351 = tpu.memref_slice %arg8[%dma_wait3A_337, %dma_wait3A_349, %dma_wait3A_350] : memref<4x16x128xf32, #tpu.memory_space<vmem>> -> memref<1x16x128xf32, #tpu.memory_space<vmem>>
        %dma_wait3A_352 = tpu.memref_squeeze %dma_wait3A_351 : memref<1x16x128xf32, #tpu.memory_space<vmem>> -> memref<16x128xf32, #tpu.memory_space<vmem>>
        tpu.wait_dma2 semaphore(%dma_wait3A_346 : memref<!tpu.dma_semaphore, #tpu.memory_space<semaphore_mem>>) src(%dma_wait3A_352 : memref<16x128xf32, #tpu.memory_space<vmem>>) dst(%dma_wait3A_348 : memref<16x128xf32, #tpu.memory_space<hbm>>)
      } else {
      }
      %scan3A_253 = arith.constant 0 : i32
      %scan3A_254 = arith.constant 0 : i32
      %scan3A_255 = arith.constant 16 : i32
      %scan3A_256 = arith.addi %scan3A_254, %scan3A_255 : i32
      %scan3A_257 = arith.constant 2 : i32
      scf.for %scan3A_337 = %scan3A_254 to %scan3A_256 step %scan3A_257  : i32 {
        %add3A_338 = arith.constant 0 : i32
        %add3A_339 = arith.addi %add3A_338, %scan3A_337 : i32
        %get3A = arith.constant 2 : i32
        %get3A_340 = arith.index_cast %get3A : i32 to index
        %get3A_341 = arith.index_cast %add3A_339 : i32 to index
        %get3A_342 = arith.constant 0 : index
        %get3A_343 = tpu.vector_load %arg7[%get3A_340, %get3A_341, %get3A_342] {strides = array<i32>} : memref<4x96x128xf32, #tpu.memory_space<vmem>>, vector<1x1x16xf32>,
        %get3A_344 = vector.shape_cast %get3A_343 : vector<1x1x16xf32> to vector<16xf32>
        %add3A_345 = arith.constant 16 : i32
        %add3A_346 = arith.addi %add3A_345, %scan3A_337 : i32
        %get3A_347 = arith.constant 2 : i32
        %get3A_348 = arith.index_cast %get3A_347 : i32 to index
        %get3A_349 = arith.index_cast %add3A_346 : i32 to index
        %get3A_350 = arith.constant 0 : index
        %get3A_351 = tpu.vector_load %arg7[%get3A_348, %get3A_349, %get3A_350] {strides = array<i32>} : memref<4x96x128xf32, #tpu.memory_space<vmem>>, vector<1x1x16xf32>,
        %get3A_352 = vector.shape_cast %get3A_351 : vector<1x1x16xf32> to vector<16xf32>
        %add3A_353 = arith.addf %get3A_344, %get3A_352 : vector<16xf32>
        %add3A_354 = arith.constant 32 : i32
        %add3A_355 = arith.addi %add3A_354, %scan3A_337 : i32
        %get3A_356 = arith.constant 2 : i32
        %get3A_357 = arith.index_cast %get3A_356 : i32 to index
        %get3A_358 = arith.index_cast %add3A_355 : i32 to index
        %get3A_359 = arith.constant 0 : index
        %get3A_360 = tpu.vector_load %arg7[%get3A_357, %get3A_358, %get3A_359] {strides = array<i32>} : memref<4x96x128xf32, #tpu.memory_space<vmem>>, vector<1x1x16xf32>,
        %get3A_361 = vector.shape_cast %get3A_360 : vector<1x1x16xf32> to vector<16xf32>
        %add3A_362 = arith.constant 48 : i32
        %add3A_363 = arith.addi %add3A_362, %scan3A_337 : i32
        %get3A_364 = arith.constant 2 : i32
        %get3A_365 = arith.index_cast %get3A_364 : i32 to index
        %get3A_366 = arith.index_cast %add3A_363 : i32 to index
        %get3A_367 = arith.constant 0 : index
        %get3A_368 = tpu.vector_load %arg7[%get3A_365, %get3A_366, %get3A_367] {strides = array<i32>} : memref<4x96x128xf32, #tpu.memory_space<vmem>>, vector<1x1x16xf32>,
        %get3A_369 = vector.shape_cast %get3A_368 : vector<1x1x16xf32> to vector<16xf32>
        %add3A_370 = arith.addf %get3A_361, %get3A_369 : vector<16xf32>
        %add3A_371 = arith.constant 64 : i32
        %add3A_372 = arith.addi %add3A_371, %scan3A_337 : i32
        %get3A_373 = arith.constant 2 : i32
        %get3A_374 = arith.index_cast %get3A_373 : i32 to index
        %get3A_375 = arith.index_cast %add3A_372 : i32 to index
        %get3A_376 = arith.constant 0 : index
        %get3A_377 = tpu.vector_load %arg7[%get3A_374, %get3A_375, %get3A_376] {strides = array<i32>} : memref<4x96x128xf32, #tpu.memory_space<vmem>>, vector<1x1x16xf32>,
        %get3A_378 = vector.shape_cast %get3A_377 : vector<1x1x16xf32> to vector<16xf32>
        %add3A_379 = arith.constant 80 : i32
        %add3A_380 = arith.addi %add3A_379, %scan3A_337 : i32
        %get3A_381 = arith.constant 2 : i32
        %get3A_382 = arith.index_cast %get3A_381 : i32 to index
        %get3A_383 = arith.index_cast %add3A_380 : i32 to index
        %get3A_384 = arith.constant 0 : index
        %get3A_385 = tpu.vector_load %arg7[%get3A_382, %get3A_383, %get3A_384] {strides = array<i32>} : memref<4x96x128xf32, #tpu.memory_space<vmem>>, vector<1x1x16xf32>,
        %get3A_386 = vector.shape_cast %get3A_385 : vector<1x1x16xf32> to vector<16xf32>
        %add3A_387 = arith.addf %get3A_378, %get3A_386 : vector<16xf32>
        %add3A_388 = arith.addf %add3A_370, %add3A_387 : vector<16xf32>
        %add3A_389 = arith.addf %add3A_353, %add3A_388 : vector<16xf32>
        %swap3A = arith.constant 2 : i32
        %swap3A_390 = arith.index_cast %swap3A : i32 to index
        %swap3A_391 = arith.index_cast %scan3A_337 : i32 to index
        %swap3A_392 = arith.constant 0 : index
        %swap3A_393 = tpu.vector_load %arg8[%swap3A_390, %swap3A_391, %swap3A_392] {strides = array<i32>} : memref<4x16x128xf32, #tpu.memory_space<vmem>>, vector<1x1x16xf32>,
        %swap3A_394 = vector.shape_cast %swap3A_393 : vector<1x1x16xf32> to vector<16xf32>
        %swap3A_395 = vector.shape_cast %add3A_389 : vector<16xf32> to vector<1x1x16xf32>
        tpu.vector_store %arg8[%swap3A_390, %swap3A_391, %swap3A_392], %swap3A_395 {strides = array<i32>} : memref<4x16x128xf32, #tpu.memory_space<vmem>>, vector<1x1x16xf32>,
        %add3A_396 = arith.constant 0 : i32
        %add3A_397 = arith.addi %add3A_396, %scan3A_337 : i32
        %get3A_398 = arith.constant 2 : i32
        %get3A_399 = arith.index_cast %get3A_398 : i32 to index
        %get3A_400 = arith.index_cast %add3A_397 : i32 to index
        %get3A_401 = arith.constant 16 : index
        %get3A_402 = tpu.vector_load %arg7[%get3A_399, %get3A_400, %get3A_401] {strides = array<i32>} : memref<4x96x128xf32, #tpu.memory_space<vmem>>, vector<1x1x16xf32>,
        %get3A_403 = vector.shape_cast %get3A_402 : vector<1x1x16xf32> to vector<16xf32>
        %add3A_404 = arith.constant 16 : i32
        %add3A_405 = arith.addi %add3A_404, %scan3A_337 : i32
        %get3A_406 = arith.constant 2 : i32
        %get3A_407 = arith.index_cast %get3A_406 : i32 to index
        %get3A_408 = arith.index_cast %add3A_405 : i32 to index
        %get3A_409 = arith.constant 16 : index
        %get3A_410 = tpu.vector_load %arg7[%get3A_407, %get3A_408, %get3A_409] {strides = array<i32>} : memref<4x96x128xf32, #tpu.memory_space<vmem>>, vector<1x1x16xf32>,
        %get3A_411 = vector.shape_cast %get3A_410 : vector<1x1x16xf32> to vector<16xf32>
        %add3A_412 = arith.addf %get3A_403, %get3A_411 : vector<16xf32>
        %add3A_413 = arith.constant 32 : i32
        %add3A_414 = arith.addi %add3A_413, %scan3A_337 : i32
        %get3A_415 = arith.constant 2 : i32
        %get3A_416 = arith.index_cast %get3A_415 : i32 to index
        %get3A_417 = arith.index_cast %add3A_414 : i32 to index
        %get3A_418 = arith.constant 16 : index
        %get3A_419 = tpu.vector_load %arg7[%get3A_416, %get3A_417, %get3A_418] {strides = array<i32>} : memref<4x96x128xf32, #tpu.memory_space<vmem>>, vector<1x1x16xf32>,
        %get3A_420 = vector.shape_cast %get3A_419 : vector<1x1x16xf32> to vector<16xf32>
        %add3A_421 = arith.constant 48 : i32
        %add3A_422 = arith.addi %add3A_421, %scan3A_337 : i32
        %get3A_423 = arith.constant 2 : i32
        %get3A_424 = arith.index_cast %get3A_423 : i32 to index
        %get3A_425 = arith.index_cast %add3A_422 : i32 to index
        %get3A_426 = arith.constant 16 : index
        %get3A_427 = tpu.vector_load %arg7[%get3A_424, %get3A_425, %get3A_426] {strides = array<i32>} : memref<4x96x128xf32, #tpu.memory_space<vmem>>, vector<1x1x16xf32>,
        %get3A_428 = vector.shape_cast %get3A_427 : vector<1x1x16xf32> to vector<16xf32>
        %add3A_429 = arith.addf %get3A_420, %get3A_428 : vector<16xf32>
        %add3A_430 = arith.constant 64 : i32
        %add3A_431 = arith.addi %add3A_430, %scan3A_337 : i32
        %get3A_432 = arith.constant 2 : i32
        %get3A_433 = arith.index_cast %get3A_432 : i32 to index
        %get3A_434 = arith.index_cast %add3A_431 : i32 to index
        %get3A_435 = arith.constant 16 : index
        %get3A_436 = tpu.vector_load %arg7[%get3A_433, %get3A_434, %get3A_435] {strides = array<i32>} : memref<4x96x128xf32, #tpu.memory_space<vmem>>, vector<1x1x16xf32>,
        %get3A_437 = vector.shape_cast %get3A_436 : vector<1x1x16xf32> to vector<16xf32>
        %add3A_438 = arith.constant 80 : i32
        %add3A_439 = arith.addi %add3A_438, %scan3A_337 : i32
        %get3A_440 = arith.constant 2 : i32
        %get3A_441 = arith.index_cast %get3A_440 : i32 to index
        %get3A_442 = arith.index_cast %add3A_439 : i32 to index
        %get3A_443 = arith.constant 16 : index
        %get3A_444 = tpu.vector_load %arg7[%get3A_441, %get3A_442, %get3A_443] {strides = array<i32>} : memref<4x96x128xf32, #tpu.memory_space<vmem>>, vector<1x1x16xf32>,
        %get3A_445 = vector.shape_cast %get3A_444 : vector<1x1x16xf32> to vector<16xf32>
        %add3A_446 = arith.addf %get3A_437, %get3A_445 : vector<16xf32>
        %add3A_447 = arith.addf %add3A_429, %add3A_446 : vector<16xf32>
        %add3A_448 = arith.addf %add3A_412, %add3A_447 : vector<16xf32>
        %swap3A_449 = arith.constant 2 : i32
        %swap3A_450 = arith.index_cast %swap3A_449 : i32 to index
        %swap3A_451 = arith.index_cast %scan3A_337 : i32 to index
        %swap3A_452 = arith.constant 16 : index
        %swap3A_453 = tpu.vector_load %arg8[%swap3A_450, %swap3A_451, %swap3A_452] {strides = array<i32>} : memref<4x16x128xf32, #tpu.memory_space<vmem>>, vector<1x1x16xf32>,
        %swap3A_454 = vector.shape_cast %swap3A_453 : vector<1x1x16xf32> to vector<16xf32>
        %swap3A_455 = vector.shape_cast %add3A_448 : vector<16xf32> to vector<1x1x16xf32>
        tpu.vector_store %arg8[%swap3A_450, %swap3A_451, %swap3A_452], %swap3A_455 {strides = array<i32>} : memref<4x16x128xf32, #tpu.memory_space<vmem>>, vector<1x1x16xf32>,
        %add3A_456 = arith.constant 0 : i32
        %add3A_457 = arith.addi %add3A_456, %scan3A_337 : i32
        %get3A_458 = arith.constant 2 : i32
        %get3A_459 = arith.index_cast %get3A_458 : i32 to index
        %get3A_460 = arith.index_cast %add3A_457 : i32 to index
        %get3A_461 = arith.constant 32 : index
        %get3A_462 = tpu.vector_load %arg7[%get3A_459, %get3A_460, %get3A_461] {strides = array<i32>} : memref<4x96x128xf32, #tpu.memory_space<vmem>>, vector<1x1x16xf32>,
        %get3A_463 = vector.shape_cast %get3A_462 : vector<1x1x16xf32> to vector<16xf32>
        %add3A_464 = arith.constant 16 : i32
        %add3A_465 = arith.addi %add3A_464, %scan3A_337 : i32
        %get3A_466 = arith.constant 2 : i32
        %get3A_467 = arith.index_cast %get3A_466 : i32 to index
        %get3A_468 = arith.index_cast %add3A_465 : i32 to index
        %get3A_469 = arith.constant 32 : index
        %get3A_470 = tpu.vector_load %arg7[%get3A_467, %get3A_468, %get3A_469] {strides = array<i32>} : memref<4x96x128xf32, #tpu.memory_space<vmem>>, vector<1x1x16xf32>,
        %get3A_471 = vector.shape_cast %get3A_470 : vector<1x1x16xf32> to vector<16xf32>
        %add3A_472 = arith.addf %get3A_463, %get3A_471 : vector<16xf32>
        %add3A_473 = arith.constant 32 : i32
        %add3A_474 = arith.addi %add3A_473, %scan3A_337 : i32
        %get3A_475 = arith.constant 2 : i32
        %get3A_476 = arith.index_cast %get3A_475 : i32 to index
        %get3A_477 = arith.index_cast %add3A_474 : i32 to index
        %get3A_478 = arith.constant 32 : index
        %get3A_479 = tpu.vector_load %arg7[%get3A_476, %get3A_477, %get3A_478] {strides = array<i32>} : memref<4x96x128xf32, #tpu.memory_space<vmem>>, vector<1x1x16xf32>,
        %get3A_480 = vector.shape_cast %get3A_479 : vector<1x1x16xf32> to vector<16xf32>
        %add3A_481 = arith.constant 48 : i32
        %add3A_482 = arith.addi %add3A_481, %scan3A_337 : i32
        %get3A_483 = arith.constant 2 : i32
        %get3A_484 = arith.index_cast %get3A_483 : i32 to index
        %get3A_485 = arith.index_cast %add3A_482 : i32 to index
        %get3A_486 = arith.constant 32 : index
        %get3A_487 = tpu.vector_load %arg7[%get3A_484, %get3A_485, %get3A_486] {strides = array<i32>} : memref<4x96x128xf32, #tpu.memory_space<vmem>>, vector<1x1x16xf32>,
        %get3A_488 = vector.shape_cast %get3A_487 : vector<1x1x16xf32> to vector<16xf32>
        %add3A_489 = arith.addf %get3A_480, %get3A_488 : vector<16xf32>
        %add3A_490 = arith.constant 64 : i32
        %add3A_491 = arith.addi %add3A_490, %scan3A_337 : i32
        %get3A_492 = arith.constant 2 : i32
        %get3A_493 = arith.index_cast %get3A_492 : i32 to index
        %get3A_494 = arith.index_cast %add3A_491 : i32 to index
        %get3A_495 = arith.constant 32 : index
        %get3A_496 = tpu.vector_load %arg7[%get3A_493, %get3A_494, %get3A_495] {strides = array<i32>} : memref<4x96x128xf32, #tpu.memory_space<vmem>>, vector<1x1x16xf32>,
        %get3A_497 = vector.shape_cast %get3A_496 : vector<1x1x16xf32> to vector<16xf32>
        %add3A_498 = arith.constant 80 : i32
        %add3A_499 = arith.addi %add3A_498, %scan3A_337 : i32
        %get3A_500 = arith.constant 2 : i32
        %get3A_501 = arith.index_cast %get3A_500 : i32 to index
        %get3A_502 = arith.index_cast %add3A_499 : i32 to index
        %get3A_503 = arith.constant 32 : index
        %get3A_504 = tpu.vector_load %arg7[%get3A_501, %get3A_502, %get3A_503] {strides = array<i32>} : memref<4x96x128xf32, #tpu.memory_space<vmem>>, vector<1x1x16xf32>,
        %get3A_505 = vector.shape_cast %get3A_504 : vector<1x1x16xf32> to vector<16xf32>
        %add3A_506 = arith.addf %get3A_497, %get3A_505 : vector<16xf32>
        %add3A_507 = arith.addf %add3A_489, %add3A_506 : vector<16xf32>
        %add3A_508 = arith.addf %add3A_472, %add3A_507 : vector<16xf32>
        %swap3A_509 = arith.constant 2 : i32
        %swap3A_510 = arith.index_cast %swap3A_509 : i32 to index
        %swap3A_511 = arith.index_cast %scan3A_337 : i32 to index
        %swap3A_512 = arith.constant 32 : index
        %swap3A_513 = tpu.vector_load %arg8[%swap3A_510, %swap3A_511, %swap3A_512] {strides = array<i32>} : memref<4x16x128xf32, #tpu.memory_space<vmem>>, vector<1x1x16xf32>,
        %swap3A_514 = vector.shape_cast %swap3A_513 : vector<1x1x16xf32> to vector<16xf32>
        %swap3A_515 = vector.shape_cast %add3A_508 : vector<16xf32> to vector<1x1x16xf32>
        tpu.vector_store %arg8[%swap3A_510, %swap3A_511, %swap3A_512], %swap3A_515 {strides = array<i32>} : memref<4x16x128xf32, #tpu.memory_space<vmem>>, vector<1x1x16xf32>,
        %add3A_516 = arith.constant 0 : i32
        %add3A_517 = arith.addi %add3A_516, %scan3A_337 : i32
        %get3A_518 = arith.constant 2 : i32
        %get3A_519 = arith.index_cast %get3A_518 : i32 to index
        %get3A_520 = arith.index_cast %add3A_517 : i32 to index
        %get3A_521 = arith.constant 48 : index
        %get3A_522 = tpu.vector_load %arg7[%get3A_519, %get3A_520, %get3A_521] {strides = array<i32>} : memref<4x96x128xf32, #tpu.memory_space<vmem>>, vector<1x1x16xf32>,
        %get3A_523 = vector.shape_cast %get3A_522 : vector<1x1x16xf32> to vector<16xf32>
        %add3A_524 = arith.constant 16 : i32
        %add3A_525 = arith.addi %add3A_524, %scan3A_337 : i32
        %get3A_526 = arith.constant 2 : i32
        %get3A_527 = arith.index_cast %get3A_526 : i32 to index
        %get3A_528 = arith.index_cast %add3A_525 : i32 to index
        %get3A_529 = arith.constant 48 : index
        %get3A_530 = tpu.vector_load %arg7[%get3A_527, %get3A_528, %get3A_529] {strides = array<i32>} : memref<4x96x128xf32, #tpu.memory_space<vmem>>, vector<1x1x16xf32>,
        %get3A_531 = vector.shape_cast %get3A_530 : vector<1x1x16xf32> to vector<16xf32>
        %add3A_532 = arith.addf %get3A_523, %get3A_531 : vector<16xf32>
        %add3A_533 = arith.constant 32 : i32
        %add3A_534 = arith.addi %add3A_533, %scan3A_337 : i32
        %get3A_535 = arith.constant 2 : i32
        %get3A_536 = arith.index_cast %get3A_535 : i32 to index
        %get3A_537 = arith.index_cast %add3A_534 : i32 to index
        %get3A_538 = arith.constant 48 : index
        %get3A_539 = tpu.vector_load %arg7[%get3A_536, %get3A_537, %get3A_538] {strides = array<i32>} : memref<4x96x128xf32, #tpu.memory_space<vmem>>, vector<1x1x16xf32>,
        %get3A_540 = vector.shape_cast %get3A_539 : vector<1x1x16xf32> to vector<16xf32>
        %add3A_541 = arith.constant 48 : i32
        %add3A_542 = arith.addi %add3A_541, %scan3A_337 : i32
        %get3A_543 = arith.constant 2 : i32
        %get3A_544 = arith.index_cast %get3A_543 : i32 to index
        %get3A_545 = arith.index_cast %add3A_542 : i32 to index
        %get3A_546 = arith.constant 48 : index
        %get3A_547 = tpu.vector_load %arg7[%get3A_544, %get3A_545, %get3A_546] {strides = array<i32>} : memref<4x96x128xf32, #tpu.memory_space<vmem>>, vector<1x1x16xf32>,
        %get3A_548 = vector.shape_cast %get3A_547 : vector<1x1x16xf32> to vector<16xf32>
        %add3A_549 = arith.addf %get3A_540, %get3A_548 : vector<16xf32>
        %add3A_550 = arith.constant 64 : i32
        %add3A_551 = arith.addi %add3A_550, %scan3A_337 : i32
        %get3A_552 = arith.constant 2 : i32
        %get3A_553 = arith.index_cast %get3A_552 : i32 to index
        %get3A_554 = arith.index_cast %add3A_551 : i32 to index
        %get3A_555 = arith.constant 48 : index
        %get3A_556 = tpu.vector_load %arg7[%get3A_553, %get3A_554, %get3A_555] {strides = array<i32>} : memref<4x96x128xf32, #tpu.memory_space<vmem>>, vector<1x1x16xf32>,
        %get3A_557 = vector.shape_cast %get3A_556 : vector<1x1x16xf32> to vector<16xf32>
        %add3A_558 = arith.constant 80 : i32
        %add3A_559 = arith.addi %add3A_558, %scan3A_337 : i32
        %get3A_560 = arith.constant 2 : i32
        %get3A_561 = arith.index_cast %get3A_560 : i32 to index
        %get3A_562 = arith.index_cast %add3A_559 : i32 to index
        %get3A_563 = arith.constant 48 : index
        %get3A_564 = tpu.vector_load %arg7[%get3A_561, %get3A_562, %get3A_563] {strides = array<i32>} : memref<4x96x128xf32, #tpu.memory_space<vmem>>, vector<1x1x16xf32>,
        %get3A_565 = vector.shape_cast %get3A_564 : vector<1x1x16xf32> to vector<16xf32>
        %add3A_566 = arith.addf %get3A_557, %get3A_565 : vector<16xf32>
        %add3A_567 = arith.addf %add3A_549, %add3A_566 : vector<16xf32>
        %add3A_568 = arith.addf %add3A_532, %add3A_567 : vector<16xf32>
        %swap3A_569 = arith.constant 2 : i32
        %swap3A_570 = arith.index_cast %swap3A_569 : i32 to index
        %swap3A_571 = arith.index_cast %scan3A_337 : i32 to index
        %swap3A_572 = arith.constant 48 : index
        %swap3A_573 = tpu.vector_load %arg8[%swap3A_570, %swap3A_571, %swap3A_572] {strides = array<i32>} : memref<4x16x128xf32, #tpu.memory_space<vmem>>, vector<1x1x16xf32>,
        %swap3A_574 = vector.shape_cast %swap3A_573 : vector<1x1x16xf32> to vector<16xf32>
        %swap3A_575 = vector.shape_cast %add3A_568 : vector<16xf32> to vector<1x1x16xf32>
        tpu.vector_store %arg8[%swap3A_570, %swap3A_571, %swap3A_572], %swap3A_575 {strides = array<i32>} : memref<4x16x128xf32, #tpu.memory_space<vmem>>, vector<1x1x16xf32>,
        %add3A_576 = arith.constant 0 : i32
        %add3A_577 = arith.addi %add3A_576, %scan3A_337 : i32
        %get3A_578 = arith.constant 2 : i32
        %get3A_579 = arith.index_cast %get3A_578 : i32 to index
        %get3A_580 = arith.index_cast %add3A_577 : i32 to index
        %get3A_581 = arith.constant 64 : index
        %get3A_582 = tpu.vector_load %arg7[%get3A_579, %get3A_580, %get3A_581] {strides = array<i32>} : memref<4x96x128xf32, #tpu.memory_space<vmem>>, vector<1x1x16xf32>,
        %get3A_583 = vector.shape_cast %get3A_582 : vector<1x1x16xf32> to vector<16xf32>
        %add3A_584 = arith.constant 16 : i32
        %add3A_585 = arith.addi %add3A_584, %scan3A_337 : i32
        %get3A_586 = arith.constant 2 : i32
        %get3A_587 = arith.index_cast %get3A_586 : i32 to index
        %get3A_588 = arith.index_cast %add3A_585 : i32 to index
        %get3A_589 = arith.constant 64 : index
        %get3A_590 = tpu.vector_load %arg7[%get3A_587, %get3A_588, %get3A_589] {strides = array<i32>} : memref<4x96x128xf32, #tpu.memory_space<vmem>>, vector<1x1x16xf32>,
        %get3A_591 = vector.shape_cast %get3A_590 : vector<1x1x16xf32> to vector<16xf32>
        %add3A_592 = arith.addf %get3A_583, %get3A_591 : vector<16xf32>
        %add3A_593 = arith.constant 32 : i32
        %add3A_594 = arith.addi %add3A_593, %scan3A_337 : i32
        %get3A_595 = arith.constant 2 : i32
        %get3A_596 = arith.index_cast %get3A_595 : i32 to index
        %get3A_597 = arith.index_cast %add3A_594 : i32 to index
        %get3A_598 = arith.constant 64 : index
        %get3A_599 = tpu.vector_load %arg7[%get3A_596, %get3A_597, %get3A_598] {strides = array<i32>} : memref<4x96x128xf32, #tpu.memory_space<vmem>>, vector<1x1x16xf32>,
        %get3A_600 = vector.shape_cast %get3A_599 : vector<1x1x16xf32> to vector<16xf32>
        %add3A_601 = arith.constant 48 : i32
        %add3A_602 = arith.addi %add3A_601, %scan3A_337 : i32
        %get3A_603 = arith.constant 2 : i32
        %get3A_604 = arith.index_cast %get3A_603 : i32 to index
        %get3A_605 = arith.index_cast %add3A_602 : i32 to index
        %get3A_606 = arith.constant 64 : index
        %get3A_607 = tpu.vector_load %arg7[%get3A_604, %get3A_605, %get3A_606] {strides = array<i32>} : memref<4x96x128xf32, #tpu.memory_space<vmem>>, vector<1x1x16xf32>,
        %get3A_608 = vector.shape_cast %get3A_607 : vector<1x1x16xf32> to vector<16xf32>
        %add3A_609 = arith.addf %get3A_600, %get3A_608 : vector<16xf32>
        %add3A_610 = arith.constant 64 : i32
        %add3A_611 = arith.addi %add3A_610, %scan3A_337 : i32
        %get3A_612 = arith.constant 2 : i32
        %get3A_613 = arith.index_cast %get3A_612 : i32 to index
        %get3A_614 = arith.index_cast %add3A_611 : i32 to index
        %get3A_615 = arith.constant 64 : index
        %get3A_616 = tpu.vector_load %arg7[%get3A_613, %get3A_614, %get3A_615] {strides = array<i32>} : memref<4x96x128xf32, #tpu.memory_space<vmem>>, vector<1x1x16xf32>,
        %get3A_617 = vector.shape_cast %get3A_616 : vector<1x1x16xf32> to vector<16xf32>
        %add3A_618 = arith.constant 80 : i32
        %add3A_619 = arith.addi %add3A_618, %scan3A_337 : i32
        %get3A_620 = arith.constant 2 : i32
        %get3A_621 = arith.index_cast %get3A_620 : i32 to index
        %get3A_622 = arith.index_cast %add3A_619 : i32 to index
        %get3A_623 = arith.constant 64 : index
        %get3A_624 = tpu.vector_load %arg7[%get3A_621, %get3A_622, %get3A_623] {strides = array<i32>} : memref<4x96x128xf32, #tpu.memory_space<vmem>>, vector<1x1x16xf32>,
        %get3A_625 = vector.shape_cast %get3A_624 : vector<1x1x16xf32> to vector<16xf32>
        %add3A_626 = arith.addf %get3A_617, %get3A_625 : vector<16xf32>
        %add3A_627 = arith.addf %add3A_609, %add3A_626 : vector<16xf32>
        %add3A_628 = arith.addf %add3A_592, %add3A_627 : vector<16xf32>
        %swap3A_629 = arith.constant 2 : i32
        %swap3A_630 = arith.index_cast %swap3A_629 : i32 to index
        %swap3A_631 = arith.index_cast %scan3A_337 : i32 to index
        %swap3A_632 = arith.constant 64 : index
        %swap3A_633 = tpu.vector_load %arg8[%swap3A_630, %swap3A_631, %swap3A_632] {strides = array<i32>} : memref<4x16x128xf32, #tpu.memory_space<vmem>>, vector<1x1x16xf32>,
        %swap3A_634 = vector.shape_cast %swap3A_633 : vector<1x1x16xf32> to vector<16xf32>
        %swap3A_635 = vector.shape_cast %add3A_628 : vector<16xf32> to vector<1x1x16xf32>
        tpu.vector_store %arg8[%swap3A_630, %swap3A_631, %swap3A_632], %swap3A_635 {strides = array<i32>} : memref<4x16x128xf32, #tpu.memory_space<vmem>>, vector<1x1x16xf32>,
        %add3A_636 = arith.constant 0 : i32
        %add3A_637 = arith.addi %add3A_636, %scan3A_337 : i32
        %get3A_638 = arith.constant 2 : i32
        %get3A_639 = arith.index_cast %get3A_638 : i32 to index
        %get3A_640 = arith.index_cast %add3A_637 : i32 to index
        %get3A_641 = arith.constant 80 : index
        %get3A_642 = tpu.vector_load %arg7[%get3A_639, %get3A_640, %get3A_641] {strides = array<i32>} : memref<4x96x128xf32, #tpu.memory_space<vmem>>, vector<1x1x16xf32>,
        %get3A_643 = vector.shape_cast %get3A_642 : vector<1x1x16xf32> to vector<16xf32>
        %add3A_644 = arith.constant 16 : i32
        %add3A_645 = arith.addi %add3A_644, %scan3A_337 : i32
        %get3A_646 = arith.constant 2 : i32
        %get3A_647 = arith.index_cast %get3A_646 : i32 to index
        %get3A_648 = arith.index_cast %add3A_645 : i32 to index
        %get3A_649 = arith.constant 80 : index
        %get3A_650 = tpu.vector_load %arg7[%get3A_647, %get3A_648, %get3A_649] {strides = array<i32>} : memref<4x96x128xf32, #tpu.memory_space<vmem>>, vector<1x1x16xf32>,
        %get3A_651 = vector.shape_cast %get3A_650 : vector<1x1x16xf32> to vector<16xf32>
        %add3A_652 = arith.addf %get3A_643, %get3A_651 : vector<16xf32>
        %add3A_653 = arith.constant 32 : i32
        %add3A_654 = arith.addi %add3A_653, %scan3A_337 : i32
        %get3A_655 = arith.constant 2 : i32
        %get3A_656 = arith.index_cast %get3A_655 : i32 to index
        %get3A_657 = arith.index_cast %add3A_654 : i32 to index
        %get3A_658 = arith.constant 80 : index
        %get3A_659 = tpu.vector_load %arg7[%get3A_656, %get3A_657, %get3A_658] {strides = array<i32>} : memref<4x96x128xf32, #tpu.memory_space<vmem>>, vector<1x1x16xf32>,
        %get3A_660 = vector.shape_cast %get3A_659 : vector<1x1x16xf32> to vector<16xf32>
        %add3A_661 = arith.constant 48 : i32
        %add3A_662 = arith.addi %add3A_661, %scan3A_337 : i32
        %get3A_663 = arith.constant 2 : i32
        %get3A_664 = arith.index_cast %get3A_663 : i32 to index
        %get3A_665 = arith.index_cast %add3A_662 : i32 to index
        %get3A_666 = arith.constant 80 : index
        %get3A_667 = tpu.vector_load %arg7[%get3A_664, %get3A_665, %get3A_666] {strides = array<i32>} : memref<4x96x128xf32, #tpu.memory_space<vmem>>, vector<1x1x16xf32>,
        %get3A_668 = vector.shape_cast %get3A_667 : vector<1x1x16xf32> to vector<16xf32>
        %add3A_669 = arith.addf %get3A_660, %get3A_668 : vector<16xf32>
        %add3A_670 = arith.constant 64 : i32
        %add3A_671 = arith.addi %add3A_670, %scan3A_337 : i32
        %get3A_672 = arith.constant 2 : i32
        %get3A_673 = arith.index_cast %get3A_672 : i32 to index
        %get3A_674 = arith.index_cast %add3A_671 : i32 to index
        %get3A_675 = arith.constant 80 : index
        %get3A_676 = tpu.vector_load %arg7[%get3A_673, %get3A_674, %get3A_675] {strides = array<i32>} : memref<4x96x128xf32, #tpu.memory_space<vmem>>, vector<1x1x16xf32>,
        %get3A_677 = vector.shape_cast %get3A_676 : vector<1x1x16xf32> to vector<16xf32>
        %add3A_678 = arith.constant 80 : i32
        %add3A_679 = arith.addi %add3A_678, %scan3A_337 : i32
        %get3A_680 = arith.constant 2 : i32
        %get3A_681 = arith.index_cast %get3A_680 : i32 to index
        %get3A_682 = arith.index_cast %add3A_679 : i32 to index
        %get3A_683 = arith.constant 80 : index
        %get3A_684 = tpu.vector_load %arg7[%get3A_681, %get3A_682, %get3A_683] {strides = array<i32>} : memref<4x96x128xf32, #tpu.memory_space<vmem>>, vector<1x1x16xf32>,
        %get3A_685 = vector.shape_cast %get3A_684 : vector<1x1x16xf32> to vector<16xf32>
        %add3A_686 = arith.addf %get3A_677, %get3A_685 : vector<16xf32>
        %add3A_687 = arith.addf %add3A_669, %add3A_686 : vector<16xf32>
        %add3A_688 = arith.addf %add3A_652, %add3A_687 : vector<16xf32>
        %swap3A_689 = arith.constant 2 : i32
        %swap3A_690 = arith.index_cast %swap3A_689 : i32 to index
        %swap3A_691 = arith.index_cast %scan3A_337 : i32 to index
        %swap3A_692 = arith.constant 80 : index
        %swap3A_693 = tpu.vector_load %arg8[%swap3A_690, %swap3A_691, %swap3A_692] {strides = array<i32>} : memref<4x16x128xf32, #tpu.memory_space<vmem>>, vector<1x1x16xf32>,
        %swap3A_694 = vector.shape_cast %swap3A_693 : vector<1x1x16xf32> to vector<16xf32>
        %swap3A_695 = vector.shape_cast %add3A_688 : vector<16xf32> to vector<1x1x16xf32>
        tpu.vector_store %arg8[%swap3A_690, %swap3A_691, %swap3A_692], %swap3A_695 {strides = array<i32>} : memref<4x16x128xf32, #tpu.memory_space<vmem>>, vector<1x1x16xf32>,
        %add3A_696 = arith.constant 0 : i32
        %add3A_697 = arith.addi %add3A_696, %scan3A_337 : i32
        %get3A_698 = arith.constant 2 : i32
        %get3A_699 = arith.index_cast %get3A_698 : i32 to index
        %get3A_700 = arith.index_cast %add3A_697 : i32 to index
        %get3A_701 = arith.constant 96 : index
        %get3A_702 = tpu.vector_load %arg7[%get3A_699, %get3A_700, %get3A_701] {strides = array<i32>} : memref<4x96x128xf32, #tpu.memory_space<vmem>>, vector<1x1x16xf32>,
        %get3A_703 = vector.shape_cast %get3A_702 : vector<1x1x16xf32> to vector<16xf32>
        %add3A_704 = arith.constant 16 : i32
        %add3A_705 = arith.addi %add3A_704, %scan3A_337 : i32
        %get3A_706 = arith.constant 2 : i32
        %get3A_707 = arith.index_cast %get3A_706 : i32 to index
        %get3A_708 = arith.index_cast %add3A_705 : i32 to index
        %get3A_709 = arith.constant 96 : index
        %get3A_710 = tpu.vector_load %arg7[%get3A_707, %get3A_708, %get3A_709] {strides = array<i32>} : memref<4x96x128xf32, #tpu.memory_space<vmem>>, vector<1x1x16xf32>,
        %get3A_711 = vector.shape_cast %get3A_710 : vector<1x1x16xf32> to vector<16xf32>
        %add3A_712 = arith.addf %get3A_703, %get3A_711 : vector<16xf32>
        %add3A_713 = arith.constant 32 : i32
        %add3A_714 = arith.addi %add3A_713, %scan3A_337 : i32
        %get3A_715 = arith.constant 2 : i32
        %get3A_716 = arith.index_cast %get3A_715 : i32 to index
        %get3A_717 = arith.index_cast %add3A_714 : i32 to index
        %get3A_718 = arith.constant 96 : index
        %get3A_719 = tpu.vector_load %arg7[%get3A_716, %get3A_717, %get3A_718] {strides = array<i32>} : memref<4x96x128xf32, #tpu.memory_space<vmem>>, vector<1x1x16xf32>,
        %get3A_720 = vector.shape_cast %get3A_719 : vector<1x1x16xf32> to vector<16xf32>
        %add3A_721 = arith.constant 48 : i32
        %add3A_722 = arith.addi %add3A_721, %scan3A_337 : i32
        %get3A_723 = arith.constant 2 : i32
        %get3A_724 = arith.index_cast %get3A_723 : i32 to index
        %get3A_725 = arith.index_cast %add3A_722 : i32 to index
        %get3A_726 = arith.constant 96 : index
        %get3A_727 = tpu.vector_load %arg7[%get3A_724, %get3A_725, %get3A_726] {strides = array<i32>} : memref<4x96x128xf32, #tpu.memory_space<vmem>>, vector<1x1x16xf32>,
        %get3A_728 = vector.shape_cast %get3A_727 : vector<1x1x16xf32> to vector<16xf32>
        %add3A_729 = arith.addf %get3A_720, %get3A_728 : vector<16xf32>
        %add3A_730 = arith.constant 64 : i32
        %add3A_731 = arith.addi %add3A_730, %scan3A_337 : i32
        %get3A_732 = arith.constant 2 : i32
        %get3A_733 = arith.index_cast %get3A_732 : i32 to index
        %get3A_734 = arith.index_cast %add3A_731 : i32 to index
        %get3A_735 = arith.constant 96 : index
        %get3A_736 = tpu.vector_load %arg7[%get3A_733, %get3A_734, %get3A_735] {strides = array<i32>} : memref<4x96x128xf32, #tpu.memory_space<vmem>>, vector<1x1x16xf32>,
        %get3A_737 = vector.shape_cast %get3A_736 : vector<1x1x16xf32> to vector<16xf32>
        %add3A_738 = arith.constant 80 : i32
        %add3A_739 = arith.addi %add3A_738, %scan3A_337 : i32
        %get3A_740 = arith.constant 2 : i32
        %get3A_741 = arith.index_cast %get3A_740 : i32 to index
        %get3A_742 = arith.index_cast %add3A_739 : i32 to index
        %get3A_743 = arith.constant 96 : index
        %get3A_744 = tpu.vector_load %arg7[%get3A_741, %get3A_742, %get3A_743] {strides = array<i32>} : memref<4x96x128xf32, #tpu.memory_space<vmem>>, vector<1x1x16xf32>,
        %get3A_745 = vector.shape_cast %get3A_744 : vector<1x1x16xf32> to vector<16xf32>
        %add3A_746 = arith.addf %get3A_737, %get3A_745 : vector<16xf32>
        %add3A_747 = arith.addf %add3A_729, %add3A_746 : vector<16xf32>
        %add3A_748 = arith.addf %add3A_712, %add3A_747 : vector<16xf32>
        %swap3A_749 = arith.constant 2 : i32
        %swap3A_750 = arith.index_cast %swap3A_749 : i32 to index
        %swap3A_751 = arith.index_cast %scan3A_337 : i32 to index
        %swap3A_752 = arith.constant 96 : index
        %swap3A_753 = tpu.vector_load %arg8[%swap3A_750, %swap3A_751, %swap3A_752] {strides = array<i32>} : memref<4x16x128xf32, #tpu.memory_space<vmem>>, vector<1x1x16xf32>,
        %swap3A_754 = vector.shape_cast %swap3A_753 : vector<1x1x16xf32> to vector<16xf32>
        %swap3A_755 = vector.shape_cast %add3A_748 : vector<16xf32> to vector<1x1x16xf32>
        tpu.vector_store %arg8[%swap3A_750, %swap3A_751, %swap3A_752], %swap3A_755 {strides = array<i32>} : memref<4x16x128xf32, #tpu.memory_space<vmem>>, vector<1x1x16xf32>,
        %add3A_756 = arith.constant 0 : i32
        %add3A_757 = arith.addi %add3A_756, %scan3A_337 : i32
        %get3A_758 = arith.constant 2 : i32
        %get3A_759 = arith.index_cast %get3A_758 : i32 to index
        %get3A_760 = arith.index_cast %add3A_757 : i32 to index
        %get3A_761 = arith.constant 112 : index
        %get3A_762 = tpu.vector_load %arg7[%get3A_759, %get3A_760, %get3A_761] {strides = array<i32>} : memref<4x96x128xf32, #tpu.memory_space<vmem>>, vector<1x1x16xf32>,
        %get3A_763 = vector.shape_cast %get3A_762 : vector<1x1x16xf32> to vector<16xf32>
        %add3A_764 = arith.constant 16 : i32
        %add3A_765 = arith.addi %add3A_764, %scan3A_337 : i32
        %get3A_766 = arith.constant 2 : i32
        %get3A_767 = arith.index_cast %get3A_766 : i32 to index
        %get3A_768 = arith.index_cast %add3A_765 : i32 to index
        %get3A_769 = arith.constant 112 : index
        %get3A_770 = tpu.vector_load %arg7[%get3A_767, %get3A_768, %get3A_769] {strides = array<i32>} : memref<4x96x128xf32, #tpu.memory_space<vmem>>, vector<1x1x16xf32>,
        %get3A_771 = vector.shape_cast %get3A_770 : vector<1x1x16xf32> to vector<16xf32>
        %add3A_772 = arith.addf %get3A_763, %get3A_771 : vector<16xf32>
        %add3A_773 = arith.constant 32 : i32
        %add3A_774 = arith.addi %add3A_773, %scan3A_337 : i32
        %get3A_775 = arith.constant 2 : i32
        %get3A_776 = arith.index_cast %get3A_775 : i32 to index
        %get3A_777 = arith.index_cast %add3A_774 : i32 to index
        %get3A_778 = arith.constant 112 : index
        %get3A_779 = tpu.vector_load %arg7[%get3A_776, %get3A_777, %get3A_778] {strides = array<i32>} : memref<4x96x128xf32, #tpu.memory_space<vmem>>, vector<1x1x16xf32>,
        %get3A_780 = vector.shape_cast %get3A_779 : vector<1x1x16xf32> to vector<16xf32>
        %add3A_781 = arith.constant 48 : i32
        %add3A_782 = arith.addi %add3A_781, %scan3A_337 : i32
        %get3A_783 = arith.constant 2 : i32
        %get3A_784 = arith.index_cast %get3A_783 : i32 to index
        %get3A_785 = arith.index_cast %add3A_782 : i32 to index
        %get3A_786 = arith.constant 112 : index
        %get3A_787 = tpu.vector_load %arg7[%get3A_784, %get3A_785, %get3A_786] {strides = array<i32>} : memref<4x96x128xf32, #tpu.memory_space<vmem>>, vector<1x1x16xf32>,
        %get3A_788 = vector.shape_cast %get3A_787 : vector<1x1x16xf32> to vector<16xf32>
        %add3A_789 = arith.addf %get3A_780, %get3A_788 : vector<16xf32>
        %add3A_790 = arith.constant 64 : i32
        %add3A_791 = arith.addi %add3A_790, %scan3A_337 : i32
        %get3A_792 = arith.constant 2 : i32
        %get3A_793 = arith.index_cast %get3A_792 : i32 to index
        %get3A_794 = arith.index_cast %add3A_791 : i32 to index
        %get3A_795 = arith.constant 112 : index
        %get3A_796 = tpu.vector_load %arg7[%get3A_793, %get3A_794, %get3A_795] {strides = array<i32>} : memref<4x96x128xf32, #tpu.memory_space<vmem>>, vector<1x1x16xf32>,
        %get3A_797 = vector.shape_cast %get3A_796 : vector<1x1x16xf32> to vector<16xf32>
        %add3A_798 = arith.constant 80 : i32
        %add3A_799 = arith.addi %add3A_798, %scan3A_337 : i32
        %get3A_800 = arith.constant 2 : i32
        %get3A_801 = arith.index_cast %get3A_800 : i32 to index
        %get3A_802 = arith.index_cast %add3A_799 : i32 to index
        %get3A_803 = arith.constant 112 : index
        %get3A_804 = tpu.vector_load %arg7[%get3A_801, %get3A_802, %get3A_803] {strides = array<i32>} : memref<4x96x128xf32, #tpu.memory_space<vmem>>, vector<1x1x16xf32>,
        %get3A_805 = vector.shape_cast %get3A_804 : vector<1x1x16xf32> to vector<16xf32>
        %add3A_806 = arith.addf %get3A_797, %get3A_805 : vector<16xf32>
        %add3A_807 = arith.addf %add3A_789, %add3A_806 : vector<16xf32>
        %add3A_808 = arith.addf %add3A_772, %add3A_807 : vector<16xf32>
        %swap3A_809 = arith.constant 2 : i32
        %swap3A_810 = arith.index_cast %swap3A_809 : i32 to index
        %swap3A_811 = arith.index_cast %scan3A_337 : i32 to index
        %swap3A_812 = arith.constant 112 : index
        %swap3A_813 = tpu.vector_load %arg8[%swap3A_810, %swap3A_811, %swap3A_812] {strides = array<i32>} : memref<4x16x128xf32, #tpu.memory_space<vmem>>, vector<1x1x16xf32>,
        %swap3A_814 = vector.shape_cast %swap3A_813 : vector<1x1x16xf32> to vector<16xf32>
        %swap3A_815 = vector.shape_cast %add3A_808 : vector<16xf32> to vector<1x1x16xf32>
        tpu.vector_store %arg8[%swap3A_810, %swap3A_811, %swap3A_812], %swap3A_815 {strides = array<i32>} : memref<4x16x128xf32, #tpu.memory_space<vmem>>, vector<1x1x16xf32>,
        %scan3A_816 = arith.constant 1 : i32
        %scan3A_817 = arith.addi %scan3A_337, %scan3A_816 : i32
        %add3A_818 = arith.constant 0 : i32
        %add3A_819 = arith.addi %add3A_818, %scan3A_817 : i32
        %get3A_820 = arith.constant 2 : i32
        %get3A_821 = arith.index_cast %get3A_820 : i32 to index
        %get3A_822 = arith.index_cast %add3A_819 : i32 to index
        %get3A_823 = arith.constant 0 : index
        %get3A_824 = tpu.vector_load %arg7[%get3A_821, %get3A_822, %get3A_823] {strides = array<i32>} : memref<4x96x128xf32, #tpu.memory_space<vmem>>, vector<1x1x16xf32>,
        %get3A_825 = vector.shape_cast %get3A_824 : vector<1x1x16xf32> to vector<16xf32>
        %add3A_826 = arith.constant 16 : i32
        %add3A_827 = arith.addi %add3A_826, %scan3A_817 : i32
        %get3A_828 = arith.constant 2 : i32
        %get3A_829 = arith.index_cast %get3A_828 : i32 to index
        %get3A_830 = arith.index_cast %add3A_827 : i32 to index
        %get3A_831 = arith.constant 0 : index
        %get3A_832 = tpu.vector_load %arg7[%get3A_829, %get3A_830, %get3A_831] {strides = array<i32>} : memref<4x96x128xf32, #tpu.memory_space<vmem>>, vector<1x1x16xf32>,
        %get3A_833 = vector.shape_cast %get3A_832 : vector<1x1x16xf32> to vector<16xf32>
        %add3A_834 = arith.addf %get3A_825, %get3A_833 : vector<16xf32>
        %add3A_835 = arith.constant 32 : i32
        %add3A_836 = arith.addi %add3A_835, %scan3A_817 : i32
        %get3A_837 = arith.constant 2 : i32
        %get3A_838 = arith.index_cast %get3A_837 : i32 to index
        %get3A_839 = arith.index_cast %add3A_836 : i32 to index
        %get3A_840 = arith.constant 0 : index
        %get3A_841 = tpu.vector_load %arg7[%get3A_838, %get3A_839, %get3A_840] {strides = array<i32>} : memref<4x96x128xf32, #tpu.memory_space<vmem>>, vector<1x1x16xf32>,
        %get3A_842 = vector.shape_cast %get3A_841 : vector<1x1x16xf32> to vector<16xf32>
        %add3A_843 = arith.constant 48 : i32
        %add3A_844 = arith.addi %add3A_843, %scan3A_817 : i32
        %get3A_845 = arith.constant 2 : i32
        %get3A_846 = arith.index_cast %get3A_845 : i32 to index
        %get3A_847 = arith.index_cast %add3A_844 : i32 to index
        %get3A_848 = arith.constant 0 : index
        %get3A_849 = tpu.vector_load %arg7[%get3A_846, %get3A_847, %get3A_848] {strides = array<i32>} : memref<4x96x128xf32, #tpu.memory_space<vmem>>, vector<1x1x16xf32>,
        %get3A_850 = vector.shape_cast %get3A_849 : vector<1x1x16xf32> to vector<16xf32>
        %add3A_851 = arith.addf %get3A_842, %get3A_850 : vector<16xf32>
        %add3A_852 = arith.constant 64 : i32
        %add3A_853 = arith.addi %add3A_852, %scan3A_817 : i32
        %get3A_854 = arith.constant 2 : i32
        %get3A_855 = arith.index_cast %get3A_854 : i32 to index
        %get3A_856 = arith.index_cast %add3A_853 : i32 to index
        %get3A_857 = arith.constant 0 : index
        %get3A_858 = tpu.vector_load %arg7[%get3A_855, %get3A_856, %get3A_857] {strides = array<i32>} : memref<4x96x128xf32, #tpu.memory_space<vmem>>, vector<1x1x16xf32>,
        %get3A_859 = vector.shape_cast %get3A_858 : vector<1x1x16xf32> to vector<16xf32>
        %add3A_860 = arith.constant 80 : i32
        %add3A_861 = arith.addi %add3A_860, %scan3A_817 : i32
        %get3A_862 = arith.constant 2 : i32
        %get3A_863 = arith.index_cast %get3A_862 : i32 to index
        %get3A_864 = arith.index_cast %add3A_861 : i32 to index
        %get3A_865 = arith.constant 0 : index
        %get3A_866 = tpu.vector_load %arg7[%get3A_863, %get3A_864, %get3A_865] {strides = array<i32>} : memref<4x96x128xf32, #tpu.memory_space<vmem>>, vector<1x1x16xf32>,
        %get3A_867 = vector.shape_cast %get3A_866 : vector<1x1x16xf32> to vector<16xf32>
        %add3A_868 = arith.addf %get3A_859, %get3A_867 : vector<16xf32>
        %add3A_869 = arith.addf %add3A_851, %add3A_868 : vector<16xf32>
        %add3A_870 = arith.addf %add3A_834, %add3A_869 : vector<16xf32>
        %swap3A_871 = arith.constant 2 : i32
        %swap3A_872 = arith.index_cast %swap3A_871 : i32 to index
        %swap3A_873 = arith.index_cast %scan3A_817 : i32 to index
        %swap3A_874 = arith.constant 0 : index
        %swap3A_875 = tpu.vector_load %arg8[%swap3A_872, %swap3A_873, %swap3A_874] {strides = array<i32>} : memref<4x16x128xf32, #tpu.memory_space<vmem>>, vector<1x1x16xf32>,
        %swap3A_876 = vector.shape_cast %swap3A_875 : vector<1x1x16xf32> to vector<16xf32>
        %swap3A_877 = vector.shape_cast %add3A_870 : vector<16xf32> to vector<1x1x16xf32>
        tpu.vector_store %arg8[%swap3A_872, %swap3A_873, %swap3A_874], %swap3A_877 {strides = array<i32>} : memref<4x16x128xf32, #tpu.memory_space<vmem>>, vector<1x1x16xf32>,
        %add3A_878 = arith.constant 0 : i32
        %add3A_879 = arith.addi %add3A_878, %scan3A_817 : i32
        %get3A_880 = arith.constant 2 : i32
        %get3A_881 = arith.index_cast %get3A_880 : i32 to index
        %get3A_882 = arith.index_cast %add3A_879 : i32 to index
        %get3A_883 = arith.constant 16 : index
        %get3A_884 = tpu.vector_load %arg7[%get3A_881, %get3A_882, %get3A_883] {strides = array<i32>} : memref<4x96x128xf32, #tpu.memory_space<vmem>>, vector<1x1x16xf32>,
        %get3A_885 = vector.shape_cast %get3A_884 : vector<1x1x16xf32> to vector<16xf32>
        %add3A_886 = arith.constant 16 : i32
        %add3A_887 = arith.addi %add3A_886, %scan3A_817 : i32
        %get3A_888 = arith.constant 2 : i32
        %get3A_889 = arith.index_cast %get3A_888 : i32 to index
        %get3A_890 = arith.index_cast %add3A_887 : i32 to index
        %get3A_891 = arith.constant 16 : index
        %get3A_892 = tpu.vector_load %arg7[%get3A_889, %get3A_890, %get3A_891] {strides = array<i32>} : memref<4x96x128xf32, #tpu.memory_space<vmem>>, vector<1x1x16xf32>,
        %get3A_893 = vector.shape_cast %get3A_892 : vector<1x1x16xf32> to vector<16xf32>
        %add3A_894 = arith.addf %get3A_885, %get3A_893 : vector<16xf32>
        %add3A_895 = arith.constant 32 : i32
        %add3A_896 = arith.addi %add3A_895, %scan3A_817 : i32
        %get3A_897 = arith.constant 2 : i32
        %get3A_898 = arith.index_cast %get3A_897 : i32 to index
        %get3A_899 = arith.index_cast %add3A_896 : i32 to index
        %get3A_900 = arith.constant 16 : index
        %get3A_901 = tpu.vector_load %arg7[%get3A_898, %get3A_899, %get3A_900] {strides = array<i32>} : memref<4x96x128xf32, #tpu.memory_space<vmem>>, vector<1x1x16xf32>,
        %get3A_902 = vector.shape_cast %get3A_901 : vector<1x1x16xf32> to vector<16xf32>
        %add3A_903 = arith.constant 48 : i32
        %add3A_904 = arith.addi %add3A_903, %scan3A_817 : i32
        %get3A_905 = arith.constant 2 : i32
        %get3A_906 = arith.index_cast %get3A_905 : i32 to index
        %get3A_907 = arith.index_cast %add3A_904 : i32 to index
        %get3A_908 = arith.constant 16 : index
        %get3A_909 = tpu.vector_load %arg7[%get3A_906, %get3A_907, %get3A_908] {strides = array<i32>} : memref<4x96x128xf32, #tpu.memory_space<vmem>>, vector<1x1x16xf32>,
        %get3A_910 = vector.shape_cast %get3A_909 : vector<1x1x16xf32> to vector<16xf32>
        %add3A_911 = arith.addf %get3A_902, %get3A_910 : vector<16xf32>
        %add3A_912 = arith.constant 64 : i32
        %add3A_913 = arith.addi %add3A_912, %scan3A_817 : i32
        %get3A_914 = arith.constant 2 : i32
        %get3A_915 = arith.index_cast %get3A_914 : i32 to index
        %get3A_916 = arith.index_cast %add3A_913 : i32 to index
        %get3A_917 = arith.constant 16 : index
        %get3A_918 = tpu.vector_load %arg7[%get3A_915, %get3A_916, %get3A_917] {strides = array<i32>} : memref<4x96x128xf32, #tpu.memory_space<vmem>>, vector<1x1x16xf32>,
        %get3A_919 = vector.shape_cast %get3A_918 : vector<1x1x16xf32> to vector<16xf32>
        %add3A_920 = arith.constant 80 : i32
        %add3A_921 = arith.addi %add3A_920, %scan3A_817 : i32
        %get3A_922 = arith.constant 2 : i32
        %get3A_923 = arith.index_cast %get3A_922 : i32 to index
        %get3A_924 = arith.index_cast %add3A_921 : i32 to index
        %get3A_925 = arith.constant 16 : index
        %get3A_926 = tpu.vector_load %arg7[%get3A_923, %get3A_924, %get3A_925] {strides = array<i32>} : memref<4x96x128xf32, #tpu.memory_space<vmem>>, vector<1x1x16xf32>,
        %get3A_927 = vector.shape_cast %get3A_926 : vector<1x1x16xf32> to vector<16xf32>
        %add3A_928 = arith.addf %get3A_919, %get3A_927 : vector<16xf32>
        %add3A_929 = arith.addf %add3A_911, %add3A_928 : vector<16xf32>
        %add3A_930 = arith.addf %add3A_894, %add3A_929 : vector<16xf32>
        %swap3A_931 = arith.constant 2 : i32
        %swap3A_932 = arith.index_cast %swap3A_931 : i32 to index
        %swap3A_933 = arith.index_cast %scan3A_817 : i32 to index
        %swap3A_934 = arith.constant 16 : index
        %swap3A_935 = tpu.vector_load %arg8[%swap3A_932, %swap3A_933, %swap3A_934] {strides = array<i32>} : memref<4x16x128xf32, #tpu.memory_space<vmem>>, vector<1x1x16xf32>,
        %swap3A_936 = vector.shape_cast %swap3A_935 : vector<1x1x16xf32> to vector<16xf32>
        %swap3A_937 = vector.shape_cast %add3A_930 : vector<16xf32> to vector<1x1x16xf32>
        tpu.vector_store %arg8[%swap3A_932, %swap3A_933, %swap3A_934], %swap3A_937 {strides = array<i32>} : memref<4x16x128xf32, #tpu.memory_space<vmem>>, vector<1x1x16xf32>,
        %add3A_938 = arith.constant 0 : i32
        %add3A_939 = arith.addi %add3A_938, %scan3A_817 : i32
        %get3A_940 = arith.constant 2 : i32
        %get3A_941 = arith.index_cast %get3A_940 : i32 to index
        %get3A_942 = arith.index_cast %add3A_939 : i32 to index
        %get3A_943 = arith.constant 32 : index
        %get3A_944 = tpu.vector_load %arg7[%get3A_941, %get3A_942, %get3A_943] {strides = array<i32>} : memref<4x96x128xf32, #tpu.memory_space<vmem>>, vector<1x1x16xf32>,
        %get3A_945 = vector.shape_cast %get3A_944 : vector<1x1x16xf32> to vector<16xf32>
        %add3A_946 = arith.constant 16 : i32
        %add3A_947 = arith.addi %add3A_946, %scan3A_817 : i32
        %get3A_948 = arith.constant 2 : i32
        %get3A_949 = arith.index_cast %get3A_948 : i32 to index
        %get3A_950 = arith.index_cast %add3A_947 : i32 to index
        %get3A_951 = arith.constant 32 : index
        %get3A_952 = tpu.vector_load %arg7[%get3A_949, %get3A_950, %get3A_951] {strides = array<i32>} : memref<4x96x128xf32, #tpu.memory_space<vmem>>, vector<1x1x16xf32>,
        %get3A_953 = vector.shape_cast %get3A_952 : vector<1x1x16xf32> to vector<16xf32>
        %add3A_954 = arith.addf %get3A_945, %get3A_953 : vector<16xf32>
        %add3A_955 = arith.constant 32 : i32
        %add3A_956 = arith.addi %add3A_955, %scan3A_817 : i32
        %get3A_957 = arith.constant 2 : i32
        %get3A_958 = arith.index_cast %get3A_957 : i32 to index
        %get3A_959 = arith.index_cast %add3A_956 : i32 to index
        %get3A_960 = arith.constant 32 : index
        %get3A_961 = tpu.vector_load %arg7[%get3A_958, %get3A_959, %get3A_960] {strides = array<i32>} : memref<4x96x128xf32, #tpu.memory_space<vmem>>, vector<1x1x16xf32>,
        %get3A_962 = vector.shape_cast %get3A_961 : vector<1x1x16xf32> to vector<16xf32>
        %add3A_963 = arith.constant 48 : i32
        %add3A_964 = arith.addi %add3A_963, %scan3A_817 : i32
        %get3A_965 = arith.constant 2 : i32
        %get3A_966 = arith.index_cast %get3A_965 : i32 to index
        %get3A_967 = arith.index_cast %add3A_964 : i32 to index
        %get3A_968 = arith.constant 32 : index
        %get3A_969 = tpu.vector_load %arg7[%get3A_966, %get3A_967, %get3A_968] {strides = array<i32>} : memref<4x96x128xf32, #tpu.memory_space<vmem>>, vector<1x1x16xf32>,
        %get3A_970 = vector.shape_cast %get3A_969 : vector<1x1x16xf32> to vector<16xf32>
        %add3A_971 = arith.addf %get3A_962, %get3A_970 : vector<16xf32>
        %add3A_972 = arith.constant 64 : i32
        %add3A_973 = arith.addi %add3A_972, %scan3A_817 : i32
        %get3A_974 = arith.constant 2 : i32
        %get3A_975 = arith.index_cast %get3A_974 : i32 to index
        %get3A_976 = arith.index_cast %add3A_973 : i32 to index
        %get3A_977 = arith.constant 32 : index
        %get3A_978 = tpu.vector_load %arg7[%get3A_975, %get3A_976, %get3A_977] {strides = array<i32>} : memref<4x96x128xf32, #tpu.memory_space<vmem>>, vector<1x1x16xf32>,
        %get3A_979 = vector.shape_cast %get3A_978 : vector<1x1x16xf32> to vector<16xf32>
        %add3A_980 = arith.constant 80 : i32
        %add3A_981 = arith.addi %add3A_980, %scan3A_817 : i32
        %get3A_982 = arith.constant 2 : i32
        %get3A_983 = arith.index_cast %get3A_982 : i32 to index
        %get3A_984 = arith.index_cast %add3A_981 : i32 to index
        %get3A_985 = arith.constant 32 : index
        %get3A_986 = tpu.vector_load %arg7[%get3A_983, %get3A_984, %get3A_985] {strides = array<i32>} : memref<4x96x128xf32, #tpu.memory_space<vmem>>, vector<1x1x16xf32>,
        %get3A_987 = vector.shape_cast %get3A_986 : vector<1x1x16xf32> to vector<16xf32>
        %add3A_988 = arith.addf %get3A_979, %get3A_987 : vector<16xf32>
        %add3A_989 = arith.addf %add3A_971, %add3A_988 : vector<16xf32>
        %add3A_990 = arith.addf %add3A_954, %add3A_989 : vector<16xf32>
        %swap3A_991 = arith.constant 2 : i32
        %swap3A_992 = arith.index_cast %swap3A_991 : i32 to index
        %swap3A_993 = arith.index_cast %scan3A_817 : i32 to index
        %swap3A_994 = arith.constant 32 : index
        %swap3A_995 = tpu.vector_load %arg8[%swap3A_992, %swap3A_993, %swap3A_994] {strides = array<i32>} : memref<4x16x128xf32, #tpu.memory_space<vmem>>, vector<1x1x16xf32>,
        %swap3A_996 = vector.shape_cast %swap3A_995 : vector<1x1x16xf32> to vector<16xf32>
        %swap3A_997 = vector.shape_cast %add3A_990 : vector<16xf32> to vector<1x1x16xf32>
        tpu.vector_store %arg8[%swap3A_992, %swap3A_993, %swap3A_994], %swap3A_997 {strides = array<i32>} : memref<4x16x128xf32, #tpu.memory_space<vmem>>, vector<1x1x16xf32>,
        %add3A_998 = arith.constant 0 : i32
        %add3A_999 = arith.addi %add3A_998, %scan3A_817 : i32
        %get3A_1000 = arith.constant 2 : i32
        %get3A_1001 = arith.index_cast %get3A_1000 : i32 to index
        %get3A_1002 = arith.index_cast %add3A_999 : i32 to index
        %get3A_1003 = arith.constant 48 : index
        %get3A_1004 = tpu.vector_load %arg7[%get3A_1001, %get3A_1002, %get3A_1003] {strides = array<i32>} : memref<4x96x128xf32, #tpu.memory_space<vmem>>, vector<1x1x16xf32>,
        %get3A_1005 = vector.shape_cast %get3A_1004 : vector<1x1x16xf32> to vector<16xf32>
        %add3A_1006 = arith.constant 16 : i32
        %add3A_1007 = arith.addi %add3A_1006, %scan3A_817 : i32
        %get3A_1008 = arith.constant 2 : i32
        %get3A_1009 = arith.index_cast %get3A_1008 : i32 to index
        %get3A_1010 = arith.index_cast %add3A_1007 : i32 to index
        %get3A_1011 = arith.constant 48 : index
        %get3A_1012 = tpu.vector_load %arg7[%get3A_1009, %get3A_1010, %get3A_1011] {strides = array<i32>} : memref<4x96x128xf32, #tpu.memory_space<vmem>>, vector<1x1x16xf32>,
        %get3A_1013 = vector.shape_cast %get3A_1012 : vector<1x1x16xf32> to vector<16xf32>
        %add3A_1014 = arith.addf %get3A_1005, %get3A_1013 : vector<16xf32>
        %add3A_1015 = arith.constant 32 : i32
        %add3A_1016 = arith.addi %add3A_1015, %scan3A_817 : i32
        %get3A_1017 = arith.constant 2 : i32
        %get3A_1018 = arith.index_cast %get3A_1017 : i32 to index
        %get3A_1019 = arith.index_cast %add3A_1016 : i32 to index
        %get3A_1020 = arith.constant 48 : index
        %get3A_1021 = tpu.vector_load %arg7[%get3A_1018, %get3A_1019, %get3A_1020] {strides = array<i32>} : memref<4x96x128xf32, #tpu.memory_space<vmem>>, vector<1x1x16xf32>,
        %get3A_1022 = vector.shape_cast %get3A_1021 : vector<1x1x16xf32> to vector<16xf32>
        %add3A_1023 = arith.constant 48 : i32
        %add3A_1024 = arith.addi %add3A_1023, %scan3A_817 : i32
        %get3A_1025 = arith.constant 2 : i32
        %get3A_1026 = arith.index_cast %get3A_1025 : i32 to index
        %get3A_1027 = arith.index_cast %add3A_1024 : i32 to index
        %get3A_1028 = arith.constant 48 : index
        %get3A_1029 = tpu.vector_load %arg7[%get3A_1026, %get3A_1027, %get3A_1028] {strides = array<i32>} : memref<4x96x128xf32, #tpu.memory_space<vmem>>, vector<1x1x16xf32>,
        %get3A_1030 = vector.shape_cast %get3A_1029 : vector<1x1x16xf32> to vector<16xf32>
        %add3A_1031 = arith.addf %get3A_1022, %get3A_1030 : vector<16xf32>
        %add3A_1032 = arith.constant 64 : i32
        %add3A_1033 = arith.addi %add3A_1032, %scan3A_817 : i32
        %get3A_1034 = arith.constant 2 : i32
        %get3A_1035 = arith.index_cast %get3A_1034 : i32 to index
        %get3A_1036 = arith.index_cast %add3A_1033 : i32 to index
        %get3A_1037 = arith.constant 48 : index
        %get3A_1038 = tpu.vector_load %arg7[%get3A_1035, %get3A_1036, %get3A_1037] {strides = array<i32>} : memref<4x96x128xf32, #tpu.memory_space<vmem>>, vector<1x1x16xf32>,
        %get3A_1039 = vector.shape_cast %get3A_1038 : vector<1x1x16xf32> to vector<16xf32>
        %add3A_1040 = arith.constant 80 : i32
        %add3A_1041 = arith.addi %add3A_1040, %scan3A_817 : i32
        %get3A_1042 = arith.constant 2 : i32
        %get3A_1043 = arith.index_cast %get3A_1042 : i32 to index
        %get3A_1044 = arith.index_cast %add3A_1041 : i32 to index
        %get3A_1045 = arith.constant 48 : index
        %get3A_1046 = tpu.vector_load %arg7[%get3A_1043, %get3A_1044, %get3A_1045] {strides = array<i32>} : memref<4x96x128xf32, #tpu.memory_space<vmem>>, vector<1x1x16xf32>,
        %get3A_1047 = vector.shape_cast %get3A_1046 : vector<1x1x16xf32> to vector<16xf32>
        %add3A_1048 = arith.addf %get3A_1039, %get3A_1047 : vector<16xf32>
        %add3A_1049 = arith.addf %add3A_1031, %add3A_1048 : vector<16xf32>
        %add3A_1050 = arith.addf %add3A_1014, %add3A_1049 : vector<16xf32>
        %swap3A_1051 = arith.constant 2 : i32
        %swap3A_1052 = arith.index_cast %swap3A_1051 : i32 to index
        %swap3A_1053 = arith.index_cast %scan3A_817 : i32 to index
        %swap3A_1054 = arith.constant 48 : index
        %swap3A_1055 = tpu.vector_load %arg8[%swap3A_1052, %swap3A_1053, %swap3A_1054] {strides = array<i32>} : memref<4x16x128xf32, #tpu.memory_space<vmem>>, vector<1x1x16xf32>,
        %swap3A_1056 = vector.shape_cast %swap3A_1055 : vector<1x1x16xf32> to vector<16xf32>
        %swap3A_1057 = vector.shape_cast %add3A_1050 : vector<16xf32> to vector<1x1x16xf32>
        tpu.vector_store %arg8[%swap3A_1052, %swap3A_1053, %swap3A_1054], %swap3A_1057 {strides = array<i32>} : memref<4x16x128xf32, #tpu.memory_space<vmem>>, vector<1x1x16xf32>,
        %add3A_1058 = arith.constant 0 : i32
        %add3A_1059 = arith.addi %add3A_1058, %scan3A_817 : i32
        %get3A_1060 = arith.constant 2 : i32
        %get3A_1061 = arith.index_cast %get3A_1060 : i32 to index
        %get3A_1062 = arith.index_cast %add3A_1059 : i32 to index
        %get3A_1063 = arith.constant 64 : index
        %get3A_1064 = tpu.vector_load %arg7[%get3A_1061, %get3A_1062, %get3A_1063] {strides = array<i32>} : memref<4x96x128xf32, #tpu.memory_space<vmem>>, vector<1x1x16xf32>,
        %get3A_1065 = vector.shape_cast %get3A_1064 : vector<1x1x16xf32> to vector<16xf32>
        %add3A_1066 = arith.constant 16 : i32
        %add3A_1067 = arith.addi %add3A_1066, %scan3A_817 : i32
        %get3A_1068 = arith.constant 2 : i32
        %get3A_1069 = arith.index_cast %get3A_1068 : i32 to index
        %get3A_1070 = arith.index_cast %add3A_1067 : i32 to index
        %get3A_1071 = arith.constant 64 : index
        %get3A_1072 = tpu.vector_load %arg7[%get3A_1069, %get3A_1070, %get3A_1071] {strides = array<i32>} : memref<4x96x128xf32, #tpu.memory_space<vmem>>, vector<1x1x16xf32>,
        %get3A_1073 = vector.shape_cast %get3A_1072 : vector<1x1x16xf32> to vector<16xf32>
        %add3A_1074 = arith.addf %get3A_1065, %get3A_1073 : vector<16xf32>
        %add3A_1075 = arith.constant 32 : i32
        %add3A_1076 = arith.addi %add3A_1075, %scan3A_817 : i32
        %get3A_1077 = arith.constant 2 : i32
        %get3A_1078 = arith.index_cast %get3A_1077 : i32 to index
        %get3A_1079 = arith.index_cast %add3A_1076 : i32 to index
        %get3A_1080 = arith.constant 64 : index
        %get3A_1081 = tpu.vector_load %arg7[%get3A_1078, %get3A_1079, %get3A_1080] {strides = array<i32>} : memref<4x96x128xf32, #tpu.memory_space<vmem>>, vector<1x1x16xf32>,
        %get3A_1082 = vector.shape_cast %get3A_1081 : vector<1x1x16xf32> to vector<16xf32>
        %add3A_1083 = arith.constant 48 : i32
        %add3A_1084 = arith.addi %add3A_1083, %scan3A_817 : i32
        %get3A_1085 = arith.constant 2 : i32
        %get3A_1086 = arith.index_cast %get3A_1085 : i32 to index
        %get3A_1087 = arith.index_cast %add3A_1084 : i32 to index
        %get3A_1088 = arith.constant 64 : index
        %get3A_1089 = tpu.vector_load %arg7[%get3A_1086, %get3A_1087, %get3A_1088] {strides = array<i32>} : memref<4x96x128xf32, #tpu.memory_space<vmem>>, vector<1x1x16xf32>,
        %get3A_1090 = vector.shape_cast %get3A_1089 : vector<1x1x16xf32> to vector<16xf32>
        %add3A_1091 = arith.addf %get3A_1082, %get3A_1090 : vector<16xf32>
        %add3A_1092 = arith.constant 64 : i32
        %add3A_1093 = arith.addi %add3A_1092, %scan3A_817 : i32
        %get3A_1094 = arith.constant 2 : i32
        %get3A_1095 = arith.index_cast %get3A_1094 : i32 to index
        %get3A_1096 = arith.index_cast %add3A_1093 : i32 to index
        %get3A_1097 = arith.constant 64 : index
        %get3A_1098 = tpu.vector_load %arg7[%get3A_1095, %get3A_1096, %get3A_1097] {strides = array<i32>} : memref<4x96x128xf32, #tpu.memory_space<vmem>>, vector<1x1x16xf32>,
        %get3A_1099 = vector.shape_cast %get3A_1098 : vector<1x1x16xf32> to vector<16xf32>
        %add3A_1100 = arith.constant 80 : i32
        %add3A_1101 = arith.addi %add3A_1100, %scan3A_817 : i32
        %get3A_1102 = arith.constant 2 : i32
        %get3A_1103 = arith.index_cast %get3A_1102 : i32 to index
        %get3A_1104 = arith.index_cast %add3A_1101 : i32 to index
        %get3A_1105 = arith.constant 64 : index
        %get3A_1106 = tpu.vector_load %arg7[%get3A_1103, %get3A_1104, %get3A_1105] {strides = array<i32>} : memref<4x96x128xf32, #tpu.memory_space<vmem>>, vector<1x1x16xf32>,
        %get3A_1107 = vector.shape_cast %get3A_1106 : vector<1x1x16xf32> to vector<16xf32>
        %add3A_1108 = arith.addf %get3A_1099, %get3A_1107 : vector<16xf32>
        %add3A_1109 = arith.addf %add3A_1091, %add3A_1108 : vector<16xf32>
        %add3A_1110 = arith.addf %add3A_1074, %add3A_1109 : vector<16xf32>
        %swap3A_1111 = arith.constant 2 : i32
        %swap3A_1112 = arith.index_cast %swap3A_1111 : i32 to index
        %swap3A_1113 = arith.index_cast %scan3A_817 : i32 to index
        %swap3A_1114 = arith.constant 64 : index
        %swap3A_1115 = tpu.vector_load %arg8[%swap3A_1112, %swap3A_1113, %swap3A_1114] {strides = array<i32>} : memref<4x16x128xf32, #tpu.memory_space<vmem>>, vector<1x1x16xf32>,
        %swap3A_1116 = vector.shape_cast %swap3A_1115 : vector<1x1x16xf32> to vector<16xf32>
        %swap3A_1117 = vector.shape_cast %add3A_1110 : vector<16xf32> to vector<1x1x16xf32>
        tpu.vector_store %arg8[%swap3A_1112, %swap3A_1113, %swap3A_1114], %swap3A_1117 {strides = array<i32>} : memref<4x16x128xf32, #tpu.memory_space<vmem>>, vector<1x1x16xf32>,
        %add3A_1118 = arith.constant 0 : i32
        %add3A_1119 = arith.addi %add3A_1118, %scan3A_817 : i32
        %get3A_1120 = arith.constant 2 : i32
        %get3A_1121 = arith.index_cast %get3A_1120 : i32 to index
        %get3A_1122 = arith.index_cast %add3A_1119 : i32 to index
        %get3A_1123 = arith.constant 80 : index
        %get3A_1124 = tpu.vector_load %arg7[%get3A_1121, %get3A_1122, %get3A_1123] {strides = array<i32>} : memref<4x96x128xf32, #tpu.memory_space<vmem>>, vector<1x1x16xf32>,
        %get3A_1125 = vector.shape_cast %get3A_1124 : vector<1x1x16xf32> to vector<16xf32>
        %add3A_1126 = arith.constant 16 : i32
        %add3A_1127 = arith.addi %add3A_1126, %scan3A_817 : i32
        %get3A_1128 = arith.constant 2 : i32
        %get3A_1129 = arith.index_cast %get3A_1128 : i32 to index
        %get3A_1130 = arith.index_cast %add3A_1127 : i32 to index
        %get3A_1131 = arith.constant 80 : index
        %get3A_1132 = tpu.vector_load %arg7[%get3A_1129, %get3A_1130, %get3A_1131] {strides = array<i32>} : memref<4x96x128xf32, #tpu.memory_space<vmem>>, vector<1x1x16xf32>,
        %get3A_1133 = vector.shape_cast %get3A_1132 : vector<1x1x16xf32> to vector<16xf32>
        %add3A_1134 = arith.addf %get3A_1125, %get3A_1133 : vector<16xf32>
        %add3A_1135 = arith.constant 32 : i32
        %add3A_1136 = arith.addi %add3A_1135, %scan3A_817 : i32
        %get3A_1137 = arith.constant 2 : i32
        %get3A_1138 = arith.index_cast %get3A_1137 : i32 to index
        %get3A_1139 = arith.index_cast %add3A_1136 : i32 to index
        %get3A_1140 = arith.constant 80 : index
        %get3A_1141 = tpu.vector_load %arg7[%get3A_1138, %get3A_1139, %get3A_1140] {strides = array<i32>} : memref<4x96x128xf32, #tpu.memory_space<vmem>>, vector<1x1x16xf32>,
        %get3A_1142 = vector.shape_cast %get3A_1141 : vector<1x1x16xf32> to vector<16xf32>
        %add3A_1143 = arith.constant 48 : i32
        %add3A_1144 = arith.addi %add3A_1143, %scan3A_817 : i32
        %get3A_1145 = arith.constant 2 : i32
        %get3A_1146 = arith.index_cast %get3A_1145 : i32 to index
        %get3A_1147 = arith.index_cast %add3A_1144 : i32 to index
        %get3A_1148 = arith.constant 80 : index
        %get3A_1149 = tpu.vector_load %arg7[%get3A_1146, %get3A_1147, %get3A_1148] {strides = array<i32>} : memref<4x96x128xf32, #tpu.memory_space<vmem>>, vector<1x1x16xf32>,
        %get3A_1150 = vector.shape_cast %get3A_1149 : vector<1x1x16xf32> to vector<16xf32>
        %add3A_1151 = arith.addf %get3A_1142, %get3A_1150 : vector<16xf32>
        %add3A_1152 = arith.constant 64 : i32
        %add3A_1153 = arith.addi %add3A_1152, %scan3A_817 : i32
        %get3A_1154 = arith.constant 2 : i32
        %get3A_1155 = arith.index_cast %get3A_1154 : i32 to index
        %get3A_1156 = arith.index_cast %add3A_1153 : i32 to index
        %get3A_1157 = arith.constant 80 : index
        %get3A_1158 = tpu.vector_load %arg7[%get3A_1155, %get3A_1156, %get3A_1157] {strides = array<i32>} : memref<4x96x128xf32, #tpu.memory_space<vmem>>, vector<1x1x16xf32>,
        %get3A_1159 = vector.shape_cast %get3A_1158 : vector<1x1x16xf32> to vector<16xf32>
        %add3A_1160 = arith.constant 80 : i32
        %add3A_1161 = arith.addi %add3A_1160, %scan3A_817 : i32
        %get3A_1162 = arith.constant 2 : i32
        %get3A_1163 = arith.index_cast %get3A_1162 : i32 to index
        %get3A_1164 = arith.index_cast %add3A_1161 : i32 to index
        %get3A_1165 = arith.constant 80 : index
        %get3A_1166 = tpu.vector_load %arg7[%get3A_1163, %get3A_1164, %get3A_1165] {strides = array<i32>} : memref<4x96x128xf32, #tpu.memory_space<vmem>>, vector<1x1x16xf32>,
        %get3A_1167 = vector.shape_cast %get3A_1166 : vector<1x1x16xf32> to vector<16xf32>
        %add3A_1168 = arith.addf %get3A_1159, %get3A_1167 : vector<16xf32>
        %add3A_1169 = arith.addf %add3A_1151, %add3A_1168 : vector<16xf32>
        %add3A_1170 = arith.addf %add3A_1134, %add3A_1169 : vector<16xf32>
        %swap3A_1171 = arith.constant 2 : i32
        %swap3A_1172 = arith.index_cast %swap3A_1171 : i32 to index
        %swap3A_1173 = arith.index_cast %scan3A_817 : i32 to index
        %swap3A_1174 = arith.constant 80 : index
        %swap3A_1175 = tpu.vector_load %arg8[%swap3A_1172, %swap3A_1173, %swap3A_1174] {strides = array<i32>} : memref<4x16x128xf32, #tpu.memory_space<vmem>>, vector<1x1x16xf32>,
        %swap3A_1176 = vector.shape_cast %swap3A_1175 : vector<1x1x16xf32> to vector<16xf32>
        %swap3A_1177 = vector.shape_cast %add3A_1170 : vector<16xf32> to vector<1x1x16xf32>
        tpu.vector_store %arg8[%swap3A_1172, %swap3A_1173, %swap3A_1174], %swap3A_1177 {strides = array<i32>} : memref<4x16x128xf32, #tpu.memory_space<vmem>>, vector<1x1x16xf32>,
        %add3A_1178 = arith.constant 0 : i32
        %add3A_1179 = arith.addi %add3A_1178, %scan3A_817 : i32
        %get3A_1180 = arith.constant 2 : i32
        %get3A_1181 = arith.index_cast %get3A_1180 : i32 to index
        %get3A_1182 = arith.index_cast %add3A_1179 : i32 to index
        %get3A_1183 = arith.constant 96 : index
        %get3A_1184 = tpu.vector_load %arg7[%get3A_1181, %get3A_1182, %get3A_1183] {strides = array<i32>} : memref<4x96x128xf32, #tpu.memory_space<vmem>>, vector<1x1x16xf32>,
        %get3A_1185 = vector.shape_cast %get3A_1184 : vector<1x1x16xf32> to vector<16xf32>
        %add3A_1186 = arith.constant 16 : i32
        %add3A_1187 = arith.addi %add3A_1186, %scan3A_817 : i32
        %get3A_1188 = arith.constant 2 : i32
        %get3A_1189 = arith.index_cast %get3A_1188 : i32 to index
        %get3A_1190 = arith.index_cast %add3A_1187 : i32 to index
        %get3A_1191 = arith.constant 96 : index
        %get3A_1192 = tpu.vector_load %arg7[%get3A_1189, %get3A_1190, %get3A_1191] {strides = array<i32>} : memref<4x96x128xf32, #tpu.memory_space<vmem>>, vector<1x1x16xf32>,
        %get3A_1193 = vector.shape_cast %get3A_1192 : vector<1x1x16xf32> to vector<16xf32>
        %add3A_1194 = arith.addf %get3A_1185, %get3A_1193 : vector<16xf32>
        %add3A_1195 = arith.constant 32 : i32
        %add3A_1196 = arith.addi %add3A_1195, %scan3A_817 : i32
        %get3A_1197 = arith.constant 2 : i32
        %get3A_1198 = arith.index_cast %get3A_1197 : i32 to index
        %get3A_1199 = arith.index_cast %add3A_1196 : i32 to index
        %get3A_1200 = arith.constant 96 : index
        %get3A_1201 = tpu.vector_load %arg7[%get3A_1198, %get3A_1199, %get3A_1200] {strides = array<i32>} : memref<4x96x128xf32, #tpu.memory_space<vmem>>, vector<1x1x16xf32>,
        %get3A_1202 = vector.shape_cast %get3A_1201 : vector<1x1x16xf32> to vector<16xf32>
        %add3A_1203 = arith.constant 48 : i32
        %add3A_1204 = arith.addi %add3A_1203, %scan3A_817 : i32
        %get3A_1205 = arith.constant 2 : i32
        %get3A_1206 = arith.index_cast %get3A_1205 : i32 to index
        %get3A_1207 = arith.index_cast %add3A_1204 : i32 to index
        %get3A_1208 = arith.constant 96 : index
        %get3A_1209 = tpu.vector_load %arg7[%get3A_1206, %get3A_1207, %get3A_1208] {strides = array<i32>} : memref<4x96x128xf32, #tpu.memory_space<vmem>>, vector<1x1x16xf32>,
        %get3A_1210 = vector.shape_cast %get3A_1209 : vector<1x1x16xf32> to vector<16xf32>
        %add3A_1211 = arith.addf %get3A_1202, %get3A_1210 : vector<16xf32>
        %add3A_1212 = arith.constant 64 : i32
        %add3A_1213 = arith.addi %add3A_1212, %scan3A_817 : i32
        %get3A_1214 = arith.constant 2 : i32
        %get3A_1215 = arith.index_cast %get3A_1214 : i32 to index
        %get3A_1216 = arith.index_cast %add3A_1213 : i32 to index
        %get3A_1217 = arith.constant 96 : index
        %get3A_1218 = tpu.vector_load %arg7[%get3A_1215, %get3A_1216, %get3A_1217] {strides = array<i32>} : memref<4x96x128xf32, #tpu.memory_space<vmem>>, vector<1x1x16xf32>,
        %get3A_1219 = vector.shape_cast %get3A_1218 : vector<1x1x16xf32> to vector<16xf32>
        %add3A_1220 = arith.constant 80 : i32
        %add3A_1221 = arith.addi %add3A_1220, %scan3A_817 : i32
        %get3A_1222 = arith.constant 2 : i32
        %get3A_1223 = arith.index_cast %get3A_1222 : i32 to index
        %get3A_1224 = arith.index_cast %add3A_1221 : i32 to index
        %get3A_1225 = arith.constant 96 : index
        %get3A_1226 = tpu.vector_load %arg7[%get3A_1223, %get3A_1224, %get3A_1225] {strides = array<i32>} : memref<4x96x128xf32, #tpu.memory_space<vmem>>, vector<1x1x16xf32>,
        %get3A_1227 = vector.shape_cast %get3A_1226 : vector<1x1x16xf32> to vector<16xf32>
        %add3A_1228 = arith.addf %get3A_1219, %get3A_1227 : vector<16xf32>
        %add3A_1229 = arith.addf %add3A_1211, %add3A_1228 : vector<16xf32>
        %add3A_1230 = arith.addf %add3A_1194, %add3A_1229 : vector<16xf32>
        %swap3A_1231 = arith.constant 2 : i32
        %swap3A_1232 = arith.index_cast %swap3A_1231 : i32 to index
        %swap3A_1233 = arith.index_cast %scan3A_817 : i32 to index
        %swap3A_1234 = arith.constant 96 : index
        %swap3A_1235 = tpu.vector_load %arg8[%swap3A_1232, %swap3A_1233, %swap3A_1234] {strides = array<i32>} : memref<4x16x128xf32, #tpu.memory_space<vmem>>, vector<1x1x16xf32>,
        %swap3A_1236 = vector.shape_cast %swap3A_1235 : vector<1x1x16xf32> to vector<16xf32>
        %swap3A_1237 = vector.shape_cast %add3A_1230 : vector<16xf32> to vector<1x1x16xf32>
        tpu.vector_store %arg8[%swap3A_1232, %swap3A_1233, %swap3A_1234], %swap3A_1237 {strides = array<i32>} : memref<4x16x128xf32, #tpu.memory_space<vmem>>, vector<1x1x16xf32>,
        %add3A_1238 = arith.constant 0 : i32
        %add3A_1239 = arith.addi %add3A_1238, %scan3A_817 : i32
        %get3A_1240 = arith.constant 2 : i32
        %get3A_1241 = arith.index_cast %get3A_1240 : i32 to index
        %get3A_1242 = arith.index_cast %add3A_1239 : i32 to index
        %get3A_1243 = arith.constant 112 : index
        %get3A_1244 = tpu.vector_load %arg7[%get3A_1241, %get3A_1242, %get3A_1243] {strides = array<i32>} : memref<4x96x128xf32, #tpu.memory_space<vmem>>, vector<1x1x16xf32>,
        %get3A_1245 = vector.shape_cast %get3A_1244 : vector<1x1x16xf32> to vector<16xf32>
        %add3A_1246 = arith.constant 16 : i32
        %add3A_1247 = arith.addi %add3A_1246, %scan3A_817 : i32
        %get3A_1248 = arith.constant 2 : i32
        %get3A_1249 = arith.index_cast %get3A_1248 : i32 to index
        %get3A_1250 = arith.index_cast %add3A_1247 : i32 to index
        %get3A_1251 = arith.constant 112 : index
        %get3A_1252 = tpu.vector_load %arg7[%get3A_1249, %get3A_1250, %get3A_1251] {strides = array<i32>} : memref<4x96x128xf32, #tpu.memory_space<vmem>>, vector<1x1x16xf32>,
        %get3A_1253 = vector.shape_cast %get3A_1252 : vector<1x1x16xf32> to vector<16xf32>
        %add3A_1254 = arith.addf %get3A_1245, %get3A_1253 : vector<16xf32>
        %add3A_1255 = arith.constant 32 : i32
        %add3A_1256 = arith.addi %add3A_1255, %scan3A_817 : i32
        %get3A_1257 = arith.constant 2 : i32
        %get3A_1258 = arith.index_cast %get3A_1257 : i32 to index
        %get3A_1259 = arith.index_cast %add3A_1256 : i32 to index
        %get3A_1260 = arith.constant 112 : index
        %get3A_1261 = tpu.vector_load %arg7[%get3A_1258, %get3A_1259, %get3A_1260] {strides = array<i32>} : memref<4x96x128xf32, #tpu.memory_space<vmem>>, vector<1x1x16xf32>,
        %get3A_1262 = vector.shape_cast %get3A_1261 : vector<1x1x16xf32> to vector<16xf32>
        %add3A_1263 = arith.constant 48 : i32
        %add3A_1264 = arith.addi %add3A_1263, %scan3A_817 : i32
        %get3A_1265 = arith.constant 2 : i32
        %get3A_1266 = arith.index_cast %get3A_1265 : i32 to index
        %get3A_1267 = arith.index_cast %add3A_1264 : i32 to index
        %get3A_1268 = arith.constant 112 : index
        %get3A_1269 = tpu.vector_load %arg7[%get3A_1266, %get3A_1267, %get3A_1268] {strides = array<i32>} : memref<4x96x128xf32, #tpu.memory_space<vmem>>, vector<1x1x16xf32>,
        %get3A_1270 = vector.shape_cast %get3A_1269 : vector<1x1x16xf32> to vector<16xf32>
        %add3A_1271 = arith.addf %get3A_1262, %get3A_1270 : vector<16xf32>
        %add3A_1272 = arith.constant 64 : i32
        %add3A_1273 = arith.addi %add3A_1272, %scan3A_817 : i32
        %get3A_1274 = arith.constant 2 : i32
        %get3A_1275 = arith.index_cast %get3A_1274 : i32 to index
        %get3A_1276 = arith.index_cast %add3A_1273 : i32 to index
        %get3A_1277 = arith.constant 112 : index
        %get3A_1278 = tpu.vector_load %arg7[%get3A_1275, %get3A_1276, %get3A_1277] {strides = array<i32>} : memref<4x96x128xf32, #tpu.memory_space<vmem>>, vector<1x1x16xf32>,
        %get3A_1279 = vector.shape_cast %get3A_1278 : vector<1x1x16xf32> to vector<16xf32>
        %add3A_1280 = arith.constant 80 : i32
        %add3A_1281 = arith.addi %add3A_1280, %scan3A_817 : i32
        %get3A_1282 = arith.constant 2 : i32
        %get3A_1283 = arith.index_cast %get3A_1282 : i32 to index
        %get3A_1284 = arith.index_cast %add3A_1281 : i32 to index
        %get3A_1285 = arith.constant 112 : index
        %get3A_1286 = tpu.vector_load %arg7[%get3A_1283, %get3A_1284, %get3A_1285] {strides = array<i32>} : memref<4x96x128xf32, #tpu.memory_space<vmem>>, vector<1x1x16xf32>,
        %get3A_1287 = vector.shape_cast %get3A_1286 : vector<1x1x16xf32> to vector<16xf32>
        %add3A_1288 = arith.addf %get3A_1279, %get3A_1287 : vector<16xf32>
        %add3A_1289 = arith.addf %add3A_1271, %add3A_1288 : vector<16xf32>
        %add3A_1290 = arith.addf %add3A_1254, %add3A_1289 : vector<16xf32>
        %swap3A_1291 = arith.constant 2 : i32
        %swap3A_1292 = arith.index_cast %swap3A_1291 : i32 to index
        %swap3A_1293 = arith.index_cast %scan3A_817 : i32 to index
        %swap3A_1294 = arith.constant 112 : index
        %swap3A_1295 = tpu.vector_load %arg8[%swap3A_1292, %swap3A_1293, %swap3A_1294] {strides = array<i32>} : memref<4x16x128xf32, #tpu.memory_space<vmem>>, vector<1x1x16xf32>,
        %swap3A_1296 = vector.shape_cast %swap3A_1295 : vector<1x1x16xf32> to vector<16xf32>
        %swap3A_1297 = vector.shape_cast %add3A_1290 : vector<16xf32> to vector<1x1x16xf32>
        tpu.vector_store %arg8[%swap3A_1292, %swap3A_1293, %swap3A_1294], %swap3A_1297 {strides = array<i32>} : memref<4x16x128xf32, #tpu.memory_space<vmem>>, vector<1x1x16xf32>,
      }
      %scan3A_258 = arith.constant 16 : i32
      %mul3A_259 = arith.constant 16 : i32
      %mul3A_260 = arith.muli %add3A_234, %mul3A_259 : i32
      %add3A_261 = arith.addi %mul3A_2, %mul3A_260 : i32
      %dma_start3A_262 = arith.constant 2 : i32
      %dma_start3A_263 = arith.constant 2 : i32
      %dma_start3A_264 = arith.constant 0 : i32
      %dma_start3A_265 = arith.constant 0 : i32
      %dma_start3A_266 = tpu.memref_slice %arg8[%dma_start3A_262, %dma_start3A_264, %dma_start3A_265] : memref<4x16x128xf32, #tpu.memory_space<vmem>> -> memref<1x16x128xf32, #tpu.memory_space<vmem>>
      %dma_start3A_267 = tpu.memref_squeeze %dma_start3A_266 : memref<1x16x128xf32, #tpu.memory_space<vmem>> -> memref<16x128xf32, #tpu.memory_space<vmem>>
      %dma_start3A_268 = arith.constant 0 : i32
      %dma_start3A_269 = tpu.memref_slice %arg4[%add3A_261, %dma_start3A_268] : memref<102400x128xf32, #tpu.memory_space<hbm>> -> memref<16x128xf32, #tpu.memory_space<hbm>>
      %dma_start3A_270 = tpu.memref_slice %arg10[%dma_start3A_263] : memref<4x!tpu.dma_semaphore, #tpu.memory_space<semaphore_mem>> -> memref<1x!tpu.dma_semaphore, #tpu.memory_space<semaphore_mem>>
      %dma_start3A_271 = tpu.memref_squeeze %dma_start3A_270 : memref<1x!tpu.dma_semaphore, #tpu.memory_space<semaphore_mem>> -> memref<!tpu.dma_semaphore, #tpu.memory_space<semaphore_mem>>
      %dma_start3A_272 = arith.constant 0 : i32
      %dma_start3A_273 = tpu.memref_slice %arg4[%add3A_261, %dma_start3A_272] : memref<102400x128xf32, #tpu.memory_space<hbm>> -> memref<16x128xf32, #tpu.memory_space<hbm>>
      %dma_start3A_274 = arith.constant 0 : i32
      %dma_start3A_275 = arith.constant 0 : i32
      %dma_start3A_276 = tpu.memref_slice %arg8[%dma_start3A_262, %dma_start3A_274, %dma_start3A_275] : memref<4x16x128xf32, #tpu.memory_space<vmem>> -> memref<1x16x128xf32, #tpu.memory_space<vmem>>
      %dma_start3A_277 = tpu.memref_squeeze %dma_start3A_276 : memref<1x16x128xf32, #tpu.memory_space<vmem>> -> memref<16x128xf32, #tpu.memory_space<vmem>>
      tpu.enqueue_dma source(%dma_start3A_277 : memref<16x128xf32, #tpu.memory_space<vmem>>) target(%dma_start3A_273 : memref<16x128xf32, #tpu.memory_space<hbm>>) target_semaphore(%dma_start3A_271 : memref<!tpu.dma_semaphore, #tpu.memory_space<semaphore_mem>>)
      %add3A_278 = arith.constant 4 : i32
      %add3A_279 = arith.addi %add3A_234, %add3A_278 : i32
      %lt3A_280 = arith.constant 200 : i32
      %lt3A_281 = arith.cmpi slt, %add3A_279, %lt3A_280 : i32
      %convert_element_type3A_282 = arith.extui %lt3A_281 : i1 to i32
      %cond3A_283 = arith.constant 0 : i32
      %cond3A_284 = arith.cmpi ne, %convert_element_type3A_282, %cond3A_283 : i32
      scf.if %cond3A_284 {
        %add3A_337 = arith.constant 4 : i32
        %add3A_338 = arith.addi %add3A_234, %add3A_337 : i32
        %mul3A_339 = arith.constant 96 : i32
        %mul3A_340 = arith.muli %add3A_338, %mul3A_339 : i32
        %dma_start3A_341 = arith.constant 2 : i32
        %dma_start3A_342 = arith.constant 2 : i32
        %dma_start3A_343 = arith.constant 0 : i32
        %dma_start3A_344 = arith.constant 0 : i32
        %dma_start3A_345 = tpu.memref_slice %arg7[%dma_start3A_341, %dma_start3A_343, %dma_start3A_344] : memref<4x96x128xf32, #tpu.memory_space<vmem>> -> memref<1x96x128xf32, #tpu.memory_space<vmem>>
        %dma_start3A_346 = tpu.memref_squeeze %dma_start3A_345 : memref<1x96x128xf32, #tpu.memory_space<vmem>> -> memref<96x128xf32, #tpu.memory_space<vmem>>
        %dma_start3A_347 = tpu.memref_slice %arg6[%mul3A_340] : memref<19200xi32, #tpu.memory_space<vmem>> -> memref<96xi32, #tpu.memory_space<vmem>>
        %dma_start3A_348 = arith.constant 0 : i32
        %dma_start3A_349 = arith.constant 0 : i32
        %dma_start3A_350 = tpu.memref_slice %arg2[%dma_start3A_348, %dma_start3A_349] : memref<100000x128xf32, #tpu.memory_space<hbm>> -> memref<100000x128xf32, #tpu.memory_space<hbm>>
        %dma_start3A_351 = tpu.memref_slice %arg9[%dma_start3A_342] : memref<4x!tpu.dma_semaphore, #tpu.memory_space<semaphore_mem>> -> memref<1x!tpu.dma_semaphore, #tpu.memory_space<semaphore_mem>>
        %dma_start3A_352 = tpu.memref_squeeze %dma_start3A_351 : memref<1x!tpu.dma_semaphore, #tpu.memory_space<semaphore_mem>> -> memref<!tpu.dma_semaphore, #tpu.memory_space<semaphore_mem>>
        tpu.enqueue_indirect_dma source(%dma_start3A_350 : memref<100000x128xf32, #tpu.memory_space<hbm>>) target(%dma_start3A_346 : memref<96x128xf32, #tpu.memory_space<vmem>>) offsets(%dma_start3A_347 : memref<96xi32, #tpu.memory_space<vmem>>) semaphore(%dma_start3A_352 : memref<!tpu.dma_semaphore, #tpu.memory_space<semaphore_mem>>)
      } else {
      }
      %add3A_285 = arith.constant 3 : i32
      %add3A_286 = arith.addi %mul3A_132, %add3A_285 : i32
      %dma_wait3A_287 = arith.constant 3 : i32
      %dma_wait3A_288 = arith.constant 3 : i32
      %dma_wait3A_289 = arith.constant 0 : i32
      %dma_wait3A_290 = arith.constant 0 : i32
      %dma_wait3A_291 = tpu.memref_slice %arg7[%dma_wait3A_287, %dma_wait3A_289, %dma_wait3A_290] : memref<4x96x128xf32, #tpu.memory_space<vmem>> -> memref<1x96x128xf32, #tpu.memory_space<vmem>>
      %dma_wait3A_292 = tpu.memref_squeeze %dma_wait3A_291 : memref<1x96x128xf32, #tpu.memory_space<vmem>> -> memref<96x128xf32, #tpu.memory_space<vmem>>
      %dma_wait3A_293 = arith.constant 0 : i32
      %dma_wait3A_294 = tpu.memref_slice %arg6[%dma_wait3A_293] : memref<19200xi32, #tpu.memory_space<vmem>> -> memref<96xi32, #tpu.memory_space<vmem>>
      %dma_wait3A_295 = arith.constant 0 : i32
      %dma_wait3A_296 = arith.constant 0 : i32
      %dma_wait3A_297 = tpu.memref_slice %arg2[%dma_wait3A_295, %dma_wait3A_296] : memref<100000x128xf32, #tpu.memory_space<hbm>> -> memref<100000x128xf32, #tpu.memory_space<hbm>>
      %dma_wait3A_298 = tpu.memref_slice %arg9[%dma_wait3A_288] : memref<4x!tpu.dma_semaphore, #tpu.memory_space<semaphore_mem>> -> memref<1x!tpu.dma_semaphore, #tpu.memory_space<semaphore_mem>>
      %dma_wait3A_299 = tpu.memref_squeeze %dma_wait3A_298 : memref<1x!tpu.dma_semaphore, #tpu.memory_space<semaphore_mem>> -> memref<!tpu.dma_semaphore, #tpu.memory_space<semaphore_mem>>
      tpu.wait_indirect_dma semaphore(%dma_wait3A_299 : memref<!tpu.dma_semaphore, #tpu.memory_space<semaphore_mem>>) src(%dma_wait3A_297 : memref<100000x128xf32, #tpu.memory_space<hbm>>) dst(%dma_wait3A_292 : memref<96x128xf32, #tpu.memory_space<vmem>>)
      %gt3A_300 = arith.constant 0 : i32
      %gt3A_301 = arith.cmpi sgt, %scan3A_130, %gt3A_300 : i32
      %convert_element_type3A_302 = arith.extui %gt3A_301 : i1 to i32
      %cond3A_303 = arith.constant 0 : i32
      %cond3A_304 = arith.cmpi ne, %convert_element_type3A_302, %cond3A_303 : i32
      scf.if %cond3A_304 {
        %dma_wait3A_337 = arith.constant 3 : i32
        %dma_wait3A_338 = arith.constant 3 : i32
        %dma_wait3A_339 = arith.constant 0 : i32
        %dma_wait3A_340 = arith.constant 0 : i32
        %dma_wait3A_341 = tpu.memref_slice %arg8[%dma_wait3A_337, %dma_wait3A_339, %dma_wait3A_340] : memref<4x16x128xf32, #tpu.memory_space<vmem>> -> memref<1x16x128xf32, #tpu.memory_space<vmem>>
        %dma_wait3A_342 = tpu.memref_squeeze %dma_wait3A_341 : memref<1x16x128xf32, #tpu.memory_space<vmem>> -> memref<16x128xf32, #tpu.memory_space<vmem>>
        %dma_wait3A_343 = arith.constant 0 : i32
        %dma_wait3A_344 = tpu.memref_slice %arg4[%mul3A_2, %dma_wait3A_343] : memref<102400x128xf32, #tpu.memory_space<hbm>> -> memref<16x128xf32, #tpu.memory_space<hbm>>
        %dma_wait3A_345 = tpu.memref_slice %arg10[%dma_wait3A_338] : memref<4x!tpu.dma_semaphore, #tpu.memory_space<semaphore_mem>> -> memref<1x!tpu.dma_semaphore, #tpu.memory_space<semaphore_mem>>
        %dma_wait3A_346 = tpu.memref_squeeze %dma_wait3A_345 : memref<1x!tpu.dma_semaphore, #tpu.memory_space<semaphore_mem>> -> memref<!tpu.dma_semaphore, #tpu.memory_space<semaphore_mem>>
        %dma_wait3A_347 = arith.constant 0 : i32
        %dma_wait3A_348 = tpu.memref_slice %arg4[%mul3A_2, %dma_wait3A_347] : memref<102400x128xf32, #tpu.memory_space<hbm>> -> memref<16x128xf32, #tpu.memory_space<hbm>>
        %dma_wait3A_349 = arith.constant 0 : i32
        %dma_wait3A_350 = arith.constant 0 : i32
        %dma_wait3A_351 = tpu.memref_slice %arg8[%dma_wait3A_337, %dma_wait3A_349, %dma_wait3A_350] : memref<4x16x128xf32, #tpu.memory_space<vmem>> -> memref<1x16x128xf32, #tpu.memory_space<vmem>>
        %dma_wait3A_352 = tpu.memref_squeeze %dma_wait3A_351 : memref<1x16x128xf32, #tpu.memory_space<vmem>> -> memref<16x128xf32, #tpu.memory_space<vmem>>
        tpu.wait_dma2 semaphore(%dma_wait3A_346 : memref<!tpu.dma_semaphore, #tpu.memory_space<semaphore_mem>>) src(%dma_wait3A_352 : memref<16x128xf32, #tpu.memory_space<vmem>>) dst(%dma_wait3A_348 : memref<16x128xf32, #tpu.memory_space<hbm>>)
      } else {
      }
      %scan3A_305 = arith.constant 0 : i32
      %scan3A_306 = arith.constant 0 : i32
      %scan3A_307 = arith.constant 16 : i32
      %scan3A_308 = arith.addi %scan3A_306, %scan3A_307 : i32
      %scan3A_309 = arith.constant 2 : i32
      scf.for %scan3A_337 = %scan3A_306 to %scan3A_308 step %scan3A_309  : i32 {
        %add3A_338 = arith.constant 0 : i32
        %add3A_339 = arith.addi %add3A_338, %scan3A_337 : i32
        %get3A = arith.constant 3 : i32
        %get3A_340 = arith.index_cast %get3A : i32 to index
        %get3A_341 = arith.index_cast %add3A_339 : i32 to index
        %get3A_342 = arith.constant 0 : index
        %get3A_343 = tpu.vector_load %arg7[%get3A_340, %get3A_341, %get3A_342] {strides = array<i32>} : memref<4x96x128xf32, #tpu.memory_space<vmem>>, vector<1x1x16xf32>,
        %get3A_344 = vector.shape_cast %get3A_343 : vector<1x1x16xf32> to vector<16xf32>
        %add3A_345 = arith.constant 16 : i32
        %add3A_346 = arith.addi %add3A_345, %scan3A_337 : i32
        %get3A_347 = arith.constant 3 : i32
        %get3A_348 = arith.index_cast %get3A_347 : i32 to index
        %get3A_349 = arith.index_cast %add3A_346 : i32 to index
        %get3A_350 = arith.constant 0 : index
        %get3A_351 = tpu.vector_load %arg7[%get3A_348, %get3A_349, %get3A_350] {strides = array<i32>} : memref<4x96x128xf32, #tpu.memory_space<vmem>>, vector<1x1x16xf32>,
        %get3A_352 = vector.shape_cast %get3A_351 : vector<1x1x16xf32> to vector<16xf32>
        %add3A_353 = arith.addf %get3A_344, %get3A_352 : vector<16xf32>
        %add3A_354 = arith.constant 32 : i32
        %add3A_355 = arith.addi %add3A_354, %scan3A_337 : i32
        %get3A_356 = arith.constant 3 : i32
        %get3A_357 = arith.index_cast %get3A_356 : i32 to index
        %get3A_358 = arith.index_cast %add3A_355 : i32 to index
        %get3A_359 = arith.constant 0 : index
        %get3A_360 = tpu.vector_load %arg7[%get3A_357, %get3A_358, %get3A_359] {strides = array<i32>} : memref<4x96x128xf32, #tpu.memory_space<vmem>>, vector<1x1x16xf32>,
        %get3A_361 = vector.shape_cast %get3A_360 : vector<1x1x16xf32> to vector<16xf32>
        %add3A_362 = arith.constant 48 : i32
        %add3A_363 = arith.addi %add3A_362, %scan3A_337 : i32
        %get3A_364 = arith.constant 3 : i32
        %get3A_365 = arith.index_cast %get3A_364 : i32 to index
        %get3A_366 = arith.index_cast %add3A_363 : i32 to index
        %get3A_367 = arith.constant 0 : index
        %get3A_368 = tpu.vector_load %arg7[%get3A_365, %get3A_366, %get3A_367] {strides = array<i32>} : memref<4x96x128xf32, #tpu.memory_space<vmem>>, vector<1x1x16xf32>,
        %get3A_369 = vector.shape_cast %get3A_368 : vector<1x1x16xf32> to vector<16xf32>
        %add3A_370 = arith.addf %get3A_361, %get3A_369 : vector<16xf32>
        %add3A_371 = arith.constant 64 : i32
        %add3A_372 = arith.addi %add3A_371, %scan3A_337 : i32
        %get3A_373 = arith.constant 3 : i32
        %get3A_374 = arith.index_cast %get3A_373 : i32 to index
        %get3A_375 = arith.index_cast %add3A_372 : i32 to index
        %get3A_376 = arith.constant 0 : index
        %get3A_377 = tpu.vector_load %arg7[%get3A_374, %get3A_375, %get3A_376] {strides = array<i32>} : memref<4x96x128xf32, #tpu.memory_space<vmem>>, vector<1x1x16xf32>,
        %get3A_378 = vector.shape_cast %get3A_377 : vector<1x1x16xf32> to vector<16xf32>
        %add3A_379 = arith.constant 80 : i32
        %add3A_380 = arith.addi %add3A_379, %scan3A_337 : i32
        %get3A_381 = arith.constant 3 : i32
        %get3A_382 = arith.index_cast %get3A_381 : i32 to index
        %get3A_383 = arith.index_cast %add3A_380 : i32 to index
        %get3A_384 = arith.constant 0 : index
        %get3A_385 = tpu.vector_load %arg7[%get3A_382, %get3A_383, %get3A_384] {strides = array<i32>} : memref<4x96x128xf32, #tpu.memory_space<vmem>>, vector<1x1x16xf32>,
        %get3A_386 = vector.shape_cast %get3A_385 : vector<1x1x16xf32> to vector<16xf32>
        %add3A_387 = arith.addf %get3A_378, %get3A_386 : vector<16xf32>
        %add3A_388 = arith.addf %add3A_370, %add3A_387 : vector<16xf32>
        %add3A_389 = arith.addf %add3A_353, %add3A_388 : vector<16xf32>
        %swap3A = arith.constant 3 : i32
        %swap3A_390 = arith.index_cast %swap3A : i32 to index
        %swap3A_391 = arith.index_cast %scan3A_337 : i32 to index
        %swap3A_392 = arith.constant 0 : index
        %swap3A_393 = tpu.vector_load %arg8[%swap3A_390, %swap3A_391, %swap3A_392] {strides = array<i32>} : memref<4x16x128xf32, #tpu.memory_space<vmem>>, vector<1x1x16xf32>,
        %swap3A_394 = vector.shape_cast %swap3A_393 : vector<1x1x16xf32> to vector<16xf32>
        %swap3A_395 = vector.shape_cast %add3A_389 : vector<16xf32> to vector<1x1x16xf32>
        tpu.vector_store %arg8[%swap3A_390, %swap3A_391, %swap3A_392], %swap3A_395 {strides = array<i32>} : memref<4x16x128xf32, #tpu.memory_space<vmem>>, vector<1x1x16xf32>,
        %add3A_396 = arith.constant 0 : i32
        %add3A_397 = arith.addi %add3A_396, %scan3A_337 : i32
        %get3A_398 = arith.constant 3 : i32
        %get3A_399 = arith.index_cast %get3A_398 : i32 to index
        %get3A_400 = arith.index_cast %add3A_397 : i32 to index
        %get3A_401 = arith.constant 16 : index
        %get3A_402 = tpu.vector_load %arg7[%get3A_399, %get3A_400, %get3A_401] {strides = array<i32>} : memref<4x96x128xf32, #tpu.memory_space<vmem>>, vector<1x1x16xf32>,
        %get3A_403 = vector.shape_cast %get3A_402 : vector<1x1x16xf32> to vector<16xf32>
        %add3A_404 = arith.constant 16 : i32
        %add3A_405 = arith.addi %add3A_404, %scan3A_337 : i32
        %get3A_406 = arith.constant 3 : i32
        %get3A_407 = arith.index_cast %get3A_406 : i32 to index
        %get3A_408 = arith.index_cast %add3A_405 : i32 to index
        %get3A_409 = arith.constant 16 : index
        %get3A_410 = tpu.vector_load %arg7[%get3A_407, %get3A_408, %get3A_409] {strides = array<i32>} : memref<4x96x128xf32, #tpu.memory_space<vmem>>, vector<1x1x16xf32>,
        %get3A_411 = vector.shape_cast %get3A_410 : vector<1x1x16xf32> to vector<16xf32>
        %add3A_412 = arith.addf %get3A_403, %get3A_411 : vector<16xf32>
        %add3A_413 = arith.constant 32 : i32
        %add3A_414 = arith.addi %add3A_413, %scan3A_337 : i32
        %get3A_415 = arith.constant 3 : i32
        %get3A_416 = arith.index_cast %get3A_415 : i32 to index
        %get3A_417 = arith.index_cast %add3A_414 : i32 to index
        %get3A_418 = arith.constant 16 : index
        %get3A_419 = tpu.vector_load %arg7[%get3A_416, %get3A_417, %get3A_418] {strides = array<i32>} : memref<4x96x128xf32, #tpu.memory_space<vmem>>, vector<1x1x16xf32>,
        %get3A_420 = vector.shape_cast %get3A_419 : vector<1x1x16xf32> to vector<16xf32>
        %add3A_421 = arith.constant 48 : i32
        %add3A_422 = arith.addi %add3A_421, %scan3A_337 : i32
        %get3A_423 = arith.constant 3 : i32
        %get3A_424 = arith.index_cast %get3A_423 : i32 to index
        %get3A_425 = arith.index_cast %add3A_422 : i32 to index
        %get3A_426 = arith.constant 16 : index
        %get3A_427 = tpu.vector_load %arg7[%get3A_424, %get3A_425, %get3A_426] {strides = array<i32>} : memref<4x96x128xf32, #tpu.memory_space<vmem>>, vector<1x1x16xf32>,
        %get3A_428 = vector.shape_cast %get3A_427 : vector<1x1x16xf32> to vector<16xf32>
        %add3A_429 = arith.addf %get3A_420, %get3A_428 : vector<16xf32>
        %add3A_430 = arith.constant 64 : i32
        %add3A_431 = arith.addi %add3A_430, %scan3A_337 : i32
        %get3A_432 = arith.constant 3 : i32
        %get3A_433 = arith.index_cast %get3A_432 : i32 to index
        %get3A_434 = arith.index_cast %add3A_431 : i32 to index
        %get3A_435 = arith.constant 16 : index
        %get3A_436 = tpu.vector_load %arg7[%get3A_433, %get3A_434, %get3A_435] {strides = array<i32>} : memref<4x96x128xf32, #tpu.memory_space<vmem>>, vector<1x1x16xf32>,
        %get3A_437 = vector.shape_cast %get3A_436 : vector<1x1x16xf32> to vector<16xf32>
        %add3A_438 = arith.constant 80 : i32
        %add3A_439 = arith.addi %add3A_438, %scan3A_337 : i32
        %get3A_440 = arith.constant 3 : i32
        %get3A_441 = arith.index_cast %get3A_440 : i32 to index
        %get3A_442 = arith.index_cast %add3A_439 : i32 to index
        %get3A_443 = arith.constant 16 : index
        %get3A_444 = tpu.vector_load %arg7[%get3A_441, %get3A_442, %get3A_443] {strides = array<i32>} : memref<4x96x128xf32, #tpu.memory_space<vmem>>, vector<1x1x16xf32>,
        %get3A_445 = vector.shape_cast %get3A_444 : vector<1x1x16xf32> to vector<16xf32>
        %add3A_446 = arith.addf %get3A_437, %get3A_445 : vector<16xf32>
        %add3A_447 = arith.addf %add3A_429, %add3A_446 : vector<16xf32>
        %add3A_448 = arith.addf %add3A_412, %add3A_447 : vector<16xf32>
        %swap3A_449 = arith.constant 3 : i32
        %swap3A_450 = arith.index_cast %swap3A_449 : i32 to index
        %swap3A_451 = arith.index_cast %scan3A_337 : i32 to index
        %swap3A_452 = arith.constant 16 : index
        %swap3A_453 = tpu.vector_load %arg8[%swap3A_450, %swap3A_451, %swap3A_452] {strides = array<i32>} : memref<4x16x128xf32, #tpu.memory_space<vmem>>, vector<1x1x16xf32>,
        %swap3A_454 = vector.shape_cast %swap3A_453 : vector<1x1x16xf32> to vector<16xf32>
        %swap3A_455 = vector.shape_cast %add3A_448 : vector<16xf32> to vector<1x1x16xf32>
        tpu.vector_store %arg8[%swap3A_450, %swap3A_451, %swap3A_452], %swap3A_455 {strides = array<i32>} : memref<4x16x128xf32, #tpu.memory_space<vmem>>, vector<1x1x16xf32>,
        %add3A_456 = arith.constant 0 : i32
        %add3A_457 = arith.addi %add3A_456, %scan3A_337 : i32
        %get3A_458 = arith.constant 3 : i32
        %get3A_459 = arith.index_cast %get3A_458 : i32 to index
        %get3A_460 = arith.index_cast %add3A_457 : i32 to index
        %get3A_461 = arith.constant 32 : index
        %get3A_462 = tpu.vector_load %arg7[%get3A_459, %get3A_460, %get3A_461] {strides = array<i32>} : memref<4x96x128xf32, #tpu.memory_space<vmem>>, vector<1x1x16xf32>,
        %get3A_463 = vector.shape_cast %get3A_462 : vector<1x1x16xf32> to vector<16xf32>
        %add3A_464 = arith.constant 16 : i32
        %add3A_465 = arith.addi %add3A_464, %scan3A_337 : i32
        %get3A_466 = arith.constant 3 : i32
        %get3A_467 = arith.index_cast %get3A_466 : i32 to index
        %get3A_468 = arith.index_cast %add3A_465 : i32 to index
        %get3A_469 = arith.constant 32 : index
        %get3A_470 = tpu.vector_load %arg7[%get3A_467, %get3A_468, %get3A_469] {strides = array<i32>} : memref<4x96x128xf32, #tpu.memory_space<vmem>>, vector<1x1x16xf32>,
        %get3A_471 = vector.shape_cast %get3A_470 : vector<1x1x16xf32> to vector<16xf32>
        %add3A_472 = arith.addf %get3A_463, %get3A_471 : vector<16xf32>
        %add3A_473 = arith.constant 32 : i32
        %add3A_474 = arith.addi %add3A_473, %scan3A_337 : i32
        %get3A_475 = arith.constant 3 : i32
        %get3A_476 = arith.index_cast %get3A_475 : i32 to index
        %get3A_477 = arith.index_cast %add3A_474 : i32 to index
        %get3A_478 = arith.constant 32 : index
        %get3A_479 = tpu.vector_load %arg7[%get3A_476, %get3A_477, %get3A_478] {strides = array<i32>} : memref<4x96x128xf32, #tpu.memory_space<vmem>>, vector<1x1x16xf32>,
        %get3A_480 = vector.shape_cast %get3A_479 : vector<1x1x16xf32> to vector<16xf32>
        %add3A_481 = arith.constant 48 : i32
        %add3A_482 = arith.addi %add3A_481, %scan3A_337 : i32
        %get3A_483 = arith.constant 3 : i32
        %get3A_484 = arith.index_cast %get3A_483 : i32 to index
        %get3A_485 = arith.index_cast %add3A_482 : i32 to index
        %get3A_486 = arith.constant 32 : index
        %get3A_487 = tpu.vector_load %arg7[%get3A_484, %get3A_485, %get3A_486] {strides = array<i32>} : memref<4x96x128xf32, #tpu.memory_space<vmem>>, vector<1x1x16xf32>,
        %get3A_488 = vector.shape_cast %get3A_487 : vector<1x1x16xf32> to vector<16xf32>
        %add3A_489 = arith.addf %get3A_480, %get3A_488 : vector<16xf32>
        %add3A_490 = arith.constant 64 : i32
        %add3A_491 = arith.addi %add3A_490, %scan3A_337 : i32
        %get3A_492 = arith.constant 3 : i32
        %get3A_493 = arith.index_cast %get3A_492 : i32 to index
        %get3A_494 = arith.index_cast %add3A_491 : i32 to index
        %get3A_495 = arith.constant 32 : index
        %get3A_496 = tpu.vector_load %arg7[%get3A_493, %get3A_494, %get3A_495] {strides = array<i32>} : memref<4x96x128xf32, #tpu.memory_space<vmem>>, vector<1x1x16xf32>,
        %get3A_497 = vector.shape_cast %get3A_496 : vector<1x1x16xf32> to vector<16xf32>
        %add3A_498 = arith.constant 80 : i32
        %add3A_499 = arith.addi %add3A_498, %scan3A_337 : i32
        %get3A_500 = arith.constant 3 : i32
        %get3A_501 = arith.index_cast %get3A_500 : i32 to index
        %get3A_502 = arith.index_cast %add3A_499 : i32 to index
        %get3A_503 = arith.constant 32 : index
        %get3A_504 = tpu.vector_load %arg7[%get3A_501, %get3A_502, %get3A_503] {strides = array<i32>} : memref<4x96x128xf32, #tpu.memory_space<vmem>>, vector<1x1x16xf32>,
        %get3A_505 = vector.shape_cast %get3A_504 : vector<1x1x16xf32> to vector<16xf32>
        %add3A_506 = arith.addf %get3A_497, %get3A_505 : vector<16xf32>
        %add3A_507 = arith.addf %add3A_489, %add3A_506 : vector<16xf32>
        %add3A_508 = arith.addf %add3A_472, %add3A_507 : vector<16xf32>
        %swap3A_509 = arith.constant 3 : i32
        %swap3A_510 = arith.index_cast %swap3A_509 : i32 to index
        %swap3A_511 = arith.index_cast %scan3A_337 : i32 to index
        %swap3A_512 = arith.constant 32 : index
        %swap3A_513 = tpu.vector_load %arg8[%swap3A_510, %swap3A_511, %swap3A_512] {strides = array<i32>} : memref<4x16x128xf32, #tpu.memory_space<vmem>>, vector<1x1x16xf32>,
        %swap3A_514 = vector.shape_cast %swap3A_513 : vector<1x1x16xf32> to vector<16xf32>
        %swap3A_515 = vector.shape_cast %add3A_508 : vector<16xf32> to vector<1x1x16xf32>
        tpu.vector_store %arg8[%swap3A_510, %swap3A_511, %swap3A_512], %swap3A_515 {strides = array<i32>} : memref<4x16x128xf32, #tpu.memory_space<vmem>>, vector<1x1x16xf32>,
        %add3A_516 = arith.constant 0 : i32
        %add3A_517 = arith.addi %add3A_516, %scan3A_337 : i32
        %get3A_518 = arith.constant 3 : i32
        %get3A_519 = arith.index_cast %get3A_518 : i32 to index
        %get3A_520 = arith.index_cast %add3A_517 : i32 to index
        %get3A_521 = arith.constant 48 : index
        %get3A_522 = tpu.vector_load %arg7[%get3A_519, %get3A_520, %get3A_521] {strides = array<i32>} : memref<4x96x128xf32, #tpu.memory_space<vmem>>, vector<1x1x16xf32>,
        %get3A_523 = vector.shape_cast %get3A_522 : vector<1x1x16xf32> to vector<16xf32>
        %add3A_524 = arith.constant 16 : i32
        %add3A_525 = arith.addi %add3A_524, %scan3A_337 : i32
        %get3A_526 = arith.constant 3 : i32
        %get3A_527 = arith.index_cast %get3A_526 : i32 to index
        %get3A_528 = arith.index_cast %add3A_525 : i32 to index
        %get3A_529 = arith.constant 48 : index
        %get3A_530 = tpu.vector_load %arg7[%get3A_527, %get3A_528, %get3A_529] {strides = array<i32>} : memref<4x96x128xf32, #tpu.memory_space<vmem>>, vector<1x1x16xf32>,
        %get3A_531 = vector.shape_cast %get3A_530 : vector<1x1x16xf32> to vector<16xf32>
        %add3A_532 = arith.addf %get3A_523, %get3A_531 : vector<16xf32>
        %add3A_533 = arith.constant 32 : i32
        %add3A_534 = arith.addi %add3A_533, %scan3A_337 : i32
        %get3A_535 = arith.constant 3 : i32
        %get3A_536 = arith.index_cast %get3A_535 : i32 to index
        %get3A_537 = arith.index_cast %add3A_534 : i32 to index
        %get3A_538 = arith.constant 48 : index
        %get3A_539 = tpu.vector_load %arg7[%get3A_536, %get3A_537, %get3A_538] {strides = array<i32>} : memref<4x96x128xf32, #tpu.memory_space<vmem>>, vector<1x1x16xf32>,
        %get3A_540 = vector.shape_cast %get3A_539 : vector<1x1x16xf32> to vector<16xf32>
        %add3A_541 = arith.constant 48 : i32
        %add3A_542 = arith.addi %add3A_541, %scan3A_337 : i32
        %get3A_543 = arith.constant 3 : i32
        %get3A_544 = arith.index_cast %get3A_543 : i32 to index
        %get3A_545 = arith.index_cast %add3A_542 : i32 to index
        %get3A_546 = arith.constant 48 : index
        %get3A_547 = tpu.vector_load %arg7[%get3A_544, %get3A_545, %get3A_546] {strides = array<i32>} : memref<4x96x128xf32, #tpu.memory_space<vmem>>, vector<1x1x16xf32>,
        %get3A_548 = vector.shape_cast %get3A_547 : vector<1x1x16xf32> to vector<16xf32>
        %add3A_549 = arith.addf %get3A_540, %get3A_548 : vector<16xf32>
        %add3A_550 = arith.constant 64 : i32
        %add3A_551 = arith.addi %add3A_550, %scan3A_337 : i32
        %get3A_552 = arith.constant 3 : i32
        %get3A_553 = arith.index_cast %get3A_552 : i32 to index
        %get3A_554 = arith.index_cast %add3A_551 : i32 to index
        %get3A_555 = arith.constant 48 : index
        %get3A_556 = tpu.vector_load %arg7[%get3A_553, %get3A_554, %get3A_555] {strides = array<i32>} : memref<4x96x128xf32, #tpu.memory_space<vmem>>, vector<1x1x16xf32>,
        %get3A_557 = vector.shape_cast %get3A_556 : vector<1x1x16xf32> to vector<16xf32>
        %add3A_558 = arith.constant 80 : i32
        %add3A_559 = arith.addi %add3A_558, %scan3A_337 : i32
        %get3A_560 = arith.constant 3 : i32
        %get3A_561 = arith.index_cast %get3A_560 : i32 to index
        %get3A_562 = arith.index_cast %add3A_559 : i32 to index
        %get3A_563 = arith.constant 48 : index
        %get3A_564 = tpu.vector_load %arg7[%get3A_561, %get3A_562, %get3A_563] {strides = array<i32>} : memref<4x96x128xf32, #tpu.memory_space<vmem>>, vector<1x1x16xf32>,
        %get3A_565 = vector.shape_cast %get3A_564 : vector<1x1x16xf32> to vector<16xf32>
        %add3A_566 = arith.addf %get3A_557, %get3A_565 : vector<16xf32>
        %add3A_567 = arith.addf %add3A_549, %add3A_566 : vector<16xf32>
        %add3A_568 = arith.addf %add3A_532, %add3A_567 : vector<16xf32>
        %swap3A_569 = arith.constant 3 : i32
        %swap3A_570 = arith.index_cast %swap3A_569 : i32 to index
        %swap3A_571 = arith.index_cast %scan3A_337 : i32 to index
        %swap3A_572 = arith.constant 48 : index
        %swap3A_573 = tpu.vector_load %arg8[%swap3A_570, %swap3A_571, %swap3A_572] {strides = array<i32>} : memref<4x16x128xf32, #tpu.memory_space<vmem>>, vector<1x1x16xf32>,
        %swap3A_574 = vector.shape_cast %swap3A_573 : vector<1x1x16xf32> to vector<16xf32>
        %swap3A_575 = vector.shape_cast %add3A_568 : vector<16xf32> to vector<1x1x16xf32>
        tpu.vector_store %arg8[%swap3A_570, %swap3A_571, %swap3A_572], %swap3A_575 {strides = array<i32>} : memref<4x16x128xf32, #tpu.memory_space<vmem>>, vector<1x1x16xf32>,
        %add3A_576 = arith.constant 0 : i32
        %add3A_577 = arith.addi %add3A_576, %scan3A_337 : i32
        %get3A_578 = arith.constant 3 : i32
        %get3A_579 = arith.index_cast %get3A_578 : i32 to index
        %get3A_580 = arith.index_cast %add3A_577 : i32 to index
        %get3A_581 = arith.constant 64 : index
        %get3A_582 = tpu.vector_load %arg7[%get3A_579, %get3A_580, %get3A_581] {strides = array<i32>} : memref<4x96x128xf32, #tpu.memory_space<vmem>>, vector<1x1x16xf32>,
        %get3A_583 = vector.shape_cast %get3A_582 : vector<1x1x16xf32> to vector<16xf32>
        %add3A_584 = arith.constant 16 : i32
        %add3A_585 = arith.addi %add3A_584, %scan3A_337 : i32
        %get3A_586 = arith.constant 3 : i32
        %get3A_587 = arith.index_cast %get3A_586 : i32 to index
        %get3A_588 = arith.index_cast %add3A_585 : i32 to index
        %get3A_589 = arith.constant 64 : index
        %get3A_590 = tpu.vector_load %arg7[%get3A_587, %get3A_588, %get3A_589] {strides = array<i32>} : memref<4x96x128xf32, #tpu.memory_space<vmem>>, vector<1x1x16xf32>,
        %get3A_591 = vector.shape_cast %get3A_590 : vector<1x1x16xf32> to vector<16xf32>
        %add3A_592 = arith.addf %get3A_583, %get3A_591 : vector<16xf32>
        %add3A_593 = arith.constant 32 : i32
        %add3A_594 = arith.addi %add3A_593, %scan3A_337 : i32
        %get3A_595 = arith.constant 3 : i32
        %get3A_596 = arith.index_cast %get3A_595 : i32 to index
        %get3A_597 = arith.index_cast %add3A_594 : i32 to index
        %get3A_598 = arith.constant 64 : index
        %get3A_599 = tpu.vector_load %arg7[%get3A_596, %get3A_597, %get3A_598] {strides = array<i32>} : memref<4x96x128xf32, #tpu.memory_space<vmem>>, vector<1x1x16xf32>,
        %get3A_600 = vector.shape_cast %get3A_599 : vector<1x1x16xf32> to vector<16xf32>
        %add3A_601 = arith.constant 48 : i32
        %add3A_602 = arith.addi %add3A_601, %scan3A_337 : i32
        %get3A_603 = arith.constant 3 : i32
        %get3A_604 = arith.index_cast %get3A_603 : i32 to index
        %get3A_605 = arith.index_cast %add3A_602 : i32 to index
        %get3A_606 = arith.constant 64 : index
        %get3A_607 = tpu.vector_load %arg7[%get3A_604, %get3A_605, %get3A_606] {strides = array<i32>} : memref<4x96x128xf32, #tpu.memory_space<vmem>>, vector<1x1x16xf32>,
        %get3A_608 = vector.shape_cast %get3A_607 : vector<1x1x16xf32> to vector<16xf32>
        %add3A_609 = arith.addf %get3A_600, %get3A_608 : vector<16xf32>
        %add3A_610 = arith.constant 64 : i32
        %add3A_611 = arith.addi %add3A_610, %scan3A_337 : i32
        %get3A_612 = arith.constant 3 : i32
        %get3A_613 = arith.index_cast %get3A_612 : i32 to index
        %get3A_614 = arith.index_cast %add3A_611 : i32 to index
        %get3A_615 = arith.constant 64 : index
        %get3A_616 = tpu.vector_load %arg7[%get3A_613, %get3A_614, %get3A_615] {strides = array<i32>} : memref<4x96x128xf32, #tpu.memory_space<vmem>>, vector<1x1x16xf32>,
        %get3A_617 = vector.shape_cast %get3A_616 : vector<1x1x16xf32> to vector<16xf32>
        %add3A_618 = arith.constant 80 : i32
        %add3A_619 = arith.addi %add3A_618, %scan3A_337 : i32
        %get3A_620 = arith.constant 3 : i32
        %get3A_621 = arith.index_cast %get3A_620 : i32 to index
        %get3A_622 = arith.index_cast %add3A_619 : i32 to index
        %get3A_623 = arith.constant 64 : index
        %get3A_624 = tpu.vector_load %arg7[%get3A_621, %get3A_622, %get3A_623] {strides = array<i32>} : memref<4x96x128xf32, #tpu.memory_space<vmem>>, vector<1x1x16xf32>,
        %get3A_625 = vector.shape_cast %get3A_624 : vector<1x1x16xf32> to vector<16xf32>
        %add3A_626 = arith.addf %get3A_617, %get3A_625 : vector<16xf32>
        %add3A_627 = arith.addf %add3A_609, %add3A_626 : vector<16xf32>
        %add3A_628 = arith.addf %add3A_592, %add3A_627 : vector<16xf32>
        %swap3A_629 = arith.constant 3 : i32
        %swap3A_630 = arith.index_cast %swap3A_629 : i32 to index
        %swap3A_631 = arith.index_cast %scan3A_337 : i32 to index
        %swap3A_632 = arith.constant 64 : index
        %swap3A_633 = tpu.vector_load %arg8[%swap3A_630, %swap3A_631, %swap3A_632] {strides = array<i32>} : memref<4x16x128xf32, #tpu.memory_space<vmem>>, vector<1x1x16xf32>,
        %swap3A_634 = vector.shape_cast %swap3A_633 : vector<1x1x16xf32> to vector<16xf32>
        %swap3A_635 = vector.shape_cast %add3A_628 : vector<16xf32> to vector<1x1x16xf32>
        tpu.vector_store %arg8[%swap3A_630, %swap3A_631, %swap3A_632], %swap3A_635 {strides = array<i32>} : memref<4x16x128xf32, #tpu.memory_space<vmem>>, vector<1x1x16xf32>,
        %add3A_636 = arith.constant 0 : i32
        %add3A_637 = arith.addi %add3A_636, %scan3A_337 : i32
        %get3A_638 = arith.constant 3 : i32
        %get3A_639 = arith.index_cast %get3A_638 : i32 to index
        %get3A_640 = arith.index_cast %add3A_637 : i32 to index
        %get3A_641 = arith.constant 80 : index
        %get3A_642 = tpu.vector_load %arg7[%get3A_639, %get3A_640, %get3A_641] {strides = array<i32>} : memref<4x96x128xf32, #tpu.memory_space<vmem>>, vector<1x1x16xf32>,
        %get3A_643 = vector.shape_cast %get3A_642 : vector<1x1x16xf32> to vector<16xf32>
        %add3A_644 = arith.constant 16 : i32
        %add3A_645 = arith.addi %add3A_644, %scan3A_337 : i32
        %get3A_646 = arith.constant 3 : i32
        %get3A_647 = arith.index_cast %get3A_646 : i32 to index
        %get3A_648 = arith.index_cast %add3A_645 : i32 to index
        %get3A_649 = arith.constant 80 : index
        %get3A_650 = tpu.vector_load %arg7[%get3A_647, %get3A_648, %get3A_649] {strides = array<i32>} : memref<4x96x128xf32, #tpu.memory_space<vmem>>, vector<1x1x16xf32>,
        %get3A_651 = vector.shape_cast %get3A_650 : vector<1x1x16xf32> to vector<16xf32>
        %add3A_652 = arith.addf %get3A_643, %get3A_651 : vector<16xf32>
        %add3A_653 = arith.constant 32 : i32
        %add3A_654 = arith.addi %add3A_653, %scan3A_337 : i32
        %get3A_655 = arith.constant 3 : i32
        %get3A_656 = arith.index_cast %get3A_655 : i32 to index
        %get3A_657 = arith.index_cast %add3A_654 : i32 to index
        %get3A_658 = arith.constant 80 : index
        %get3A_659 = tpu.vector_load %arg7[%get3A_656, %get3A_657, %get3A_658] {strides = array<i32>} : memref<4x96x128xf32, #tpu.memory_space<vmem>>, vector<1x1x16xf32>,
        %get3A_660 = vector.shape_cast %get3A_659 : vector<1x1x16xf32> to vector<16xf32>
        %add3A_661 = arith.constant 48 : i32
        %add3A_662 = arith.addi %add3A_661, %scan3A_337 : i32
        %get3A_663 = arith.constant 3 : i32
        %get3A_664 = arith.index_cast %get3A_663 : i32 to index
        %get3A_665 = arith.index_cast %add3A_662 : i32 to index
        %get3A_666 = arith.constant 80 : index
        %get3A_667 = tpu.vector_load %arg7[%get3A_664, %get3A_665, %get3A_666] {strides = array<i32>} : memref<4x96x128xf32, #tpu.memory_space<vmem>>, vector<1x1x16xf32>,
        %get3A_668 = vector.shape_cast %get3A_667 : vector<1x1x16xf32> to vector<16xf32>
        %add3A_669 = arith.addf %get3A_660, %get3A_668 : vector<16xf32>
        %add3A_670 = arith.constant 64 : i32
        %add3A_671 = arith.addi %add3A_670, %scan3A_337 : i32
        %get3A_672 = arith.constant 3 : i32
        %get3A_673 = arith.index_cast %get3A_672 : i32 to index
        %get3A_674 = arith.index_cast %add3A_671 : i32 to index
        %get3A_675 = arith.constant 80 : index
        %get3A_676 = tpu.vector_load %arg7[%get3A_673, %get3A_674, %get3A_675] {strides = array<i32>} : memref<4x96x128xf32, #tpu.memory_space<vmem>>, vector<1x1x16xf32>,
        %get3A_677 = vector.shape_cast %get3A_676 : vector<1x1x16xf32> to vector<16xf32>
        %add3A_678 = arith.constant 80 : i32
        %add3A_679 = arith.addi %add3A_678, %scan3A_337 : i32
        %get3A_680 = arith.constant 3 : i32
        %get3A_681 = arith.index_cast %get3A_680 : i32 to index
        %get3A_682 = arith.index_cast %add3A_679 : i32 to index
        %get3A_683 = arith.constant 80 : index
        %get3A_684 = tpu.vector_load %arg7[%get3A_681, %get3A_682, %get3A_683] {strides = array<i32>} : memref<4x96x128xf32, #tpu.memory_space<vmem>>, vector<1x1x16xf32>,
        %get3A_685 = vector.shape_cast %get3A_684 : vector<1x1x16xf32> to vector<16xf32>
        %add3A_686 = arith.addf %get3A_677, %get3A_685 : vector<16xf32>
        %add3A_687 = arith.addf %add3A_669, %add3A_686 : vector<16xf32>
        %add3A_688 = arith.addf %add3A_652, %add3A_687 : vector<16xf32>
        %swap3A_689 = arith.constant 3 : i32
        %swap3A_690 = arith.index_cast %swap3A_689 : i32 to index
        %swap3A_691 = arith.index_cast %scan3A_337 : i32 to index
        %swap3A_692 = arith.constant 80 : index
        %swap3A_693 = tpu.vector_load %arg8[%swap3A_690, %swap3A_691, %swap3A_692] {strides = array<i32>} : memref<4x16x128xf32, #tpu.memory_space<vmem>>, vector<1x1x16xf32>,
        %swap3A_694 = vector.shape_cast %swap3A_693 : vector<1x1x16xf32> to vector<16xf32>
        %swap3A_695 = vector.shape_cast %add3A_688 : vector<16xf32> to vector<1x1x16xf32>
        tpu.vector_store %arg8[%swap3A_690, %swap3A_691, %swap3A_692], %swap3A_695 {strides = array<i32>} : memref<4x16x128xf32, #tpu.memory_space<vmem>>, vector<1x1x16xf32>,
        %add3A_696 = arith.constant 0 : i32
        %add3A_697 = arith.addi %add3A_696, %scan3A_337 : i32
        %get3A_698 = arith.constant 3 : i32
        %get3A_699 = arith.index_cast %get3A_698 : i32 to index
        %get3A_700 = arith.index_cast %add3A_697 : i32 to index
        %get3A_701 = arith.constant 96 : index
        %get3A_702 = tpu.vector_load %arg7[%get3A_699, %get3A_700, %get3A_701] {strides = array<i32>} : memref<4x96x128xf32, #tpu.memory_space<vmem>>, vector<1x1x16xf32>,
        %get3A_703 = vector.shape_cast %get3A_702 : vector<1x1x16xf32> to vector<16xf32>
        %add3A_704 = arith.constant 16 : i32
        %add3A_705 = arith.addi %add3A_704, %scan3A_337 : i32
        %get3A_706 = arith.constant 3 : i32
        %get3A_707 = arith.index_cast %get3A_706 : i32 to index
        %get3A_708 = arith.index_cast %add3A_705 : i32 to index
        %get3A_709 = arith.constant 96 : index
        %get3A_710 = tpu.vector_load %arg7[%get3A_707, %get3A_708, %get3A_709] {strides = array<i32>} : memref<4x96x128xf32, #tpu.memory_space<vmem>>, vector<1x1x16xf32>,
        %get3A_711 = vector.shape_cast %get3A_710 : vector<1x1x16xf32> to vector<16xf32>
        %add3A_712 = arith.addf %get3A_703, %get3A_711 : vector<16xf32>
        %add3A_713 = arith.constant 32 : i32
        %add3A_714 = arith.addi %add3A_713, %scan3A_337 : i32
        %get3A_715 = arith.constant 3 : i32
        %get3A_716 = arith.index_cast %get3A_715 : i32 to index
        %get3A_717 = arith.index_cast %add3A_714 : i32 to index
        %get3A_718 = arith.constant 96 : index
        %get3A_719 = tpu.vector_load %arg7[%get3A_716, %get3A_717, %get3A_718] {strides = array<i32>} : memref<4x96x128xf32, #tpu.memory_space<vmem>>, vector<1x1x16xf32>,
        %get3A_720 = vector.shape_cast %get3A_719 : vector<1x1x16xf32> to vector<16xf32>
        %add3A_721 = arith.constant 48 : i32
        %add3A_722 = arith.addi %add3A_721, %scan3A_337 : i32
        %get3A_723 = arith.constant 3 : i32
        %get3A_724 = arith.index_cast %get3A_723 : i32 to index
        %get3A_725 = arith.index_cast %add3A_722 : i32 to index
        %get3A_726 = arith.constant 96 : index
        %get3A_727 = tpu.vector_load %arg7[%get3A_724, %get3A_725, %get3A_726] {strides = array<i32>} : memref<4x96x128xf32, #tpu.memory_space<vmem>>, vector<1x1x16xf32>,
        %get3A_728 = vector.shape_cast %get3A_727 : vector<1x1x16xf32> to vector<16xf32>
        %add3A_729 = arith.addf %get3A_720, %get3A_728 : vector<16xf32>
        %add3A_730 = arith.constant 64 : i32
        %add3A_731 = arith.addi %add3A_730, %scan3A_337 : i32
        %get3A_732 = arith.constant 3 : i32
        %get3A_733 = arith.index_cast %get3A_732 : i32 to index
        %get3A_734 = arith.index_cast %add3A_731 : i32 to index
        %get3A_735 = arith.constant 96 : index
        %get3A_736 = tpu.vector_load %arg7[%get3A_733, %get3A_734, %get3A_735] {strides = array<i32>} : memref<4x96x128xf32, #tpu.memory_space<vmem>>, vector<1x1x16xf32>,
        %get3A_737 = vector.shape_cast %get3A_736 : vector<1x1x16xf32> to vector<16xf32>
        %add3A_738 = arith.constant 80 : i32
        %add3A_739 = arith.addi %add3A_738, %scan3A_337 : i32
        %get3A_740 = arith.constant 3 : i32
        %get3A_741 = arith.index_cast %get3A_740 : i32 to index
        %get3A_742 = arith.index_cast %add3A_739 : i32 to index
        %get3A_743 = arith.constant 96 : index
        %get3A_744 = tpu.vector_load %arg7[%get3A_741, %get3A_742, %get3A_743] {strides = array<i32>} : memref<4x96x128xf32, #tpu.memory_space<vmem>>, vector<1x1x16xf32>,
        %get3A_745 = vector.shape_cast %get3A_744 : vector<1x1x16xf32> to vector<16xf32>
        %add3A_746 = arith.addf %get3A_737, %get3A_745 : vector<16xf32>
        %add3A_747 = arith.addf %add3A_729, %add3A_746 : vector<16xf32>
        %add3A_748 = arith.addf %add3A_712, %add3A_747 : vector<16xf32>
        %swap3A_749 = arith.constant 3 : i32
        %swap3A_750 = arith.index_cast %swap3A_749 : i32 to index
        %swap3A_751 = arith.index_cast %scan3A_337 : i32 to index
        %swap3A_752 = arith.constant 96 : index
        %swap3A_753 = tpu.vector_load %arg8[%swap3A_750, %swap3A_751, %swap3A_752] {strides = array<i32>} : memref<4x16x128xf32, #tpu.memory_space<vmem>>, vector<1x1x16xf32>,
        %swap3A_754 = vector.shape_cast %swap3A_753 : vector<1x1x16xf32> to vector<16xf32>
        %swap3A_755 = vector.shape_cast %add3A_748 : vector<16xf32> to vector<1x1x16xf32>
        tpu.vector_store %arg8[%swap3A_750, %swap3A_751, %swap3A_752], %swap3A_755 {strides = array<i32>} : memref<4x16x128xf32, #tpu.memory_space<vmem>>, vector<1x1x16xf32>,
        %add3A_756 = arith.constant 0 : i32
        %add3A_757 = arith.addi %add3A_756, %scan3A_337 : i32
        %get3A_758 = arith.constant 3 : i32
        %get3A_759 = arith.index_cast %get3A_758 : i32 to index
        %get3A_760 = arith.index_cast %add3A_757 : i32 to index
        %get3A_761 = arith.constant 112 : index
        %get3A_762 = tpu.vector_load %arg7[%get3A_759, %get3A_760, %get3A_761] {strides = array<i32>} : memref<4x96x128xf32, #tpu.memory_space<vmem>>, vector<1x1x16xf32>,
        %get3A_763 = vector.shape_cast %get3A_762 : vector<1x1x16xf32> to vector<16xf32>
        %add3A_764 = arith.constant 16 : i32
        %add3A_765 = arith.addi %add3A_764, %scan3A_337 : i32
        %get3A_766 = arith.constant 3 : i32
        %get3A_767 = arith.index_cast %get3A_766 : i32 to index
        %get3A_768 = arith.index_cast %add3A_765 : i32 to index
        %get3A_769 = arith.constant 112 : index
        %get3A_770 = tpu.vector_load %arg7[%get3A_767, %get3A_768, %get3A_769] {strides = array<i32>} : memref<4x96x128xf32, #tpu.memory_space<vmem>>, vector<1x1x16xf32>,
        %get3A_771 = vector.shape_cast %get3A_770 : vector<1x1x16xf32> to vector<16xf32>
        %add3A_772 = arith.addf %get3A_763, %get3A_771 : vector<16xf32>
        %add3A_773 = arith.constant 32 : i32
        %add3A_774 = arith.addi %add3A_773, %scan3A_337 : i32
        %get3A_775 = arith.constant 3 : i32
        %get3A_776 = arith.index_cast %get3A_775 : i32 to index
        %get3A_777 = arith.index_cast %add3A_774 : i32 to index
        %get3A_778 = arith.constant 112 : index
        %get3A_779 = tpu.vector_load %arg7[%get3A_776, %get3A_777, %get3A_778] {strides = array<i32>} : memref<4x96x128xf32, #tpu.memory_space<vmem>>, vector<1x1x16xf32>,
        %get3A_780 = vector.shape_cast %get3A_779 : vector<1x1x16xf32> to vector<16xf32>
        %add3A_781 = arith.constant 48 : i32
        %add3A_782 = arith.addi %add3A_781, %scan3A_337 : i32
        %get3A_783 = arith.constant 3 : i32
        %get3A_784 = arith.index_cast %get3A_783 : i32 to index
        %get3A_785 = arith.index_cast %add3A_782 : i32 to index
        %get3A_786 = arith.constant 112 : index
        %get3A_787 = tpu.vector_load %arg7[%get3A_784, %get3A_785, %get3A_786] {strides = array<i32>} : memref<4x96x128xf32, #tpu.memory_space<vmem>>, vector<1x1x16xf32>,
        %get3A_788 = vector.shape_cast %get3A_787 : vector<1x1x16xf32> to vector<16xf32>
        %add3A_789 = arith.addf %get3A_780, %get3A_788 : vector<16xf32>
        %add3A_790 = arith.constant 64 : i32
        %add3A_791 = arith.addi %add3A_790, %scan3A_337 : i32
        %get3A_792 = arith.constant 3 : i32
        %get3A_793 = arith.index_cast %get3A_792 : i32 to index
        %get3A_794 = arith.index_cast %add3A_791 : i32 to index
        %get3A_795 = arith.constant 112 : index
        %get3A_796 = tpu.vector_load %arg7[%get3A_793, %get3A_794, %get3A_795] {strides = array<i32>} : memref<4x96x128xf32, #tpu.memory_space<vmem>>, vector<1x1x16xf32>,
        %get3A_797 = vector.shape_cast %get3A_796 : vector<1x1x16xf32> to vector<16xf32>
        %add3A_798 = arith.constant 80 : i32
        %add3A_799 = arith.addi %add3A_798, %scan3A_337 : i32
        %get3A_800 = arith.constant 3 : i32
        %get3A_801 = arith.index_cast %get3A_800 : i32 to index
        %get3A_802 = arith.index_cast %add3A_799 : i32 to index
        %get3A_803 = arith.constant 112 : index
        %get3A_804 = tpu.vector_load %arg7[%get3A_801, %get3A_802, %get3A_803] {strides = array<i32>} : memref<4x96x128xf32, #tpu.memory_space<vmem>>, vector<1x1x16xf32>,
        %get3A_805 = vector.shape_cast %get3A_804 : vector<1x1x16xf32> to vector<16xf32>
        %add3A_806 = arith.addf %get3A_797, %get3A_805 : vector<16xf32>
        %add3A_807 = arith.addf %add3A_789, %add3A_806 : vector<16xf32>
        %add3A_808 = arith.addf %add3A_772, %add3A_807 : vector<16xf32>
        %swap3A_809 = arith.constant 3 : i32
        %swap3A_810 = arith.index_cast %swap3A_809 : i32 to index
        %swap3A_811 = arith.index_cast %scan3A_337 : i32 to index
        %swap3A_812 = arith.constant 112 : index
        %swap3A_813 = tpu.vector_load %arg8[%swap3A_810, %swap3A_811, %swap3A_812] {strides = array<i32>} : memref<4x16x128xf32, #tpu.memory_space<vmem>>, vector<1x1x16xf32>,
        %swap3A_814 = vector.shape_cast %swap3A_813 : vector<1x1x16xf32> to vector<16xf32>
        %swap3A_815 = vector.shape_cast %add3A_808 : vector<16xf32> to vector<1x1x16xf32>
        tpu.vector_store %arg8[%swap3A_810, %swap3A_811, %swap3A_812], %swap3A_815 {strides = array<i32>} : memref<4x16x128xf32, #tpu.memory_space<vmem>>, vector<1x1x16xf32>,
        %scan3A_816 = arith.constant 1 : i32
        %scan3A_817 = arith.addi %scan3A_337, %scan3A_816 : i32
        %add3A_818 = arith.constant 0 : i32
        %add3A_819 = arith.addi %add3A_818, %scan3A_817 : i32
        %get3A_820 = arith.constant 3 : i32
        %get3A_821 = arith.index_cast %get3A_820 : i32 to index
        %get3A_822 = arith.index_cast %add3A_819 : i32 to index
        %get3A_823 = arith.constant 0 : index
        %get3A_824 = tpu.vector_load %arg7[%get3A_821, %get3A_822, %get3A_823] {strides = array<i32>} : memref<4x96x128xf32, #tpu.memory_space<vmem>>, vector<1x1x16xf32>,
        %get3A_825 = vector.shape_cast %get3A_824 : vector<1x1x16xf32> to vector<16xf32>
        %add3A_826 = arith.constant 16 : i32
        %add3A_827 = arith.addi %add3A_826, %scan3A_817 : i32
        %get3A_828 = arith.constant 3 : i32
        %get3A_829 = arith.index_cast %get3A_828 : i32 to index
        %get3A_830 = arith.index_cast %add3A_827 : i32 to index
        %get3A_831 = arith.constant 0 : index
        %get3A_832 = tpu.vector_load %arg7[%get3A_829, %get3A_830, %get3A_831] {strides = array<i32>} : memref<4x96x128xf32, #tpu.memory_space<vmem>>, vector<1x1x16xf32>,
        %get3A_833 = vector.shape_cast %get3A_832 : vector<1x1x16xf32> to vector<16xf32>
        %add3A_834 = arith.addf %get3A_825, %get3A_833 : vector<16xf32>
        %add3A_835 = arith.constant 32 : i32
        %add3A_836 = arith.addi %add3A_835, %scan3A_817 : i32
        %get3A_837 = arith.constant 3 : i32
        %get3A_838 = arith.index_cast %get3A_837 : i32 to index
        %get3A_839 = arith.index_cast %add3A_836 : i32 to index
        %get3A_840 = arith.constant 0 : index
        %get3A_841 = tpu.vector_load %arg7[%get3A_838, %get3A_839, %get3A_840] {strides = array<i32>} : memref<4x96x128xf32, #tpu.memory_space<vmem>>, vector<1x1x16xf32>,
        %get3A_842 = vector.shape_cast %get3A_841 : vector<1x1x16xf32> to vector<16xf32>
        %add3A_843 = arith.constant 48 : i32
        %add3A_844 = arith.addi %add3A_843, %scan3A_817 : i32
        %get3A_845 = arith.constant 3 : i32
        %get3A_846 = arith.index_cast %get3A_845 : i32 to index
        %get3A_847 = arith.index_cast %add3A_844 : i32 to index
        %get3A_848 = arith.constant 0 : index
        %get3A_849 = tpu.vector_load %arg7[%get3A_846, %get3A_847, %get3A_848] {strides = array<i32>} : memref<4x96x128xf32, #tpu.memory_space<vmem>>, vector<1x1x16xf32>,
        %get3A_850 = vector.shape_cast %get3A_849 : vector<1x1x16xf32> to vector<16xf32>
        %add3A_851 = arith.addf %get3A_842, %get3A_850 : vector<16xf32>
        %add3A_852 = arith.constant 64 : i32
        %add3A_853 = arith.addi %add3A_852, %scan3A_817 : i32
        %get3A_854 = arith.constant 3 : i32
        %get3A_855 = arith.index_cast %get3A_854 : i32 to index
        %get3A_856 = arith.index_cast %add3A_853 : i32 to index
        %get3A_857 = arith.constant 0 : index
        %get3A_858 = tpu.vector_load %arg7[%get3A_855, %get3A_856, %get3A_857] {strides = array<i32>} : memref<4x96x128xf32, #tpu.memory_space<vmem>>, vector<1x1x16xf32>,
        %get3A_859 = vector.shape_cast %get3A_858 : vector<1x1x16xf32> to vector<16xf32>
        %add3A_860 = arith.constant 80 : i32
        %add3A_861 = arith.addi %add3A_860, %scan3A_817 : i32
        %get3A_862 = arith.constant 3 : i32
        %get3A_863 = arith.index_cast %get3A_862 : i32 to index
        %get3A_864 = arith.index_cast %add3A_861 : i32 to index
        %get3A_865 = arith.constant 0 : index
        %get3A_866 = tpu.vector_load %arg7[%get3A_863, %get3A_864, %get3A_865] {strides = array<i32>} : memref<4x96x128xf32, #tpu.memory_space<vmem>>, vector<1x1x16xf32>,
        %get3A_867 = vector.shape_cast %get3A_866 : vector<1x1x16xf32> to vector<16xf32>
        %add3A_868 = arith.addf %get3A_859, %get3A_867 : vector<16xf32>
        %add3A_869 = arith.addf %add3A_851, %add3A_868 : vector<16xf32>
        %add3A_870 = arith.addf %add3A_834, %add3A_869 : vector<16xf32>
        %swap3A_871 = arith.constant 3 : i32
        %swap3A_872 = arith.index_cast %swap3A_871 : i32 to index
        %swap3A_873 = arith.index_cast %scan3A_817 : i32 to index
        %swap3A_874 = arith.constant 0 : index
        %swap3A_875 = tpu.vector_load %arg8[%swap3A_872, %swap3A_873, %swap3A_874] {strides = array<i32>} : memref<4x16x128xf32, #tpu.memory_space<vmem>>, vector<1x1x16xf32>,
        %swap3A_876 = vector.shape_cast %swap3A_875 : vector<1x1x16xf32> to vector<16xf32>
        %swap3A_877 = vector.shape_cast %add3A_870 : vector<16xf32> to vector<1x1x16xf32>
        tpu.vector_store %arg8[%swap3A_872, %swap3A_873, %swap3A_874], %swap3A_877 {strides = array<i32>} : memref<4x16x128xf32, #tpu.memory_space<vmem>>, vector<1x1x16xf32>,
        %add3A_878 = arith.constant 0 : i32
        %add3A_879 = arith.addi %add3A_878, %scan3A_817 : i32
        %get3A_880 = arith.constant 3 : i32
        %get3A_881 = arith.index_cast %get3A_880 : i32 to index
        %get3A_882 = arith.index_cast %add3A_879 : i32 to index
        %get3A_883 = arith.constant 16 : index
        %get3A_884 = tpu.vector_load %arg7[%get3A_881, %get3A_882, %get3A_883] {strides = array<i32>} : memref<4x96x128xf32, #tpu.memory_space<vmem>>, vector<1x1x16xf32>,
        %get3A_885 = vector.shape_cast %get3A_884 : vector<1x1x16xf32> to vector<16xf32>
        %add3A_886 = arith.constant 16 : i32
        %add3A_887 = arith.addi %add3A_886, %scan3A_817 : i32
        %get3A_888 = arith.constant 3 : i32
        %get3A_889 = arith.index_cast %get3A_888 : i32 to index
        %get3A_890 = arith.index_cast %add3A_887 : i32 to index
        %get3A_891 = arith.constant 16 : index
        %get3A_892 = tpu.vector_load %arg7[%get3A_889, %get3A_890, %get3A_891] {strides = array<i32>} : memref<4x96x128xf32, #tpu.memory_space<vmem>>, vector<1x1x16xf32>,
        %get3A_893 = vector.shape_cast %get3A_892 : vector<1x1x16xf32> to vector<16xf32>
        %add3A_894 = arith.addf %get3A_885, %get3A_893 : vector<16xf32>
        %add3A_895 = arith.constant 32 : i32
        %add3A_896 = arith.addi %add3A_895, %scan3A_817 : i32
        %get3A_897 = arith.constant 3 : i32
        %get3A_898 = arith.index_cast %get3A_897 : i32 to index
        %get3A_899 = arith.index_cast %add3A_896 : i32 to index
        %get3A_900 = arith.constant 16 : index
        %get3A_901 = tpu.vector_load %arg7[%get3A_898, %get3A_899, %get3A_900] {strides = array<i32>} : memref<4x96x128xf32, #tpu.memory_space<vmem>>, vector<1x1x16xf32>,
        %get3A_902 = vector.shape_cast %get3A_901 : vector<1x1x16xf32> to vector<16xf32>
        %add3A_903 = arith.constant 48 : i32
        %add3A_904 = arith.addi %add3A_903, %scan3A_817 : i32
        %get3A_905 = arith.constant 3 : i32
        %get3A_906 = arith.index_cast %get3A_905 : i32 to index
        %get3A_907 = arith.index_cast %add3A_904 : i32 to index
        %get3A_908 = arith.constant 16 : index
        %get3A_909 = tpu.vector_load %arg7[%get3A_906, %get3A_907, %get3A_908] {strides = array<i32>} : memref<4x96x128xf32, #tpu.memory_space<vmem>>, vector<1x1x16xf32>,
        %get3A_910 = vector.shape_cast %get3A_909 : vector<1x1x16xf32> to vector<16xf32>
        %add3A_911 = arith.addf %get3A_902, %get3A_910 : vector<16xf32>
        %add3A_912 = arith.constant 64 : i32
        %add3A_913 = arith.addi %add3A_912, %scan3A_817 : i32
        %get3A_914 = arith.constant 3 : i32
        %get3A_915 = arith.index_cast %get3A_914 : i32 to index
        %get3A_916 = arith.index_cast %add3A_913 : i32 to index
        %get3A_917 = arith.constant 16 : index
        %get3A_918 = tpu.vector_load %arg7[%get3A_915, %get3A_916, %get3A_917] {strides = array<i32>} : memref<4x96x128xf32, #tpu.memory_space<vmem>>, vector<1x1x16xf32>,
        %get3A_919 = vector.shape_cast %get3A_918 : vector<1x1x16xf32> to vector<16xf32>
        %add3A_920 = arith.constant 80 : i32
        %add3A_921 = arith.addi %add3A_920, %scan3A_817 : i32
        %get3A_922 = arith.constant 3 : i32
        %get3A_923 = arith.index_cast %get3A_922 : i32 to index
        %get3A_924 = arith.index_cast %add3A_921 : i32 to index
        %get3A_925 = arith.constant 16 : index
        %get3A_926 = tpu.vector_load %arg7[%get3A_923, %get3A_924, %get3A_925] {strides = array<i32>} : memref<4x96x128xf32, #tpu.memory_space<vmem>>, vector<1x1x16xf32>,
        %get3A_927 = vector.shape_cast %get3A_926 : vector<1x1x16xf32> to vector<16xf32>
        %add3A_928 = arith.addf %get3A_919, %get3A_927 : vector<16xf32>
        %add3A_929 = arith.addf %add3A_911, %add3A_928 : vector<16xf32>
        %add3A_930 = arith.addf %add3A_894, %add3A_929 : vector<16xf32>
        %swap3A_931 = arith.constant 3 : i32
        %swap3A_932 = arith.index_cast %swap3A_931 : i32 to index
        %swap3A_933 = arith.index_cast %scan3A_817 : i32 to index
        %swap3A_934 = arith.constant 16 : index
        %swap3A_935 = tpu.vector_load %arg8[%swap3A_932, %swap3A_933, %swap3A_934] {strides = array<i32>} : memref<4x16x128xf32, #tpu.memory_space<vmem>>, vector<1x1x16xf32>,
        %swap3A_936 = vector.shape_cast %swap3A_935 : vector<1x1x16xf32> to vector<16xf32>
        %swap3A_937 = vector.shape_cast %add3A_930 : vector<16xf32> to vector<1x1x16xf32>
        tpu.vector_store %arg8[%swap3A_932, %swap3A_933, %swap3A_934], %swap3A_937 {strides = array<i32>} : memref<4x16x128xf32, #tpu.memory_space<vmem>>, vector<1x1x16xf32>,
        %add3A_938 = arith.constant 0 : i32
        %add3A_939 = arith.addi %add3A_938, %scan3A_817 : i32
        %get3A_940 = arith.constant 3 : i32
        %get3A_941 = arith.index_cast %get3A_940 : i32 to index
        %get3A_942 = arith.index_cast %add3A_939 : i32 to index
        %get3A_943 = arith.constant 32 : index
        %get3A_944 = tpu.vector_load %arg7[%get3A_941, %get3A_942, %get3A_943] {strides = array<i32>} : memref<4x96x128xf32, #tpu.memory_space<vmem>>, vector<1x1x16xf32>,
        %get3A_945 = vector.shape_cast %get3A_944 : vector<1x1x16xf32> to vector<16xf32>
        %add3A_946 = arith.constant 16 : i32
        %add3A_947 = arith.addi %add3A_946, %scan3A_817 : i32
        %get3A_948 = arith.constant 3 : i32
        %get3A_949 = arith.index_cast %get3A_948 : i32 to index
        %get3A_950 = arith.index_cast %add3A_947 : i32 to index
        %get3A_951 = arith.constant 32 : index
        %get3A_952 = tpu.vector_load %arg7[%get3A_949, %get3A_950, %get3A_951] {strides = array<i32>} : memref<4x96x128xf32, #tpu.memory_space<vmem>>, vector<1x1x16xf32>,
        %get3A_953 = vector.shape_cast %get3A_952 : vector<1x1x16xf32> to vector<16xf32>
        %add3A_954 = arith.addf %get3A_945, %get3A_953 : vector<16xf32>
        %add3A_955 = arith.constant 32 : i32
        %add3A_956 = arith.addi %add3A_955, %scan3A_817 : i32
        %get3A_957 = arith.constant 3 : i32
        %get3A_958 = arith.index_cast %get3A_957 : i32 to index
        %get3A_959 = arith.index_cast %add3A_956 : i32 to index
        %get3A_960 = arith.constant 32 : index
        %get3A_961 = tpu.vector_load %arg7[%get3A_958, %get3A_959, %get3A_960] {strides = array<i32>} : memref<4x96x128xf32, #tpu.memory_space<vmem>>, vector<1x1x16xf32>,
        %get3A_962 = vector.shape_cast %get3A_961 : vector<1x1x16xf32> to vector<16xf32>
        %add3A_963 = arith.constant 48 : i32
        %add3A_964 = arith.addi %add3A_963, %scan3A_817 : i32
        %get3A_965 = arith.constant 3 : i32
        %get3A_966 = arith.index_cast %get3A_965 : i32 to index
        %get3A_967 = arith.index_cast %add3A_964 : i32 to index
        %get3A_968 = arith.constant 32 : index
        %get3A_969 = tpu.vector_load %arg7[%get3A_966, %get3A_967, %get3A_968] {strides = array<i32>} : memref<4x96x128xf32, #tpu.memory_space<vmem>>, vector<1x1x16xf32>,
        %get3A_970 = vector.shape_cast %get3A_969 : vector<1x1x16xf32> to vector<16xf32>
        %add3A_971 = arith.addf %get3A_962, %get3A_970 : vector<16xf32>
        %add3A_972 = arith.constant 64 : i32
        %add3A_973 = arith.addi %add3A_972, %scan3A_817 : i32
        %get3A_974 = arith.constant 3 : i32
        %get3A_975 = arith.index_cast %get3A_974 : i32 to index
        %get3A_976 = arith.index_cast %add3A_973 : i32 to index
        %get3A_977 = arith.constant 32 : index
        %get3A_978 = tpu.vector_load %arg7[%get3A_975, %get3A_976, %get3A_977] {strides = array<i32>} : memref<4x96x128xf32, #tpu.memory_space<vmem>>, vector<1x1x16xf32>,
        %get3A_979 = vector.shape_cast %get3A_978 : vector<1x1x16xf32> to vector<16xf32>
        %add3A_980 = arith.constant 80 : i32
        %add3A_981 = arith.addi %add3A_980, %scan3A_817 : i32
        %get3A_982 = arith.constant 3 : i32
        %get3A_983 = arith.index_cast %get3A_982 : i32 to index
        %get3A_984 = arith.index_cast %add3A_981 : i32 to index
        %get3A_985 = arith.constant 32 : index
        %get3A_986 = tpu.vector_load %arg7[%get3A_983, %get3A_984, %get3A_985] {strides = array<i32>} : memref<4x96x128xf32, #tpu.memory_space<vmem>>, vector<1x1x16xf32>,
        %get3A_987 = vector.shape_cast %get3A_986 : vector<1x1x16xf32> to vector<16xf32>
        %add3A_988 = arith.addf %get3A_979, %get3A_987 : vector<16xf32>
        %add3A_989 = arith.addf %add3A_971, %add3A_988 : vector<16xf32>
        %add3A_990 = arith.addf %add3A_954, %add3A_989 : vector<16xf32>
        %swap3A_991 = arith.constant 3 : i32
        %swap3A_992 = arith.index_cast %swap3A_991 : i32 to index
        %swap3A_993 = arith.index_cast %scan3A_817 : i32 to index
        %swap3A_994 = arith.constant 32 : index
        %swap3A_995 = tpu.vector_load %arg8[%swap3A_992, %swap3A_993, %swap3A_994] {strides = array<i32>} : memref<4x16x128xf32, #tpu.memory_space<vmem>>, vector<1x1x16xf32>,
        %swap3A_996 = vector.shape_cast %swap3A_995 : vector<1x1x16xf32> to vector<16xf32>
        %swap3A_997 = vector.shape_cast %add3A_990 : vector<16xf32> to vector<1x1x16xf32>
        tpu.vector_store %arg8[%swap3A_992, %swap3A_993, %swap3A_994], %swap3A_997 {strides = array<i32>} : memref<4x16x128xf32, #tpu.memory_space<vmem>>, vector<1x1x16xf32>,
        %add3A_998 = arith.constant 0 : i32
        %add3A_999 = arith.addi %add3A_998, %scan3A_817 : i32
        %get3A_1000 = arith.constant 3 : i32
        %get3A_1001 = arith.index_cast %get3A_1000 : i32 to index
        %get3A_1002 = arith.index_cast %add3A_999 : i32 to index
        %get3A_1003 = arith.constant 48 : index
        %get3A_1004 = tpu.vector_load %arg7[%get3A_1001, %get3A_1002, %get3A_1003] {strides = array<i32>} : memref<4x96x128xf32, #tpu.memory_space<vmem>>, vector<1x1x16xf32>,
        %get3A_1005 = vector.shape_cast %get3A_1004 : vector<1x1x16xf32> to vector<16xf32>
        %add3A_1006 = arith.constant 16 : i32
        %add3A_1007 = arith.addi %add3A_1006, %scan3A_817 : i32
        %get3A_1008 = arith.constant 3 : i32
        %get3A_1009 = arith.index_cast %get3A_1008 : i32 to index
        %get3A_1010 = arith.index_cast %add3A_1007 : i32 to index
        %get3A_1011 = arith.constant 48 : index
        %get3A_1012 = tpu.vector_load %arg7[%get3A_1009, %get3A_1010, %get3A_1011] {strides = array<i32>} : memref<4x96x128xf32, #tpu.memory_space<vmem>>, vector<1x1x16xf32>,
        %get3A_1013 = vector.shape_cast %get3A_1012 : vector<1x1x16xf32> to vector<16xf32>
        %add3A_1014 = arith.addf %get3A_1005, %get3A_1013 : vector<16xf32>
        %add3A_1015 = arith.constant 32 : i32
        %add3A_1016 = arith.addi %add3A_1015, %scan3A_817 : i32
        %get3A_1017 = arith.constant 3 : i32
        %get3A_1018 = arith.index_cast %get3A_1017 : i32 to index
        %get3A_1019 = arith.index_cast %add3A_1016 : i32 to index
        %get3A_1020 = arith.constant 48 : index
        %get3A_1021 = tpu.vector_load %arg7[%get3A_1018, %get3A_1019, %get3A_1020] {strides = array<i32>} : memref<4x96x128xf32, #tpu.memory_space<vmem>>, vector<1x1x16xf32>,
        %get3A_1022 = vector.shape_cast %get3A_1021 : vector<1x1x16xf32> to vector<16xf32>
        %add3A_1023 = arith.constant 48 : i32
        %add3A_1024 = arith.addi %add3A_1023, %scan3A_817 : i32
        %get3A_1025 = arith.constant 3 : i32
        %get3A_1026 = arith.index_cast %get3A_1025 : i32 to index
        %get3A_1027 = arith.index_cast %add3A_1024 : i32 to index
        %get3A_1028 = arith.constant 48 : index
        %get3A_1029 = tpu.vector_load %arg7[%get3A_1026, %get3A_1027, %get3A_1028] {strides = array<i32>} : memref<4x96x128xf32, #tpu.memory_space<vmem>>, vector<1x1x16xf32>,
        %get3A_1030 = vector.shape_cast %get3A_1029 : vector<1x1x16xf32> to vector<16xf32>
        %add3A_1031 = arith.addf %get3A_1022, %get3A_1030 : vector<16xf32>
        %add3A_1032 = arith.constant 64 : i32
        %add3A_1033 = arith.addi %add3A_1032, %scan3A_817 : i32
        %get3A_1034 = arith.constant 3 : i32
        %get3A_1035 = arith.index_cast %get3A_1034 : i32 to index
        %get3A_1036 = arith.index_cast %add3A_1033 : i32 to index
        %get3A_1037 = arith.constant 48 : index
        %get3A_1038 = tpu.vector_load %arg7[%get3A_1035, %get3A_1036, %get3A_1037] {strides = array<i32>} : memref<4x96x128xf32, #tpu.memory_space<vmem>>, vector<1x1x16xf32>,
        %get3A_1039 = vector.shape_cast %get3A_1038 : vector<1x1x16xf32> to vector<16xf32>
        %add3A_1040 = arith.constant 80 : i32
        %add3A_1041 = arith.addi %add3A_1040, %scan3A_817 : i32
        %get3A_1042 = arith.constant 3 : i32
        %get3A_1043 = arith.index_cast %get3A_1042 : i32 to index
        %get3A_1044 = arith.index_cast %add3A_1041 : i32 to index
        %get3A_1045 = arith.constant 48 : index
        %get3A_1046 = tpu.vector_load %arg7[%get3A_1043, %get3A_1044, %get3A_1045] {strides = array<i32>} : memref<4x96x128xf32, #tpu.memory_space<vmem>>, vector<1x1x16xf32>,
        %get3A_1047 = vector.shape_cast %get3A_1046 : vector<1x1x16xf32> to vector<16xf32>
        %add3A_1048 = arith.addf %get3A_1039, %get3A_1047 : vector<16xf32>
        %add3A_1049 = arith.addf %add3A_1031, %add3A_1048 : vector<16xf32>
        %add3A_1050 = arith.addf %add3A_1014, %add3A_1049 : vector<16xf32>
        %swap3A_1051 = arith.constant 3 : i32
        %swap3A_1052 = arith.index_cast %swap3A_1051 : i32 to index
        %swap3A_1053 = arith.index_cast %scan3A_817 : i32 to index
        %swap3A_1054 = arith.constant 48 : index
        %swap3A_1055 = tpu.vector_load %arg8[%swap3A_1052, %swap3A_1053, %swap3A_1054] {strides = array<i32>} : memref<4x16x128xf32, #tpu.memory_space<vmem>>, vector<1x1x16xf32>,
        %swap3A_1056 = vector.shape_cast %swap3A_1055 : vector<1x1x16xf32> to vector<16xf32>
        %swap3A_1057 = vector.shape_cast %add3A_1050 : vector<16xf32> to vector<1x1x16xf32>
        tpu.vector_store %arg8[%swap3A_1052, %swap3A_1053, %swap3A_1054], %swap3A_1057 {strides = array<i32>} : memref<4x16x128xf32, #tpu.memory_space<vmem>>, vector<1x1x16xf32>,
        %add3A_1058 = arith.constant 0 : i32
        %add3A_1059 = arith.addi %add3A_1058, %scan3A_817 : i32
        %get3A_1060 = arith.constant 3 : i32
        %get3A_1061 = arith.index_cast %get3A_1060 : i32 to index
        %get3A_1062 = arith.index_cast %add3A_1059 : i32 to index
        %get3A_1063 = arith.constant 64 : index
        %get3A_1064 = tpu.vector_load %arg7[%get3A_1061, %get3A_1062, %get3A_1063] {strides = array<i32>} : memref<4x96x128xf32, #tpu.memory_space<vmem>>, vector<1x1x16xf32>,
        %get3A_1065 = vector.shape_cast %get3A_1064 : vector<1x1x16xf32> to vector<16xf32>
        %add3A_1066 = arith.constant 16 : i32
        %add3A_1067 = arith.addi %add3A_1066, %scan3A_817 : i32
        %get3A_1068 = arith.constant 3 : i32
        %get3A_1069 = arith.index_cast %get3A_1068 : i32 to index
        %get3A_1070 = arith.index_cast %add3A_1067 : i32 to index
        %get3A_1071 = arith.constant 64 : index
        %get3A_1072 = tpu.vector_load %arg7[%get3A_1069, %get3A_1070, %get3A_1071] {strides = array<i32>} : memref<4x96x128xf32, #tpu.memory_space<vmem>>, vector<1x1x16xf32>,
        %get3A_1073 = vector.shape_cast %get3A_1072 : vector<1x1x16xf32> to vector<16xf32>
        %add3A_1074 = arith.addf %get3A_1065, %get3A_1073 : vector<16xf32>
        %add3A_1075 = arith.constant 32 : i32
        %add3A_1076 = arith.addi %add3A_1075, %scan3A_817 : i32
        %get3A_1077 = arith.constant 3 : i32
        %get3A_1078 = arith.index_cast %get3A_1077 : i32 to index
        %get3A_1079 = arith.index_cast %add3A_1076 : i32 to index
        %get3A_1080 = arith.constant 64 : index
        %get3A_1081 = tpu.vector_load %arg7[%get3A_1078, %get3A_1079, %get3A_1080] {strides = array<i32>} : memref<4x96x128xf32, #tpu.memory_space<vmem>>, vector<1x1x16xf32>,
        %get3A_1082 = vector.shape_cast %get3A_1081 : vector<1x1x16xf32> to vector<16xf32>
        %add3A_1083 = arith.constant 48 : i32
        %add3A_1084 = arith.addi %add3A_1083, %scan3A_817 : i32
        %get3A_1085 = arith.constant 3 : i32
        %get3A_1086 = arith.index_cast %get3A_1085 : i32 to index
        %get3A_1087 = arith.index_cast %add3A_1084 : i32 to index
        %get3A_1088 = arith.constant 64 : index
        %get3A_1089 = tpu.vector_load %arg7[%get3A_1086, %get3A_1087, %get3A_1088] {strides = array<i32>} : memref<4x96x128xf32, #tpu.memory_space<vmem>>, vector<1x1x16xf32>,
        %get3A_1090 = vector.shape_cast %get3A_1089 : vector<1x1x16xf32> to vector<16xf32>
        %add3A_1091 = arith.addf %get3A_1082, %get3A_1090 : vector<16xf32>
        %add3A_1092 = arith.constant 64 : i32
        %add3A_1093 = arith.addi %add3A_1092, %scan3A_817 : i32
        %get3A_1094 = arith.constant 3 : i32
        %get3A_1095 = arith.index_cast %get3A_1094 : i32 to index
        %get3A_1096 = arith.index_cast %add3A_1093 : i32 to index
        %get3A_1097 = arith.constant 64 : index
        %get3A_1098 = tpu.vector_load %arg7[%get3A_1095, %get3A_1096, %get3A_1097] {strides = array<i32>} : memref<4x96x128xf32, #tpu.memory_space<vmem>>, vector<1x1x16xf32>,
        %get3A_1099 = vector.shape_cast %get3A_1098 : vector<1x1x16xf32> to vector<16xf32>
        %add3A_1100 = arith.constant 80 : i32
        %add3A_1101 = arith.addi %add3A_1100, %scan3A_817 : i32
        %get3A_1102 = arith.constant 3 : i32
        %get3A_1103 = arith.index_cast %get3A_1102 : i32 to index
        %get3A_1104 = arith.index_cast %add3A_1101 : i32 to index
        %get3A_1105 = arith.constant 64 : index
        %get3A_1106 = tpu.vector_load %arg7[%get3A_1103, %get3A_1104, %get3A_1105] {strides = array<i32>} : memref<4x96x128xf32, #tpu.memory_space<vmem>>, vector<1x1x16xf32>,
        %get3A_1107 = vector.shape_cast %get3A_1106 : vector<1x1x16xf32> to vector<16xf32>
        %add3A_1108 = arith.addf %get3A_1099, %get3A_1107 : vector<16xf32>
        %add3A_1109 = arith.addf %add3A_1091, %add3A_1108 : vector<16xf32>
        %add3A_1110 = arith.addf %add3A_1074, %add3A_1109 : vector<16xf32>
        %swap3A_1111 = arith.constant 3 : i32
        %swap3A_1112 = arith.index_cast %swap3A_1111 : i32 to index
        %swap3A_1113 = arith.index_cast %scan3A_817 : i32 to index
        %swap3A_1114 = arith.constant 64 : index
        %swap3A_1115 = tpu.vector_load %arg8[%swap3A_1112, %swap3A_1113, %swap3A_1114] {strides = array<i32>} : memref<4x16x128xf32, #tpu.memory_space<vmem>>, vector<1x1x16xf32>,
        %swap3A_1116 = vector.shape_cast %swap3A_1115 : vector<1x1x16xf32> to vector<16xf32>
        %swap3A_1117 = vector.shape_cast %add3A_1110 : vector<16xf32> to vector<1x1x16xf32>
        tpu.vector_store %arg8[%swap3A_1112, %swap3A_1113, %swap3A_1114], %swap3A_1117 {strides = array<i32>} : memref<4x16x128xf32, #tpu.memory_space<vmem>>, vector<1x1x16xf32>,
        %add3A_1118 = arith.constant 0 : i32
        %add3A_1119 = arith.addi %add3A_1118, %scan3A_817 : i32
        %get3A_1120 = arith.constant 3 : i32
        %get3A_1121 = arith.index_cast %get3A_1120 : i32 to index
        %get3A_1122 = arith.index_cast %add3A_1119 : i32 to index
        %get3A_1123 = arith.constant 80 : index
        %get3A_1124 = tpu.vector_load %arg7[%get3A_1121, %get3A_1122, %get3A_1123] {strides = array<i32>} : memref<4x96x128xf32, #tpu.memory_space<vmem>>, vector<1x1x16xf32>,
        %get3A_1125 = vector.shape_cast %get3A_1124 : vector<1x1x16xf32> to vector<16xf32>
        %add3A_1126 = arith.constant 16 : i32
        %add3A_1127 = arith.addi %add3A_1126, %scan3A_817 : i32
        %get3A_1128 = arith.constant 3 : i32
        %get3A_1129 = arith.index_cast %get3A_1128 : i32 to index
        %get3A_1130 = arith.index_cast %add3A_1127 : i32 to index
        %get3A_1131 = arith.constant 80 : index
        %get3A_1132 = tpu.vector_load %arg7[%get3A_1129, %get3A_1130, %get3A_1131] {strides = array<i32>} : memref<4x96x128xf32, #tpu.memory_space<vmem>>, vector<1x1x16xf32>,
        %get3A_1133 = vector.shape_cast %get3A_1132 : vector<1x1x16xf32> to vector<16xf32>
        %add3A_1134 = arith.addf %get3A_1125, %get3A_1133 : vector<16xf32>
        %add3A_1135 = arith.constant 32 : i32
        %add3A_1136 = arith.addi %add3A_1135, %scan3A_817 : i32
        %get3A_1137 = arith.constant 3 : i32
        %get3A_1138 = arith.index_cast %get3A_1137 : i32 to index
        %get3A_1139 = arith.index_cast %add3A_1136 : i32 to index
        %get3A_1140 = arith.constant 80 : index
        %get3A_1141 = tpu.vector_load %arg7[%get3A_1138, %get3A_1139, %get3A_1140] {strides = array<i32>} : memref<4x96x128xf32, #tpu.memory_space<vmem>>, vector<1x1x16xf32>,
        %get3A_1142 = vector.shape_cast %get3A_1141 : vector<1x1x16xf32> to vector<16xf32>
        %add3A_1143 = arith.constant 48 : i32
        %add3A_1144 = arith.addi %add3A_1143, %scan3A_817 : i32
        %get3A_1145 = arith.constant 3 : i32
        %get3A_1146 = arith.index_cast %get3A_1145 : i32 to index
        %get3A_1147 = arith.index_cast %add3A_1144 : i32 to index
        %get3A_1148 = arith.constant 80 : index
        %get3A_1149 = tpu.vector_load %arg7[%get3A_1146, %get3A_1147, %get3A_1148] {strides = array<i32>} : memref<4x96x128xf32, #tpu.memory_space<vmem>>, vector<1x1x16xf32>,
        %get3A_1150 = vector.shape_cast %get3A_1149 : vector<1x1x16xf32> to vector<16xf32>
        %add3A_1151 = arith.addf %get3A_1142, %get3A_1150 : vector<16xf32>
        %add3A_1152 = arith.constant 64 : i32
        %add3A_1153 = arith.addi %add3A_1152, %scan3A_817 : i32
        %get3A_1154 = arith.constant 3 : i32
        %get3A_1155 = arith.index_cast %get3A_1154 : i32 to index
        %get3A_1156 = arith.index_cast %add3A_1153 : i32 to index
        %get3A_1157 = arith.constant 80 : index
        %get3A_1158 = tpu.vector_load %arg7[%get3A_1155, %get3A_1156, %get3A_1157] {strides = array<i32>} : memref<4x96x128xf32, #tpu.memory_space<vmem>>, vector<1x1x16xf32>,
        %get3A_1159 = vector.shape_cast %get3A_1158 : vector<1x1x16xf32> to vector<16xf32>
        %add3A_1160 = arith.constant 80 : i32
        %add3A_1161 = arith.addi %add3A_1160, %scan3A_817 : i32
        %get3A_1162 = arith.constant 3 : i32
        %get3A_1163 = arith.index_cast %get3A_1162 : i32 to index
        %get3A_1164 = arith.index_cast %add3A_1161 : i32 to index
        %get3A_1165 = arith.constant 80 : index
        %get3A_1166 = tpu.vector_load %arg7[%get3A_1163, %get3A_1164, %get3A_1165] {strides = array<i32>} : memref<4x96x128xf32, #tpu.memory_space<vmem>>, vector<1x1x16xf32>,
        %get3A_1167 = vector.shape_cast %get3A_1166 : vector<1x1x16xf32> to vector<16xf32>
        %add3A_1168 = arith.addf %get3A_1159, %get3A_1167 : vector<16xf32>
        %add3A_1169 = arith.addf %add3A_1151, %add3A_1168 : vector<16xf32>
        %add3A_1170 = arith.addf %add3A_1134, %add3A_1169 : vector<16xf32>
        %swap3A_1171 = arith.constant 3 : i32
        %swap3A_1172 = arith.index_cast %swap3A_1171 : i32 to index
        %swap3A_1173 = arith.index_cast %scan3A_817 : i32 to index
        %swap3A_1174 = arith.constant 80 : index
        %swap3A_1175 = tpu.vector_load %arg8[%swap3A_1172, %swap3A_1173, %swap3A_1174] {strides = array<i32>} : memref<4x16x128xf32, #tpu.memory_space<vmem>>, vector<1x1x16xf32>,
        %swap3A_1176 = vector.shape_cast %swap3A_1175 : vector<1x1x16xf32> to vector<16xf32>
        %swap3A_1177 = vector.shape_cast %add3A_1170 : vector<16xf32> to vector<1x1x16xf32>
        tpu.vector_store %arg8[%swap3A_1172, %swap3A_1173, %swap3A_1174], %swap3A_1177 {strides = array<i32>} : memref<4x16x128xf32, #tpu.memory_space<vmem>>, vector<1x1x16xf32>,
        %add3A_1178 = arith.constant 0 : i32
        %add3A_1179 = arith.addi %add3A_1178, %scan3A_817 : i32
        %get3A_1180 = arith.constant 3 : i32
        %get3A_1181 = arith.index_cast %get3A_1180 : i32 to index
        %get3A_1182 = arith.index_cast %add3A_1179 : i32 to index
        %get3A_1183 = arith.constant 96 : index
        %get3A_1184 = tpu.vector_load %arg7[%get3A_1181, %get3A_1182, %get3A_1183] {strides = array<i32>} : memref<4x96x128xf32, #tpu.memory_space<vmem>>, vector<1x1x16xf32>,
        %get3A_1185 = vector.shape_cast %get3A_1184 : vector<1x1x16xf32> to vector<16xf32>
        %add3A_1186 = arith.constant 16 : i32
        %add3A_1187 = arith.addi %add3A_1186, %scan3A_817 : i32
        %get3A_1188 = arith.constant 3 : i32
        %get3A_1189 = arith.index_cast %get3A_1188 : i32 to index
        %get3A_1190 = arith.index_cast %add3A_1187 : i32 to index
        %get3A_1191 = arith.constant 96 : index
        %get3A_1192 = tpu.vector_load %arg7[%get3A_1189, %get3A_1190, %get3A_1191] {strides = array<i32>} : memref<4x96x128xf32, #tpu.memory_space<vmem>>, vector<1x1x16xf32>,
        %get3A_1193 = vector.shape_cast %get3A_1192 : vector<1x1x16xf32> to vector<16xf32>
        %add3A_1194 = arith.addf %get3A_1185, %get3A_1193 : vector<16xf32>
        %add3A_1195 = arith.constant 32 : i32
        %add3A_1196 = arith.addi %add3A_1195, %scan3A_817 : i32
        %get3A_1197 = arith.constant 3 : i32
        %get3A_1198 = arith.index_cast %get3A_1197 : i32 to index
        %get3A_1199 = arith.index_cast %add3A_1196 : i32 to index
        %get3A_1200 = arith.constant 96 : index
        %get3A_1201 = tpu.vector_load %arg7[%get3A_1198, %get3A_1199, %get3A_1200] {strides = array<i32>} : memref<4x96x128xf32, #tpu.memory_space<vmem>>, vector<1x1x16xf32>,
        %get3A_1202 = vector.shape_cast %get3A_1201 : vector<1x1x16xf32> to vector<16xf32>
        %add3A_1203 = arith.constant 48 : i32
        %add3A_1204 = arith.addi %add3A_1203, %scan3A_817 : i32
        %get3A_1205 = arith.constant 3 : i32
        %get3A_1206 = arith.index_cast %get3A_1205 : i32 to index
        %get3A_1207 = arith.index_cast %add3A_1204 : i32 to index
        %get3A_1208 = arith.constant 96 : index
        %get3A_1209 = tpu.vector_load %arg7[%get3A_1206, %get3A_1207, %get3A_1208] {strides = array<i32>} : memref<4x96x128xf32, #tpu.memory_space<vmem>>, vector<1x1x16xf32>,
        %get3A_1210 = vector.shape_cast %get3A_1209 : vector<1x1x16xf32> to vector<16xf32>
        %add3A_1211 = arith.addf %get3A_1202, %get3A_1210 : vector<16xf32>
        %add3A_1212 = arith.constant 64 : i32
        %add3A_1213 = arith.addi %add3A_1212, %scan3A_817 : i32
        %get3A_1214 = arith.constant 3 : i32
        %get3A_1215 = arith.index_cast %get3A_1214 : i32 to index
        %get3A_1216 = arith.index_cast %add3A_1213 : i32 to index
        %get3A_1217 = arith.constant 96 : index
        %get3A_1218 = tpu.vector_load %arg7[%get3A_1215, %get3A_1216, %get3A_1217] {strides = array<i32>} : memref<4x96x128xf32, #tpu.memory_space<vmem>>, vector<1x1x16xf32>,
        %get3A_1219 = vector.shape_cast %get3A_1218 : vector<1x1x16xf32> to vector<16xf32>
        %add3A_1220 = arith.constant 80 : i32
        %add3A_1221 = arith.addi %add3A_1220, %scan3A_817 : i32
        %get3A_1222 = arith.constant 3 : i32
        %get3A_1223 = arith.index_cast %get3A_1222 : i32 to index
        %get3A_1224 = arith.index_cast %add3A_1221 : i32 to index
        %get3A_1225 = arith.constant 96 : index
        %get3A_1226 = tpu.vector_load %arg7[%get3A_1223, %get3A_1224, %get3A_1225] {strides = array<i32>} : memref<4x96x128xf32, #tpu.memory_space<vmem>>, vector<1x1x16xf32>,
        %get3A_1227 = vector.shape_cast %get3A_1226 : vector<1x1x16xf32> to vector<16xf32>
        %add3A_1228 = arith.addf %get3A_1219, %get3A_1227 : vector<16xf32>
        %add3A_1229 = arith.addf %add3A_1211, %add3A_1228 : vector<16xf32>
        %add3A_1230 = arith.addf %add3A_1194, %add3A_1229 : vector<16xf32>
        %swap3A_1231 = arith.constant 3 : i32
        %swap3A_1232 = arith.index_cast %swap3A_1231 : i32 to index
        %swap3A_1233 = arith.index_cast %scan3A_817 : i32 to index
        %swap3A_1234 = arith.constant 96 : index
        %swap3A_1235 = tpu.vector_load %arg8[%swap3A_1232, %swap3A_1233, %swap3A_1234] {strides = array<i32>} : memref<4x16x128xf32, #tpu.memory_space<vmem>>, vector<1x1x16xf32>,
        %swap3A_1236 = vector.shape_cast %swap3A_1235 : vector<1x1x16xf32> to vector<16xf32>
        %swap3A_1237 = vector.shape_cast %add3A_1230 : vector<16xf32> to vector<1x1x16xf32>
        tpu.vector_store %arg8[%swap3A_1232, %swap3A_1233, %swap3A_1234], %swap3A_1237 {strides = array<i32>} : memref<4x16x128xf32, #tpu.memory_space<vmem>>, vector<1x1x16xf32>,
        %add3A_1238 = arith.constant 0 : i32
        %add3A_1239 = arith.addi %add3A_1238, %scan3A_817 : i32
        %get3A_1240 = arith.constant 3 : i32
        %get3A_1241 = arith.index_cast %get3A_1240 : i32 to index
        %get3A_1242 = arith.index_cast %add3A_1239 : i32 to index
        %get3A_1243 = arith.constant 112 : index
        %get3A_1244 = tpu.vector_load %arg7[%get3A_1241, %get3A_1242, %get3A_1243] {strides = array<i32>} : memref<4x96x128xf32, #tpu.memory_space<vmem>>, vector<1x1x16xf32>,
        %get3A_1245 = vector.shape_cast %get3A_1244 : vector<1x1x16xf32> to vector<16xf32>
        %add3A_1246 = arith.constant 16 : i32
        %add3A_1247 = arith.addi %add3A_1246, %scan3A_817 : i32
        %get3A_1248 = arith.constant 3 : i32
        %get3A_1249 = arith.index_cast %get3A_1248 : i32 to index
        %get3A_1250 = arith.index_cast %add3A_1247 : i32 to index
        %get3A_1251 = arith.constant 112 : index
        %get3A_1252 = tpu.vector_load %arg7[%get3A_1249, %get3A_1250, %get3A_1251] {strides = array<i32>} : memref<4x96x128xf32, #tpu.memory_space<vmem>>, vector<1x1x16xf32>,
        %get3A_1253 = vector.shape_cast %get3A_1252 : vector<1x1x16xf32> to vector<16xf32>
        %add3A_1254 = arith.addf %get3A_1245, %get3A_1253 : vector<16xf32>
        %add3A_1255 = arith.constant 32 : i32
        %add3A_1256 = arith.addi %add3A_1255, %scan3A_817 : i32
        %get3A_1257 = arith.constant 3 : i32
        %get3A_1258 = arith.index_cast %get3A_1257 : i32 to index
        %get3A_1259 = arith.index_cast %add3A_1256 : i32 to index
        %get3A_1260 = arith.constant 112 : index
        %get3A_1261 = tpu.vector_load %arg7[%get3A_1258, %get3A_1259, %get3A_1260] {strides = array<i32>} : memref<4x96x128xf32, #tpu.memory_space<vmem>>, vector<1x1x16xf32>,
        %get3A_1262 = vector.shape_cast %get3A_1261 : vector<1x1x16xf32> to vector<16xf32>
        %add3A_1263 = arith.constant 48 : i32
        %add3A_1264 = arith.addi %add3A_1263, %scan3A_817 : i32
        %get3A_1265 = arith.constant 3 : i32
        %get3A_1266 = arith.index_cast %get3A_1265 : i32 to index
        %get3A_1267 = arith.index_cast %add3A_1264 : i32 to index
        %get3A_1268 = arith.constant 112 : index
        %get3A_1269 = tpu.vector_load %arg7[%get3A_1266, %get3A_1267, %get3A_1268] {strides = array<i32>} : memref<4x96x128xf32, #tpu.memory_space<vmem>>, vector<1x1x16xf32>,
        %get3A_1270 = vector.shape_cast %get3A_1269 : vector<1x1x16xf32> to vector<16xf32>
        %add3A_1271 = arith.addf %get3A_1262, %get3A_1270 : vector<16xf32>
        %add3A_1272 = arith.constant 64 : i32
        %add3A_1273 = arith.addi %add3A_1272, %scan3A_817 : i32
        %get3A_1274 = arith.constant 3 : i32
        %get3A_1275 = arith.index_cast %get3A_1274 : i32 to index
        %get3A_1276 = arith.index_cast %add3A_1273 : i32 to index
        %get3A_1277 = arith.constant 112 : index
        %get3A_1278 = tpu.vector_load %arg7[%get3A_1275, %get3A_1276, %get3A_1277] {strides = array<i32>} : memref<4x96x128xf32, #tpu.memory_space<vmem>>, vector<1x1x16xf32>,
        %get3A_1279 = vector.shape_cast %get3A_1278 : vector<1x1x16xf32> to vector<16xf32>
        %add3A_1280 = arith.constant 80 : i32
        %add3A_1281 = arith.addi %add3A_1280, %scan3A_817 : i32
        %get3A_1282 = arith.constant 3 : i32
        %get3A_1283 = arith.index_cast %get3A_1282 : i32 to index
        %get3A_1284 = arith.index_cast %add3A_1281 : i32 to index
        %get3A_1285 = arith.constant 112 : index
        %get3A_1286 = tpu.vector_load %arg7[%get3A_1283, %get3A_1284, %get3A_1285] {strides = array<i32>} : memref<4x96x128xf32, #tpu.memory_space<vmem>>, vector<1x1x16xf32>,
        %get3A_1287 = vector.shape_cast %get3A_1286 : vector<1x1x16xf32> to vector<16xf32>
        %add3A_1288 = arith.addf %get3A_1279, %get3A_1287 : vector<16xf32>
        %add3A_1289 = arith.addf %add3A_1271, %add3A_1288 : vector<16xf32>
        %add3A_1290 = arith.addf %add3A_1254, %add3A_1289 : vector<16xf32>
        %swap3A_1291 = arith.constant 3 : i32
        %swap3A_1292 = arith.index_cast %swap3A_1291 : i32 to index
        %swap3A_1293 = arith.index_cast %scan3A_817 : i32 to index
        %swap3A_1294 = arith.constant 112 : index
        %swap3A_1295 = tpu.vector_load %arg8[%swap3A_1292, %swap3A_1293, %swap3A_1294] {strides = array<i32>} : memref<4x16x128xf32, #tpu.memory_space<vmem>>, vector<1x1x16xf32>,
        %swap3A_1296 = vector.shape_cast %swap3A_1295 : vector<1x1x16xf32> to vector<16xf32>
        %swap3A_1297 = vector.shape_cast %add3A_1290 : vector<16xf32> to vector<1x1x16xf32>
        tpu.vector_store %arg8[%swap3A_1292, %swap3A_1293, %swap3A_1294], %swap3A_1297 {strides = array<i32>} : memref<4x16x128xf32, #tpu.memory_space<vmem>>, vector<1x1x16xf32>,
      }
      %scan3A_310 = arith.constant 16 : i32
      %mul3A_311 = arith.constant 16 : i32
      %mul3A_312 = arith.muli %add3A_286, %mul3A_311 : i32
      %add3A_313 = arith.addi %mul3A_2, %mul3A_312 : i32
      %dma_start3A_314 = arith.constant 3 : i32
      %dma_start3A_315 = arith.constant 3 : i32
      %dma_start3A_316 = arith.constant 0 : i32
      %dma_start3A_317 = arith.constant 0 : i32
      %dma_start3A_318 = tpu.memref_slice %arg8[%dma_start3A_314, %dma_start3A_316, %dma_start3A_317] : memref<4x16x128xf32, #tpu.memory_space<vmem>> -> memref<1x16x128xf32, #tpu.memory_space<vmem>>
      %dma_start3A_319 = tpu.memref_squeeze %dma_start3A_318 : memref<1x16x128xf32, #tpu.memory_space<vmem>> -> memref<16x128xf32, #tpu.memory_space<vmem>>
      %dma_start3A_320 = arith.constant 0 : i32
      %dma_start3A_321 = tpu.memref_slice %arg4[%add3A_313, %dma_start3A_320] : memref<102400x128xf32, #tpu.memory_space<hbm>> -> memref<16x128xf32, #tpu.memory_space<hbm>>
      %dma_start3A_322 = tpu.memref_slice %arg10[%dma_start3A_315] : memref<4x!tpu.dma_semaphore, #tpu.memory_space<semaphore_mem>> -> memref<1x!tpu.dma_semaphore, #tpu.memory_space<semaphore_mem>>
      %dma_start3A_323 = tpu.memref_squeeze %dma_start3A_322 : memref<1x!tpu.dma_semaphore, #tpu.memory_space<semaphore_mem>> -> memref<!tpu.dma_semaphore, #tpu.memory_space<semaphore_mem>>
      %dma_start3A_324 = arith.constant 0 : i32
      %dma_start3A_325 = tpu.memref_slice %arg4[%add3A_313, %dma_start3A_324] : memref<102400x128xf32, #tpu.memory_space<hbm>> -> memref<16x128xf32, #tpu.memory_space<hbm>>
      %dma_start3A_326 = arith.constant 0 : i32
      %dma_start3A_327 = arith.constant 0 : i32
      %dma_start3A_328 = tpu.memref_slice %arg8[%dma_start3A_314, %dma_start3A_326, %dma_start3A_327] : memref<4x16x128xf32, #tpu.memory_space<vmem>> -> memref<1x16x128xf32, #tpu.memory_space<vmem>>
      %dma_start3A_329 = tpu.memref_squeeze %dma_start3A_328 : memref<1x16x128xf32, #tpu.memory_space<vmem>> -> memref<16x128xf32, #tpu.memory_space<vmem>>
      tpu.enqueue_dma source(%dma_start3A_329 : memref<16x128xf32, #tpu.memory_space<vmem>>) target(%dma_start3A_325 : memref<16x128xf32, #tpu.memory_space<hbm>>) target_semaphore(%dma_start3A_323 : memref<!tpu.dma_semaphore, #tpu.memory_space<semaphore_mem>>)
      %add3A_330 = arith.constant 4 : i32
      %add3A_331 = arith.addi %add3A_286, %add3A_330 : i32
      %lt3A_332 = arith.constant 200 : i32
      %lt3A_333 = arith.cmpi slt, %add3A_331, %lt3A_332 : i32
      %convert_element_type3A_334 = arith.extui %lt3A_333 : i1 to i32
      %cond3A_335 = arith.constant 0 : i32
      %cond3A_336 = arith.cmpi ne, %convert_element_type3A_334, %cond3A_335 : i32
      scf.if %cond3A_336 {
        %add3A_337 = arith.constant 4 : i32
        %add3A_338 = arith.addi %add3A_286, %add3A_337 : i32
        %mul3A_339 = arith.constant 96 : i32
        %mul3A_340 = arith.muli %add3A_338, %mul3A_339 : i32
        %dma_start3A_341 = arith.constant 3 : i32
        %dma_start3A_342 = arith.constant 3 : i32
        %dma_start3A_343 = arith.constant 0 : i32
        %dma_start3A_344 = arith.constant 0 : i32
        %dma_start3A_345 = tpu.memref_slice %arg7[%dma_start3A_341, %dma_start3A_343, %dma_start3A_344] : memref<4x96x128xf32, #tpu.memory_space<vmem>> -> memref<1x96x128xf32, #tpu.memory_space<vmem>>
        %dma_start3A_346 = tpu.memref_squeeze %dma_start3A_345 : memref<1x96x128xf32, #tpu.memory_space<vmem>> -> memref<96x128xf32, #tpu.memory_space<vmem>>
        %dma_start3A_347 = tpu.memref_slice %arg6[%mul3A_340] : memref<19200xi32, #tpu.memory_space<vmem>> -> memref<96xi32, #tpu.memory_space<vmem>>
        %dma_start3A_348 = arith.constant 0 : i32
        %dma_start3A_349 = arith.constant 0 : i32
        %dma_start3A_350 = tpu.memref_slice %arg2[%dma_start3A_348, %dma_start3A_349] : memref<100000x128xf32, #tpu.memory_space<hbm>> -> memref<100000x128xf32, #tpu.memory_space<hbm>>
        %dma_start3A_351 = tpu.memref_slice %arg9[%dma_start3A_342] : memref<4x!tpu.dma_semaphore, #tpu.memory_space<semaphore_mem>> -> memref<1x!tpu.dma_semaphore, #tpu.memory_space<semaphore_mem>>
        %dma_start3A_352 = tpu.memref_squeeze %dma_start3A_351 : memref<1x!tpu.dma_semaphore, #tpu.memory_space<semaphore_mem>> -> memref<!tpu.dma_semaphore, #tpu.memory_space<semaphore_mem>>
        tpu.enqueue_indirect_dma source(%dma_start3A_350 : memref<100000x128xf32, #tpu.memory_space<hbm>>) target(%dma_start3A_346 : memref<96x128xf32, #tpu.memory_space<vmem>>) offsets(%dma_start3A_347 : memref<96xi32, #tpu.memory_space<vmem>>) semaphore(%dma_start3A_352 : memref<!tpu.dma_semaphore, #tpu.memory_space<semaphore_mem>>)
      } else {
      }
    }
    %scan3A_66 = arith.constant 50 : i32
    %dma_wait3A = arith.constant 0 : i32
    %dma_wait3A_67 = arith.constant 0 : i32
    "tpu.trace_stop"() : () -> ()
    "tpu.trace_start"() <{level = 10 : i32, message = "drain"}> : () -> ()
    %dma_wait3A_68 = arith.constant 0 : i32
    %dma_wait3A_69 = arith.constant 0 : i32
    %dma_wait3A_70 = tpu.memref_slice %arg8[%dma_wait3A, %dma_wait3A_68, %dma_wait3A_69] : memref<4x16x128xf32, #tpu.memory_space<vmem>> -> memref<1x16x128xf32, #tpu.memory_space<vmem>>
    %dma_wait3A_71 = tpu.memref_squeeze %dma_wait3A_70 : memref<1x16x128xf32, #tpu.memory_space<vmem>> -> memref<16x128xf32, #tpu.memory_space<vmem>>
    %dma_wait3A_72 = arith.constant 0 : i32
    %dma_wait3A_73 = tpu.memref_slice %arg4[%mul3A_2, %dma_wait3A_72] : memref<102400x128xf32, #tpu.memory_space<hbm>> -> memref<16x128xf32, #tpu.memory_space<hbm>>
    %dma_wait3A_74 = tpu.memref_slice %arg10[%dma_wait3A_67] : memref<4x!tpu.dma_semaphore, #tpu.memory_space<semaphore_mem>> -> memref<1x!tpu.dma_semaphore, #tpu.memory_space<semaphore_mem>>
    %dma_wait3A_75 = tpu.memref_squeeze %dma_wait3A_74 : memref<1x!tpu.dma_semaphore, #tpu.memory_space<semaphore_mem>> -> memref<!tpu.dma_semaphore, #tpu.memory_space<semaphore_mem>>
    %dma_wait3A_76 = arith.constant 0 : i32
    %dma_wait3A_77 = tpu.memref_slice %arg4[%mul3A_2, %dma_wait3A_76] : memref<102400x128xf32, #tpu.memory_space<hbm>> -> memref<16x128xf32, #tpu.memory_space<hbm>>
    %dma_wait3A_78 = arith.constant 0 : i32
    %dma_wait3A_79 = arith.constant 0 : i32
    %dma_wait3A_80 = tpu.memref_slice %arg8[%dma_wait3A, %dma_wait3A_78, %dma_wait3A_79] : memref<4x16x128xf32, #tpu.memory_space<vmem>> -> memref<1x16x128xf32, #tpu.memory_space<vmem>>
    %dma_wait3A_81 = tpu.memref_squeeze %dma_wait3A_80 : memref<1x16x128xf32, #tpu.memory_space<vmem>> -> memref<16x128xf32, #tpu.memory_space<vmem>>
    tpu.wait_dma2 semaphore(%dma_wait3A_75 : memref<!tpu.dma_semaphore, #tpu.memory_space<semaphore_mem>>) src(%dma_wait3A_81 : memref<16x128xf32, #tpu.memory_space<vmem>>) dst(%dma_wait3A_77 : memref<16x128xf32, #tpu.memory_space<hbm>>)
    %dma_wait3A_82 = arith.constant 1 : i32
    %dma_wait3A_83 = arith.constant 1 : i32
    %dma_wait3A_84 = arith.constant 0 : i32
    %dma_wait3A_85 = arith.constant 0 : i32
    %dma_wait3A_86 = tpu.memref_slice %arg8[%dma_wait3A_82, %dma_wait3A_84, %dma_wait3A_85] : memref<4x16x128xf32, #tpu.memory_space<vmem>> -> memref<1x16x128xf32, #tpu.memory_space<vmem>>
    %dma_wait3A_87 = tpu.memref_squeeze %dma_wait3A_86 : memref<1x16x128xf32, #tpu.memory_space<vmem>> -> memref<16x128xf32, #tpu.memory_space<vmem>>
    %dma_wait3A_88 = arith.constant 0 : i32
    %dma_wait3A_89 = tpu.memref_slice %arg4[%mul3A_2, %dma_wait3A_88] : memref<102400x128xf32, #tpu.memory_space<hbm>> -> memref<16x128xf32, #tpu.memory_space<hbm>>
    %dma_wait3A_90 = tpu.memref_slice %arg10[%dma_wait3A_83] : memref<4x!tpu.dma_semaphore, #tpu.memory_space<semaphore_mem>> -> memref<1x!tpu.dma_semaphore, #tpu.memory_space<semaphore_mem>>
    %dma_wait3A_91 = tpu.memref_squeeze %dma_wait3A_90 : memref<1x!tpu.dma_semaphore, #tpu.memory_space<semaphore_mem>> -> memref<!tpu.dma_semaphore, #tpu.memory_space<semaphore_mem>>
    %dma_wait3A_92 = arith.constant 0 : i32
    %dma_wait3A_93 = tpu.memref_slice %arg4[%mul3A_2, %dma_wait3A_92] : memref<102400x128xf32, #tpu.memory_space<hbm>> -> memref<16x128xf32, #tpu.memory_space<hbm>>
    %dma_wait3A_94 = arith.constant 0 : i32
    %dma_wait3A_95 = arith.constant 0 : i32
    %dma_wait3A_96 = tpu.memref_slice %arg8[%dma_wait3A_82, %dma_wait3A_94, %dma_wait3A_95] : memref<4x16x128xf32, #tpu.memory_space<vmem>> -> memref<1x16x128xf32, #tpu.memory_space<vmem>>
    %dma_wait3A_97 = tpu.memref_squeeze %dma_wait3A_96 : memref<1x16x128xf32, #tpu.memory_space<vmem>> -> memref<16x128xf32, #tpu.memory_space<vmem>>
    tpu.wait_dma2 semaphore(%dma_wait3A_91 : memref<!tpu.dma_semaphore, #tpu.memory_space<semaphore_mem>>) src(%dma_wait3A_97 : memref<16x128xf32, #tpu.memory_space<vmem>>) dst(%dma_wait3A_93 : memref<16x128xf32, #tpu.memory_space<hbm>>)
    %dma_wait3A_98 = arith.constant 2 : i32
    %dma_wait3A_99 = arith.constant 2 : i32
    %dma_wait3A_100 = arith.constant 0 : i32
    %dma_wait3A_101 = arith.constant 0 : i32
    %dma_wait3A_102 = tpu.memref_slice %arg8[%dma_wait3A_98, %dma_wait3A_100, %dma_wait3A_101] : memref<4x16x128xf32, #tpu.memory_space<vmem>> -> memref<1x16x128xf32, #tpu.memory_space<vmem>>
    %dma_wait3A_103 = tpu.memref_squeeze %dma_wait3A_102 : memref<1x16x128xf32, #tpu.memory_space<vmem>> -> memref<16x128xf32, #tpu.memory_space<vmem>>
    %dma_wait3A_104 = arith.constant 0 : i32
    %dma_wait3A_105 = tpu.memref_slice %arg4[%mul3A_2, %dma_wait3A_104] : memref<102400x128xf32, #tpu.memory_space<hbm>> -> memref<16x128xf32, #tpu.memory_space<hbm>>
    %dma_wait3A_106 = tpu.memref_slice %arg10[%dma_wait3A_99] : memref<4x!tpu.dma_semaphore, #tpu.memory_space<semaphore_mem>> -> memref<1x!tpu.dma_semaphore, #tpu.memory_space<semaphore_mem>>
    %dma_wait3A_107 = tpu.memref_squeeze %dma_wait3A_106 : memref<1x!tpu.dma_semaphore, #tpu.memory_space<semaphore_mem>> -> memref<!tpu.dma_semaphore, #tpu.memory_space<semaphore_mem>>
    %dma_wait3A_108 = arith.constant 0 : i32
    %dma_wait3A_109 = tpu.memref_slice %arg4[%mul3A_2, %dma_wait3A_108] : memref<102400x128xf32, #tpu.memory_space<hbm>> -> memref<16x128xf32, #tpu.memory_space<hbm>>
    %dma_wait3A_110 = arith.constant 0 : i32
    %dma_wait3A_111 = arith.constant 0 : i32
    %dma_wait3A_112 = tpu.memref_slice %arg8[%dma_wait3A_98, %dma_wait3A_110, %dma_wait3A_111] : memref<4x16x128xf32, #tpu.memory_space<vmem>> -> memref<1x16x128xf32, #tpu.memory_space<vmem>>
    %dma_wait3A_113 = tpu.memref_squeeze %dma_wait3A_112 : memref<1x16x128xf32, #tpu.memory_space<vmem>> -> memref<16x128xf32, #tpu.memory_space<vmem>>
    tpu.wait_dma2 semaphore(%dma_wait3A_107 : memref<!tpu.dma_semaphore, #tpu.memory_space<semaphore_mem>>) src(%dma_wait3A_113 : memref<16x128xf32, #tpu.memory_space<vmem>>) dst(%dma_wait3A_109 : memref<16x128xf32, #tpu.memory_space<hbm>>)
    %dma_wait3A_114 = arith.constant 3 : i32
    %dma_wait3A_115 = arith.constant 3 : i32
    %dma_wait3A_116 = arith.constant 0 : i32
    %dma_wait3A_117 = arith.constant 0 : i32
    %dma_wait3A_118 = tpu.memref_slice %arg8[%dma_wait3A_114, %dma_wait3A_116, %dma_wait3A_117] : memref<4x16x128xf32, #tpu.memory_space<vmem>> -> memref<1x16x128xf32, #tpu.memory_space<vmem>>
    %dma_wait3A_119 = tpu.memref_squeeze %dma_wait3A_118 : memref<1x16x128xf32, #tpu.memory_space<vmem>> -> memref<16x128xf32, #tpu.memory_space<vmem>>
    %dma_wait3A_120 = arith.constant 0 : i32
    %dma_wait3A_121 = tpu.memref_slice %arg4[%mul3A_2, %dma_wait3A_120] : memref<102400x128xf32, #tpu.memory_space<hbm>> -> memref<16x128xf32, #tpu.memory_space<hbm>>
    %dma_wait3A_122 = tpu.memref_slice %arg10[%dma_wait3A_115] : memref<4x!tpu.dma_semaphore, #tpu.memory_space<semaphore_mem>> -> memref<1x!tpu.dma_semaphore, #tpu.memory_space<semaphore_mem>>
    %dma_wait3A_123 = tpu.memref_squeeze %dma_wait3A_122 : memref<1x!tpu.dma_semaphore, #tpu.memory_space<semaphore_mem>> -> memref<!tpu.dma_semaphore, #tpu.memory_space<semaphore_mem>>
    %dma_wait3A_124 = arith.constant 0 : i32
    %dma_wait3A_125 = tpu.memref_slice %arg4[%mul3A_2, %dma_wait3A_124] : memref<102400x128xf32, #tpu.memory_space<hbm>> -> memref<16x128xf32, #tpu.memory_space<hbm>>
    %dma_wait3A_126 = arith.constant 0 : i32
    %dma_wait3A_127 = arith.constant 0 : i32
    %dma_wait3A_128 = tpu.memref_slice %arg8[%dma_wait3A_114, %dma_wait3A_126, %dma_wait3A_127] : memref<4x16x128xf32, #tpu.memory_space<vmem>> -> memref<1x16x128xf32, #tpu.memory_space<vmem>>
    %dma_wait3A_129 = tpu.memref_squeeze %dma_wait3A_128 : memref<1x16x128xf32, #tpu.memory_space<vmem>> -> memref<16x128xf32, #tpu.memory_space<vmem>>
    tpu.wait_dma2 semaphore(%dma_wait3A_123 : memref<!tpu.dma_semaphore, #tpu.memory_space<semaphore_mem>>) src(%dma_wait3A_129 : memref<16x128xf32, #tpu.memory_space<vmem>>) dst(%dma_wait3A_125 : memref<16x128xf32, #tpu.memory_space<hbm>>)
    "tpu.trace_stop"() : () -> ()
    return
  }
}

module attributes {stable_mosaic.version = 14 : i64} {
  func.func @body(%arg0: i32, %arg1: memref<1024x128xf32, #tpu.memory_space<vmem>>, %arg2: memref<1024x128xf32, #tpu.memory_space<vmem>>, %arg3: memref<1024x1xbf16, #tpu.memory_space<vmem>>, %arg4: memref<896x128xbf16, #tpu.memory_space<vmem>>, %arg5: memref<1024x128xf32, #tpu.memory_space<vmem>>) attributes {dimension_semantics = [#tpu.dimension_semantics<arbitrary>], iteration_bounds = array<i64: 98>, scalar_prefetch = 0 : i64, scratch_operands = 0 : i64, tpu.core_type = #tpu.core_type<tc>, window_params = [{transform_indices = @transform_0, window_bounds = array<i64: 1024, 128>}, {transform_indices = @transform_1, window_bounds = array<i64: 1024, 128>}, {transform_indices = @transform_2, window_bounds = array<i64: 1024, 1>}, {pipeline_mode = #tpu.pipeline_mode<synchronous>, transform_indices = @transform_3, window_bounds = array<i64: 896, 128>}, {transform_indices = @transform_4, window_bounds = array<i64: 1024, 128>}]} {
    %get3A = arith.constant 0 : index
    %get3A_0 = arith.constant 0 : index
    %get3A_1 = vector.load %arg3[%get3A, %get3A_0] : memref<1024x1xbf16, #tpu.memory_space<vmem>>, vector<1024x1xbf16>
    %convert_element_type3A = arith.extf %get3A_1 : vector<1024x1xbf16> to vector<1024x1xf32>
    %sub3A = arith.constant 5.000000e+00 : f32
    %sub3A_2 = vector.broadcast %sub3A : f32 to vector<1024x1xf32>
    %sub3A_3 = arith.subf %convert_element_type3A, %sub3A_2 : vector<1024x1xf32>
    %get3A_4 = arith.constant 0 : index
    %get3A_5 = arith.constant 0 : index
    %get3A_6 = vector.load %arg1[%get3A_4, %get3A_5] : memref<1024x128xf32, #tpu.memory_space<vmem>>, vector<1024x128xf32>
    %get3A_7 = arith.constant 0 : index
    %get3A_8 = arith.constant 0 : index
    %get3A_9 = vector.load %arg2[%get3A_7, %get3A_8] : memref<1024x128xf32, #tpu.memory_space<vmem>>, vector<1024x128xf32>
    %mul3A = vector.broadcast %sub3A_3 : vector<1024x1xf32> to vector<1024x128xf32>
    %mul3A_10 = arith.mulf %mul3A, %get3A_9 : vector<1024x128xf32>
    %add3A = arith.addf %get3A_6, %mul3A_10 : vector<1024x128xf32>
    %convert_element_type3A_11 = arith.truncf %add3A : vector<1024x128xf32> to vector<1024x128xbf16>
    %broadcast_in_dim3A = vector.shape_cast %get3A_1 : vector<1024x1xbf16> to vector<1024x1xbf16>
    %broadcast_in_dim3A_12 = vector.broadcast %broadcast_in_dim3A : vector<1024x1xbf16> to vector<1024x128xbf16>
    %eq3A = arith.constant 0.000000e+00 : bf16
    %eq3A_13 = vector.broadcast %eq3A : bf16 to vector<1024x128xbf16>
    %eq3A_14 = arith.cmpf oeq, %broadcast_in_dim3A_12, %eq3A_13 : vector<1024x128xbf16>
    %jit3A = arith.constant 0.000000e+00 : bf16
    %broadcast_in_dim3A_15 = vector.broadcast %jit3A : bf16 to vector<1024x128xbf16>
    %select_n3A = arith.select %eq3A_14, %convert_element_type3A_11, %broadcast_in_dim3A_15 : vector<1024x128xi1>, vector<1024x128xbf16>
    %eq3A_16 = arith.constant 1.000000e+00 : bf16
    %eq3A_17 = vector.broadcast %eq3A_16 : bf16 to vector<1024x128xbf16>
    %eq3A_18 = arith.cmpf oeq, %broadcast_in_dim3A_12, %eq3A_17 : vector<1024x128xbf16>
    %jit3A_19 = arith.constant 0.000000e+00 : bf16
    %broadcast_in_dim3A_20 = vector.broadcast %jit3A_19 : bf16 to vector<1024x128xbf16>
    %select_n3A_21 = arith.select %eq3A_18, %convert_element_type3A_11, %broadcast_in_dim3A_20 : vector<1024x128xi1>, vector<1024x128xbf16>
    %eq3A_22 = arith.constant 2.000000e+00 : bf16
    %eq3A_23 = vector.broadcast %eq3A_22 : bf16 to vector<1024x128xbf16>
    %eq3A_24 = arith.cmpf oeq, %broadcast_in_dim3A_12, %eq3A_23 : vector<1024x128xbf16>
    %jit3A_25 = arith.constant 0.000000e+00 : bf16
    %broadcast_in_dim3A_26 = vector.broadcast %jit3A_25 : bf16 to vector<1024x128xbf16>
    %select_n3A_27 = arith.select %eq3A_24, %convert_element_type3A_11, %broadcast_in_dim3A_26 : vector<1024x128xi1>, vector<1024x128xbf16>
    %eq3A_28 = arith.constant 3.000000e+00 : bf16
    %eq3A_29 = vector.broadcast %eq3A_28 : bf16 to vector<1024x128xbf16>
    %eq3A_30 = arith.cmpf oeq, %broadcast_in_dim3A_12, %eq3A_29 : vector<1024x128xbf16>
    %jit3A_31 = arith.constant 0.000000e+00 : bf16
    %broadcast_in_dim3A_32 = vector.broadcast %jit3A_31 : bf16 to vector<1024x128xbf16>
    %select_n3A_33 = arith.select %eq3A_30, %convert_element_type3A_11, %broadcast_in_dim3A_32 : vector<1024x128xi1>, vector<1024x128xbf16>
    %eq3A_34 = arith.constant 4.000000e+00 : bf16
    %eq3A_35 = vector.broadcast %eq3A_34 : bf16 to vector<1024x128xbf16>
    %eq3A_36 = arith.cmpf oeq, %broadcast_in_dim3A_12, %eq3A_35 : vector<1024x128xbf16>
    %jit3A_37 = arith.constant 0.000000e+00 : bf16
    %broadcast_in_dim3A_38 = vector.broadcast %jit3A_37 : bf16 to vector<1024x128xbf16>
    %select_n3A_39 = arith.select %eq3A_36, %convert_element_type3A_11, %broadcast_in_dim3A_38 : vector<1024x128xi1>, vector<1024x128xbf16>
    %eq3A_40 = arith.constant 5.000000e+00 : bf16
    %eq3A_41 = vector.broadcast %eq3A_40 : bf16 to vector<1024x128xbf16>
    %eq3A_42 = arith.cmpf oeq, %broadcast_in_dim3A_12, %eq3A_41 : vector<1024x128xbf16>
    %jit3A_43 = arith.constant 0.000000e+00 : bf16
    %broadcast_in_dim3A_44 = vector.broadcast %jit3A_43 : bf16 to vector<1024x128xbf16>
    %select_n3A_45 = arith.select %eq3A_42, %convert_element_type3A_11, %broadcast_in_dim3A_44 : vector<1024x128xi1>, vector<1024x128xbf16>
    %iota3A = tpu.iota {dimensions = array<i32: 1>} : vector<1024x128xi32>
    %convert_element_type3A_46 = arith.sitofp %iota3A : vector<1024x128xi32> to vector<1024x128xbf16>
    %eq3A_47 = arith.cmpf oeq, %broadcast_in_dim3A_12, %convert_element_type3A_46 : vector<1024x128xbf16>
    %convert_element_type3A_48 = arith.extui %eq3A_47 : vector<1024x128xi1> to vector<1024x128xi32>
    %convert_element_type3A_49 = arith.sitofp %convert_element_type3A_48 : vector<1024x128xi32> to vector<1024x128xf32>
    %convert_element_type3A_50 = arith.truncf %convert_element_type3A_49 : vector<1024x128xf32> to vector<1024x128xbf16>
    %concatenate3A = tpu.concatenate %select_n3A, %select_n3A_21, %select_n3A_27, %select_n3A_33, %select_n3A_39, %select_n3A_45, %convert_element_type3A_50 in 1 : vector<1024x128xbf16>, vector<1024x128xbf16>, vector<1024x128xbf16>, vector<1024x128xbf16>, vector<1024x128xbf16>, vector<1024x128xbf16>, vector<1024x128xbf16> -> vector<1024x896xbf16>
    %get3A_51 = arith.constant 0 : index
    %get3A_52 = arith.constant 0 : index
    %get3A_53 = vector.load %arg4[%get3A_51, %get3A_52] : memref<896x128xbf16, #tpu.memory_space<vmem>>, vector<896x128xbf16>
    %dot_general3A = arith.constant dense<0.000000e+00> : vector<1024x128xf32>
    %dot_general3A_54 = tpu.matmul %concatenate3A, %get3A_53, %dot_general3A {dimension_numbers = #tpu.dot_dimension_numbers<[1], [0], [0], [1], [0, 0, 1, 1], [], []>, transpose_lhs_hint = false} : vector<1024x896xbf16>, vector<896x128xbf16>, vector<1024x128xf32> -> vector<1024x128xf32>
    %max3A = arith.constant 0.000000e+00 : f32
    %max3A_55 = vector.broadcast %max3A : f32 to vector<1024x128xf32>
    %max3A_56 = arith.maximumf %dot_general3A_54, %max3A_55 : vector<1024x128xf32>
    %swap3A = arith.constant 0 : index
    %swap3A_57 = arith.constant 0 : index
    %swap3A_58 = vector.load %arg5[%swap3A, %swap3A_57] : memref<1024x128xf32, #tpu.memory_space<vmem>>, vector<1024x128xf32>
    tpu.vector_store %arg5[%swap3A, %swap3A_57], %max3A_56 {strides = array<i32>} : memref<1024x128xf32, #tpu.memory_space<vmem>>, vector<1024x128xf32>,
    return
  }
  func.func @transform_0(%arg0: i32) -> (i32, i32) {
    %c0_i32 = arith.constant 0 : i32
    %c0_i32_0 = arith.constant 0 : i32
    return %arg0, %c0_i32 : i32, i32
  }
  func.func @transform_1(%arg0: i32) -> (i32, i32) {
    %add3A = arith.constant 0 : i32
    %add3A_0 = arith.addi %add3A, %arg0 : i32
    %c0_i32 = arith.constant 0 : i32
    %c0_i32_1 = arith.constant 0 : i32
    return %add3A_0, %c0_i32 : i32, i32
  }
  func.func @transform_2(%arg0: i32) -> (i32, i32) {
    %add3A = arith.constant 0 : i32
    %add3A_0 = arith.addi %add3A, %arg0 : i32
    %c0_i32 = arith.constant 0 : i32
    %c0_i32_1 = arith.constant 0 : i32
    return %add3A_0, %c0_i32 : i32, i32
  }
  func.func @transform_3(%arg0: i32) -> (i32, i32) {
    %c0_i32 = arith.constant 0 : i32
    %c0_i32_0 = arith.constant 0 : i32
    %c0_i32_1 = arith.constant 0 : i32
    return %c0_i32, %c0_i32_0 : i32, i32
  }
  func.func @transform_4(%arg0: i32) -> (i32, i32) {
    %add3A = arith.constant 0 : i32
    %add3A_0 = arith.addi %add3A, %arg0 : i32
    %c0_i32 = arith.constant 0 : i32
    %c0_i32_1 = arith.constant 0 : i32
    return %add3A_0, %c0_i32 : i32, i32
  }
}

</mosaic_0001>

<sc_bundles>
// kernel: kernel.4.cloned.1.call-start
scs
__scs_entry_jumppad:
0x0: {  	(pc) =	sbr.rel $0x88, $3  }
0x1: {  	(tag) =	ssettag $0x0;
	lr =	simm.s32 $0x1  }
0x2: {  	[smem:$0x3F9D] =	sst lr;
	_ =	strace $0xD0000000  }
0x3: {  	_ = 	snop  }
0x4: {  	_ = 	snop  }
0x5: {  	_ = 	snop  }
0x6: {  	_ = 	snop  }
0x7: {  	_ = 	snop  }
__scs_overlays_trampoline_lowered:
0x8: {  	[smem:$0x3FAC] =	sst s0  }
0x9: {  	[smem:$0x3FAD] =	sst s1  }
0xa: {  	[smem:$0x3FAE] =	sst s2  }
0xb: {  	[smem:$0x3FAF] =	sst s3  }
0xc: {  	[smem:$0x3FB0] =	sst s4  }
0xd: {  	[smem:$0x3FB1] =	sst s5  }
0xe: {  	[smem:$0x3FB2] =	sst s6  }
0xf: {  	[smem:$0x3FB3] =	sst s7  }
0x10: {  	[smem:$0x3FB4] =	sst s8  }
0x11: {  	[smem:$0x3FB5] =	sst s9;
	s0 =	simm.s32 @!p0 $0x0  }
0x12: {  	s1 =	sld [smem:$0x3F9B];
	s0 =	simm.s32 @p0 $0x1  }
0x13: {  	[smem:$0x3FB6] =	sst s0;
	s0 =	simm.s32 @!p1 $0x0  }
0x14: {  	s2 =	sld [smem:$0x3F9A];
	s0 =	simm.s32 @p1 $0x1  }
0x15: {  	[smem:$0x3FB7] =	sst s0;
	s0 =	simm.s32 @!p2 $0x0  }
0x16: {  	s3 =	sld [smem:$0x3FDB];
	s0 =	simm.s32 @p2 $0x1  }
0x17: {  	s4 =	simm.s32 $0x1BF5;
	[smem:$0x3FB9] =	sst s0  }
0x18: {  	s0 =	sld [smem:$0x3F9C];
	_ =	swait.ge [sflag:s4], $0x0  }
0x19: {  	s7 =	sld [smem:$0x3F9D]  }
0x1a: {  	s8 =	sadd.s32 $0xFFFFE003, lr  }
0x1b: {  	s9 =	sadd.s32 $0xFFFFFEF7, lr;
	s5 =	simm.s32 $0xFFFFFFFF;
	p2 =	slt.u32 s8, $0xFFFFF086  }
0x1c: {  	p1 =	slt.u32 s9, $0xF7A;
	s5 =	simm.s32 @!p2 $0x0  }
0x1d: {  	s5 =	simm.s32 @p1 $0x1;
	p0 =	seq.s32 s7, s2  }
0x1e: {  	s7 =	smul.u32 @!p0 $0xF7A, s2;
	p2 =	seq.s32 @!p0 s5, $0x0  }
0x1f: {  	s9 =	smul.u32 $0xF7A, s1;
	s8 =	simm.s32 @!p0 $0x1BF5;
	p2 =	por !p2, p0  }
0x20: {  	[sflag:s8] =	ssyncset.s32 @!p0 $0xFFFFF086;
	s6 =	sadd.s32 @!p0 s3, s7;
	s7 =	simm.s32 @!p0 $0x108  }
0x21: {  	s3 =	sadd.s32 s3, s9;
	s6 =	sadd.s32 @!p0 $0x88, s6;
	s7 =	simm.s32 @p2 $0x1082  }
0x22: {  	[simem:s7], [sflag:s8] =	dma.local @!p0 [hbm:s6], $0xF7A  }
0x23: {  	s9 =	sor.u32 $0xD0000000, s2;
	s6 =	simm.s32 $0x108;
	_ =	swait.ge @!p0 [sflag:s8], $0x0  }
0x24: {  	s3 =	sadd.s32 $0x88, s3;
	s6 =	simm.s32 @!p1 $0x1082;
	[sflag:s4] =	ssyncset.s32 $0xFFFFF086  }
0x25: {  	[simem:s6], [sflag:s4] =	dma.local [hbm:s3], $0xF7A  }
0x26: {  	[smem:$0x3F9D] =	sst s1;
	(tag) =	ssettag s2;
	_ =	strace s9  }
0x27: {  	s1 =	sld [smem:$0x3FAD]  }
0x28: {  	s2 =	sld [smem:$0x3FAE]  }
0x29: {  	s4 =	sld [smem:$0x3FB0]  }
0x2a: {  	p0 =	seq.s32 s5, $0x0;
	s5 =	sld [smem:$0x3FB1]  }
0x2b: {  	s6 =	sld [smem:$0x3FB2]  }
0x2c: {  	s7 =	sld [smem:$0x3FB3]  }
0x2d: {  	s3 =	simm.s32 $0x108;
	s8 =	sld [smem:$0x3FB4]  }
0x2e: {  	s3 =	simm.s32 @!p0 $0x1082;
	s9 =	sld [smem:$0x3FB5]  }
0x2f: {  	lr =	sadd.s32 s0, s3;
	s0 =	sld [smem:$0x3FAC]  }
0x30: {  	s3 =	sld [smem:$0x3FAF]  }
0x31: {  	[smem:$0x3FB8] =	sst s10  }
0x32: {  	s10 =	sld [smem:$0x3FB6];
	_ =	sdelay $0x3  }
0x33: {  	p0 =	seq.s32 s10, $0x1;
	s10 =	sld [smem:$0x3FB8];
	_ =	sdelay $0x3  }
0x34: {  	[smem:$0x3FB8] =	sst s10  }
0x35: {  	s10 =	sld [smem:$0x3FB7];
	_ =	sdelay $0x3  }
0x36: {  	p1 =	seq.s32 s10, $0x1;
	s10 =	sld [smem:$0x3FB8];
	_ =	sdelay $0x3  }
0x37: {  	[smem:$0x3FB8] =	sst s10  }
0x38: {  	s10 =	sld [smem:$0x3FB9]  }
0x39: {  	_ = 	snop;
	(pc) =	sbr.ind lr, $3  }
0x3a: {  	_ = 	snop  }
0x3b: {  	_ = 	snop  }
0x3c: {  	p2 =	seq.s32 s10, $0x1;
	s10 =	sld [smem:$0x3FB8]  }
0x3d: {  	_ =	shalt  }
0x3e: {  	_ =	shalt  }
0x3f: {  	_ =	shalt  }
0x40: {  	_ =	shalt  }
0x41: {  	_ =	shalt  }
0x42: {  	_ =	shalt  }
0x43: {  	_ =	shalt  }
0x44: {  	_ =	shalt  }
0x45: {  	_ =	shalt  }
0x46: {  	_ =	shalt  }
0x47: {  	_ =	shalt  }
0x48: {  	_ =	shalt  }
0x49: {  	_ =	shalt  }
0x4a: {  	_ =	shalt  }
0x4b: {  	_ =	shalt  }
0x4c: {  	_ =	shalt  }
0x4d: {  	_ =	shalt  }
0x4e: {  	_ =	shalt  }
0x4f: {  	_ =	shalt  }
0x50: {  	_ =	shalt  }
0x51: {  	_ =	shalt  }
0x52: {  	_ =	shalt  }
0x53: {  	_ =	shalt  }
0x54: {  	_ =	shalt  }
0x55: {  	_ =	shalt  }
0x56: {  	_ =	shalt  }
0x57: {  	_ =	shalt  }
0x58: {  	_ =	shalt  }
0x59: {  	_ =	shalt  }
0x5a: {  	_ =	shalt  }
0x5b: {  	_ =	shalt  }
0x5c: {  	_ =	shalt  }
0x5d: {  	_ =	shalt  }
0x5e: {  	_ =	shalt  }
0x5f: {  	_ =	shalt  }
0x60: {  	_ =	shalt  }
0x61: {  	_ =	shalt  }
0x62: {  	_ =	shalt  }
0x63: {  	_ =	shalt  }
0x64: {  	_ =	shalt  }
0x65: {  	_ =	shalt  }
0x66: {  	_ =	shalt  }
0x67: {  	_ =	shalt  }
0x68: {  	_ =	shalt  }
0x69: {  	_ =	shalt  }
0x6a: {  	_ =	shalt  }
0x6b: {  	_ =	shalt  }
0x6c: {  	_ =	shalt  }
0x6d: {  	_ =	shalt  }
0x6e: {  	_ =	shalt  }
0x6f: {  	_ =	shalt  }
0x70: {  	_ =	shalt  }
0x71: {  	_ =	shalt  }
0x72: {  	_ =	shalt  }
0x73: {  	_ =	shalt  }
0x74: {  	_ =	shalt  }
0x75: {  	_ =	shalt  }
0x76: {  	_ =	shalt  }
0x77: {  	_ =	shalt  }
0x78: {  	_ =	shalt  }
0x79: {  	_ =	shalt  }
0x7a: {  	_ =	shalt  }
0x7b: {  	_ =	shalt  }
0x7c: {  	_ =	shalt  }
0x7d: {  	_ =	shalt  }
0x7e: {  	_ =	shalt  }
0x7f: {  	_ =	shalt  }
0x80: {  	_ =	shalt  }
0x81: {  	_ =	shalt  }
0x82: {  	_ =	shalt  }
0x83: {  	_ =	shalt  }
0x84: {  	_ =	shalt  }
0x85: {  	_ =	shalt  }
0x86: {  	_ =	shalt  }
0x87: {  	_ =	shalt  }
.Lfunc_end0:
.L_simem_size_0:
called_computation_lowered:
.L_overlay_start_0:
0x88: {  	s2 =	sld [smem:$0x3FD9]  }
0x89: {  	s3 =	sld [smem:$0x3FFE];
	_ =	sdelay $0x1  }
0x8a: {  	s1 =	srdreg.scid  }
0x8b: {  	s0 =	sand.u32 $0x1, s1  }
0x8c: {  	s17 =	sshll.u32 s0, $0xA;
	s2 =	sadd.s32 s3, s2  }
0x8d: {  	s2 =	sadd.s32 s2, s17  }
0x8e: {  	[smem:$0x3FC4] =	sst s2  }
0x8f: {  	_ = 	snop  }
0x90: {  	s2 =	sld [smem:$0x3FC9]  }
0x91: {  	s18 =	sld [smem:$0x3FD0];
	(tm) =	ssettm $0x1  }
0x92: {  	s4 =	sld [smem:$0x3FFB];
	_ =	sdelay $0x3  }
0x93: {  	_ =	strace s4  }
0x94: {  	s4 =	sld [smem:$0x3FFC];
	_ =	sdelay $0x3  }
0x95: {  	_ =	strace s4  }
0x96: {  	s4 =	sld [smem:$0x3FFD];
	_ =	sdelay $0x3  }
0x97: {  	_ =	strace s4  }
0x98: {  	_ =	strace $0x8FFFFFFF  }
0x99: {  	s19 =	sld [smem:$0x3FDB];
	_ =	sdelay $0x1  }
0x9a: {  	s5 =	simm.s32 $_scs_section_size  }
0x9b: {  	s6 =	simm.s32 $_size__tile_overlayer_lowered;
	s7 =	simm.s32 $_tile_overlayer_lowered  }
0x9c: {  	s22 =	simm.s32 $0x1BFF;
	s21 =	sshll.u32 s7, $0x1;
	s4 =	sadd.s32 s5, s19  }
0x9d: {  	s8 =	simm.s32 $0x0;
	s20 =	sshll.u32 s6, $0x1;
	s6 =	sadd.s32 s21, s4  }
0x9e: {  	[timem:s8], [sflag:s22] =	dma.local [hbm:s6], s20  }
0x9f: {  	_ =	swait.ge [sflag:s22], s20  }
0xa0: {  	s5 =	ssub.s32 $0x0, s20;
	[sflag:s22] =	ssyncset.done $0x0  }
0xa1: {  	[sflag:s22] =	ssyncadd.s32 s5;
	_ =	sdelay $0x1  }
0xa2: {  	s23 =	simm.s32 $0x1B8B  }
0xa3: {  	_ =	swait.ge [sflag:s23], $0x1  }
0xa4: {  	[sflag:s23] =	ssyncset.done $0x0  }
0xa5: {  	s25 =	simm.s32 $0x1B8E;
	s24 =	sld [smem:$0x3FFE];
	[sflag:s23] =	ssyncadd.s32 $0xFFFFFFFF  }
0xa6: {  	s26 =	simm.s32 $execute0_lowered;
	[smem:$0x3FD2] =	sst s25  }
0xa7: {  	s6 =	sshll.u32 s26, $0x1;
	_ =	strace $0x80000046;
	[dreg:$0x1] =	wrdreg $0xFFFFFFFF  }
0xa8: {  	s28 =	simm.s32 $_size_execute0_lowered;
	s4 =	sadd.s32 s4, s6;
	[dreg:$0x0] =	wrdreg $0x0  }
0xa9: {  	s6 =	sshll.u32 s28, $0x1;
	[dreg:$0x2] =	wrdreg s4  }
0xaa: {  	[dreg:$0x3] =	wrdreg s6  }
0xab: {  	[dreg:$0x4] =	wrdreg $0xC0  }
0xac: {  	_ =	task [dreg:s8], $0x5FFFF  }
0xad: {  	[dreg:$0x1] =	wrdreg $0xFFFFFFFF  }
0xae: {  	[dreg:$0x0] =	wrdreg $0x60  }
0xaf: {  	[dreg:$0x2] =	wrdreg s2  }
0xb0: {  	[dreg:$0x3] =	wrdreg s18  }
0xb1: {  	[dreg:$0x4] =	wrdreg s24  }
0xb2: {  	[dreg:$0x5] =	wrdreg $0x9  }
0xb3: {  	_ =	task.clear_ibuf [dreg:s8], $0x6FFFF;
	_ =	strace $0x90000046  }
0xb4: {  	s29 =	simm.s32 $0x9;
	_ =	strace $0x8000004D  }
0xb5: {  	_ =	swait.ge [sflag:s29], $0x1  }
0xb6: {  	[sflag:s29] =	ssyncadd.s32 $0xFFFFFFFF  }
0xb7: {  	_ =	strace $0x9000004D  }
0xb8: {  	_ =	sfence  }
0xb9: {  	s30 =	sld [smem:$0x0];
	_ =	sdelay $0x2  }
0xba: {  	s31 =	sshll.u32 s1, $0xD;
	s1 =	sshrl.u32 s1, $0x2  }
0xbb: {  	s3 =	sand.u32 $0x4000, s31;
	s1 =	sadd.s32 s1, s30  }
0xbc: {  	s0 =	sor.u32 s3, s0;
	s1 =	sshll.u32 s1, $0x11  }
0xbd: {  	s0 =	sor.u32 s1, s0  }
0xbe: {  	s0 =	sadd.s32 $0x8F2B, s0  }
0xbf: {  	[sflag:s0] =	ssyncadd.remote.s32 $0x1  }
0xc0: {  	_ =	sfence.sel $0xFFFF  }
0xc1: {  	[dreg:$0x0] =	wrdreg $0xFFFFFFFF;
	(pc) =	sbr.abs _section_cstart, $3  }
0xc2: {  	[dreg:$0x1] =	wrdreg $0xFFFFFFFF  }
0xc3: {  	_ =	task.clear_ibuf [dreg:s8], $0x2FFFF;
	_ =	strace $0x9FFFFFFF  }
0xc4: {  	(tm) =	ssettm $0x7FFFFFFF  }
0xc5: {  	_ =	shalt  }
tec
execute0_lowered:
.L_overlay_start_1:
0x0: {  	(tag) =	ssettag $0x1  }
0x1: {  	s1 =	rddreg [dreg:$0x0]  }
0x2: {  	s0 =	rddreg [dreg:$0x1]  }
0x3: {  	s2 =	srdreg.scid;
	s8 =	stileid.u32  }
0x4: {  	s5 =	rddreg [dreg:$0x2];
	s3 =	simm.s32 $0x0;
	s13 =	simm.s32 $0x60  }
0x5: {  	s15 =	simm.s32 $0xAF00;
	s18 =	simm.s32 $0x6460;
	s17 =	simm.s32 $0xDF00  }
0x6: {  	s19 =	simm.s32 $0x10F00;
	s21 =	simm.s32 $0x13F00;
	s22 =	simm.s32 $0x1  }
0x7: {  	s23 =	simm.s32 $0x16F00;
	s24 =	simm.s32 $0x2;
	s28 =	simm.s32 $0x3  }
0x8: {  	s29 =	simm.s32 $0x7;
	s30 =	simm.s32 $0x17F00;
	s31 =	simm.s32 $0x4  }
0x9: {  	s2 =	sand.u32 $0x1, s2;
	s4 =	sshll.u32 s8, $0x1;
	s10 =	smul.u32 $0x1900, s8  }
0xa: {  	[smem:$0x7FF] =	sst s3;
	s4 =	sor.u32 s2, s4;
	s25 =	smul.u32 $0xC80, s2  }
0xb: {  	s5 =	sadd.s32 $0x600, s5;
	s6 =	ssub.s32 $0x2, s2;
	s9 =	smul.u32 $0xC80, s4  }
0xc: {  	_ =	strace $0x80000047;
	s7 =	sshrl.u32 s6, $0x1;
	s4 =	smul.u32 $0x64000, s4  }
.Ltmp0:
0xd: {  	s2 =	simm.s32 $0x8;
	s6 =	ssub.s32 s6, s7;
	(pc) =	sbr.rel .LBB2_1-.Ltmp0, $4  }
0xe: {  	s11 =	sadd.s32 s25, s10;
	s25 =	simm.s32 $0x6;
	s10 =	simm.s32 $0x0  }
0xf: {  	s0 =	sadd.s32 s0, s9;
	s7 =	sor.u32 $0x10, s9;
	s8 =	sor.u32 $0x20, s9  }
0x10: {  	s9 =	sor.u32 $0x30, s9;
	s26 =	smax.u32 s6, $0x1;
	[dreg:$0x4] =	wrdreg s0  }
0x11: {  	v0 =	vlaneseq.u32;
	[dreg:$0x5] =	wrdreg s26;
	s26 =	simm.s32 $0x17700;
	s0 =	simm.s32 $0x18700  }
.LBB2_26:
0x12: {  	_ =	strace $0x9000004B  }
0x13: {  	s6 =	simm.s32 $0x5;
	_ =	strace $0x8000004C  }
0x14: {  	_ =	swait.ge [sflag:s6], $0x800  }
0x15: {  	[sflag:s6] =	ssyncset.done $0x0  }
0x16: {  	[sflag:s6] =	ssyncadd.s32 $0xFFFFF800  }
0x17: {  	_ =	swait.ge [sflag:s25], $0x800  }
0x18: {  	[sflag:s25] =	ssyncset.done $0x0  }
0x19: {  	[sflag:s25] =	ssyncadd.s32 $0xFFFFF800  }
0x1a: {  	_ =	swait.ge [sflag:s29], $0x800  }
0x1b: {  	[sflag:s29] =	ssyncset.done $0x0  }
0x1c: {  	[sflag:s29] =	ssyncadd.s32 $0xFFFFF800  }
0x1d: {  	_ =	swait.ge [sflag:s2], $0x800  }
0x1e: {  	s10 =	rddreg [dreg:$0x6]  }
0x1f: {  	s20 =	rddreg [dreg:$0x5];
	s10 =	sadd.s32 $0x1, s10  }
0x20: {  	p0 =	sne.s32 s10, s20  }
.Ltmp1:
0x21: {  	_ = 	snop;
	(pc) =	sbr.rel @!p0 .LBB2_27-.Ltmp1, $4  }
0x22: {  	_ = 	snop  }
0x23: {  	[sflag:s2] =	ssyncset.done $0x0  }
0x24: {  	[sflag:s2] =	ssyncadd.s32 $0xFFFFF800  }
0x25: {  	_ =	strace $0x9000004C  }
.LBB2_1:
0x26: {  	[dreg:$0x6] =	wrdreg s10  }
0x27: {  	_ =	strace $0x80000048  }
0x28: {  	s10 =	simm.s32 $0x9;
	s6 =	rddreg [dreg:$0x4]  }
0x29: {  	[tilespmem:s3], [sflag:$0x9] =	stream.linear.gather [hbm4b:s6+s3], $0x6400, $0x200038;
	[tilespmem:$0x18F00] =	vst v63  }
0x2a: {  	_ =	swait.ge [sflag:s10], $0x6400  }
0x2b: {  	[sflag:s10] =	ssyncset.done $0x0  }
0x2c: {  	[sflag:s10] =	ssyncadd.s32 $0xFFFF9C00  }
0x2d: {  	s12 =	sand.u32 $0x60, s3;
	s14 =	sand.u32 $0x7C00, s3;
	_ =	strace $0x90000048  }
0x2e: {  	s6 =	sor.u32 s12, s14;
	_ =	strace $0x80000049  }
0x2f: {  	v1 =	vld [tilespmem:s6+$0x0];
	_ =	sdelay $0x3  }
0x30: {  	s12 =	sadd.s32 $0x0, s11  }
0x31: {  	v2 =	vor.u32 s12, v0;
	vm0 =	vlt.s32 v1, $0x0  }
0x32: {  	v1 =	vsel vm0, v2, v1  }
0x33: {  	[tilespmem:s18+$0xFFFFFFA0] =	vst v1  }
0x34: {  	v1 =	vld [tilespmem:s6+$0x80];
	_ =	sdelay $0x4  }
0x35: {  	vm0 =	vlt.s32 v1, $0x0  }
0x36: {  	v1 =	vsel vm0, v2, v1  }
0x37: {  	[tilespmem:s18+$0xFFFFFFB0] =	vst v1  }
0x38: {  	v1 =	vld [tilespmem:s6+$0x100];
	_ =	sdelay $0x4  }
0x39: {  	vm0 =	vlt.s32 v1, $0x0  }
0x3a: {  	v1 =	vsel vm0, v2, v1  }
0x3b: {  	[tilespmem:s18+$0xFFFFFFC0] =	vst v1  }
0x3c: {  	v1 =	vld [tilespmem:s6+$0x180];
	_ =	sdelay $0x4  }
0x3d: {  	vm0 =	vlt.s32 v1, $0x0  }
0x3e: {  	v1 =	vsel vm0, v2, v1  }
0x3f: {  	[tilespmem:s18+$0xFFFFFFD0] =	vst v1  }
0x40: {  	v1 =	vld [tilespmem:s6+$0x200];
	_ =	sdelay $0x4  }
0x41: {  	vm0 =	vlt.s32 v1, $0x0  }
0x42: {  	v1 =	vsel vm0, v2, v1  }
0x43: {  	[tilespmem:s18+$0xFFFFFFE0] =	vst v1  }
0x44: {  	v1 =	vld [tilespmem:s6+$0x280];
	_ =	sdelay $0x4  }
0x45: {  	s16 =	simm.s32 $0x10;
	vm0 =	vlt.s32 v1, $0x0  }
0x46: {  	s6 =	sand.u32 $0x70, s16;
	v1 =	vsel vm0, v2, v1  }
0x47: {  	s6 =	sor.u32 s6, s14;
	[tilespmem:s18+$0xFFFFFFF0] =	vst v1  }
0x48: {  	v2 =	vld [tilespmem:s6+$0x0];
	_ =	sdelay $0x3  }
0x49: {  	s20 =	sadd.s32 $0x10, s12  }
0x4a: {  	v1 =	vor.u32 s20, v0;
	vm0 =	vlt.s32 v2, $0x0  }
0x4b: {  	v2 =	vsel vm0, v1, v2  }
0x4c: {  	[tilespmem:s18+$0x0] =	vst v2  }
0x4d: {  	v2 =	vld [tilespmem:s6+$0x80];
	_ =	sdelay $0x4  }
0x4e: {  	vm0 =	vlt.s32 v2, $0x0  }
0x4f: {  	v2 =	vsel vm0, v1, v2  }
0x50: {  	[tilespmem:s18+$0x10] =	vst v2  }
0x51: {  	v2 =	vld [tilespmem:s6+$0x100];
	_ =	sdelay $0x4  }
0x52: {  	vm0 =	vlt.s32 v2, $0x0  }
0x53: {  	v2 =	vsel vm0, v1, v2  }
0x54: {  	[tilespmem:s18+$0x20] =	vst v2  }
0x55: {  	v2 =	vld [tilespmem:s6+$0x180];
	_ =	sdelay $0x4  }
0x56: {  	vm0 =	vlt.s32 v2, $0x0  }
0x57: {  	v2 =	vsel vm0, v1, v2  }
0x58: {  	[tilespmem:s18+$0x30] =	vst v2  }
0x59: {  	v2 =	vld [tilespmem:s6+$0x200];
	_ =	sdelay $0x4  }
0x5a: {  	vm0 =	vlt.s32 v2, $0x0  }
0x5b: {  	v2 =	vsel vm0, v1, v2  }
0x5c: {  	[tilespmem:s18+$0x40] =	vst v2  }
0x5d: {  	v2 =	vld [tilespmem:s6+$0x280];
	_ =	sdelay $0x3  }
0x5e: {  	s12 =	simm.s32 $0x20  }
0x5f: {  	s10 =	simm.s32 $0x6460;
	s14 =	simm.s32 $0x100;
	s6 =	simm.s32 $0x0;
	vm0 =	vlt.s32 v2, $0x0  }
.LBB2_2:
0x60: {  	s16 =	sand.u32 $0x60, s12;
	s20 =	sand.u32 $0x7C00, s14;
	s6 =	sadd.s32 $0x2, s6;
	v1 =	vsel vm0, v1, v2  }
0x61: {  	s18 =	sor.u32 s16, s20;
	p0 =	slt.u32 s6, $0xC6;
	[tilespmem:s10+$0x50] =	vst v1  }
0x62: {  	v1 =	vld [tilespmem:s18+$0x0];
	_ =	sdelay $0x3  }
0x63: {  	s16 =	sadd.s32 s12, s11  }
0x64: {  	v2 =	vor.u32 s16, v0;
	vm0 =	vlt.s32 v1, $0x0  }
0x65: {  	s10 =	sadd.s32 $0xC0, s10;
	v1 =	vsel vm0, v2, v1  }
0x66: {  	[tilespmem:s10+$0xFFFFFFA0] =	vst v1  }
0x67: {  	v1 =	vld [tilespmem:s18+$0x80];
	_ =	sdelay $0x4  }
0x68: {  	vm0 =	vlt.s32 v1, $0x0  }
0x69: {  	v1 =	vsel vm0, v2, v1  }
0x6a: {  	[tilespmem:s10+$0xFFFFFFB0] =	vst v1  }
0x6b: {  	v1 =	vld [tilespmem:s18+$0x100];
	_ =	sdelay $0x4  }
0x6c: {  	vm0 =	vlt.s32 v1, $0x0  }
0x6d: {  	v1 =	vsel vm0, v2, v1  }
0x6e: {  	[tilespmem:s10+$0xFFFFFFC0] =	vst v1  }
0x6f: {  	v1 =	vld [tilespmem:s18+$0x180];
	_ =	sdelay $0x4  }
0x70: {  	vm0 =	vlt.s32 v1, $0x0  }
0x71: {  	v1 =	vsel vm0, v2, v1  }
0x72: {  	[tilespmem:s10+$0xFFFFFFD0] =	vst v1  }
0x73: {  	v1 =	vld [tilespmem:s18+$0x200];
	_ =	sdelay $0x4  }
0x74: {  	vm0 =	vlt.s32 v1, $0x0  }
0x75: {  	v1 =	vsel vm0, v2, v1  }
0x76: {  	[tilespmem:s10+$0xFFFFFFE0] =	vst v1  }
0x77: {  	v1 =	vld [tilespmem:s18+$0x280];
	_ =	sdelay $0x4  }
0x78: {  	s18 =	sadd.s32 $0x10, s12;
	vm0 =	vlt.s32 v1, $0x0  }
0x79: {  	s18 =	sand.u32 $0x70, s18;
	v1 =	vsel vm0, v2, v1  }
0x7a: {  	s18 =	sor.u32 s18, s20;
	[tilespmem:s10+$0xFFFFFFF0] =	vst v1  }
0x7b: {  	v2 =	vld [tilespmem:s18+$0x0];
	_ =	sdelay $0x3  }
0x7c: {  	s16 =	sadd.s32 $0x10, s16  }
0x7d: {  	v1 =	vor.u32 s16, v0;
	vm0 =	vlt.s32 v2, $0x0  }
0x7e: {  	v2 =	vsel vm0, v1, v2  }
0x7f: {  	[tilespmem:s10+$0x0] =	vst v2  }
0x80: {  	v2 =	vld [tilespmem:s18+$0x80];
	_ =	sdelay $0x4  }
0x81: {  	vm0 =	vlt.s32 v2, $0x0  }
0x82: {  	v2 =	vsel vm0, v1, v2  }
0x83: {  	[tilespmem:s10+$0x10] =	vst v2  }
0x84: {  	v2 =	vld [tilespmem:s18+$0x100];
	_ =	sdelay $0x4  }
0x85: {  	vm0 =	vlt.s32 v2, $0x0  }
0x86: {  	v2 =	vsel vm0, v1, v2  }
0x87: {  	[tilespmem:s10+$0x20] =	vst v2  }
0x88: {  	v2 =	vld [tilespmem:s18+$0x180];
	_ =	sdelay $0x4  }
0x89: {  	vm0 =	vlt.s32 v2, $0x0  }
0x8a: {  	v2 =	vsel vm0, v1, v2  }
0x8b: {  	[tilespmem:s10+$0x30] =	vst v2  }
0x8c: {  	v2 =	vld [tilespmem:s18+$0x200];
	_ =	sdelay $0x4  }
0x8d: {  	vm0 =	vlt.s32 v2, $0x0  }
0x8e: {  	v2 =	vsel vm0, v1, v2  }
0x8f: {  	[tilespmem:s10+$0x40] =	vst v2  }
0x90: {  	v2 =	vld [tilespmem:s18+$0x280]  }
.Ltmp2:
0x91: {  	(pc) =	sbr.rel @p0 .LBB2_2-.Ltmp2, $2  }
0x92: {  	_ =	sdelay $0x2  }
0x93: {  	s14 =	sadd.s32 $0x100, s14;
	s12 =	sadd.s32 $0x20, s12;
	vm0 =	vlt.s32 v2, $0x0  }
0x94: {  	v1 =	vsel vm0, v1, v2  }
0x95: {  	[tilespmem:s10+$0x50] =	vst v1  }
0x96: {  	_ =	strace $0x90000049  }
0x97: {  	s6 =	simm.s32 $0x6400;
	_ =	strace $0x8000004A  }
0x98: {  	[tilespmem:s15], [sflag:$0x1] =	stream.indirect.gather [hbm4b:s1+s13], $0x80, s6, s13, $0x2000b8;
	[tilespmem:$0x18F00] =	vst v63  }
0x99: {  	s18 =	simm.s32 $0x6460  }
0x9a: {  	[tilespmem:s17], [sflag:$0x2] =	stream.indirect.gather [hbm4b:s1+s13], $0x80, s18, s13, $0x2000b8;
	[tilespmem:$0x18F00] =	vst v63  }
0x9b: {  	s16 =	simm.s32 $0x64C0  }
0x9c: {  	[tilespmem:s19], [sflag:$0x3] =	stream.indirect.gather [hbm4b:s1+s13], $0x80, s16, s13, $0x2000b8;
	[tilespmem:$0x18F00] =	vst v63  }
0x9d: {  	s20 =	simm.s32 $0x6520  }
0x9e: {  	[tilespmem:s21], [sflag:$0x4] =	stream.indirect.gather [hbm4b:s1+s13], $0x80, s20, s13, $0x2000b8;
	[tilespmem:$0x18F00] =	vst v63  }
0x9f: {  	_ =	strace $0x9000004A  }
0xa0: {  	s20 =	simm.s32 $0x0;
	_ =	strace $0x8000004B  }
.LBB2_4:
0xa1: {  	_ =	swait.ge [sflag:s22], $0x3000  }
0xa2: {  	p0 =	seq.s32 s20, $0x0;
	[sflag:s22] =	ssyncset.done $0x0  }
0xa3: {  	s6 =	simm.s32 @!p0 $0x5;
	[sflag:s22] =	ssyncadd.s32 $0xFFFFD000  }
0xa4: {  	_ =	swait.ge @!p0 [sflag:s6], $0x800  }
0xa5: {  	s10 =	simm.s32 $0xC700;
	[sflag:s6] =	ssyncset.done @!p0 $0x0  }
0xa6: {  	s12 =	simm.s32 $0x16F80;
	[sflag:s6] =	ssyncadd.s32 @!p0 $0xFFFFF800;
	s6 =	simm.s32 $0xFFFFFFFE  }
.LBB2_5:
0xa7: {  	v1 =	vld [tilespmem:s10+$0xFFFFF800]  }
0xa8: {  	v2 =	vld [tilespmem:s10+$0x0]  }
0xa9: {  	v3 =	vld [tilespmem:s10+$0x800]  }
0xaa: {  	v4 =	vld [tilespmem:s10+$0x1000]  }
0xab: {  	v5 =	vld [tilespmem:s10+$0xFFFFE800]  }
0xac: {  	v6 =	vld [tilespmem:s10+$0xFFFFF000];
	_ =	sdelay $0x2  }
0xad: {  	v1 =	vadd.f32 v2, v1;
	v2 =	vadd.f32 v4, v3;
	_ =	sdelay $0x1  }
0xae: {  	v3 =	vadd.f32 v6, v5;
	v1 =	vadd.f32 v2, v1;
	_ =	sdelay $0x1  }
0xaf: {  	v1 =	vadd.f32 v1, v3;
	_ =	sdelay $0x1  }
0xb0: {  	[tilespmem:s12+$0xFFFFFF80] =	vst v1  }
0xb1: {  	v1 =	vld [tilespmem:s10+$0xFFFFF810]  }
0xb2: {  	v2 =	vld [tilespmem:s10+$0x10]  }
0xb3: {  	v3 =	vld [tilespmem:s10+$0x810]  }
0xb4: {  	v19 =	vld [tilespmem:s10+$0x1010]  }
0xb5: {  	v20 =	vld [tilespmem:s10+$0xFFFFE810]  }
0xb6: {  	v21 =	vld [tilespmem:s10+$0xFFFFF010];
	_ =	sdelay $0x2  }
0xb7: {  	v1 =	vadd.f32 v2, v1;
	v2 =	vadd.f32 v19, v3;
	_ =	sdelay $0x1  }
0xb8: {  	v3 =	vadd.f32 v21, v20;
	v1 =	vadd.f32 v2, v1;
	_ =	sdelay $0x1  }
0xb9: {  	v1 =	vadd.f32 v1, v3;
	_ =	sdelay $0x1  }
0xba: {  	[tilespmem:s12+$0xFFFFFF90] =	vst v1  }
0xbb: {  	v1 =	vld [tilespmem:s10+$0xFFFFF820]  }
0xbc: {  	v2 =	vld [tilespmem:s10+$0x20]  }
0xbd: {  	v3 =	vld [tilespmem:s10+$0x820]  }
0xbe: {  	v22 =	vld [tilespmem:s10+$0x1020]  }
0xbf: {  	v23 =	vld [tilespmem:s10+$0xFFFFE820]  }
0xc0: {  	v24 =	vld [tilespmem:s10+$0xFFFFF020];
	_ =	sdelay $0x2  }
0xc1: {  	v1 =	vadd.f32 v2, v1;
	v2 =	vadd.f32 v22, v3;
	_ =	sdelay $0x1  }
0xc2: {  	v3 =	vadd.f32 v24, v23;
	v1 =	vadd.f32 v2, v1;
	_ =	sdelay $0x1  }
0xc3: {  	v1 =	vadd.f32 v1, v3;
	_ =	sdelay $0x1  }
0xc4: {  	[tilespmem:s12+$0xFFFFFFA0] =	vst v1  }
0xc5: {  	v1 =	vld [tilespmem:s10+$0xFFFFF830]  }
0xc6: {  	v2 =	vld [tilespmem:s10+$0x30]  }
0xc7: {  	v3 =	vld [tilespmem:s10+$0x830]  }
0xc8: {  	v25 =	vld [tilespmem:s10+$0x1030]  }
0xc9: {  	v26 =	vld [tilespmem:s10+$0xFFFFE830]  }
0xca: {  	v27 =	vld [tilespmem:s10+$0xFFFFF030];
	_ =	sdelay $0x2  }
0xcb: {  	v1 =	vadd.f32 v2, v1;
	v2 =	vadd.f32 v25, v3;
	_ =	sdelay $0x1  }
0xcc: {  	v3 =	vadd.f32 v27, v26;
	v1 =	vadd.f32 v2, v1;
	_ =	sdelay $0x1  }
0xcd: {  	v1 =	vadd.f32 v1, v3;
	_ =	sdelay $0x1  }
0xce: {  	[tilespmem:s12+$0xFFFFFFB0] =	vst v1  }
0xcf: {  	v1 =	vld [tilespmem:s10+$0xFFFFF840]  }
0xd0: {  	v2 =	vld [tilespmem:s10+$0x40]  }
0xd1: {  	v3 =	vld [tilespmem:s10+$0x840]  }
0xd2: {  	v28 =	vld [tilespmem:s10+$0x1040]  }
0xd3: {  	v29 =	vld [tilespmem:s10+$0xFFFFE840]  }
0xd4: {  	v30 =	vld [tilespmem:s10+$0xFFFFF040];
	_ =	sdelay $0x2  }
0xd5: {  	v1 =	vadd.f32 v2, v1;
	v2 =	vadd.f32 v28, v3;
	_ =	sdelay $0x1  }
0xd6: {  	v3 =	vadd.f32 v30, v29;
	v1 =	vadd.f32 v2, v1;
	_ =	sdelay $0x1  }
0xd7: {  	v1 =	vadd.f32 v1, v3;
	_ =	sdelay $0x1  }
0xd8: {  	[tilespmem:s12+$0xFFFFFFC0] =	vst v1  }
0xd9: {  	v1 =	vld [tilespmem:s10+$0xFFFFF850]  }
0xda: {  	v2 =	vld [tilespmem:s10+$0x50]  }
0xdb: {  	v3 =	vld [tilespmem:s10+$0x850]  }
0xdc: {  	v31 =	vld [tilespmem:s10+$0x1050]  }
0xdd: {  	v32 =	vld [tilespmem:s10+$0xFFFFE850]  }
0xde: {  	v33 =	vld [tilespmem:s10+$0xFFFFF050];
	_ =	sdelay $0x2  }
0xdf: {  	v1 =	vadd.f32 v2, v1;
	v2 =	vadd.f32 v31, v3;
	_ =	sdelay $0x1  }
0xe0: {  	v3 =	vadd.f32 v33, v32;
	v1 =	vadd.f32 v2, v1;
	_ =	sdelay $0x1  }
0xe1: {  	v1 =	vadd.f32 v1, v3;
	_ =	sdelay $0x1  }
0xe2: {  	[tilespmem:s12+$0xFFFFFFD0] =	vst v1  }
0xe3: {  	v1 =	vld [tilespmem:s10+$0xFFFFF860]  }
0xe4: {  	v2 =	vld [tilespmem:s10+$0x60]  }
0xe5: {  	v3 =	vld [tilespmem:s10+$0x860]  }
0xe6: {  	v34 =	vld [tilespmem:s10+$0x1060]  }
0xe7: {  	v35 =	vld [tilespmem:s10+$0xFFFFE860]  }
0xe8: {  	v36 =	vld [tilespmem:s10+$0xFFFFF060];
	_ =	sdelay $0x2  }
0xe9: {  	v1 =	vadd.f32 v2, v1;
	v2 =	vadd.f32 v34, v3;
	_ =	sdelay $0x1  }
0xea: {  	v3 =	vadd.f32 v36, v35;
	v1 =	vadd.f32 v2, v1;
	_ =	sdelay $0x1  }
0xeb: {  	v1 =	vadd.f32 v1, v3;
	_ =	sdelay $0x1  }
0xec: {  	[tilespmem:s12+$0xFFFFFFE0] =	vst v1  }
0xed: {  	v1 =	vld [tilespmem:s10+$0xFFFFF870]  }
0xee: {  	v2 =	vld [tilespmem:s10+$0x70]  }
0xef: {  	v3 =	vld [tilespmem:s10+$0x870]  }
0xf0: {  	v37 =	vld [tilespmem:s10+$0x1070]  }
0xf1: {  	v38 =	vld [tilespmem:s10+$0xFFFFE870]  }
0xf2: {  	v39 =	vld [tilespmem:s10+$0xFFFFF070];
	_ =	sdelay $0x2  }
0xf3: {  	v1 =	vadd.f32 v2, v1;
	v2 =	vadd.f32 v37, v3;
	_ =	sdelay $0x1  }
0xf4: {  	v3 =	vadd.f32 v39, v38;
	v1 =	vadd.f32 v2, v1;
	_ =	sdelay $0x1  }
0xf5: {  	v1 =	vadd.f32 v1, v3;
	_ =	sdelay $0x1  }
0xf6: {  	[tilespmem:s12+$0xFFFFFFF0] =	vst v1  }
0xf7: {  	v1 =	vld [tilespmem:s10+$0xFFFFF880]  }
0xf8: {  	v2 =	vld [tilespmem:s10+$0x80]  }
0xf9: {  	v3 =	vld [tilespmem:s10+$0x880]  }
0xfa: {  	v40 =	vld [tilespmem:s10+$0x1080]  }
0xfb: {  	v41 =	vld [tilespmem:s10+$0xFFFFE880]  }
0xfc: {  	v42 =	vld [tilespmem:s10+$0xFFFFF080];
	_ =	sdelay $0x2  }
0xfd: {  	v1 =	vadd.f32 v2, v1;
	v2 =	vadd.f32 v40, v3;
	_ =	sdelay $0x1  }
0xfe: {  	v3 =	vadd.f32 v42, v41;
	v1 =	vadd.f32 v2, v1;
	_ =	sdelay $0x1  }
0xff: {  	v1 =	vadd.f32 v1, v3;
	_ =	sdelay $0x1  }
0x100: {  	[tilespmem:s12+$0x0] =	vst v1  }
0x101: {  	v1 =	vld [tilespmem:s10+$0xFFFFF890]  }
0x102: {  	v2 =	vld [tilespmem:s10+$0x90]  }
0x103: {  	v3 =	vld [tilespmem:s10+$0x890]  }
0x104: {  	v43 =	vld [tilespmem:s10+$0x1090]  }
0x105: {  	v44 =	vld [tilespmem:s10+$0xFFFFE890]  }
0x106: {  	v45 =	vld [tilespmem:s10+$0xFFFFF090];
	_ =	sdelay $0x2  }
0x107: {  	v1 =	vadd.f32 v2, v1;
	v2 =	vadd.f32 v43, v3;
	_ =	sdelay $0x1  }
0x108: {  	v3 =	vadd.f32 v45, v44;
	v1 =	vadd.f32 v2, v1;
	_ =	sdelay $0x1  }
0x109: {  	v1 =	vadd.f32 v1, v3;
	_ =	sdelay $0x1  }
0x10a: {  	[tilespmem:s12+$0x10] =	vst v1  }
0x10b: {  	v1 =	vld [tilespmem:s10+$0xFFFFF8A0]  }
0x10c: {  	v2 =	vld [tilespmem:s10+$0xA0]  }
0x10d: {  	v3 =	vld [tilespmem:s10+$0x8A0]  }
0x10e: {  	v46 =	vld [tilespmem:s10+$0x10A0]  }
0x10f: {  	v47 =	vld [tilespmem:s10+$0xFFFFE8A0]  }
0x110: {  	v48 =	vld [tilespmem:s10+$0xFFFFF0A0];
	_ =	sdelay $0x2  }
0x111: {  	v1 =	vadd.f32 v2, v1;
	v2 =	vadd.f32 v46, v3;
	_ =	sdelay $0x1  }
0x112: {  	v3 =	vadd.f32 v48, v47;
	v1 =	vadd.f32 v2, v1;
	_ =	sdelay $0x1  }
0x113: {  	v1 =	vadd.f32 v1, v3;
	_ =	sdelay $0x1  }
0x114: {  	[tilespmem:s12+$0x20] =	vst v1  }
0x115: {  	v1 =	vld [tilespmem:s10+$0xFFFFF8B0]  }
0x116: {  	v2 =	vld [tilespmem:s10+$0xB0]  }
0x117: {  	v3 =	vld [tilespmem:s10+$0x8B0]  }
0x118: {  	v49 =	vld [tilespmem:s10+$0x10B0]  }
0x119: {  	v50 =	vld [tilespmem:s10+$0xFFFFE8B0]  }
0x11a: {  	v51 =	vld [tilespmem:s10+$0xFFFFF0B0];
	_ =	sdelay $0x2  }
0x11b: {  	v1 =	vadd.f32 v2, v1;
	v2 =	vadd.f32 v49, v3;
	_ =	sdelay $0x1  }
0x11c: {  	v3 =	vadd.f32 v51, v50;
	v1 =	vadd.f32 v2, v1;
	_ =	sdelay $0x1  }
0x11d: {  	v1 =	vadd.f32 v1, v3;
	_ =	sdelay $0x1  }
0x11e: {  	[tilespmem:s12+$0x30] =	vst v1  }
0x11f: {  	v1 =	vld [tilespmem:s10+$0xFFFFF8C0]  }
0x120: {  	v2 =	vld [tilespmem:s10+$0xC0]  }
0x121: {  	v3 =	vld [tilespmem:s10+$0x8C0]  }
0x122: {  	v52 =	vld [tilespmem:s10+$0x10C0]  }
0x123: {  	v53 =	vld [tilespmem:s10+$0xFFFFE8C0]  }
0x124: {  	v54 =	vld [tilespmem:s10+$0xFFFFF0C0];
	_ =	sdelay $0x2  }
0x125: {  	v1 =	vadd.f32 v2, v1;
	v2 =	vadd.f32 v52, v3;
	_ =	sdelay $0x1  }
0x126: {  	v3 =	vadd.f32 v54, v53;
	v1 =	vadd.f32 v2, v1;
	_ =	sdelay $0x1  }
0x127: {  	v1 =	vadd.f32 v1, v3;
	_ =	sdelay $0x1  }
0x128: {  	[tilespmem:s12+$0x40] =	vst v1  }
0x129: {  	v1 =	vld [tilespmem:s10+$0xFFFFF8D0]  }
0x12a: {  	v2 =	vld [tilespmem:s10+$0xD0]  }
0x12b: {  	v3 =	vld [tilespmem:s10+$0x8D0]  }
0x12c: {  	v55 =	vld [tilespmem:s10+$0x10D0]  }
0x12d: {  	v56 =	vld [tilespmem:s10+$0xFFFFE8D0]  }
0x12e: {  	v57 =	vld [tilespmem:s10+$0xFFFFF0D0];
	_ =	sdelay $0x2  }
0x12f: {  	v1 =	vadd.f32 v2, v1;
	v2 =	vadd.f32 v55, v3;
	_ =	sdelay $0x1  }
0x130: {  	v3 =	vadd.f32 v57, v56;
	v1 =	vadd.f32 v2, v1;
	_ =	sdelay $0x1  }
0x131: {  	v1 =	vadd.f32 v1, v3;
	_ =	sdelay $0x1  }
0x132: {  	[tilespmem:s12+$0x50] =	vst v1  }
0x133: {  	v1 =	vld [tilespmem:s10+$0xFFFFF8E0]  }
0x134: {  	v2 =	vld [tilespmem:s10+$0xE0]  }
0x135: {  	v3 =	vld [tilespmem:s10+$0x8E0]  }
0x136: {  	v58 =	vld [tilespmem:s10+$0x10E0]  }
0x137: {  	v59 =	vld [tilespmem:s10+$0xFFFFE8E0]  }
0x138: {  	v60 =	vld [tilespmem:s10+$0xFFFFF0E0];
	_ =	sdelay $0x2  }
0x139: {  	v1 =	vadd.f32 v2, v1;
	v2 =	vadd.f32 v58, v3;
	_ =	sdelay $0x1  }
0x13a: {  	v3 =	vadd.f32 v60, v59;
	v1 =	vadd.f32 v2, v1;
	_ =	sdelay $0x1  }
0x13b: {  	v1 =	vadd.f32 v1, v3;
	_ =	sdelay $0x1  }
0x13c: {  	[tilespmem:s12+$0x60] =	vst v1  }
0x13d: {  	v1 =	vld [tilespmem:s10+$0xFFFFF8F0]  }
0x13e: {  	v2 =	vld [tilespmem:s10+$0xF0]  }
0x13f: {  	v3 =	vld [tilespmem:s10+$0x8F0]  }
0x140: {  	v61 =	vld [tilespmem:s10+$0x10F0]  }
0x141: {  	v62 =	vld [tilespmem:s10+$0xFFFFE8F0]  }
0x142: {  	v63 =	vld [tilespmem:s10+$0xFFFFF0F0];
	_ =	sdelay $0x2  }
0x143: {  	s6 =	sadd.s32 $0x2, s6;
	v1 =	vadd.f32 v2, v1;
	v2 =	vadd.f32 v61, v3  }
0x144: {  	p1 =	slt.u32 s6, $0xE  }
.Ltmp3:
0x145: {  	v3 =	vadd.f32 v63, v62;
	v1 =	vadd.f32 v2, v1;
	(pc) =	sbr.rel @p1 .LBB2_5-.Ltmp3, $3  }
0x146: {  	_ = 	snop  }
0x147: {  	v1 =	vadd.f32 v1, v3;
	_ =	sdelay $0x1  }
0x148: {  	s10 =	sadd.s32 $0x100, s10;
	[tilespmem:s12+$0x70] =	vst v1;
	s12 =	sadd.s32 $0x100, s12  }
0x149: {  	p1 =	sne.s32 s20, $0x31  }
.Ltmp4:
0x14a: {  	s6 =	sshll.u32 s20, $0xD;
	(pc) =	sbr.rel @p1 .LBB2_8-.Ltmp4, $4  }
0x14b: {  	s6 =	sadd.s32 s4, s6  }
0x14c: {  	s6 =	sshrl.u32 s6, $0x3  }
0x14d: {  	s6 =	sadd.s32 s5, s6  }
0x14e: {  	[hbm4b:s6+s3] =	stream.linear.scatter [tilespmem:s23], [sflag:$0x5], $0x800, $0x200038;
	[tilespmem:$0x18F00] =	vst v63  }
.Ltmp5:
0x14f: {  	(pc) =	sbr.rel .LBB2_9-.Ltmp5, $4  }
0x150: {  	_ = 	snop  }
0x151: {  	_ =	swait.ge [sflag:s24], $0x3000  }
0x152: {  	[sflag:s24] =	ssyncset.done $0x0  }
0x153: {  	[sflag:s24] =	ssyncadd.s32 $0xFFFFD000  }
.LBB2_8:
0x154: {  	s6 =	smul.u32 $0x600, s20;
	_ =	sdelay $0x1  }
0x155: {  	s6 =	sshra.s32 s6, $0x2  }
.Ltmp6:
0x156: {  	s6 =	sadd.s32 $0x6580, s6;
	(pc) =	sbr.rel @p0 .LBB2_10-.Ltmp6, $4  }
0x157: {  	[tilespmem:s15], [sflag:$0x1] =	stream.indirect.gather [hbm4b:s1+s13], $0x80, s6, s13, $0x2000b8;
	[tilespmem:$0x18F00] =	vst v63  }
0x158: {  	_ =	swait.ge [sflag:s24], $0x3000  }
0x159: {  	[sflag:s24] =	ssyncset.done $0x0  }
0x15a: {  	[sflag:s24] =	ssyncadd.s32 $0xFFFFD000  }
.LBB2_9:
0x15b: {  	_ =	swait.ge [sflag:s25], $0x800  }
0x15c: {  	[sflag:s25] =	ssyncset.done $0x0  }
0x15d: {  	[sflag:s25] =	ssyncadd.s32 $0xFFFFF800  }
.LBB2_10:
0x15e: {  	s10 =	simm.s32 $0x0  }
0x15f: {  	v1 =	vld [tilespmem:s10+$0xEFF0]  }
0x160: {  	v2 =	vld [tilespmem:s10+$0xF7F0]  }
0x161: {  	v3 =	vld [tilespmem:s10+$0xFFF0]  }
0x162: {  	v4 =	vld [tilespmem:s10+$0x107F0]  }
0x163: {  	v5 =	vld [tilespmem:s10+$0xDFF0]  }
0x164: {  	v6 =	vld [tilespmem:s10+$0xE7F0]  }
0x165: {  	v7 =	vld [tilespmem:s10+$0xEF00]  }
0x166: {  	v8 =	vld [tilespmem:s10+$0xF700]  }
0x167: {  	v9 =	vld [tilespmem:s10+$0xFF00]  }
0x168: {  	v10 =	vld [tilespmem:s10+$0xEF20]  }
0x169: {  	v11 =	vld [tilespmem:s10+$0xFF20]  }
0x16a: {  	v12 =	vld [tilespmem:s10+$0x10720]  }
0x16b: {  	v13 =	vld [tilespmem:s10+$0xEF30]  }
0x16c: {  	v14 =	vld [tilespmem:s10+$0xF730]  }
0x16d: {  	v15 =	vld [tilespmem:s10+$0xFF30]  }
0x16e: {  	v16 =	vld [tilespmem:s10+$0x10730]  }
0x16f: {  	v17 =	vld [tilespmem:s10+$0xEF40]  }
0x170: {  	v18 =	vld [tilespmem:s10+$0xF740]  }
0x171: {  	v19 =	vld [tilespmem:s10+$0xFF40]  }
0x172: {  	v20 =	vld [tilespmem:s10+$0x10740]  }
0x173: {  	v21 =	vld [tilespmem:s10+$0xEF50]  }
0x174: {  	v22 =	vld [tilespmem:s10+$0xF750]  }
0x175: {  	v23 =	vld [tilespmem:s10+$0xFF50]  }
0x176: {  	v24 =	vld [tilespmem:s10+$0x10750]  }
0x177: {  	v25 =	vld [tilespmem:s10+$0xEF60]  }
0x178: {  	v26 =	vld [tilespmem:s10+$0xF760]  }
0x179: {  	v27 =	vld [tilespmem:s10+$0xFF60]  }
0x17a: {  	v28 =	vld [tilespmem:s10+$0x10760]  }
0x17b: {  	v29 =	vld [tilespmem:s10+$0xEF70]  }
0x17c: {  	v30 =	vld [tilespmem:s10+$0xF770]  }
0x17d: {  	v31 =	vld [tilespmem:s10+$0xFF70]  }
0x17e: {  	v32 =	vld [tilespmem:s10+$0x10770]  }
0x17f: {  	v33 =	vld [tilespmem:s10+$0xEF80]  }
0x180: {  	v34 =	vld [tilespmem:s10+$0xF780]  }
0x181: {  	v35 =	vld [tilespmem:s10+$0xFF80]  }
0x182: {  	v36 =	vld [tilespmem:s10+$0x10780]  }
0x183: {  	v37 =	vld [tilespmem:s10+$0xEF90]  }
0x184: {  	v38 =	vld [tilespmem:s10+$0xF790]  }
0x185: {  	v39 =	vld [tilespmem:s10+$0xFF90]  }
0x186: {  	v40 =	vld [tilespmem:s10+$0x10790]  }
0x187: {  	v41 =	vld [tilespmem:s10+$0xEFA0]  }
0x188: {  	v42 =	vld [tilespmem:s10+$0xF7A0]  }
0x189: {  	v43 =	vld [tilespmem:s10+$0xFFA0]  }
0x18a: {  	v44 =	vld [tilespmem:s10+$0x107A0]  }
0x18b: {  	v45 =	vld [tilespmem:s10+$0xEFB0]  }
0x18c: {  	v46 =	vld [tilespmem:s10+$0xF7B0]  }
0x18d: {  	v47 =	vld [tilespmem:s10+$0xFFB0]  }
0x18e: {  	v48 =	vld [tilespmem:s10+$0x107B0]  }
0x18f: {  	v49 =	vld [tilespmem:s10+$0xEFC0]  }
0x190: {  	v50 =	vld [tilespmem:s10+$0xF7C0]  }
0x191: {  	v59 =	vld [tilespmem:s10+$0xFFE0]  }
0x192: {  	v61 =	vld [tilespmem:s10+$0xDF00]  }
0x193: {  	v62 =	vld [tilespmem:s10+$0xE700]  }
0x194: {  	v1 =	vadd.f32 v2, v1;
	v2 =	vadd.f32 v4, v3;
	v3 =	vld [tilespmem:s10+$0x10700]  }
0x195: {  	v4 =	vld [tilespmem:s10+$0xEF10]  }
0x196: {  	v5 =	vadd.f32 v6, v5;
	v6 =	vld [tilespmem:s10+$0xFF10];
	v1 =	vadd.f32 v2, v1  }
0x197: {  	v2 =	vld [tilespmem:s10+$0xF710]  }
0x198: {  	v1 =	vadd.f32 v1, v5;
	v5 =	vld [tilespmem:s10+$0x10710]  }
0x199: {  	v63 =	vld [tilespmem:s10+$0xDF10]  }
0x19a: {  	v7 =	vadd.f32 v8, v7;
	v8 =	vld [tilespmem:s10+$0xE710];
	v3 =	vadd.f32 v3, v9  }
0x19b: {  	[tilespmem:s10+$0x177F0] =	vst v1;
	v1 =	vld [tilespmem:s10+$0xF720]  }
0x19c: {  	v60 =	vld [tilespmem:s10+$0x107E0];
	v3 =	vadd.f32 v3, v7;
	v2 =	vadd.f32 v2, v4  }
0x19d: {  	v9 =	vld [tilespmem:s10+$0xDF20];
	v5 =	vadd.f32 v5, v6;
	v6 =	vadd.f32 v62, v61  }
0x19e: {  	v4 =	vld [tilespmem:s10+$0xE720]  }
0x19f: {  	v51 =	vld [tilespmem:s10+$0xFFC0];
	v2 =	vadd.f32 v5, v2;
	v3 =	vadd.f32 v3, v6  }
0x1a0: {  	v7 =	vld [tilespmem:s10+$0xDF30];
	v1 =	vadd.f32 v1, v10;
	v6 =	vadd.f32 v8, v63  }
0x1a1: {  	v61 =	vld [tilespmem:s10+$0xE730];
	v10 =	vadd.f32 v12, v11;
	v11 =	vadd.f32 v14, v13  }
0x1a2: {  	v52 =	vld [tilespmem:s10+$0x107C0];
	v13 =	vadd.f32 v24, v23;
	v14 =	vadd.f32 v26, v25  }
0x1a3: {  	v5 =	vld [tilespmem:s10+$0xDF40];
	v63 =	vadd.f32 v60, v59;
	v4 =	vadd.f32 v4, v9  }
0x1a4: {  	v8 =	vld [tilespmem:s10+$0xE740];
	[tilespmem:s10+$0x17700] =	vst v3;
	v3 =	vadd.f32 v16, v15;
	v2 =	vadd.f32 v2, v6  }
0x1a5: {  	v53 =	vld [tilespmem:s10+$0xEFD0];
	v1 =	vadd.f32 v10, v1;
	v10 =	vadd.f32 v18, v17  }
0x1a6: {  	v9 =	vld [tilespmem:s10+$0xE750];
	v15 =	vadd.f32 v40, v39;
	v7 =	vadd.f32 v61, v7  }
0x1a7: {  	v6 =	vld [tilespmem:s10+$0xDF50];
	v3 =	vadd.f32 v3, v11;
	v1 =	vadd.f32 v1, v4  }
0x1a8: {  	v54 =	vld [tilespmem:s10+$0xF7D0];
	[tilespmem:s10+$0x17710] =	vst v2;
	v2 =	vadd.f32 v20, v19;
	v11 =	vadd.f32 v22, v21  }
0x1a9: {  	v12 =	vld [tilespmem:s10+$0xE760];
	v5 =	vadd.f32 v8, v5;
	[tilespmem:s10+$0x17720] =	vst v1;
	v1 =	vadd.f32 v28, v27  }
0x1aa: {  	v4 =	vld [tilespmem:s10+$0xDF60];
	v3 =	vadd.f32 v3, v7;
	v2 =	vadd.f32 v2, v10  }
0x1ab: {  	v55 =	vld [tilespmem:s10+$0xFFD0];
	v10 =	vadd.f32 v13, v11;
	v11 =	vadd.f32 v32, v31  }
0x1ac: {  	v8 =	vld [tilespmem:s10+$0xE770];
	v13 =	vadd.f32 v34, v33;
	v6 =	vadd.f32 v9, v6  }
0x1ad: {  	v7 =	vld [tilespmem:s10+$0xDF70];
	v1 =	vadd.f32 v1, v14;
	[tilespmem:s10+$0x17730] =	vst v3;
	v3 =	vadd.f32 v30, v29  }
0x1ae: {  	v56 =	vld [tilespmem:s10+$0x107D0];
	v2 =	vadd.f32 v2, v5;
	v14 =	vadd.f32 v36, v35  }
0x1af: {  	v9 =	vld [tilespmem:s10+$0xE780];
	v6 =	vadd.f32 v10, v6;
	v4 =	vadd.f32 v12, v4  }
0x1b0: {  	v5 =	vld [tilespmem:s10+$0xDF80];
	[tilespmem:s10+$0x17740] =	vst v2;
	v2 =	vadd.f32 v38, v37;
	v3 =	vadd.f32 v11, v3  }
0x1b1: {  	v10 =	vld [tilespmem:s10+$0xDF90];
	v11 =	vadd.f32 v14, v13;
	v1 =	vadd.f32 v1, v4  }
0x1b2: {  	v12 =	vld [tilespmem:s10+$0xE790];
	v4 =	vadd.f32 v8, v7;
	v8 =	vadd.f32 v44, v43  }
0x1b3: {  	v57 =	vld [tilespmem:s10+$0xEFE0];
	[tilespmem:s10+$0x17750] =	vst v6;
	v6 =	vadd.f32 v15, v2;
	v2 =	vadd.f32 v42, v41  }
0x1b4: {  	v58 =	vld [tilespmem:s10+$0xF7E0];
	v14 =	vadd.f32 v46, v45;
	[tilespmem:s10+$0x17760] =	vst v1;
	v1 =	vadd.f32 v48, v47  }
0x1b5: {  	v13 =	vld [tilespmem:s10+$0xDFA0];
	v3 =	vadd.f32 v3, v4;
	v8 =	vadd.f32 v8, v2  }
0x1b6: {  	v7 =	vld [tilespmem:s10+$0xE7A0];
	v2 =	vadd.f32 v9, v5;
	v5 =	vadd.f32 v50, v49  }
0x1b7: {  	v62 =	vld [tilespmem:s10+$0xE7B0];
	v9 =	vadd.f32 v52, v51;
	v10 =	vadd.f32 v12, v10  }
0x1b8: {  	v15 =	vld [tilespmem:s10+$0xDFB0];
	v12 =	vadd.f32 v56, v55;
	v4 =	vadd.f32 v1, v14  }
0x1b9: {  	[tilespmem:s10+$0x17770] =	vst v3;
	v1 =	vld [tilespmem:s10+$0xDFC0];
	v14 =	vadd.f32 v58, v57;
	v3 =	vadd.f32 v11, v2  }
0x1ba: {  	v11 =	vadd.f32 v54, v53;
	v2 =	vld [tilespmem:s10+$0xE7C0];
	v6 =	vadd.f32 v6, v10  }
0x1bb: {  	v9 =	vadd.f32 v9, v5;
	v7 =	vadd.f32 v7, v13;
	v5 =	vld [tilespmem:s10+$0xE7D0]  }
0x1bc: {  	[tilespmem:s10+$0x17780] =	vst v3;
	v3 =	vld [tilespmem:s10+$0xDFD0];
	v11 =	vadd.f32 v12, v11;
	v12 =	vadd.f32 v63, v14  }
0x1bd: {  	s6 =	simm.s32 $0x0;
	s12 =	simm.s32 $0x400;
	[tilespmem:s10+$0x17790] =	vst v6;
	v7 =	vadd.f32 v8, v7;
	v8 =	vadd.f32 v62, v15;
	v6 =	vld [tilespmem:s10+$0xDFE0]  }
.LBB2_11:
0x1be: {  	s14 =	sshra.s32 s12, $0x2;
	v10 =	vld [tilespmem:s10+$0xE7E0]  }
0x1bf: {  	v13 =	vld [tilespmem:s14+$0xEFF0];
	[tilespmem:s10+$0x177A0] =	vst v7;
	v4 =	vadd.f32 v4, v8;
	v1 =	vadd.f32 v2, v1  }
0x1c0: {  	v2 =	vld [tilespmem:s14+$0xF7F0]  }
0x1c1: {  	s6 =	sadd.s32 $0x2, s6;
	v7 =	vld [tilespmem:s14+$0xFFF0];
	[tilespmem:s10+$0x177B0] =	vst v4;
	v1 =	vadd.f32 v9, v1;
	v3 =	vadd.f32 v5, v3  }
0x1c2: {  	p2 =	slt.u32 s6, $0xE;
	v4 =	vld [tilespmem:s14+$0x107F0]  }
0x1c3: {  	v5 =	vld [tilespmem:s14+$0xDFF0];
	[tilespmem:s10+$0x177C0] =	vst v1;
	v1 =	vadd.f32 v11, v3;
	v3 =	vadd.f32 v10, v6  }
0x1c4: {  	v6 =	vld [tilespmem:s14+$0xE7F0]  }
0x1c5: {  	v8 =	vld [tilespmem:s14+$0xEF00];
	[tilespmem:s10+$0x177D0] =	vst v1;
	v1 =	vadd.f32 v12, v3  }
0x1c6: {  	v3 =	vld [tilespmem:s14+$0xF700]  }
0x1c7: {  	v2 =	vadd.f32 v2, v13;
	v9 =	vld [tilespmem:s14+$0xFF00];
	v4 =	vadd.f32 v4, v7;
	[tilespmem:s10+$0x177E0] =	vst v1;
	s10 =	smov.u32 s14  }
0x1c8: {  	v1 =	vld [tilespmem:s10+$0x10700]  }
0x1c9: {  	v7 =	vld [tilespmem:s10+$0xEF10];
	v5 =	vadd.f32 v6, v5;
	v2 =	vadd.f32 v4, v2  }
0x1ca: {  	v4 =	vld [tilespmem:s10+$0xF710]  }
0x1cb: {  	v3 =	vadd.f32 v3, v8;
	v6 =	vld [tilespmem:s10+$0xFF10];
	v2 =	vadd.f32 v2, v5  }
0x1cc: {  	v5 =	vld [tilespmem:s10+$0x10710]  }
0x1cd: {  	v1 =	vadd.f32 v1, v9;
	v8 =	vld [tilespmem:s10+$0xEF20];
	[tilespmem:s10+$0x177F0] =	vst v2  }
0x1ce: {  	v9 =	vld [tilespmem:s10+$0xF720]  }
0x1cf: {  	v1 =	vadd.f32 v1, v3;
	v2 =	vadd.f32 v4, v7;
	v3 =	vld [tilespmem:s10+$0xFF20]  }
0x1d0: {  	v4 =	vld [tilespmem:s10+$0x10720]  }
0x1d1: {  	v5 =	vadd.f32 v5, v6;
	v6 =	vld [tilespmem:s10+$0xEF30]  }
0x1d2: {  	v7 =	vld [tilespmem:s10+$0xF730]  }
0x1d3: {  	v2 =	vadd.f32 v5, v2;
	v5 =	vadd.f32 v9, v8;
	v8 =	vld [tilespmem:s10+$0xFF30]  }
0x1d4: {  	v9 =	vld [tilespmem:s10+$0x10730]  }
0x1d5: {  	v3 =	vadd.f32 v4, v3;
	v4 =	vld [tilespmem:s10+$0xEF40]  }
0x1d6: {  	v10 =	vld [tilespmem:s10+$0xF740]  }
0x1d7: {  	v3 =	vadd.f32 v3, v5;
	v5 =	vadd.f32 v7, v6;
	v6 =	vld [tilespmem:s10+$0xFF40]  }
0x1d8: {  	v7 =	vld [tilespmem:s10+$0x10740]  }
0x1d9: {  	v8 =	vadd.f32 v9, v8;
	v9 =	vld [tilespmem:s10+$0xEF50]  }
0x1da: {  	v11 =	vld [tilespmem:s10+$0xF750]  }
0x1db: {  	v5 =	vadd.f32 v8, v5;
	v4 =	vadd.f32 v10, v4;
	v8 =	vld [tilespmem:s10+$0xFF50]  }
0x1dc: {  	v10 =	vld [tilespmem:s10+$0x10750]  }
0x1dd: {  	v6 =	vadd.f32 v7, v6;
	v12 =	vld [tilespmem:s10+$0xEF60]  }
0x1de: {  	v13 =	vld [tilespmem:s10+$0xF760]  }
0x1df: {  	v6 =	vadd.f32 v6, v4;
	v4 =	vadd.f32 v11, v9;
	v9 =	vld [tilespmem:s10+$0xFF60]  }
0x1e0: {  	v11 =	vld [tilespmem:s10+$0x10760]  }
0x1e1: {  	v7 =	vadd.f32 v10, v8;
	v10 =	vld [tilespmem:s10+$0xEF70]  }
0x1e2: {  	v14 =	vld [tilespmem:s10+$0xF770]  }
0x1e3: {  	v7 =	vadd.f32 v7, v4;
	v4 =	vadd.f32 v13, v12;
	v12 =	vld [tilespmem:s10+$0xFF70]  }
0x1e4: {  	v13 =	vld [tilespmem:s10+$0x10770]  }
0x1e5: {  	v8 =	vadd.f32 v11, v9;
	v9 =	vld [tilespmem:s10+$0xEF80]  }
0x1e6: {  	v11 =	vld [tilespmem:s10+$0xF780]  }
0x1e7: {  	v8 =	vadd.f32 v8, v4;
	v4 =	vadd.f32 v14, v10;
	v14 =	vld [tilespmem:s10+$0xFF80]  }
0x1e8: {  	v15 =	vld [tilespmem:s10+$0x10780]  }
0x1e9: {  	v10 =	vadd.f32 v13, v12;
	v12 =	vld [tilespmem:s10+$0xEF90]  }
0x1ea: {  	v13 =	vld [tilespmem:s10+$0xF790]  }
0x1eb: {  	v10 =	vadd.f32 v10, v4;
	v4 =	vadd.f32 v11, v9;
	v9 =	vld [tilespmem:s10+$0xFF90]  }
0x1ec: {  	v11 =	vld [tilespmem:s10+$0x10790]  }
0x1ed: {  	v14 =	vadd.f32 v15, v14;
	v15 =	vld [tilespmem:s10+$0xEFA0]  }
0x1ee: {  	v16 =	vld [tilespmem:s10+$0xF7A0]  }
0x1ef: {  	v14 =	vadd.f32 v14, v4;
	v4 =	vadd.f32 v13, v12;
	v12 =	vld [tilespmem:s10+$0xFFA0]  }
0x1f0: {  	v13 =	vld [tilespmem:s10+$0x107A0]  }
0x1f1: {  	v9 =	vadd.f32 v11, v9;
	v11 =	vld [tilespmem:s10+$0xEFB0]  }
0x1f2: {  	v17 =	vld [tilespmem:s10+$0xF7B0]  }
0x1f3: {  	v18 =	vadd.f32 v9, v4;
	v4 =	vadd.f32 v16, v15;
	v9 =	vld [tilespmem:s10+$0xFFB0]  }
0x1f4: {  	v15 =	vld [tilespmem:s10+$0x107B0]  }
0x1f5: {  	v12 =	vadd.f32 v13, v12;
	v13 =	vld [tilespmem:s10+$0xEFC0]  }
0x1f6: {  	v16 =	vld [tilespmem:s10+$0xF7C0]  }
0x1f7: {  	v19 =	vadd.f32 v12, v4;
	v4 =	vadd.f32 v17, v11;
	v11 =	vld [tilespmem:s10+$0xFFC0]  }
0x1f8: {  	v12 =	vld [tilespmem:s10+$0x107C0]  }
0x1f9: {  	v9 =	vadd.f32 v15, v9;
	v15 =	vld [tilespmem:s10+$0xEFD0]  }
0x1fa: {  	v17 =	vld [tilespmem:s10+$0xF7D0]  }
0x1fb: {  	v4 =	vadd.f32 v9, v4;
	v9 =	vadd.f32 v16, v13;
	v13 =	vld [tilespmem:s10+$0xFFD0]  }
0x1fc: {  	v16 =	vld [tilespmem:s10+$0x107D0]  }
0x1fd: {  	v11 =	vadd.f32 v12, v11;
	v12 =	vld [tilespmem:s10+$0xEFE0]  }
0x1fe: {  	v20 =	vld [tilespmem:s10+$0xF7E0]  }
0x1ff: {  	v9 =	vadd.f32 v11, v9;
	v11 =	vadd.f32 v17, v15;
	v15 =	vld [tilespmem:s10+$0xFFE0]  }
0x200: {  	v17 =	vld [tilespmem:s10+$0x107E0]  }
0x201: {  	v21 =	vld [tilespmem:s10+$0xDF00];
	v13 =	vadd.f32 v16, v13  }
0x202: {  	v16 =	vld [tilespmem:s10+$0xE700]  }
0x203: {  	v22 =	vld [tilespmem:s10+$0xDF10];
	v11 =	vadd.f32 v13, v11;
	v12 =	vadd.f32 v20, v12  }
0x204: {  	v13 =	vld [tilespmem:s10+$0xE710]  }
0x205: {  	v20 =	vld [tilespmem:s10+$0xDF20];
	v15 =	vadd.f32 v17, v15  }
0x206: {  	v17 =	vld [tilespmem:s10+$0xE720]  }
0x207: {  	v16 =	vadd.f32 v16, v21;
	v21 =	vld [tilespmem:s10+$0xDF30];
	v12 =	vadd.f32 v15, v12  }
0x208: {  	v15 =	vld [tilespmem:s10+$0xE730]  }
0x209: {  	v1 =	vadd.f32 v1, v16;
	v13 =	vadd.f32 v13, v22;
	v16 =	vld [tilespmem:s10+$0xDF40]  }
0x20a: {  	v22 =	vld [tilespmem:s10+$0xE740]  }
0x20b: {  	[tilespmem:s10+$0x17700] =	vst v1;
	v1 =	vadd.f32 v2, v13;
	v2 =	vadd.f32 v17, v20;
	v13 =	vld [tilespmem:s10+$0xDF50]  }
0x20c: {  	v17 =	vld [tilespmem:s10+$0xE750]  }
0x20d: {  	[tilespmem:s10+$0x17710] =	vst v1;
	v1 =	vadd.f32 v3, v2;
	v2 =	vadd.f32 v15, v21;
	v3 =	vld [tilespmem:s10+$0xDF60]  }
0x20e: {  	v15 =	vld [tilespmem:s10+$0xE760]  }
0x20f: {  	[tilespmem:s10+$0x17720] =	vst v1;
	v1 =	vadd.f32 v5, v2;
	v2 =	vadd.f32 v22, v16;
	v5 =	vld [tilespmem:s10+$0xDF70]  }
0x210: {  	v16 =	vld [tilespmem:s10+$0xE770]  }
0x211: {  	[tilespmem:s10+$0x17730] =	vst v1;
	v1 =	vadd.f32 v6, v2;
	v2 =	vadd.f32 v17, v13;
	v6 =	vld [tilespmem:s10+$0xDF80]  }
0x212: {  	v13 =	vld [tilespmem:s10+$0xE780]  }
0x213: {  	[tilespmem:s10+$0x17740] =	vst v1;
	v1 =	vadd.f32 v7, v2;
	v2 =	vadd.f32 v15, v3;
	v3 =	vld [tilespmem:s10+$0xDF90]  }
0x214: {  	v7 =	vld [tilespmem:s10+$0xE790]  }
0x215: {  	[tilespmem:s10+$0x17750] =	vst v1;
	v1 =	vadd.f32 v8, v2;
	v2 =	vadd.f32 v16, v5;
	v5 =	vld [tilespmem:s10+$0xDFA0]  }
0x216: {  	v8 =	vld [tilespmem:s10+$0xE7A0]  }
0x217: {  	[tilespmem:s10+$0x17760] =	vst v1;
	v1 =	vadd.f32 v10, v2;
	v2 =	vadd.f32 v13, v6;
	v6 =	vld [tilespmem:s10+$0xDFB0]  }
0x218: {  	v10 =	vld [tilespmem:s10+$0xE7B0]  }
.Ltmp7:
0x219: {  	[tilespmem:s10+$0x17770] =	vst v1;
	v13 =	vadd.f32 v14, v2;
	v3 =	vadd.f32 v7, v3;
	v1 =	vld [tilespmem:s10+$0xDFC0];
	(pc) =	sbr.rel @p2 .LBB2_11-.Ltmp7, $4  }
0x21a: {  	v2 =	vld [tilespmem:s10+$0xE7C0]  }
0x21b: {  	[tilespmem:s10+$0x17780] =	vst v13;
	v7 =	vadd.f32 v18, v3;
	v8 =	vadd.f32 v8, v5;
	v3 =	vld [tilespmem:s10+$0xDFD0]  }
0x21c: {  	v5 =	vld [tilespmem:s10+$0xE7D0]  }
0x21d: {  	s12 =	sadd.s32 $0x400, s12;
	[tilespmem:s10+$0x17790] =	vst v7;
	v7 =	vadd.f32 v19, v8;
	v8 =	vadd.f32 v10, v6;
	v6 =	vld [tilespmem:s10+$0xDFE0]  }
0x21e: {  	v10 =	vld [tilespmem:s10+$0xE7E0];
	_ =	sdelay $0x2  }
0x21f: {  	v1 =	vadd.f32 v2, v1  }
0x220: {  	v2 =	vadd.f32 v4, v8;
	v3 =	vadd.f32 v5, v3  }
0x221: {  	[tilespmem:s10+$0x177A0] =	vst v7;
	v1 =	vadd.f32 v9, v1;
	v63 =	vadd.f32 v10, v6  }
.Ltmp8:
0x222: {  	s6 =	sshll.u32 s20, $0x6;
	[tilespmem:s10+$0x177B0] =	vst v2;
	v2 =	vadd.f32 v11, v3;
	(pc) =	sbr.rel @p1 .LBB2_14-.Ltmp8, $4  }
0x223: {  	s12 =	sadd.s32 s6, s7;
	[tilespmem:s10+$0x177C0] =	vst v1;
	v1 =	vadd.f32 v12, v63  }
0x224: {  	s12 =	sshll.u32 s12, $0x4;
	[tilespmem:s10+$0x177D0] =	vst v2  }
0x225: {  	s16 =	sadd.s32 s5, s12;
	[tilespmem:s10+$0x177E0] =	vst v1  }
0x226: {  	[hbm4b:s16+s3] =	stream.linear.scatter [tilespmem:s26], [sflag:$0x6], $0x800, $0x200038;
	[tilespmem:$0x18F00] =	vst v63  }
.Ltmp9:
0x227: {  	(pc) =	sbr.rel .LBB2_15-.Ltmp9, $4  }
0x228: {  	_ = 	snop  }
0x229: {  	_ =	swait.ge [sflag:s28], $0x3000  }
0x22a: {  	[sflag:s28] =	ssyncset.done $0x0  }
0x22b: {  	[sflag:s28] =	ssyncadd.s32 $0xFFFFD000  }
.LBB2_14:
0x22c: {  	s10 =	smul.u32 $0x600, s20;
	_ =	sdelay $0x1  }
0x22d: {  	s10 =	sshra.s32 s10, $0x2  }
.Ltmp10:
0x22e: {  	s10 =	sadd.s32 $0x65E0, s10;
	(pc) =	sbr.rel @p0 .LBB2_16-.Ltmp10, $4  }
0x22f: {  	[tilespmem:s17], [sflag:$0x2] =	stream.indirect.gather [hbm4b:s1+s13], $0x80, s10, s13, $0x2000b8;
	[tilespmem:$0x18F00] =	vst v63  }
0x230: {  	_ =	swait.ge [sflag:s28], $0x3000  }
0x231: {  	[sflag:s28] =	ssyncset.done $0x0  }
0x232: {  	[sflag:s28] =	ssyncadd.s32 $0xFFFFD000  }
.LBB2_15:
0x233: {  	_ =	swait.ge [sflag:s29], $0x800  }
0x234: {  	[sflag:s29] =	ssyncset.done $0x0  }
0x235: {  	[sflag:s29] =	ssyncadd.s32 $0xFFFFF800  }
.LBB2_16:
0x236: {  	s10 =	simm.s32 $0x0  }
0x237: {  	v1 =	vld [tilespmem:s10+$0x11FF0]  }
0x238: {  	v2 =	vld [tilespmem:s10+$0x127F0]  }
0x239: {  	v3 =	vld [tilespmem:s10+$0x12FF0]  }
0x23a: {  	v4 =	vld [tilespmem:s10+$0x137F0]  }
0x23b: {  	v5 =	vld [tilespmem:s10+$0x10FF0]  }
0x23c: {  	v6 =	vld [tilespmem:s10+$0x117F0]  }
0x23d: {  	v7 =	vld [tilespmem:s10+$0x11F00]  }
0x23e: {  	v8 =	vld [tilespmem:s10+$0x12700]  }
0x23f: {  	v9 =	vld [tilespmem:s10+$0x12F00]  }
0x240: {  	v10 =	vld [tilespmem:s10+$0x11F20]  }
0x241: {  	v11 =	vld [tilespmem:s10+$0x12F20]  }
0x242: {  	v12 =	vld [tilespmem:s10+$0x13720]  }
0x243: {  	v13 =	vld [tilespmem:s10+$0x11F30]  }
0x244: {  	v14 =	vld [tilespmem:s10+$0x12730]  }
0x245: {  	v15 =	vld [tilespmem:s10+$0x12F30]  }
0x246: {  	v16 =	vld [tilespmem:s10+$0x13730]  }
0x247: {  	v17 =	vld [tilespmem:s10+$0x11F40]  }
0x248: {  	v18 =	vld [tilespmem:s10+$0x12740]  }
0x249: {  	v19 =	vld [tilespmem:s10+$0x12F40]  }
0x24a: {  	v20 =	vld [tilespmem:s10+$0x13740]  }
0x24b: {  	v21 =	vld [tilespmem:s10+$0x11F50]  }
0x24c: {  	v22 =	vld [tilespmem:s10+$0x12750]  }
0x24d: {  	v23 =	vld [tilespmem:s10+$0x12F50]  }
0x24e: {  	v24 =	vld [tilespmem:s10+$0x13750]  }
0x24f: {  	v25 =	vld [tilespmem:s10+$0x11F60]  }
0x250: {  	v26 =	vld [tilespmem:s10+$0x12760]  }
0x251: {  	v27 =	vld [tilespmem:s10+$0x12F60]  }
0x252: {  	v28 =	vld [tilespmem:s10+$0x13760]  }
0x253: {  	v29 =	vld [tilespmem:s10+$0x11F70]  }
0x254: {  	v30 =	vld [tilespmem:s10+$0x12770]  }
0x255: {  	v31 =	vld [tilespmem:s10+$0x12F70]  }
0x256: {  	v32 =	vld [tilespmem:s10+$0x13770]  }
0x257: {  	v33 =	vld [tilespmem:s10+$0x11F80]  }
0x258: {  	v34 =	vld [tilespmem:s10+$0x12780]  }
0x259: {  	v35 =	vld [tilespmem:s10+$0x12F80]  }
0x25a: {  	v36 =	vld [tilespmem:s10+$0x13780]  }
0x25b: {  	v37 =	vld [tilespmem:s10+$0x11F90]  }
0x25c: {  	v38 =	vld [tilespmem:s10+$0x12790]  }
0x25d: {  	v39 =	vld [tilespmem:s10+$0x12F90]  }
0x25e: {  	v40 =	vld [tilespmem:s10+$0x13790]  }
0x25f: {  	v41 =	vld [tilespmem:s10+$0x11FA0]  }
0x260: {  	v42 =	vld [tilespmem:s10+$0x127A0]  }
0x261: {  	v43 =	vld [tilespmem:s10+$0x12FA0]  }
0x262: {  	v44 =	vld [tilespmem:s10+$0x137A0]  }
0x263: {  	v45 =	vld [tilespmem:s10+$0x11FB0]  }
0x264: {  	v46 =	vld [tilespmem:s10+$0x127B0]  }
0x265: {  	v47 =	vld [tilespmem:s10+$0x12FB0]  }
0x266: {  	v48 =	vld [tilespmem:s10+$0x137B0]  }
0x267: {  	v49 =	vld [tilespmem:s10+$0x11FC0]  }
0x268: {  	v50 =	vld [tilespmem:s10+$0x127C0]  }
0x269: {  	v59 =	vld [tilespmem:s10+$0x12FE0]  }
0x26a: {  	v61 =	vld [tilespmem:s10+$0x10F00]  }
0x26b: {  	v62 =	vld [tilespmem:s10+$0x11700]  }
0x26c: {  	v1 =	vadd.f32 v2, v1;
	v2 =	vadd.f32 v4, v3;
	v3 =	vld [tilespmem:s10+$0x13700]  }
0x26d: {  	v4 =	vld [tilespmem:s10+$0x11F10]  }
0x26e: {  	v5 =	vadd.f32 v6, v5;
	v6 =	vld [tilespmem:s10+$0x12F10];
	v1 =	vadd.f32 v2, v1  }
0x26f: {  	v2 =	vld [tilespmem:s10+$0x12710]  }
0x270: {  	v1 =	vadd.f32 v1, v5;
	v5 =	vld [tilespmem:s10+$0x13710]  }
0x271: {  	v63 =	vld [tilespmem:s10+$0x10F10]  }
0x272: {  	v7 =	vadd.f32 v8, v7;
	v8 =	vld [tilespmem:s10+$0x11710];
	v3 =	vadd.f32 v3, v9  }
0x273: {  	[tilespmem:s10+$0x17FF0] =	vst v1;
	v1 =	vld [tilespmem:s10+$0x12720]  }
0x274: {  	v60 =	vld [tilespmem:s10+$0x137E0];
	v3 =	vadd.f32 v3, v7;
	v2 =	vadd.f32 v2, v4  }
0x275: {  	v9 =	vld [tilespmem:s10+$0x10F20];
	v5 =	vadd.f32 v5, v6;
	v6 =	vadd.f32 v62, v61  }
0x276: {  	v4 =	vld [tilespmem:s10+$0x11720]  }
0x277: {  	v51 =	vld [tilespmem:s10+$0x12FC0];
	v2 =	vadd.f32 v5, v2;
	v3 =	vadd.f32 v3, v6  }
0x278: {  	v7 =	vld [tilespmem:s10+$0x10F30];
	v1 =	vadd.f32 v1, v10;
	v6 =	vadd.f32 v8, v63  }
0x279: {  	v61 =	vld [tilespmem:s10+$0x11730];
	v10 =	vadd.f32 v12, v11;
	v11 =	vadd.f32 v14, v13  }
0x27a: {  	v52 =	vld [tilespmem:s10+$0x137C0];
	v13 =	vadd.f32 v24, v23;
	v14 =	vadd.f32 v26, v25  }
0x27b: {  	v5 =	vld [tilespmem:s10+$0x10F40];
	v63 =	vadd.f32 v60, v59;
	v4 =	vadd.f32 v4, v9  }
0x27c: {  	v8 =	vld [tilespmem:s10+$0x11740];
	[tilespmem:s10+$0x17F00] =	vst v3;
	v3 =	vadd.f32 v16, v15;
	v2 =	vadd.f32 v2, v6  }
0x27d: {  	v53 =	vld [tilespmem:s10+$0x11FD0];
	v1 =	vadd.f32 v10, v1;
	v10 =	vadd.f32 v18, v17  }
0x27e: {  	v9 =	vld [tilespmem:s10+$0x11750];
	v15 =	vadd.f32 v40, v39;
	v7 =	vadd.f32 v61, v7  }
0x27f: {  	v6 =	vld [tilespmem:s10+$0x10F50];
	v3 =	vadd.f32 v3, v11;
	v1 =	vadd.f32 v1, v4  }
0x280: {  	v54 =	vld [tilespmem:s10+$0x127D0];
	[tilespmem:s10+$0x17F10] =	vst v2;
	v2 =	vadd.f32 v20, v19;
	v11 =	vadd.f32 v22, v21  }
0x281: {  	v12 =	vld [tilespmem:s10+$0x11760];
	v5 =	vadd.f32 v8, v5;
	[tilespmem:s10+$0x17F20] =	vst v1;
	v1 =	vadd.f32 v28, v27  }
0x282: {  	v4 =	vld [tilespmem:s10+$0x10F60];
	v3 =	vadd.f32 v3, v7;
	v2 =	vadd.f32 v2, v10  }
0x283: {  	v55 =	vld [tilespmem:s10+$0x12FD0];
	v10 =	vadd.f32 v13, v11;
	v11 =	vadd.f32 v32, v31  }
0x284: {  	v8 =	vld [tilespmem:s10+$0x11770];
	v13 =	vadd.f32 v34, v33;
	v6 =	vadd.f32 v9, v6  }
0x285: {  	v7 =	vld [tilespmem:s10+$0x10F70];
	v1 =	vadd.f32 v1, v14;
	[tilespmem:s10+$0x17F30] =	vst v3;
	v3 =	vadd.f32 v30, v29  }
0x286: {  	v56 =	vld [tilespmem:s10+$0x137D0];
	v2 =	vadd.f32 v2, v5;
	v14 =	vadd.f32 v36, v35  }
0x287: {  	v9 =	vld [tilespmem:s10+$0x11780];
	v6 =	vadd.f32 v10, v6;
	v4 =	vadd.f32 v12, v4  }
0x288: {  	v5 =	vld [tilespmem:s10+$0x10F80];
	[tilespmem:s10+$0x17F40] =	vst v2;
	v2 =	vadd.f32 v38, v37;
	v3 =	vadd.f32 v11, v3  }
0x289: {  	v10 =	vld [tilespmem:s10+$0x10F90];
	v11 =	vadd.f32 v14, v13;
	v1 =	vadd.f32 v1, v4  }
0x28a: {  	v12 =	vld [tilespmem:s10+$0x11790];
	v4 =	vadd.f32 v8, v7;
	v8 =	vadd.f32 v44, v43  }
0x28b: {  	v57 =	vld [tilespmem:s10+$0x11FE0];
	[tilespmem:s10+$0x17F50] =	vst v6;
	v6 =	vadd.f32 v15, v2;
	v2 =	vadd.f32 v42, v41  }
0x28c: {  	v58 =	vld [tilespmem:s10+$0x127E0];
	v14 =	vadd.f32 v46, v45;
	[tilespmem:s10+$0x17F60] =	vst v1;
	v1 =	vadd.f32 v48, v47  }
0x28d: {  	v13 =	vld [tilespmem:s10+$0x10FA0];
	v3 =	vadd.f32 v3, v4;
	v8 =	vadd.f32 v8, v2  }
0x28e: {  	v7 =	vld [tilespmem:s10+$0x117A0];
	v2 =	vadd.f32 v9, v5;
	v5 =	vadd.f32 v50, v49  }
0x28f: {  	v62 =	vld [tilespmem:s10+$0x117B0];
	v9 =	vadd.f32 v52, v51;
	v10 =	vadd.f32 v12, v10  }
0x290: {  	v15 =	vld [tilespmem:s10+$0x10FB0];
	v12 =	vadd.f32 v56, v55;
	v4 =	vadd.f32 v1, v14  }
0x291: {  	[tilespmem:s10+$0x17F70] =	vst v3;
	v1 =	vld [tilespmem:s10+$0x10FC0];
	v14 =	vadd.f32 v58, v57;
	v3 =	vadd.f32 v11, v2  }
0x292: {  	v11 =	vadd.f32 v54, v53;
	v2 =	vld [tilespmem:s10+$0x117C0];
	v6 =	vadd.f32 v6, v10  }
0x293: {  	v9 =	vadd.f32 v9, v5;
	v7 =	vadd.f32 v7, v13;
	v5 =	vld [tilespmem:s10+$0x117D0]  }
0x294: {  	[tilespmem:s10+$0x17F80] =	vst v3;
	v3 =	vld [tilespmem:s10+$0x10FD0];
	v11 =	vadd.f32 v12, v11;
	v12 =	vadd.f32 v63, v14  }
0x295: {  	s12 =	simm.s32 $0x0;
	s14 =	simm.s32 $0x400;
	[tilespmem:s10+$0x17F90] =	vst v6;
	v7 =	vadd.f32 v8, v7;
	v8 =	vadd.f32 v62, v15;
	v6 =	vld [tilespmem:s10+$0x10FE0]  }
.LBB2_17:
0x296: {  	s16 =	sshra.s32 s14, $0x2;
	v10 =	vld [tilespmem:s10+$0x117E0]  }
0x297: {  	v13 =	vld [tilespmem:s16+$0x11FF0];
	[tilespmem:s10+$0x17FA0] =	vst v7;
	v4 =	vadd.f32 v4, v8;
	v1 =	vadd.f32 v2, v1  }
0x298: {  	v2 =	vld [tilespmem:s16+$0x127F0]  }
0x299: {  	s12 =	sadd.s32 $0x2, s12;
	v7 =	vld [tilespmem:s16+$0x12FF0];
	[tilespmem:s10+$0x17FB0] =	vst v4;
	v1 =	vadd.f32 v9, v1;
	v3 =	vadd.f32 v5, v3  }
0x29a: {  	p2 =	slt.u32 s12, $0xE;
	v4 =	vld [tilespmem:s16+$0x137F0]  }
0x29b: {  	v5 =	vld [tilespmem:s16+$0x10FF0];
	[tilespmem:s10+$0x17FC0] =	vst v1;
	v1 =	vadd.f32 v11, v3;
	v3 =	vadd.f32 v10, v6  }
0x29c: {  	v6 =	vld [tilespmem:s16+$0x117F0]  }
0x29d: {  	v8 =	vld [tilespmem:s16+$0x11F00];
	[tilespmem:s10+$0x17FD0] =	vst v1;
	v1 =	vadd.f32 v12, v3  }
0x29e: {  	v3 =	vld [tilespmem:s16+$0x12700]  }
0x29f: {  	v2 =	vadd.f32 v2, v13;
	v9 =	vld [tilespmem:s16+$0x12F00];
	v4 =	vadd.f32 v4, v7;
	[tilespmem:s10+$0x17FE0] =	vst v1;
	s10 =	smov.u32 s16  }
0x2a0: {  	v1 =	vld [tilespmem:s10+$0x13700]  }
0x2a1: {  	v7 =	vld [tilespmem:s10+$0x11F10];
	v5 =	vadd.f32 v6, v5;
	v2 =	vadd.f32 v4, v2  }
0x2a2: {  	v4 =	vld [tilespmem:s10+$0x12710]  }
0x2a3: {  	v3 =	vadd.f32 v3, v8;
	v6 =	vld [tilespmem:s10+$0x12F10];
	v2 =	vadd.f32 v2, v5  }
0x2a4: {  	v5 =	vld [tilespmem:s10+$0x13710]  }
0x2a5: {  	v1 =	vadd.f32 v1, v9;
	v8 =	vld [tilespmem:s10+$0x11F20];
	[tilespmem:s10+$0x17FF0] =	vst v2  }
0x2a6: {  	v9 =	vld [tilespmem:s10+$0x12720]  }
0x2a7: {  	v1 =	vadd.f32 v1, v3;
	v2 =	vadd.f32 v4, v7;
	v3 =	vld [tilespmem:s10+$0x12F20]  }
0x2a8: {  	v4 =	vld [tilespmem:s10+$0x13720]  }
0x2a9: {  	v5 =	vadd.f32 v5, v6;
	v6 =	vld [tilespmem:s10+$0x11F30]  }
0x2aa: {  	v7 =	vld [tilespmem:s10+$0x12730]  }
0x2ab: {  	v2 =	vadd.f32 v5, v2;
	v5 =	vadd.f32 v9, v8;
	v8 =	vld [tilespmem:s10+$0x12F30]  }
0x2ac: {  	v9 =	vld [tilespmem:s10+$0x13730]  }
0x2ad: {  	v3 =	vadd.f32 v4, v3;
	v4 =	vld [tilespmem:s10+$0x11F40]  }
0x2ae: {  	v10 =	vld [tilespmem:s10+$0x12740]  }
0x2af: {  	v3 =	vadd.f32 v3, v5;
	v5 =	vadd.f32 v7, v6;
	v6 =	vld [tilespmem:s10+$0x12F40]  }
0x2b0: {  	v7 =	vld [tilespmem:s10+$0x13740]  }
0x2b1: {  	v8 =	vadd.f32 v9, v8;
	v9 =	vld [tilespmem:s10+$0x11F50]  }
0x2b2: {  	v11 =	vld [tilespmem:s10+$0x12750]  }
0x2b3: {  	v5 =	vadd.f32 v8, v5;
	v4 =	vadd.f32 v10, v4;
	v8 =	vld [tilespmem:s10+$0x12F50]  }
0x2b4: {  	v10 =	vld [tilespmem:s10+$0x13750]  }
0x2b5: {  	v6 =	vadd.f32 v7, v6;
	v12 =	vld [tilespmem:s10+$0x11F60]  }
0x2b6: {  	v13 =	vld [tilespmem:s10+$0x12760]  }
0x2b7: {  	v6 =	vadd.f32 v6, v4;
	v4 =	vadd.f32 v11, v9;
	v9 =	vld [tilespmem:s10+$0x12F60]  }
0x2b8: {  	v11 =	vld [tilespmem:s10+$0x13760]  }
0x2b9: {  	v7 =	vadd.f32 v10, v8;
	v10 =	vld [tilespmem:s10+$0x11F70]  }
0x2ba: {  	v14 =	vld [tilespmem:s10+$0x12770]  }
0x2bb: {  	v7 =	vadd.f32 v7, v4;
	v4 =	vadd.f32 v13, v12;
	v12 =	vld [tilespmem:s10+$0x12F70]  }
0x2bc: {  	v13 =	vld [tilespmem:s10+$0x13770]  }
0x2bd: {  	v8 =	vadd.f32 v11, v9;
	v9 =	vld [tilespmem:s10+$0x11F80]  }
0x2be: {  	v11 =	vld [tilespmem:s10+$0x12780]  }
0x2bf: {  	v8 =	vadd.f32 v8, v4;
	v4 =	vadd.f32 v14, v10;
	v14 =	vld [tilespmem:s10+$0x12F80]  }
0x2c0: {  	v15 =	vld [tilespmem:s10+$0x13780]  }
0x2c1: {  	v10 =	vadd.f32 v13, v12;
	v12 =	vld [tilespmem:s10+$0x11F90]  }
0x2c2: {  	v13 =	vld [tilespmem:s10+$0x12790]  }
0x2c3: {  	v10 =	vadd.f32 v10, v4;
	v4 =	vadd.f32 v11, v9;
	v9 =	vld [tilespmem:s10+$0x12F90]  }
0x2c4: {  	v11 =	vld [tilespmem:s10+$0x13790]  }
0x2c5: {  	v14 =	vadd.f32 v15, v14;
	v15 =	vld [tilespmem:s10+$0x11FA0]  }
0x2c6: {  	v16 =	vld [tilespmem:s10+$0x127A0]  }
0x2c7: {  	v14 =	vadd.f32 v14, v4;
	v4 =	vadd.f32 v13, v12;
	v12 =	vld [tilespmem:s10+$0x12FA0]  }
0x2c8: {  	v13 =	vld [tilespmem:s10+$0x137A0]  }
0x2c9: {  	v9 =	vadd.f32 v11, v9;
	v11 =	vld [tilespmem:s10+$0x11FB0]  }
0x2ca: {  	v17 =	vld [tilespmem:s10+$0x127B0]  }
0x2cb: {  	v18 =	vadd.f32 v9, v4;
	v4 =	vadd.f32 v16, v15;
	v9 =	vld [tilespmem:s10+$0x12FB0]  }
0x2cc: {  	v15 =	vld [tilespmem:s10+$0x137B0]  }
0x2cd: {  	v12 =	vadd.f32 v13, v12;
	v13 =	vld [tilespmem:s10+$0x11FC0]  }
0x2ce: {  	v16 =	vld [tilespmem:s10+$0x127C0]  }
0x2cf: {  	v19 =	vadd.f32 v12, v4;
	v4 =	vadd.f32 v17, v11;
	v11 =	vld [tilespmem:s10+$0x12FC0]  }
0x2d0: {  	v12 =	vld [tilespmem:s10+$0x137C0]  }
0x2d1: {  	v9 =	vadd.f32 v15, v9;
	v15 =	vld [tilespmem:s10+$0x11FD0]  }
0x2d2: {  	v17 =	vld [tilespmem:s10+$0x127D0]  }
0x2d3: {  	v4 =	vadd.f32 v9, v4;
	v9 =	vadd.f32 v16, v13;
	v13 =	vld [tilespmem:s10+$0x12FD0]  }
0x2d4: {  	v16 =	vld [tilespmem:s10+$0x137D0]  }
0x2d5: {  	v11 =	vadd.f32 v12, v11;
	v12 =	vld [tilespmem:s10+$0x11FE0]  }
0x2d6: {  	v20 =	vld [tilespmem:s10+$0x127E0]  }
0x2d7: {  	v9 =	vadd.f32 v11, v9;
	v11 =	vadd.f32 v17, v15;
	v15 =	vld [tilespmem:s10+$0x12FE0]  }
0x2d8: {  	v17 =	vld [tilespmem:s10+$0x137E0]  }
0x2d9: {  	v21 =	vld [tilespmem:s10+$0x10F00];
	v13 =	vadd.f32 v16, v13  }
0x2da: {  	v16 =	vld [tilespmem:s10+$0x11700]  }
0x2db: {  	v22 =	vld [tilespmem:s10+$0x10F10];
	v11 =	vadd.f32 v13, v11;
	v12 =	vadd.f32 v20, v12  }
0x2dc: {  	v13 =	vld [tilespmem:s10+$0x11710]  }
0x2dd: {  	v20 =	vld [tilespmem:s10+$0x10F20];
	v15 =	vadd.f32 v17, v15  }
0x2de: {  	v17 =	vld [tilespmem:s10+$0x11720]  }
0x2df: {  	v16 =	vadd.f32 v16, v21;
	v21 =	vld [tilespmem:s10+$0x10F30];
	v12 =	vadd.f32 v15, v12  }
0x2e0: {  	v15 =	vld [tilespmem:s10+$0x11730]  }
0x2e1: {  	v1 =	vadd.f32 v1, v16;
	v13 =	vadd.f32 v13, v22;
	v16 =	vld [tilespmem:s10+$0x10F40]  }
0x2e2: {  	v22 =	vld [tilespmem:s10+$0x11740]  }
0x2e3: {  	[tilespmem:s10+$0x17F00] =	vst v1;
	v1 =	vadd.f32 v2, v13;
	v2 =	vadd.f32 v17, v20;
	v13 =	vld [tilespmem:s10+$0x10F50]  }
0x2e4: {  	v17 =	vld [tilespmem:s10+$0x11750]  }
0x2e5: {  	[tilespmem:s10+$0x17F10] =	vst v1;
	v1 =	vadd.f32 v3, v2;
	v2 =	vadd.f32 v15, v21;
	v3 =	vld [tilespmem:s10+$0x10F60]  }
0x2e6: {  	v15 =	vld [tilespmem:s10+$0x11760]  }
0x2e7: {  	[tilespmem:s10+$0x17F20] =	vst v1;
	v1 =	vadd.f32 v5, v2;
	v2 =	vadd.f32 v22, v16;
	v5 =	vld [tilespmem:s10+$0x10F70]  }
0x2e8: {  	v16 =	vld [tilespmem:s10+$0x11770]  }
0x2e9: {  	[tilespmem:s10+$0x17F30] =	vst v1;
	v1 =	vadd.f32 v6, v2;
	v2 =	vadd.f32 v17, v13;
	v6 =	vld [tilespmem:s10+$0x10F80]  }
0x2ea: {  	v13 =	vld [tilespmem:s10+$0x11780]  }
0x2eb: {  	[tilespmem:s10+$0x17F40] =	vst v1;
	v1 =	vadd.f32 v7, v2;
	v2 =	vadd.f32 v15, v3;
	v3 =	vld [tilespmem:s10+$0x10F90]  }
0x2ec: {  	v7 =	vld [tilespmem:s10+$0x11790]  }
0x2ed: {  	[tilespmem:s10+$0x17F50] =	vst v1;
	v1 =	vadd.f32 v8, v2;
	v2 =	vadd.f32 v16, v5;
	v5 =	vld [tilespmem:s10+$0x10FA0]  }
0x2ee: {  	v8 =	vld [tilespmem:s10+$0x117A0]  }
0x2ef: {  	[tilespmem:s10+$0x17F60] =	vst v1;
	v1 =	vadd.f32 v10, v2;
	v2 =	vadd.f32 v13, v6;
	v6 =	vld [tilespmem:s10+$0x10FB0]  }
0x2f0: {  	v10 =	vld [tilespmem:s10+$0x117B0]  }
.Ltmp11:
0x2f1: {  	[tilespmem:s10+$0x17F70] =	vst v1;
	v13 =	vadd.f32 v14, v2;
	v3 =	vadd.f32 v7, v3;
	v1 =	vld [tilespmem:s10+$0x10FC0];
	(pc) =	sbr.rel @p2 .LBB2_17-.Ltmp11, $4  }
0x2f2: {  	v2 =	vld [tilespmem:s10+$0x117C0]  }
0x2f3: {  	[tilespmem:s10+$0x17F80] =	vst v13;
	v7 =	vadd.f32 v18, v3;
	v8 =	vadd.f32 v8, v5;
	v3 =	vld [tilespmem:s10+$0x10FD0]  }
0x2f4: {  	v5 =	vld [tilespmem:s10+$0x117D0]  }
0x2f5: {  	s14 =	sadd.s32 $0x400, s14;
	[tilespmem:s10+$0x17F90] =	vst v7;
	v7 =	vadd.f32 v19, v8;
	v8 =	vadd.f32 v10, v6;
	v6 =	vld [tilespmem:s10+$0x10FE0]  }
0x2f6: {  	v10 =	vld [tilespmem:s10+$0x117E0];
	_ =	sdelay $0x2  }
0x2f7: {  	v1 =	vadd.f32 v2, v1  }
0x2f8: {  	v2 =	vadd.f32 v4, v8;
	v3 =	vadd.f32 v5, v3  }
0x2f9: {  	[tilespmem:s10+$0x17FA0] =	vst v7;
	v1 =	vadd.f32 v9, v1;
	v63 =	vadd.f32 v10, v6  }
.Ltmp12:
0x2fa: {  	[tilespmem:s10+$0x17FB0] =	vst v2;
	v2 =	vadd.f32 v11, v3;
	(pc) =	sbr.rel @p1 .LBB2_20-.Ltmp12, $4  }
0x2fb: {  	s12 =	sadd.s32 s6, s8;
	[tilespmem:s10+$0x17FC0] =	vst v1;
	v1 =	vadd.f32 v12, v63  }
0x2fc: {  	s12 =	sshll.u32 s12, $0x4;
	[tilespmem:s10+$0x17FD0] =	vst v2  }
0x2fd: {  	s16 =	sadd.s32 s5, s12;
	[tilespmem:s10+$0x17FE0] =	vst v1  }
0x2fe: {  	[hbm4b:s16+s3] =	stream.linear.scatter [tilespmem:s30], [sflag:$0x7], $0x800, $0x200038;
	[tilespmem:$0x18F00] =	vst v63  }
.Ltmp13:
0x2ff: {  	(pc) =	sbr.rel .LBB2_21-.Ltmp13, $4  }
0x300: {  	_ = 	snop  }
0x301: {  	_ =	swait.ge [sflag:s31], $0x3000  }
0x302: {  	[sflag:s31] =	ssyncset.done $0x0  }
0x303: {  	[sflag:s31] =	ssyncadd.s32 $0xFFFFD000  }
.LBB2_20:
0x304: {  	s10 =	smul.u32 $0x600, s20;
	_ =	sdelay $0x1  }
0x305: {  	s10 =	sshra.s32 s10, $0x2  }
.Ltmp14:
0x306: {  	s10 =	sadd.s32 $0x6640, s10;
	(pc) =	sbr.rel @p0 .LBB2_22-.Ltmp14, $4  }
0x307: {  	[tilespmem:s19], [sflag:$0x3] =	stream.indirect.gather [hbm4b:s1+s13], $0x80, s10, s13, $0x2000b8;
	[tilespmem:$0x18F00] =	vst v63  }
0x308: {  	_ =	swait.ge [sflag:s31], $0x3000  }
0x309: {  	[sflag:s31] =	ssyncset.done $0x0  }
0x30a: {  	[sflag:s31] =	ssyncadd.s32 $0xFFFFD000  }
.LBB2_21:
0x30b: {  	_ =	swait.ge [sflag:s2], $0x800  }
0x30c: {  	[sflag:s2] =	ssyncset.done $0x0  }
0x30d: {  	[sflag:s2] =	ssyncadd.s32 $0xFFFFF800  }
.LBB2_22:
0x30e: {  	s10 =	simm.s32 $0x0  }
0x30f: {  	v1 =	vld [tilespmem:s10+$0x14FF0]  }
0x310: {  	v2 =	vld [tilespmem:s10+$0x157F0]  }
0x311: {  	v3 =	vld [tilespmem:s10+$0x15FF0]  }
0x312: {  	v4 =	vld [tilespmem:s10+$0x167F0]  }
0x313: {  	v5 =	vld [tilespmem:s10+$0x13FF0]  }
0x314: {  	v6 =	vld [tilespmem:s10+$0x147F0]  }
0x315: {  	v7 =	vld [tilespmem:s10+$0x14F00]  }
0x316: {  	v8 =	vld [tilespmem:s10+$0x15700]  }
0x317: {  	v9 =	vld [tilespmem:s10+$0x15F00]  }
0x318: {  	v10 =	vld [tilespmem:s10+$0x14F20]  }
0x319: {  	v11 =	vld [tilespmem:s10+$0x15F20]  }
0x31a: {  	v12 =	vld [tilespmem:s10+$0x16720]  }
0x31b: {  	v13 =	vld [tilespmem:s10+$0x14F30]  }
0x31c: {  	v14 =	vld [tilespmem:s10+$0x15730]  }
0x31d: {  	v15 =	vld [tilespmem:s10+$0x15F30]  }
0x31e: {  	v16 =	vld [tilespmem:s10+$0x16730]  }
0x31f: {  	v17 =	vld [tilespmem:s10+$0x14F40]  }
0x320: {  	v18 =	vld [tilespmem:s10+$0x15740]  }
0x321: {  	v19 =	vld [tilespmem:s10+$0x15F40]  }
0x322: {  	v20 =	vld [tilespmem:s10+$0x16740]  }
0x323: {  	v21 =	vld [tilespmem:s10+$0x14F50]  }
0x324: {  	v22 =	vld [tilespmem:s10+$0x15750]  }
0x325: {  	v23 =	vld [tilespmem:s10+$0x15F50]  }
0x326: {  	v24 =	vld [tilespmem:s10+$0x16750]  }
0x327: {  	v25 =	vld [tilespmem:s10+$0x14F60]  }
0x328: {  	v26 =	vld [tilespmem:s10+$0x15760]  }
0x329: {  	v27 =	vld [tilespmem:s10+$0x15F60]  }
0x32a: {  	v28 =	vld [tilespmem:s10+$0x16760]  }
0x32b: {  	v29 =	vld [tilespmem:s10+$0x14F70]  }
0x32c: {  	v30 =	vld [tilespmem:s10+$0x15770]  }
0x32d: {  	v31 =	vld [tilespmem:s10+$0x15F70]  }
0x32e: {  	v32 =	vld [tilespmem:s10+$0x16770]  }
0x32f: {  	v33 =	vld [tilespmem:s10+$0x14F80]  }
0x330: {  	v34 =	vld [tilespmem:s10+$0x15780]  }
0x331: {  	v35 =	vld [tilespmem:s10+$0x15F80]  }
0x332: {  	v36 =	vld [tilespmem:s10+$0x16780]  }
0x333: {  	v37 =	vld [tilespmem:s10+$0x14F90]  }
0x334: {  	v38 =	vld [tilespmem:s10+$0x15790]  }
0x335: {  	v39 =	vld [tilespmem:s10+$0x15F90]  }
0x336: {  	v40 =	vld [tilespmem:s10+$0x16790]  }
0x337: {  	v41 =	vld [tilespmem:s10+$0x14FA0]  }
0x338: {  	v42 =	vld [tilespmem:s10+$0x157A0]  }
0x339: {  	v43 =	vld [tilespmem:s10+$0x15FA0]  }
0x33a: {  	v44 =	vld [tilespmem:s10+$0x167A0]  }
0x33b: {  	v45 =	vld [tilespmem:s10+$0x14FB0]  }
0x33c: {  	v46 =	vld [tilespmem:s10+$0x157B0]  }
0x33d: {  	v47 =	vld [tilespmem:s10+$0x15FB0]  }
0x33e: {  	v48 =	vld [tilespmem:s10+$0x167B0]  }
0x33f: {  	v49 =	vld [tilespmem:s10+$0x14FC0]  }
0x340: {  	v50 =	vld [tilespmem:s10+$0x157C0]  }
0x341: {  	v59 =	vld [tilespmem:s10+$0x15FE0]  }
0x342: {  	v61 =	vld [tilespmem:s10+$0x13F00]  }
0x343: {  	v62 =	vld [tilespmem:s10+$0x14700]  }
0x344: {  	v1 =	vadd.f32 v2, v1;
	v2 =	vadd.f32 v4, v3;
	v3 =	vld [tilespmem:s10+$0x16700]  }
0x345: {  	v4 =	vld [tilespmem:s10+$0x14F10]  }
0x346: {  	v5 =	vadd.f32 v6, v5;
	v6 =	vld [tilespmem:s10+$0x15F10];
	v1 =	vadd.f32 v2, v1  }
0x347: {  	v2 =	vld [tilespmem:s10+$0x15710]  }
0x348: {  	v1 =	vadd.f32 v1, v5;
	v5 =	vld [tilespmem:s10+$0x16710]  }
0x349: {  	v63 =	vld [tilespmem:s10+$0x13F10]  }
0x34a: {  	v7 =	vadd.f32 v8, v7;
	v8 =	vld [tilespmem:s10+$0x14710];
	v3 =	vadd.f32 v3, v9  }
0x34b: {  	[tilespmem:s10+$0x187F0] =	vst v1;
	v1 =	vld [tilespmem:s10+$0x15720]  }
0x34c: {  	v60 =	vld [tilespmem:s10+$0x167E0];
	v3 =	vadd.f32 v3, v7;
	v2 =	vadd.f32 v2, v4  }
0x34d: {  	v9 =	vld [tilespmem:s10+$0x13F20];
	v5 =	vadd.f32 v5, v6;
	v6 =	vadd.f32 v62, v61  }
0x34e: {  	v4 =	vld [tilespmem:s10+$0x14720]  }
0x34f: {  	v51 =	vld [tilespmem:s10+$0x15FC0];
	v2 =	vadd.f32 v5, v2;
	v3 =	vadd.f32 v3, v6  }
0x350: {  	v7 =	vld [tilespmem:s10+$0x13F30];
	v1 =	vadd.f32 v1, v10;
	v6 =	vadd.f32 v8, v63  }
0x351: {  	v61 =	vld [tilespmem:s10+$0x14730];
	v10 =	vadd.f32 v12, v11;
	v11 =	vadd.f32 v14, v13  }
0x352: {  	v52 =	vld [tilespmem:s10+$0x167C0];
	v13 =	vadd.f32 v24, v23;
	v14 =	vadd.f32 v26, v25  }
0x353: {  	v5 =	vld [tilespmem:s10+$0x13F40];
	v63 =	vadd.f32 v60, v59;
	v4 =	vadd.f32 v4, v9  }
0x354: {  	v8 =	vld [tilespmem:s10+$0x14740];
	[tilespmem:s10+$0x18700] =	vst v3;
	v3 =	vadd.f32 v16, v15;
	v2 =	vadd.f32 v2, v6  }
0x355: {  	v53 =	vld [tilespmem:s10+$0x14FD0];
	v1 =	vadd.f32 v10, v1;
	v10 =	vadd.f32 v18, v17  }
0x356: {  	v9 =	vld [tilespmem:s10+$0x14750];
	v15 =	vadd.f32 v40, v39;
	v7 =	vadd.f32 v61, v7  }
0x357: {  	v6 =	vld [tilespmem:s10+$0x13F50];
	v3 =	vadd.f32 v3, v11;
	v1 =	vadd.f32 v1, v4  }
0x358: {  	v54 =	vld [tilespmem:s10+$0x157D0];
	[tilespmem:s10+$0x18710] =	vst v2;
	v2 =	vadd.f32 v20, v19;
	v11 =	vadd.f32 v22, v21  }
0x359: {  	v12 =	vld [tilespmem:s10+$0x14760];
	v5 =	vadd.f32 v8, v5;
	[tilespmem:s10+$0x18720] =	vst v1;
	v1 =	vadd.f32 v28, v27  }
0x35a: {  	v4 =	vld [tilespmem:s10+$0x13F60];
	v3 =	vadd.f32 v3, v7;
	v2 =	vadd.f32 v2, v10  }
0x35b: {  	v55 =	vld [tilespmem:s10+$0x15FD0];
	v10 =	vadd.f32 v13, v11;
	v11 =	vadd.f32 v32, v31  }
0x35c: {  	v8 =	vld [tilespmem:s10+$0x14770];
	v13 =	vadd.f32 v34, v33;
	v6 =	vadd.f32 v9, v6  }
0x35d: {  	v7 =	vld [tilespmem:s10+$0x13F70];
	v1 =	vadd.f32 v1, v14;
	[tilespmem:s10+$0x18730] =	vst v3;
	v3 =	vadd.f32 v30, v29  }
0x35e: {  	v56 =	vld [tilespmem:s10+$0x167D0];
	v2 =	vadd.f32 v2, v5;
	v14 =	vadd.f32 v36, v35  }
0x35f: {  	v9 =	vld [tilespmem:s10+$0x14780];
	v6 =	vadd.f32 v10, v6;
	v4 =	vadd.f32 v12, v4  }
0x360: {  	v5 =	vld [tilespmem:s10+$0x13F80];
	[tilespmem:s10+$0x18740] =	vst v2;
	v2 =	vadd.f32 v38, v37;
	v3 =	vadd.f32 v11, v3  }
0x361: {  	v10 =	vld [tilespmem:s10+$0x13F90];
	v11 =	vadd.f32 v14, v13;
	v1 =	vadd.f32 v1, v4  }
0x362: {  	v12 =	vld [tilespmem:s10+$0x14790];
	v4 =	vadd.f32 v8, v7;
	v8 =	vadd.f32 v44, v43  }
0x363: {  	v57 =	vld [tilespmem:s10+$0x14FE0];
	[tilespmem:s10+$0x18750] =	vst v6;
	v6 =	vadd.f32 v15, v2;
	v2 =	vadd.f32 v42, v41  }
0x364: {  	v58 =	vld [tilespmem:s10+$0x157E0];
	v14 =	vadd.f32 v46, v45;
	[tilespmem:s10+$0x18760] =	vst v1;
	v1 =	vadd.f32 v48, v47  }
0x365: {  	v13 =	vld [tilespmem:s10+$0x13FA0];
	v3 =	vadd.f32 v3, v4;
	v8 =	vadd.f32 v8, v2  }
0x366: {  	v7 =	vld [tilespmem:s10+$0x147A0];
	v2 =	vadd.f32 v9, v5;
	v5 =	vadd.f32 v50, v49  }
0x367: {  	v62 =	vld [tilespmem:s10+$0x147B0];
	v9 =	vadd.f32 v52, v51;
	v10 =	vadd.f32 v12, v10  }
0x368: {  	v15 =	vld [tilespmem:s10+$0x13FB0];
	v12 =	vadd.f32 v56, v55;
	v4 =	vadd.f32 v1, v14  }
0x369: {  	[tilespmem:s10+$0x18770] =	vst v3;
	v1 =	vld [tilespmem:s10+$0x13FC0];
	v14 =	vadd.f32 v58, v57;
	v3 =	vadd.f32 v11, v2  }
0x36a: {  	v11 =	vadd.f32 v54, v53;
	v2 =	vld [tilespmem:s10+$0x147C0];
	v6 =	vadd.f32 v6, v10  }
0x36b: {  	v9 =	vadd.f32 v9, v5;
	v7 =	vadd.f32 v7, v13;
	v5 =	vld [tilespmem:s10+$0x147D0]  }
0x36c: {  	[tilespmem:s10+$0x18780] =	vst v3;
	v3 =	vld [tilespmem:s10+$0x13FD0];
	v11 =	vadd.f32 v12, v11;
	v12 =	vadd.f32 v63, v14  }
0x36d: {  	s12 =	simm.s32 $0x0;
	s14 =	simm.s32 $0x400;
	[tilespmem:s10+$0x18790] =	vst v6;
	v7 =	vadd.f32 v8, v7;
	v8 =	vadd.f32 v62, v15;
	v6 =	vld [tilespmem:s10+$0x13FE0]  }
.LBB2_23:
0x36e: {  	s16 =	sshra.s32 s14, $0x2;
	v10 =	vld [tilespmem:s10+$0x147E0]  }
0x36f: {  	v13 =	vld [tilespmem:s16+$0x14FF0];
	[tilespmem:s10+$0x187A0] =	vst v7;
	v4 =	vadd.f32 v4, v8;
	v1 =	vadd.f32 v2, v1  }
0x370: {  	v2 =	vld [tilespmem:s16+$0x157F0]  }
0x371: {  	s12 =	sadd.s32 $0x2, s12;
	v7 =	vld [tilespmem:s16+$0x15FF0];
	[tilespmem:s10+$0x187B0] =	vst v4;
	v1 =	vadd.f32 v9, v1;
	v3 =	vadd.f32 v5, v3  }
0x372: {  	p0 =	slt.u32 s12, $0xE;
	v4 =	vld [tilespmem:s16+$0x167F0]  }
0x373: {  	v5 =	vld [tilespmem:s16+$0x13FF0];
	[tilespmem:s10+$0x187C0] =	vst v1;
	v1 =	vadd.f32 v11, v3;
	v3 =	vadd.f32 v10, v6  }
0x374: {  	v6 =	vld [tilespmem:s16+$0x147F0]  }
0x375: {  	v8 =	vld [tilespmem:s16+$0x14F00];
	[tilespmem:s10+$0x187D0] =	vst v1;
	v1 =	vadd.f32 v12, v3  }
0x376: {  	v3 =	vld [tilespmem:s16+$0x15700]  }
0x377: {  	v2 =	vadd.f32 v2, v13;
	v9 =	vld [tilespmem:s16+$0x15F00];
	v4 =	vadd.f32 v4, v7;
	[tilespmem:s10+$0x187E0] =	vst v1;
	s10 =	smov.u32 s16  }
0x378: {  	v1 =	vld [tilespmem:s10+$0x16700]  }
0x379: {  	v7 =	vld [tilespmem:s10+$0x14F10];
	v5 =	vadd.f32 v6, v5;
	v2 =	vadd.f32 v4, v2  }
0x37a: {  	v4 =	vld [tilespmem:s10+$0x15710]  }
0x37b: {  	v3 =	vadd.f32 v3, v8;
	v6 =	vld [tilespmem:s10+$0x15F10];
	v2 =	vadd.f32 v2, v5  }
0x37c: {  	v5 =	vld [tilespmem:s10+$0x16710]  }
0x37d: {  	v1 =	vadd.f32 v1, v9;
	v8 =	vld [tilespmem:s10+$0x14F20];
	[tilespmem:s10+$0x187F0] =	vst v2  }
0x37e: {  	v9 =	vld [tilespmem:s10+$0x15720]  }
0x37f: {  	v1 =	vadd.f32 v1, v3;
	v2 =	vadd.f32 v4, v7;
	v3 =	vld [tilespmem:s10+$0x15F20]  }
0x380: {  	v4 =	vld [tilespmem:s10+$0x16720]  }
0x381: {  	v5 =	vadd.f32 v5, v6;
	v6 =	vld [tilespmem:s10+$0x14F30]  }
0x382: {  	v7 =	vld [tilespmem:s10+$0x15730]  }
0x383: {  	v2 =	vadd.f32 v5, v2;
	v5 =	vadd.f32 v9, v8;
	v8 =	vld [tilespmem:s10+$0x15F30]  }
0x384: {  	v9 =	vld [tilespmem:s10+$0x16730]  }
0x385: {  	v3 =	vadd.f32 v4, v3;
	v4 =	vld [tilespmem:s10+$0x14F40]  }
0x386: {  	v10 =	vld [tilespmem:s10+$0x15740]  }
0x387: {  	v3 =	vadd.f32 v3, v5;
	v5 =	vadd.f32 v7, v6;
	v6 =	vld [tilespmem:s10+$0x15F40]  }
0x388: {  	v7 =	vld [tilespmem:s10+$0x16740]  }
0x389: {  	v8 =	vadd.f32 v9, v8;
	v9 =	vld [tilespmem:s10+$0x14F50]  }
0x38a: {  	v11 =	vld [tilespmem:s10+$0x15750]  }
0x38b: {  	v5 =	vadd.f32 v8, v5;
	v4 =	vadd.f32 v10, v4;
	v8 =	vld [tilespmem:s10+$0x15F50]  }
0x38c: {  	v10 =	vld [tilespmem:s10+$0x16750]  }
0x38d: {  	v6 =	vadd.f32 v7, v6;
	v12 =	vld [tilespmem:s10+$0x14F60]  }
0x38e: {  	v13 =	vld [tilespmem:s10+$0x15760]  }
0x38f: {  	v6 =	vadd.f32 v6, v4;
	v4 =	vadd.f32 v11, v9;
	v9 =	vld [tilespmem:s10+$0x15F60]  }
0x390: {  	v11 =	vld [tilespmem:s10+$0x16760]  }
0x391: {  	v7 =	vadd.f32 v10, v8;
	v10 =	vld [tilespmem:s10+$0x14F70]  }
0x392: {  	v14 =	vld [tilespmem:s10+$0x15770]  }
0x393: {  	v7 =	vadd.f32 v7, v4;
	v4 =	vadd.f32 v13, v12;
	v12 =	vld [tilespmem:s10+$0x15F70]  }
0x394: {  	v13 =	vld [tilespmem:s10+$0x16770]  }
0x395: {  	v8 =	vadd.f32 v11, v9;
	v9 =	vld [tilespmem:s10+$0x14F80]  }
0x396: {  	v11 =	vld [tilespmem:s10+$0x15780]  }
0x397: {  	v8 =	vadd.f32 v8, v4;
	v4 =	vadd.f32 v14, v10;
	v14 =	vld [tilespmem:s10+$0x15F80]  }
0x398: {  	v15 =	vld [tilespmem:s10+$0x16780]  }
0x399: {  	v10 =	vadd.f32 v13, v12;
	v12 =	vld [tilespmem:s10+$0x14F90]  }
0x39a: {  	v13 =	vld [tilespmem:s10+$0x15790]  }
0x39b: {  	v10 =	vadd.f32 v10, v4;
	v4 =	vadd.f32 v11, v9;
	v9 =	vld [tilespmem:s10+$0x15F90]  }
0x39c: {  	v11 =	vld [tilespmem:s10+$0x16790]  }
0x39d: {  	v14 =	vadd.f32 v15, v14;
	v15 =	vld [tilespmem:s10+$0x14FA0]  }
0x39e: {  	v16 =	vld [tilespmem:s10+$0x157A0]  }
0x39f: {  	v14 =	vadd.f32 v14, v4;
	v4 =	vadd.f32 v13, v12;
	v12 =	vld [tilespmem:s10+$0x15FA0]  }
0x3a0: {  	v13 =	vld [tilespmem:s10+$0x167A0]  }
0x3a1: {  	v9 =	vadd.f32 v11, v9;
	v11 =	vld [tilespmem:s10+$0x14FB0]  }
0x3a2: {  	v17 =	vld [tilespmem:s10+$0x157B0]  }
0x3a3: {  	v18 =	vadd.f32 v9, v4;
	v4 =	vadd.f32 v16, v15;
	v9 =	vld [tilespmem:s10+$0x15FB0]  }
0x3a4: {  	v15 =	vld [tilespmem:s10+$0x167B0]  }
0x3a5: {  	v12 =	vadd.f32 v13, v12;
	v13 =	vld [tilespmem:s10+$0x14FC0]  }
0x3a6: {  	v16 =	vld [tilespmem:s10+$0x157C0]  }
0x3a7: {  	v19 =	vadd.f32 v12, v4;
	v4 =	vadd.f32 v17, v11;
	v11 =	vld [tilespmem:s10+$0x15FC0]  }
0x3a8: {  	v12 =	vld [tilespmem:s10+$0x167C0]  }
0x3a9: {  	v9 =	vadd.f32 v15, v9;
	v15 =	vld [tilespmem:s10+$0x14FD0]  }
0x3aa: {  	v17 =	vld [tilespmem:s10+$0x157D0]  }
0x3ab: {  	v4 =	vadd.f32 v9, v4;
	v9 =	vadd.f32 v16, v13;
	v13 =	vld [tilespmem:s10+$0x15FD0]  }
0x3ac: {  	v16 =	vld [tilespmem:s10+$0x167D0]  }
0x3ad: {  	v11 =	vadd.f32 v12, v11;
	v12 =	vld [tilespmem:s10+$0x14FE0]  }
0x3ae: {  	v20 =	vld [tilespmem:s10+$0x157E0]  }
0x3af: {  	v9 =	vadd.f32 v11, v9;
	v11 =	vadd.f32 v17, v15;
	v15 =	vld [tilespmem:s10+$0x15FE0]  }
0x3b0: {  	v17 =	vld [tilespmem:s10+$0x167E0]  }
0x3b1: {  	v21 =	vld [tilespmem:s10+$0x13F00];
	v13 =	vadd.f32 v16, v13  }
0x3b2: {  	v16 =	vld [tilespmem:s10+$0x14700]  }
0x3b3: {  	v22 =	vld [tilespmem:s10+$0x13F10];
	v11 =	vadd.f32 v13, v11;
	v12 =	vadd.f32 v20, v12  }
0x3b4: {  	v13 =	vld [tilespmem:s10+$0x14710]  }
0x3b5: {  	v20 =	vld [tilespmem:s10+$0x13F20];
	v15 =	vadd.f32 v17, v15  }
0x3b6: {  	v17 =	vld [tilespmem:s10+$0x14720]  }
0x3b7: {  	v16 =	vadd.f32 v16, v21;
	v21 =	vld [tilespmem:s10+$0x13F30];
	v12 =	vadd.f32 v15, v12  }
0x3b8: {  	v15 =	vld [tilespmem:s10+$0x14730]  }
0x3b9: {  	v1 =	vadd.f32 v1, v16;
	v13 =	vadd.f32 v13, v22;
	v16 =	vld [tilespmem:s10+$0x13F40]  }
0x3ba: {  	v22 =	vld [tilespmem:s10+$0x14740]  }
0x3bb: {  	[tilespmem:s10+$0x18700] =	vst v1;
	v1 =	vadd.f32 v2, v13;
	v2 =	vadd.f32 v17, v20;
	v13 =	vld [tilespmem:s10+$0x13F50]  }
0x3bc: {  	v17 =	vld [tilespmem:s10+$0x14750]  }
0x3bd: {  	[tilespmem:s10+$0x18710] =	vst v1;
	v1 =	vadd.f32 v3, v2;
	v2 =	vadd.f32 v15, v21;
	v3 =	vld [tilespmem:s10+$0x13F60]  }
0x3be: {  	v15 =	vld [tilespmem:s10+$0x14760]  }
0x3bf: {  	[tilespmem:s10+$0x18720] =	vst v1;
	v1 =	vadd.f32 v5, v2;
	v2 =	vadd.f32 v22, v16;
	v5 =	vld [tilespmem:s10+$0x13F70]  }
0x3c0: {  	v16 =	vld [tilespmem:s10+$0x14770]  }
0x3c1: {  	[tilespmem:s10+$0x18730] =	vst v1;
	v1 =	vadd.f32 v6, v2;
	v2 =	vadd.f32 v17, v13;
	v6 =	vld [tilespmem:s10+$0x13F80]  }
0x3c2: {  	v13 =	vld [tilespmem:s10+$0x14780]  }
0x3c3: {  	[tilespmem:s10+$0x18740] =	vst v1;
	v1 =	vadd.f32 v7, v2;
	v2 =	vadd.f32 v15, v3;
	v3 =	vld [tilespmem:s10+$0x13F90]  }
0x3c4: {  	v7 =	vld [tilespmem:s10+$0x14790]  }
0x3c5: {  	[tilespmem:s10+$0x18750] =	vst v1;
	v1 =	vadd.f32 v8, v2;
	v2 =	vadd.f32 v16, v5;
	v5 =	vld [tilespmem:s10+$0x13FA0]  }
0x3c6: {  	v8 =	vld [tilespmem:s10+$0x147A0]  }
0x3c7: {  	[tilespmem:s10+$0x18760] =	vst v1;
	v1 =	vadd.f32 v10, v2;
	v2 =	vadd.f32 v13, v6;
	v6 =	vld [tilespmem:s10+$0x13FB0]  }
0x3c8: {  	v10 =	vld [tilespmem:s10+$0x147B0]  }
.Ltmp15:
0x3c9: {  	[tilespmem:s10+$0x18770] =	vst v1;
	v13 =	vadd.f32 v14, v2;
	v3 =	vadd.f32 v7, v3;
	v1 =	vld [tilespmem:s10+$0x13FC0];
	(pc) =	sbr.rel @p0 .LBB2_23-.Ltmp15, $4  }
0x3ca: {  	v2 =	vld [tilespmem:s10+$0x147C0]  }
0x3cb: {  	[tilespmem:s10+$0x18780] =	vst v13;
	v7 =	vadd.f32 v18, v3;
	v8 =	vadd.f32 v8, v5;
	v3 =	vld [tilespmem:s10+$0x13FD0]  }
0x3cc: {  	v5 =	vld [tilespmem:s10+$0x147D0]  }
0x3cd: {  	s14 =	sadd.s32 $0x400, s14;
	[tilespmem:s10+$0x18790] =	vst v7;
	v7 =	vadd.f32 v19, v8;
	v8 =	vadd.f32 v10, v6;
	v6 =	vld [tilespmem:s10+$0x13FE0]  }
0x3ce: {  	v10 =	vld [tilespmem:s10+$0x147E0];
	_ =	sdelay $0x2  }
0x3cf: {  	v1 =	vadd.f32 v2, v1  }
0x3d0: {  	v2 =	vadd.f32 v4, v8;
	v3 =	vadd.f32 v5, v3  }
0x3d1: {  	p0 =	seq.s32 s20, $0x31;
	[tilespmem:s10+$0x187A0] =	vst v7;
	v1 =	vadd.f32 v9, v1;
	v63 =	vadd.f32 v10, v6  }
.Ltmp16:
0x3d2: {  	[tilespmem:s10+$0x187B0] =	vst v2;
	v2 =	vadd.f32 v11, v3;
	(pc) =	sbr.rel @p0 .LBB2_26-.Ltmp16, $4  }
0x3d3: {  	s6 =	sadd.s32 s6, s9;
	[tilespmem:s10+$0x187C0] =	vst v1;
	v1 =	vadd.f32 v12, v63  }
0x3d4: {  	s6 =	sshll.u32 s6, $0x4;
	[tilespmem:s10+$0x187D0] =	vst v2  }
0x3d5: {  	s6 =	sadd.s32 s5, s6;
	[tilespmem:s10+$0x187E0] =	vst v1  }
0x3d6: {  	[hbm4b:s6+s3] =	stream.linear.scatter [tilespmem:s0], [sflag:$0x8], $0x800, $0x200038;
	[tilespmem:$0x18F00] =	vst v63  }
0x3d7: {  	s6 =	smul.u32 $0x600, s20  }
.Ltmp17:
0x3d8: {  	_ = 	snop;
	(pc) =	sbr.rel .LBB2_4-.Ltmp17, $4  }
0x3d9: {  	_ = 	snop  }
0x3da: {  	s6 =	sshra.s32 s6, $0x2  }
0x3db: {  	s20 =	sadd.s32 $0x1, s20;
	s6 =	sadd.s32 $0x66A0, s6  }
0x3dc: {  	[tilespmem:s21], [sflag:$0x4] =	stream.indirect.gather [hbm4b:s1+s13], $0x80, s6, s13, $0x2000b8;
	[tilespmem:$0x18F00] =	vst v63  }
.LBB2_27:
0x3dd: {  	_ =	sfence.sel $0x180000  }
0x3de: {  	[bflag:$0x0] =	sbarrier.arrive $0xFFFF  }
0x3df: {  	_ =	strace $0x90000047  }
0x3e0: {  	s0 =	stileid.u32;
	[bflag:$0x2] =	sbarrier.arrive $0xFFFF  }
0x3e1: {  	p0 =	sne.s32 s0, $0x0;
	s0 =	rddreg [dreg:$0x3]  }
0x3e2: {  	s0 =	sadd.s32 @!p0 $0x100000, s0  }
0x3e3: {  	[sflag:s0] =	ssyncadd.tile.s32 @!p0 $0x1;
	_ =	shalt  }
.Lfunc_end2:
_tile_overlayer_lowered:
.L_overlay_start_2:
0x3e4: {  	(tag) =	ssettag $0x2  }
0x3e5: {  	s0 =	rddreg [dreg:$0x0];
	s2 =	stileid.u32  }
0x3e6: {  	s1 =	rddreg [dreg:$0x1];
	p0 =	sne.s32 s2, $0x0  }
0x3e7: {  	s3 =	rddreg [dreg:$0x2];
	[bflag:$0x3] =	sbarrier.arrive $0xFFFF;
	s2 =	simm.s32 @!p0 $0x1C09  }
0x3e8: {  	[timem:s3], [sflag:s2] =	dma.local @!p0 [hbm:s0], s1  }
0x3e9: {  	s0 =	simm.s32 @!p0 $0x9  }
0x3ea: {  	_ =	swait.ge @!p0 [sflag:s0], s1  }
0x3eb: {  	s1 =	ssub.s32 @!p0 $0x0, s1;
	[sflag:s0] =	ssyncset.done @!p0 $0x0  }
0x3ec: {  	[sflag:s0] =	ssyncadd.s32 @!p0 s1  }
0x3ed: {  	[bflag:$0x3] =	sbarrier.arrive $0xFFFF  }
0x3ee: {  	_ =	shalt  }

</sc_bundles>
